<compile_context>
chip_gen: v7x
topology: tpu7x:2x2x1
jax: 0.10.2.dev20260603
libtpu: 0.0.44.dev20260713+nightly
codegen_flags: <defaults>
</compile_context>

<pallas_src>
import dataclasses
import functools

import jax
import jax.numpy as jnp
from jax import lax
from jax.experimental import pallas as pl
from jax.experimental.pallas import tpu as pltpu
from jax.experimental.pallas import tpu_sc as plsc

N = 10000
E = 320000
D = 128
H = 64

NC = 2
NS = 16
NW = NC * NS

NPW = 320
NPAD = NW * NPW
TBL = 328
PAD_LOC = TBL - 1

EPW = E // NW
CB = 80
CD = 1280
GD = 64
MATBUF = 1600

_NEG = -3.0e38


def _sc_params(tc_tiling=None):
    cp = pltpu.CompilerParams()
    if "needs_layout_passes" in pltpu.CompilerParams.__dataclass_fields__:
        cp = dataclasses.replace(cp, needs_layout_passes=False)
    if tc_tiling is not None:
        cp = dataclasses.replace(cp, use_tc_tiling_on_sc=tc_tiling)
    return cp


def _stage_a_body(x_ref, w1a_ref, w1b_ref, b1_ref, t_ref):
    x = x_ref[...]
    xa = jnp.dot(x, w1a_ref[...], preferred_element_type=jnp.float32)
    xb = (
        jnp.dot(x, w1b_ref[...], preferred_element_type=jnp.float32)
        + b1_ref[...]
    )
    t_ref[...] = jnp.concatenate([xa, xb], axis=1).astype(jnp.bfloat16)


def _stage_a(x, W1, b1):
    return pl.pallas_call(
        _stage_a_body,
        out_shape=jax.ShapeDtypeStruct((N, D), jnp.bfloat16),
    )(x, W1[:D], W1[D:], b1.reshape(1, H))


def _stage_b_kernel(t_hbm, src_hbm, dst_hbm, h_hbm,
                    sidx, didx, abuf0, bbuf0, hbuf0, abuf1, bbuf1, hbuf1,
                    sem_a0, sem_b0, sem_a1, sem_b1, sem_w0, sem_w1):
    c = lax.axis_index("c")
    s = lax.axis_index("s")
    wid = c * NS + s
    base = wid * EPW
    NCH = EPW // CB

    pltpu.sync_copy(src_hbm.at[pl.ds(base, EPW)], sidx)
    pltpu.sync_copy(dst_hbm.at[pl.ds(base, EPW)], didx)

    def _issue(k, abuf, bbuf, sa, sb):
        pltpu.async_copy(t_hbm.at[sidx.at[pl.ds(k * CB, CB)]], abuf, sa)
        pltpu.async_copy(t_hbm.at[didx.at[pl.ds(k * CB, CB)]], bbuf, sb)

    def _wait(k, abuf, bbuf, sa, sb):
        pltpu.make_async_copy(t_hbm.at[sidx.at[pl.ds(k * CB, CB)]], abuf, sa).wait()
        pltpu.make_async_copy(t_hbm.at[didx.at[pl.ds(k * CB, CB)]], bbuf, sb).wait()

    def _phase(k, abuf, bbuf, hbuf, sa, sb, sw, oab, obb, osa, osb):
        _wait(k, abuf, bbuf, sa, sb)

        @pl.when(k + 1 < NCH)
        def _():
            _issue(k + 1, oab, obb, osa, osb)

        @pl.when(k >= 2)
        def _():
            pltpu.make_async_copy(hbuf, h_hbm.at[pl.ds(base, CB)], sw).wait()

        @pl.loop(0, CB)
        def _row(r):
            @pl.loop(0, H, step=32)
            def _col(t):
                hbuf[r, pl.ds(t, 32)] = jnp.maximum(
                    abuf[r, pl.ds(t, 32)] + bbuf[r, pl.ds(H + t, 32)],
                    jnp.zeros((32,), jnp.bfloat16),
                )

        pltpu.async_copy(hbuf, h_hbm.at[pl.ds(base + k * CB, CB)], sw)

    _issue(0, abuf0, bbuf0, sem_a0, sem_b0)

    @pl.loop(0, NCH)
    def _chunk(k):
        @pl.when(k % 2 == 0)
        def _():
            _phase(k, abuf0, bbuf0, hbuf0, sem_a0, sem_b0, sem_w0,
                   abuf1, bbuf1, sem_a1, sem_b1)

        @pl.when(k % 2 == 1)
        def _():
            _phase(k, abuf1, bbuf1, hbuf1, sem_a1, sem_b1, sem_w1,
                   abuf0, bbuf0, sem_a0, sem_b0)

    pltpu.make_async_copy(hbuf0, h_hbm.at[pl.ds(base, CB)], sem_w0).wait()
    pltpu.make_async_copy(hbuf1, h_hbm.at[pl.ds(base, CB)], sem_w1).wait()


def _stage_b(t, src, dst):
    mesh = plsc.VectorSubcoreMesh(core_axis_name="c", subcore_axis_name="s")
    kern = pl.kernel(
        _stage_b_kernel,
        out_type=jax.ShapeDtypeStruct((E, H), jnp.bfloat16),
        mesh=mesh,
        scratch_types=[
            pltpu.VMEM((EPW,), jnp.int32),
            pltpu.VMEM((EPW,), jnp.int32),
            pltpu.VMEM((CB, D), jnp.bfloat16),
            pltpu.VMEM((CB, D), jnp.bfloat16),
            pltpu.VMEM((CB, H), jnp.bfloat16),
            pltpu.VMEM((CB, D), jnp.bfloat16),
            pltpu.VMEM((CB, D), jnp.bfloat16),
            pltpu.VMEM((CB, H), jnp.bfloat16),
            pltpu.SemaphoreType.DMA,
            pltpu.SemaphoreType.DMA,
            pltpu.SemaphoreType.DMA,
            pltpu.SemaphoreType.DMA,
            pltpu.SemaphoreType.DMA,
            pltpu.SemaphoreType.DMA,
        ],
        compiler_params=_sc_params(tc_tiling=False),
    )
    return kern(t, src, dst)


def _stage_c_body(h_ref, w2_ref, b2_ref, sc_ref, bi_ref, g_ref):
    y = jnp.dot(h_ref[...], w2_ref[...].astype(jnp.bfloat16),
                preferred_element_type=jnp.float32)
    y = y + b2_ref[...]
    mu = jnp.mean(y, axis=-1, keepdims=True)
    var = jnp.mean((y - mu) ** 2, axis=-1, keepdims=True)
    g_ref[...] = (y - mu) * lax.rsqrt(var + 1e-5) * sc_ref[...] + bi_ref[...]


def _stage_c(h, W2, b2, ln_scale, ln_bias):
    BE = 3200
    grid = (E // BE,)
    return pl.pallas_call(
        _stage_c_body,
        grid=grid,
        in_specs=[
            pl.BlockSpec((BE, H), lambda i: (i, 0)),
            pl.BlockSpec((H, D), lambda i: (0, 0)),
            pl.BlockSpec((1, D), lambda i: (0, 0)),
            pl.BlockSpec((1, D), lambda i: (0, 0)),
            pl.BlockSpec((1, D), lambda i: (0, 0)),
        ],
        out_specs=pl.BlockSpec((BE, D), lambda i: (i, 0)),
        out_shape=jax.ShapeDtypeStruct((E, D), jnp.float32),
    )(h, W2, b2.reshape(1, D), ln_scale.reshape(1, D), ln_bias.reshape(1, D))


DRAIN = 256


def _stage_d_kernel(g_hbm, src_hbm, out_hbm,
                    sv, sv2, mat, locv, rows0, rows1,
                    tmax, ssum,
                    cnt_smem, ptr_smem,
                    sem0, sem1, sem_v0, sem_v1, sem_s0, sem_s1):
    c = lax.axis_index("c")
    s = lax.axis_index("s")
    wid = c * NS + s
    lo = wid * NPW
    woff = s * TBL

    zero16 = jnp.zeros((16,), jnp.float32)
    neg16 = jnp.full((16,), _NEG, jnp.float32)
    lane = lax.iota(jnp.int32, 16)
    true16 = lane < 16

    @pl.loop(0, GD)
    def _init(r):
        @pl.loop(0, D, step=16)
        def _initc(t):
            rows0[r, pl.ds(t, 16)] = zero16

    @pl.loop(0, NPW // GD)
    def _inits(b):
        pltpu.sync_copy(rows0, ssum.at[pl.ds(woff + b * GD, GD)])

    pltpu.sync_copy(rows0.at[pl.ds(0, TBL - NPW)],
                    ssum.at[pl.ds(woff + NPW, TBL - NPW)])

    @pl.loop(0, TBL)
    def _initcnt(r):
        cnt_smem[r] = 0

    @pl.loop(0, TBL)
    def _initm(r):
        @pl.loop(0, D, step=16)
        def _initmc(t):
            tmax[r, pl.ds(t, 16)] = neg16

    ptr_smem[0] = 0

    def _gather(k, rows, sem):
        pltpu.async_copy(g_hbm.at[mat.at[pl.ds(k * GD, GD)]], rows, sem)

    def _consume(k, rows):
        @pl.loop(0, GD)
        def _edge(i):
            lv = locv[pl.ds(k * GD + i, 16)]
            l = lv[0] - woff
            cnt_smem[l] = cnt_smem[l] + 1

            @pl.loop(0, D, step=16)
            def _feat(t):
                v = rows[i, pl.ds(t, 16)]
                tmax[l, pl.ds(t, 16)] = jnp.maximum(tmax[l, pl.ds(t, 16)], v)

    def _phase_d(k, ngroups, rows, sem, sems, orows, osem, osems):
        @pl.when(k >= 1)
        def _():
            pltpu.make_async_copy(
                orows, ssum.at[locv.at[pl.ds((k - 1) * GD, GD)]],
                osems).wait()

        pltpu.make_async_copy(
            g_hbm.at[mat.at[pl.ds(k * GD, GD)]], rows, sem).wait()

        @pl.when(k + 1 < ngroups)
        def _():
            _gather(k + 1, orows, osem)

        pltpu.async_copy(
            rows, ssum.at[locv.at[pl.ds(k * GD, GD)]], sems, add=True)
        _consume(k, rows)

    def _process_groups(ngroups):
        @pl.when(ngroups > 0)
        def _():
            _gather(0, rows0, sem0)

        @pl.loop(0, ngroups)
        def _grp(k):
            @pl.when(k % 2 == 0)
            def _():
                _phase_d(k, ngroups, rows0, sem0, sem_s0,
                         rows1, sem1, sem_s1)

            @pl.when(k % 2 == 1)
            def _():
                _phase_d(k, ngroups, rows1, sem1, sem_s1,
                         rows0, sem0, sem_s0)

        @pl.when(ngroups % 2 == 1)
        def _():
            pltpu.make_async_copy(
                rows0, ssum.at[locv.at[pl.ds((ngroups - 1) * GD, GD)]],
                sem_s0).wait()

        @pl.when((ngroups > 0) & (ngroups % 2 == 0))
        def _():
            pltpu.make_async_copy(
                rows1, ssum.at[locv.at[pl.ds((ngroups - 1) * GD, GD)]],
                sem_s1).wait()

    def _drain():
        cnt = ptr_smem[0]
        g0 = cnt // GD
        _process_groups(g0)
        rem0 = g0 * GD
        for q in range(GD // 16):
            mat[pl.ds(q * 16, 16)] = mat[pl.ds(rem0 + q * 16, 16)]
            locv[pl.ds(q * 16, 16)] = locv[pl.ds(rem0 + q * 16, 16)]
        ptr_smem[0] = cnt - rem0

    NCHD = E // CD

    def _chunk_phase(kc, svb, semv, osvb, osemv):
        pltpu.make_async_copy(
            src_hbm.at[pl.ds(kc * CD, CD)], svb, semv).wait()

        @pl.when(kc + 1 < NCHD)
        def _():
            pltpu.async_copy(
                src_hbm.at[pl.ds((kc + 1) * CD, CD)], osvb, osemv)

        @pl.loop(0, CD // 16)
        def _vec(j):
            sq = svb[pl.ds(j * 16, 16)]
            m = (sq >= lo) & (sq < lo + NPW)
            eid = kc * CD + j * 16 + lane
            cnt = ptr_smem[0]
            plsc.store_compressed(mat.at[pl.ds(cnt, 16)], eid, mask=m)
            plsc.store_compressed(locv.at[pl.ds(cnt, 16)],
                                  sq + (woff - lo), mask=m)
            ptr_smem[0] = cnt + jnp.sum(m.astype(jnp.int32))

        @pl.when(ptr_smem[0] >= DRAIN)
        def _():
            _drain()

    pltpu.async_copy(src_hbm.at[pl.ds(0, CD)], sv, sem_v0)

    @pl.loop(0, NCHD)
    def _chunk(kc):
        @pl.when(kc % 2 == 0)
        def _():
            _chunk_phase(kc, sv, sem_v0, sv2, sem_v1)

        @pl.when(kc % 2 == 1)
        def _():
            _chunk_phase(kc, sv2, sem_v1, sv, sem_v0)

    cnt = ptr_smem[0]
    for q in range(GD // 16):
        plsc.store_compressed(mat.at[pl.ds(cnt + q * 16, 16)],
                              jnp.zeros((16,), jnp.int32), mask=true16)
        plsc.store_compressed(locv.at[pl.ds(cnt + q * 16, 16)],
                              jnp.broadcast_to(woff + PAD_LOC, (16,)),
                              mask=true16)
    _process_groups((cnt + GD - 1) // GD)

    @pl.loop(0, NPW // GD)
    def _blk(b):
        pltpu.sync_copy(ssum.at[pl.ds(woff + b * GD, GD)], rows0)

        @pl.loop(0, GD)
        def _node(r):
            ci = cnt_smem[b * GD + r]
            cf = jnp.broadcast_to(ci, (16,)).astype(jnp.float32)
            inv = 1.0 / jnp.maximum(cf, 1.0)
            nz = cf > 0.0

            @pl.loop(0, D, step=16)
            def _feat(t):
                mean = rows0[r, pl.ds(t, 16)] * inv
                mx = jnp.where(nz, tmax[b * GD + r, pl.ds(t, 16)], 0.0)
                rows1[r, pl.ds(t, 16)] = mean + mx

        pltpu.sync_copy(rows1, out_hbm.at[pl.ds(lo + b * GD, GD)])


def _stage_d(g, src):
    mesh = plsc.VectorSubcoreMesh(core_axis_name="c", subcore_axis_name="s")
    kern = pl.kernel(
        _stage_d_kernel,
        out_type=jax.ShapeDtypeStruct((NPAD, D), jnp.float32),
        mesh=mesh,
        scratch_types=[
            pltpu.VMEM((CD,), jnp.int32),
            pltpu.VMEM((CD,), jnp.int32),
            pltpu.VMEM((MATBUF,), jnp.int32),
            pltpu.VMEM((MATBUF,), jnp.int32),
            pltpu.VMEM((GD, D), jnp.float32),
            pltpu.VMEM((GD, D), jnp.float32),
            pltpu.VMEM((TBL, D), jnp.float32),
            pltpu.VMEM_SHARED((NS * TBL, D), jnp.float32),
            pltpu.SMEM((TBL,), jnp.int32),
            pltpu.SMEM((1,), jnp.int32),
            pltpu.SemaphoreType.DMA,
            pltpu.SemaphoreType.DMA,
            pltpu.SemaphoreType.DMA,
            pltpu.SemaphoreType.DMA,
            pltpu.SemaphoreType.DMA,
            pltpu.SemaphoreType.DMA,
        ],
        compiler_params=_sc_params(),
    )
    return kern(g, src)


@functools.partial(jax.jit)
def kernel(x, edge_index, W1, b1, W2, b2, ln_scale, ln_bias):
    src = edge_index[0].astype(jnp.int32)
    dst = edge_index[1].astype(jnp.int32)
    t = _stage_a(x, W1, b1)
    h = _stage_b(t, src, dst)
    g = _stage_c(h, W2, b2, ln_scale, ln_bias)
    out = _stage_d(g, src)
    return out[:N]

# --- scband reference (transcript-rebuilt; emitter-appended) ---
"""Pipeline reference for scband-fusion-edge-conv-43800076484862 (READ-ONLY COPY).

The authoritative reference and input builder live on the scoring server;
editing this copy changes nothing except your own understanding.
"""

import jax, jax.numpy as jnp
import numpy as np

N = 10000
E = 320000
D = 128


def _layernorm(g, scale, bias, eps=1e-5):
    mu = jnp.mean(g, axis=-1, keepdims=True)
    var = jnp.mean((g - mu) ** 2, axis=-1, keepdims=True)
    return (g - mu) / jnp.sqrt(var + eps) * scale + bias


def setup_inputs(seed: int = 0) -> dict:
    key = jax.random.key(seed)
    ks = jax.random.split(key, 6)
    x = jax.random.normal(ks[0], (N, D), dtype=jnp.float32)
    edge_index = jax.random.randint(ks[1], (2, E), 0, N)
    # graph_mlp params: Linear(2D -> D//2), ReLU, Linear(D//2 -> D), LayerNorm(D)
    W1 = jax.random.normal(ks[2], (2 * D, D // 2), dtype=jnp.float32) * (1.0 / np.sqrt(2 * D))
    b1 = jnp.zeros((D // 2,), dtype=jnp.float32)
    W2 = jax.random.normal(ks[3], (D // 2, D), dtype=jnp.float32) * (1.0 / np.sqrt(D // 2))
    b2 = jnp.zeros((D,), dtype=jnp.float32)
    ln_scale = jnp.ones((D,), dtype=jnp.float32)
    ln_bias = jnp.zeros((D,), dtype=jnp.float32)
    return {"x": x, "edge_index": edge_index, "W1": W1, "b1": b1, "W2": W2, "b2": b2, "ln_scale": ln_scale, "ln_bias": ln_bias}


def reference(x, edge_index, W1, b1, W2, b2, ln_scale, ln_bias):
    src = edge_index[0]
    dst = edge_index[1]
    # gather endpoint features (edge_feats = cat([x[src], x[dst]], dim=1))
    edge_feats = jnp.concatenate([jnp.take(x, src, axis=0), jnp.take(x, dst, axis=0)], axis=1)
    h = jnp.maximum(edge_feats @ W1 + b1, 0.0)
    g = h @ W2 + b2
    g = _layernorm(g, ln_scale, ln_bias)
    # scatter_mean over src
    seg_sum = jax.ops.segment_sum(g, src, num_segments=N)
    cnt = jax.ops.segment_sum(jnp.ones((E, 1), dtype=g.dtype), src, num_segments=N)
    mean_agg = seg_sum / jnp.maximum(cnt, 1.0)
    # scatter_max over src (empty segments -> 0, matching torch_scatter dim_size fill)
    max_agg = jax.ops.segment_max(g, src, num_segments=N)
    max_agg = jnp.where(cnt > 0, max_agg, 0.0)
    return mean_agg + max_agg

if __name__ == "__main__":
    import jax
    _d = setup_inputs()
    print(jax.jit(kernel)(*tuple(_d.values())))

</pallas_src>

<mosaic_0001>
#map = affine_map<(d0, d1) -> (0, 0)>
#map1 = affine_map<(d0, d1) -> (0)>
module attributes {stable_mosaic.version = 14 : i64} {
  func.func @_stage_b_kernel(%arg0: i32, %arg1: i32, %arg2: memref<10000x128xbf16, #tpu.memory_space<hbm>>, %arg3: memref<320000xi32, #tpu.memory_space<hbm>>, %arg4: memref<320000xi32, #tpu.memory_space<hbm>>, %arg5: memref<320000x64xbf16, #tpu.memory_space<hbm>>, %arg6: memref<10000xi32, #tpu.memory_space<vmem>>, %arg7: memref<10000xi32, #tpu.memory_space<vmem>>, %arg8: memref<80x128xbf16, #tpu.memory_space<vmem>>, %arg9: memref<80x128xbf16, #tpu.memory_space<vmem>>, %arg10: memref<80x64xbf16, #tpu.memory_space<vmem>>, %arg11: memref<80x128xbf16, #tpu.memory_space<vmem>>, %arg12: memref<80x128xbf16, #tpu.memory_space<vmem>>, %arg13: memref<80x64xbf16, #tpu.memory_space<vmem>>, %arg14: memref<!tpu.dma_semaphore, #tpu.memory_space<semaphore_mem>>, %arg15: memref<!tpu.dma_semaphore, #tpu.memory_space<semaphore_mem>>, %arg16: memref<!tpu.dma_semaphore, #tpu.memory_space<semaphore_mem>>, %arg17: memref<!tpu.dma_semaphore, #tpu.memory_space<semaphore_mem>>, %arg18: memref<!tpu.dma_semaphore, #tpu.memory_space<semaphore_mem>>, %arg19: memref<!tpu.dma_semaphore, #tpu.memory_space<semaphore_mem>>) attributes {dimension_semantics = [#tpu.dimension_semantics<core_parallel>, #tpu.dimension_semantics<subcore_parallel>], iteration_bounds = array<i64: 2, 16>, scalar_prefetch = 0 : i64, scratch_operands = 14 : i64, tpu.core_type = #tpu.core_type<sc_vector_subcore>, window_params = [{transform_indices = #map}, {transform_indices = #map1}, {transform_indices = #map1}, {transform_indices = #map}]} {
    %mul3A = arith.constant 16 : i32
    %mul3A_0 = arith.muli %arg0, %mul3A : i32
    %add3A = arith.addi %mul3A_0, %arg1 : i32
    %mul3A_1 = arith.constant 10000 : i32
    %mul3A_2 = arith.muli %add3A, %mul3A_1 : i32
    "tpu.region"() ({
      %run_scoped3A = tpu.sem_alloc : memref<!tpu.dma_semaphore, #tpu.memory_space<semaphore_mem>>
      %dma_start3A_23 = tpu.memref_slice %arg3[%mul3A_2] : memref<320000xi32, #tpu.memory_space<hbm>> -> memref<10000xi32, #tpu.memory_space<hbm>>
      %dma_start3A_24 = tpu.memref_slice %arg3[%mul3A_2] : memref<320000xi32, #tpu.memory_space<hbm>> -> memref<10000xi32, #tpu.memory_space<hbm>>
      tpu.enqueue_dma source(%dma_start3A_24 : memref<10000xi32, #tpu.memory_space<hbm>>) target(%arg6 : memref<10000xi32, #tpu.memory_space<vmem>>) target_semaphore(%run_scoped3A : memref<!tpu.dma_semaphore, #tpu.memory_space<semaphore_mem>>)
      %dma_wait3A_25 = tpu.memref_slice %arg3[%mul3A_2] : memref<320000xi32, #tpu.memory_space<hbm>> -> memref<10000xi32, #tpu.memory_space<hbm>>
      %dma_wait3A_26 = tpu.memref_slice %arg3[%mul3A_2] : memref<320000xi32, #tpu.memory_space<hbm>> -> memref<10000xi32, #tpu.memory_space<hbm>>
      tpu.wait_dma2 semaphore(%run_scoped3A : memref<!tpu.dma_semaphore, #tpu.memory_space<semaphore_mem>>) src(%dma_wait3A_26 : memref<10000xi32, #tpu.memory_space<hbm>>) dst(%arg6 : memref<10000xi32, #tpu.memory_space<vmem>>)
      tpu.yield
    }) : () -> ()
    "tpu.region"() ({
      %run_scoped3A = tpu.sem_alloc : memref<!tpu.dma_semaphore, #tpu.memory_space<semaphore_mem>>
      %dma_start3A_23 = tpu.memref_slice %arg4[%mul3A_2] : memref<320000xi32, #tpu.memory_space<hbm>> -> memref<10000xi32, #tpu.memory_space<hbm>>
      %dma_start3A_24 = tpu.memref_slice %arg4[%mul3A_2] : memref<320000xi32, #tpu.memory_space<hbm>> -> memref<10000xi32, #tpu.memory_space<hbm>>
      tpu.enqueue_dma source(%dma_start3A_24 : memref<10000xi32, #tpu.memory_space<hbm>>) target(%arg7 : memref<10000xi32, #tpu.memory_space<vmem>>) target_semaphore(%run_scoped3A : memref<!tpu.dma_semaphore, #tpu.memory_space<semaphore_mem>>)
      %dma_wait3A_25 = tpu.memref_slice %arg4[%mul3A_2] : memref<320000xi32, #tpu.memory_space<hbm>> -> memref<10000xi32, #tpu.memory_space<hbm>>
      %dma_wait3A_26 = tpu.memref_slice %arg4[%mul3A_2] : memref<320000xi32, #tpu.memory_space<hbm>> -> memref<10000xi32, #tpu.memory_space<hbm>>
      tpu.wait_dma2 semaphore(%run_scoped3A : memref<!tpu.dma_semaphore, #tpu.memory_space<semaphore_mem>>) src(%dma_wait3A_26 : memref<10000xi32, #tpu.memory_space<hbm>>) dst(%arg7 : memref<10000xi32, #tpu.memory_space<vmem>>)
      tpu.yield
    }) : () -> ()
    %dma_start3A = arith.constant 0 : i32
    %dma_start3A_3 = tpu.memref_slice %arg6[%dma_start3A] : memref<10000xi32, #tpu.memory_space<vmem>> -> memref<80xi32, #tpu.memory_space<vmem>>
    %dma_start3A_4 = arith.constant 0 : i32
    %dma_start3A_5 = arith.constant 0 : i32
    %dma_start3A_6 = tpu.memref_slice %arg2[%dma_start3A_4, %dma_start3A_5] : memref<10000x128xbf16, #tpu.memory_space<hbm>> -> memref<10000x128xbf16, #tpu.memory_space<hbm>>
    tpu.enqueue_indirect_dma source(%dma_start3A_6 : memref<10000x128xbf16, #tpu.memory_space<hbm>>) target(%arg8 : memref<80x128xbf16, #tpu.memory_space<vmem>>) offsets(%dma_start3A_3 : memref<80xi32, #tpu.memory_space<vmem>>) semaphore(%arg14 : memref<!tpu.dma_semaphore, #tpu.memory_space<semaphore_mem>>)
    %dma_start3A_7 = arith.constant 0 : i32
    %dma_start3A_8 = tpu.memref_slice %arg7[%dma_start3A_7] : memref<10000xi32, #tpu.memory_space<vmem>> -> memref<80xi32, #tpu.memory_space<vmem>>
    %dma_start3A_9 = arith.constant 0 : i32
    %dma_start3A_10 = arith.constant 0 : i32
    %dma_start3A_11 = tpu.memref_slice %arg2[%dma_start3A_9, %dma_start3A_10] : memref<10000x128xbf16, #tpu.memory_space<hbm>> -> memref<10000x128xbf16, #tpu.memory_space<hbm>>
    tpu.enqueue_indirect_dma source(%dma_start3A_11 : memref<10000x128xbf16, #tpu.memory_space<hbm>>) target(%arg9 : memref<80x128xbf16, #tpu.memory_space<vmem>>) offsets(%dma_start3A_8 : memref<80xi32, #tpu.memory_space<vmem>>) semaphore(%arg15 : memref<!tpu.dma_semaphore, #tpu.memory_space<semaphore_mem>>)
    %scan3A = arith.constant 0 : i32
    %scan3A_12 = arith.constant 125 : i32
    %scan3A_13 = arith.addi %scan3A, %scan3A_12 : i32
    %scan3A_14 = arith.constant 1 : i32
    scf.for %scan3A_23 = %scan3A to %scan3A_13 step %scan3A_14  : i32 {
      %mul3A_24 = arith.constant 1 : i32
      %mul3A_25 = arith.muli %scan3A_23, %mul3A_24 : i32
      %add3A_26 = arith.constant 0 : i32
      %add3A_27 = arith.addi %add3A_26, %mul3A_25 : i32
      %jit3A = arith.constant 2 : i32
      %eq3A = arith.constant 0 : i32
      %eq3A_28 = arith.cmpi eq, %jit3A, %eq3A : i32
      %jit3A_29 = arith.constant 1 : i32
      %select_n3A = arith.select %eq3A_28, %jit3A_29, %jit3A : i32
      %rem3A = arith.remsi %add3A_27, %select_n3A : i32
      %ne3A = arith.constant 0 : i32
      %ne3A_30 = arith.cmpi ne, %rem3A, %ne3A : i32
      %lt3A = arith.constant 0 : i32
      %lt3A_31 = arith.cmpi slt, %rem3A, %lt3A : i32
      %lt3A_32 = arith.constant 0 : i32
      %lt3A_33 = arith.cmpi slt, %select_n3A, %lt3A_32 : i32
      %ne3A_34 = arith.xori %lt3A_31, %lt3A_33 : i1
      %and3A = arith.andi %ne3A_34, %ne3A_30 : i1
      %add3A_35 = arith.addi %rem3A, %select_n3A : i32
      %select_n3A_36 = arith.select %and3A, %add3A_35, %rem3A : i32
      %eq3A_37 = arith.constant 0 : i32
      %eq3A_38 = arith.cmpi eq, %select_n3A_36, %eq3A_37 : i32
      %convert_element_type3A = arith.extui %eq3A_38 : i1 to i32
      %cond3A = arith.constant 0 : i32
      %cond3A_39 = arith.cmpi ne, %convert_element_type3A, %cond3A : i32
      scf.if %cond3A_39 {
        %mul3A_61 = arith.constant 80 : i32
        %mul3A_62 = arith.muli %add3A_27, %mul3A_61 : i32
        %dma_wait3A_63 = tpu.memref_slice %arg6[%mul3A_62] : memref<10000xi32, #tpu.memory_space<vmem>> -> memref<80xi32, #tpu.memory_space<vmem>>
        %dma_wait3A_64 = arith.constant 0 : i32
        %dma_wait3A_65 = arith.constant 0 : i32
        %dma_wait3A_66 = tpu.memref_slice %arg2[%dma_wait3A_64, %dma_wait3A_65] : memref<10000x128xbf16, #tpu.memory_space<hbm>> -> memref<10000x128xbf16, #tpu.memory_space<hbm>>
        tpu.wait_indirect_dma semaphore(%arg14 : memref<!tpu.dma_semaphore, #tpu.memory_space<semaphore_mem>>) src(%dma_wait3A_66 : memref<10000x128xbf16, #tpu.memory_space<hbm>>) dst(%arg8 : memref<80x128xbf16, #tpu.memory_space<vmem>>)
        %mul3A_67 = arith.constant 80 : i32
        %mul3A_68 = arith.muli %add3A_27, %mul3A_67 : i32
        %dma_wait3A_69 = tpu.memref_slice %arg7[%mul3A_68] : memref<10000xi32, #tpu.memory_space<vmem>> -> memref<80xi32, #tpu.memory_space<vmem>>
        %dma_wait3A_70 = arith.constant 0 : i32
        %dma_wait3A_71 = arith.constant 0 : i32
        %dma_wait3A_72 = tpu.memref_slice %arg2[%dma_wait3A_70, %dma_wait3A_71] : memref<10000x128xbf16, #tpu.memory_space<hbm>> -> memref<10000x128xbf16, #tpu.memory_space<hbm>>
        tpu.wait_indirect_dma semaphore(%arg15 : memref<!tpu.dma_semaphore, #tpu.memory_space<semaphore_mem>>) src(%dma_wait3A_72 : memref<10000x128xbf16, #tpu.memory_space<hbm>>) dst(%arg9 : memref<80x128xbf16, #tpu.memory_space<vmem>>)
        %add3A_73 = arith.constant 1 : i32
        %add3A_74 = arith.addi %add3A_27, %add3A_73 : i32
        %lt3A_75 = arith.constant 125 : i32
        %lt3A_76 = arith.cmpi slt, %add3A_74, %lt3A_75 : i32
        %convert_element_type3A_77 = arith.extui %lt3A_76 : i1 to i32
        %cond3A_78 = arith.constant 0 : i32
        %cond3A_79 = arith.cmpi ne, %convert_element_type3A_77, %cond3A_78 : i32
        scf.if %cond3A_79 {
          %add3A_96 = arith.constant 1 : i32
          %add3A_97 = arith.addi %add3A_27, %add3A_96 : i32
          %mul3A_98 = arith.constant 80 : i32
          %mul3A_99 = arith.muli %add3A_97, %mul3A_98 : i32
          %dma_start3A_100 = tpu.memref_slice %arg6[%mul3A_99] : memref<10000xi32, #tpu.memory_space<vmem>> -> memref<80xi32, #tpu.memory_space<vmem>>
          %dma_start3A_101 = arith.constant 0 : i32
          %dma_start3A_102 = arith.constant 0 : i32
          %dma_start3A_103 = tpu.memref_slice %arg2[%dma_start3A_101, %dma_start3A_102] : memref<10000x128xbf16, #tpu.memory_space<hbm>> -> memref<10000x128xbf16, #tpu.memory_space<hbm>>
          tpu.enqueue_indirect_dma source(%dma_start3A_103 : memref<10000x128xbf16, #tpu.memory_space<hbm>>) target(%arg11 : memref<80x128xbf16, #tpu.memory_space<vmem>>) offsets(%dma_start3A_100 : memref<80xi32, #tpu.memory_space<vmem>>) semaphore(%arg16 : memref<!tpu.dma_semaphore, #tpu.memory_space<semaphore_mem>>)
          %mul3A_104 = arith.constant 80 : i32
          %mul3A_105 = arith.muli %add3A_97, %mul3A_104 : i32
          %dma_start3A_106 = tpu.memref_slice %arg7[%mul3A_105] : memref<10000xi32, #tpu.memory_space<vmem>> -> memref<80xi32, #tpu.memory_space<vmem>>
          %dma_start3A_107 = arith.constant 0 : i32
          %dma_start3A_108 = arith.constant 0 : i32
          %dma_start3A_109 = tpu.memref_slice %arg2[%dma_start3A_107, %dma_start3A_108] : memref<10000x128xbf16, #tpu.memory_space<hbm>> -> memref<10000x128xbf16, #tpu.memory_space<hbm>>
          tpu.enqueue_indirect_dma source(%dma_start3A_109 : memref<10000x128xbf16, #tpu.memory_space<hbm>>) target(%arg12 : memref<80x128xbf16, #tpu.memory_space<vmem>>) offsets(%dma_start3A_106 : memref<80xi32, #tpu.memory_space<vmem>>) semaphore(%arg17 : memref<!tpu.dma_semaphore, #tpu.memory_space<semaphore_mem>>)
        } else {
        }
        %ge3A = arith.constant 2 : i32
        %ge3A_80 = arith.cmpi sge, %add3A_27, %ge3A : i32
        %convert_element_type3A_81 = arith.extui %ge3A_80 : i1 to i32
        %cond3A_82 = arith.constant 0 : i32
        %cond3A_83 = arith.cmpi ne, %convert_element_type3A_81, %cond3A_82 : i32
        scf.if %cond3A_83 {
          %dma_wait3A_96 = arith.constant 0 : i32
          %dma_wait3A_97 = tpu.memref_slice %arg5[%mul3A_2, %dma_wait3A_96] : memref<320000x64xbf16, #tpu.memory_space<hbm>> -> memref<80x64xbf16, #tpu.memory_space<hbm>>
          %dma_wait3A_98 = arith.constant 0 : i32
          %dma_wait3A_99 = tpu.memref_slice %arg5[%mul3A_2, %dma_wait3A_98] : memref<320000x64xbf16, #tpu.memory_space<hbm>> -> memref<80x64xbf16, #tpu.memory_space<hbm>>
          tpu.wait_dma2 semaphore(%arg18 : memref<!tpu.dma_semaphore, #tpu.memory_space<semaphore_mem>>) src(%arg10 : memref<80x64xbf16, #tpu.memory_space<vmem>>) dst(%dma_wait3A_99 : memref<80x64xbf16, #tpu.memory_space<hbm>>)
        } else {
        }
        %scan3A_84 = arith.constant 0 : i32
        %scan3A_85 = arith.constant 80 : i32
        %scan3A_86 = arith.addi %scan3A_84, %scan3A_85 : i32
        %scan3A_87 = arith.constant 1 : i32
        scf.for %scan3A_96 = %scan3A_84 to %scan3A_86 step %scan3A_87  : i32 {
          %mul3A_97 = arith.constant 1 : i32
          %mul3A_98 = arith.muli %scan3A_96, %mul3A_97 : i32
          %add3A_99 = arith.constant 0 : i32
          %add3A_100 = arith.addi %add3A_99, %mul3A_98 : i32
          %scan3A_101 = arith.constant 0 : i32
          %scan3A_102 = arith.constant 2 : i32
          %scan3A_103 = arith.addi %scan3A_101, %scan3A_102 : i32
          %scan3A_104 = arith.constant 1 : i32
          scf.for %scan3A_106 = %scan3A_101 to %scan3A_103 step %scan3A_104  : i32 {
            %mul3A_107 = arith.constant 32 : i32
            %mul3A_108 = arith.muli %scan3A_106, %mul3A_107 : i32
            %add3A_109 = arith.constant 0 : i32
            %add3A_110 = arith.addi %add3A_109, %mul3A_108 : i32
            %get3A = arith.index_cast %add3A_100 : i32 to index
            %get3A_111 = arith.index_cast %add3A_110 : i32 to index
            %get3A_112 = tpu.vector_load %arg8[%get3A, %get3A_111] {strides = array<i32>} : memref<80x128xbf16, #tpu.memory_space<vmem>>, vector<32xbf16>,
            %add3A_113 = arith.constant 64 : i32
            %add3A_114 = arith.addi %add3A_113, %add3A_110 : i32
            %get3A_115 = arith.index_cast %add3A_100 : i32 to index
            %get3A_116 = arith.index_cast %add3A_114 : i32 to index
            %get3A_117 = tpu.vector_load %arg9[%get3A_115, %get3A_116] {strides = array<i32>} : memref<80x128xbf16, #tpu.memory_space<vmem>>, vector<32xbf16>,
            %add3A_118 = arith.addf %get3A_112, %get3A_117 : vector<32xbf16>
            %broadcast_in_dim3A = arith.constant 0.000000e+00 : bf16
            %broadcast_in_dim3A_119 = vector.broadcast %broadcast_in_dim3A : bf16 to vector<32xbf16>
            %max3A = arith.maximumf %add3A_118, %broadcast_in_dim3A_119 : vector<32xbf16>
            %swap3A = arith.index_cast %add3A_100 : i32 to index
            %swap3A_120 = arith.index_cast %add3A_110 : i32 to index
            %swap3A_121 = tpu.vector_load %arg10[%swap3A, %swap3A_120] {strides = array<i32>} : memref<80x64xbf16, #tpu.memory_space<vmem>>, vector<32xbf16>,
            tpu.vector_store %arg10[%swap3A, %swap3A_120], %max3A {strides = array<i32>} : memref<80x64xbf16, #tpu.memory_space<vmem>>, vector<32xbf16>,
          }
          %scan3A_105 = arith.constant 2 : i32
        }
        %scan3A_88 = arith.constant 80 : i32
        %mul3A_89 = arith.constant 80 : i32
        %mul3A_90 = arith.muli %add3A_27, %mul3A_89 : i32
        %add3A_91 = arith.addi %mul3A_2, %mul3A_90 : i32
        %dma_start3A_92 = arith.constant 0 : i32
        %dma_start3A_93 = tpu.memref_slice %arg5[%add3A_91, %dma_start3A_92] : memref<320000x64xbf16, #tpu.memory_space<hbm>> -> memref<80x64xbf16, #tpu.memory_space<hbm>>
        %dma_start3A_94 = arith.constant 0 : i32
        %dma_start3A_95 = tpu.memref_slice %arg5[%add3A_91, %dma_start3A_94] : memref<320000x64xbf16, #tpu.memory_space<hbm>> -> memref<80x64xbf16, #tpu.memory_space<hbm>>
        tpu.enqueue_dma source(%arg10 : memref<80x64xbf16, #tpu.memory_space<vmem>>) target(%dma_start3A_95 : memref<80x64xbf16, #tpu.memory_space<hbm>>) target_semaphore(%arg18 : memref<!tpu.dma_semaphore, #tpu.memory_space<semaphore_mem>>)
      } else {
      }
      %jit3A_40 = arith.constant 2 : i32
      %eq3A_41 = arith.constant 0 : i32
      %eq3A_42 = arith.cmpi eq, %jit3A_40, %eq3A_41 : i32
      %jit3A_43 = arith.constant 1 : i32
      %select_n3A_44 = arith.select %eq3A_42, %jit3A_43, %jit3A_40 : i32
      %rem3A_45 = arith.remsi %add3A_27, %select_n3A_44 : i32
      %ne3A_46 = arith.constant 0 : i32
      %ne3A_47 = arith.cmpi ne, %rem3A_45, %ne3A_46 : i32
      %lt3A_48 = arith.constant 0 : i32
      %lt3A_49 = arith.cmpi slt, %rem3A_45, %lt3A_48 : i32
      %lt3A_50 = arith.constant 0 : i32
      %lt3A_51 = arith.cmpi slt, %select_n3A_44, %lt3A_50 : i32
      %ne3A_52 = arith.xori %lt3A_49, %lt3A_51 : i1
      %and3A_53 = arith.andi %ne3A_52, %ne3A_47 : i1
      %add3A_54 = arith.addi %rem3A_45, %select_n3A_44 : i32
      %select_n3A_55 = arith.select %and3A_53, %add3A_54, %rem3A_45 : i32
      %eq3A_56 = arith.constant 1 : i32
      %eq3A_57 = arith.cmpi eq, %select_n3A_55, %eq3A_56 : i32
      %convert_element_type3A_58 = arith.extui %eq3A_57 : i1 to i32
      %cond3A_59 = arith.constant 0 : i32
      %cond3A_60 = arith.cmpi ne, %convert_element_type3A_58, %cond3A_59 : i32
      scf.if %cond3A_60 {
        %mul3A_61 = arith.constant 80 : i32
        %mul3A_62 = arith.muli %add3A_27, %mul3A_61 : i32
        %dma_wait3A_63 = tpu.memref_slice %arg6[%mul3A_62] : memref<10000xi32, #tpu.memory_space<vmem>> -> memref<80xi32, #tpu.memory_space<vmem>>
        %dma_wait3A_64 = arith.constant 0 : i32
        %dma_wait3A_65 = arith.constant 0 : i32
        %dma_wait3A_66 = tpu.memref_slice %arg2[%dma_wait3A_64, %dma_wait3A_65] : memref<10000x128xbf16, #tpu.memory_space<hbm>> -> memref<10000x128xbf16, #tpu.memory_space<hbm>>
        tpu.wait_indirect_dma semaphore(%arg16 : memref<!tpu.dma_semaphore, #tpu.memory_space<semaphore_mem>>) src(%dma_wait3A_66 : memref<10000x128xbf16, #tpu.memory_space<hbm>>) dst(%arg11 : memref<80x128xbf16, #tpu.memory_space<vmem>>)
        %mul3A_67 = arith.constant 80 : i32
        %mul3A_68 = arith.muli %add3A_27, %mul3A_67 : i32
        %dma_wait3A_69 = tpu.memref_slice %arg7[%mul3A_68] : memref<10000xi32, #tpu.memory_space<vmem>> -> memref<80xi32, #tpu.memory_space<vmem>>
        %dma_wait3A_70 = arith.constant 0 : i32
        %dma_wait3A_71 = arith.constant 0 : i32
        %dma_wait3A_72 = tpu.memref_slice %arg2[%dma_wait3A_70, %dma_wait3A_71] : memref<10000x128xbf16, #tpu.memory_space<hbm>> -> memref<10000x128xbf16, #tpu.memory_space<hbm>>
        tpu.wait_indirect_dma semaphore(%arg17 : memref<!tpu.dma_semaphore, #tpu.memory_space<semaphore_mem>>) src(%dma_wait3A_72 : memref<10000x128xbf16, #tpu.memory_space<hbm>>) dst(%arg12 : memref<80x128xbf16, #tpu.memory_space<vmem>>)
        %add3A_73 = arith.constant 1 : i32
        %add3A_74 = arith.addi %add3A_27, %add3A_73 : i32
        %lt3A_75 = arith.constant 125 : i32
        %lt3A_76 = arith.cmpi slt, %add3A_74, %lt3A_75 : i32
        %convert_element_type3A_77 = arith.extui %lt3A_76 : i1 to i32
        %cond3A_78 = arith.constant 0 : i32
        %cond3A_79 = arith.cmpi ne, %convert_element_type3A_77, %cond3A_78 : i32
        scf.if %cond3A_79 {
          %add3A_96 = arith.constant 1 : i32
          %add3A_97 = arith.addi %add3A_27, %add3A_96 : i32
          %mul3A_98 = arith.constant 80 : i32
          %mul3A_99 = arith.muli %add3A_97, %mul3A_98 : i32
          %dma_start3A_100 = tpu.memref_slice %arg6[%mul3A_99] : memref<10000xi32, #tpu.memory_space<vmem>> -> memref<80xi32, #tpu.memory_space<vmem>>
          %dma_start3A_101 = arith.constant 0 : i32
          %dma_start3A_102 = arith.constant 0 : i32
          %dma_start3A_103 = tpu.memref_slice %arg2[%dma_start3A_101, %dma_start3A_102] : memref<10000x128xbf16, #tpu.memory_space<hbm>> -> memref<10000x128xbf16, #tpu.memory_space<hbm>>
          tpu.enqueue_indirect_dma source(%dma_start3A_103 : memref<10000x128xbf16, #tpu.memory_space<hbm>>) target(%arg8 : memref<80x128xbf16, #tpu.memory_space<vmem>>) offsets(%dma_start3A_100 : memref<80xi32, #tpu.memory_space<vmem>>) semaphore(%arg14 : memref<!tpu.dma_semaphore, #tpu.memory_space<semaphore_mem>>)
          %mul3A_104 = arith.constant 80 : i32
          %mul3A_105 = arith.muli %add3A_97, %mul3A_104 : i32
          %dma_start3A_106 = tpu.memref_slice %arg7[%mul3A_105] : memref<10000xi32, #tpu.memory_space<vmem>> -> memref<80xi32, #tpu.memory_space<vmem>>
          %dma_start3A_107 = arith.constant 0 : i32
          %dma_start3A_108 = arith.constant 0 : i32
          %dma_start3A_109 = tpu.memref_slice %arg2[%dma_start3A_107, %dma_start3A_108] : memref<10000x128xbf16, #tpu.memory_space<hbm>> -> memref<10000x128xbf16, #tpu.memory_space<hbm>>
          tpu.enqueue_indirect_dma source(%dma_start3A_109 : memref<10000x128xbf16, #tpu.memory_space<hbm>>) target(%arg9 : memref<80x128xbf16, #tpu.memory_space<vmem>>) offsets(%dma_start3A_106 : memref<80xi32, #tpu.memory_space<vmem>>) semaphore(%arg15 : memref<!tpu.dma_semaphore, #tpu.memory_space<semaphore_mem>>)
        } else {
        }
        %ge3A = arith.constant 2 : i32
        %ge3A_80 = arith.cmpi sge, %add3A_27, %ge3A : i32
        %convert_element_type3A_81 = arith.extui %ge3A_80 : i1 to i32
        %cond3A_82 = arith.constant 0 : i32
        %cond3A_83 = arith.cmpi ne, %convert_element_type3A_81, %cond3A_82 : i32
        scf.if %cond3A_83 {
          %dma_wait3A_96 = arith.constant 0 : i32
          %dma_wait3A_97 = tpu.memref_slice %arg5[%mul3A_2, %dma_wait3A_96] : memref<320000x64xbf16, #tpu.memory_space<hbm>> -> memref<80x64xbf16, #tpu.memory_space<hbm>>
          %dma_wait3A_98 = arith.constant 0 : i32
          %dma_wait3A_99 = tpu.memref_slice %arg5[%mul3A_2, %dma_wait3A_98] : memref<320000x64xbf16, #tpu.memory_space<hbm>> -> memref<80x64xbf16, #tpu.memory_space<hbm>>
          tpu.wait_dma2 semaphore(%arg19 : memref<!tpu.dma_semaphore, #tpu.memory_space<semaphore_mem>>) src(%arg13 : memref<80x64xbf16, #tpu.memory_space<vmem>>) dst(%dma_wait3A_99 : memref<80x64xbf16, #tpu.memory_space<hbm>>)
        } else {
        }
        %scan3A_84 = arith.constant 0 : i32
        %scan3A_85 = arith.constant 80 : i32
        %scan3A_86 = arith.addi %scan3A_84, %scan3A_85 : i32
        %scan3A_87 = arith.constant 1 : i32
        scf.for %scan3A_96 = %scan3A_84 to %scan3A_86 step %scan3A_87  : i32 {
          %mul3A_97 = arith.constant 1 : i32
          %mul3A_98 = arith.muli %scan3A_96, %mul3A_97 : i32
          %add3A_99 = arith.constant 0 : i32
          %add3A_100 = arith.addi %add3A_99, %mul3A_98 : i32
          %scan3A_101 = arith.constant 0 : i32
          %scan3A_102 = arith.constant 2 : i32
          %scan3A_103 = arith.addi %scan3A_101, %scan3A_102 : i32
          %scan3A_104 = arith.constant 1 : i32
          scf.for %scan3A_106 = %scan3A_101 to %scan3A_103 step %scan3A_104  : i32 {
            %mul3A_107 = arith.constant 32 : i32
            %mul3A_108 = arith.muli %scan3A_106, %mul3A_107 : i32
            %add3A_109 = arith.constant 0 : i32
            %add3A_110 = arith.addi %add3A_109, %mul3A_108 : i32
            %get3A = arith.index_cast %add3A_100 : i32 to index
            %get3A_111 = arith.index_cast %add3A_110 : i32 to index
            %get3A_112 = tpu.vector_load %arg11[%get3A, %get3A_111] {strides = array<i32>} : memref<80x128xbf16, #tpu.memory_space<vmem>>, vector<32xbf16>,
            %add3A_113 = arith.constant 64 : i32
            %add3A_114 = arith.addi %add3A_113, %add3A_110 : i32
            %get3A_115 = arith.index_cast %add3A_100 : i32 to index
            %get3A_116 = arith.index_cast %add3A_114 : i32 to index
            %get3A_117 = tpu.vector_load %arg12[%get3A_115, %get3A_116] {strides = array<i32>} : memref<80x128xbf16, #tpu.memory_space<vmem>>, vector<32xbf16>,
            %add3A_118 = arith.addf %get3A_112, %get3A_117 : vector<32xbf16>
            %broadcast_in_dim3A = arith.constant 0.000000e+00 : bf16
            %broadcast_in_dim3A_119 = vector.broadcast %broadcast_in_dim3A : bf16 to vector<32xbf16>
            %max3A = arith.maximumf %add3A_118, %broadcast_in_dim3A_119 : vector<32xbf16>
            %swap3A = arith.index_cast %add3A_100 : i32 to index
            %swap3A_120 = arith.index_cast %add3A_110 : i32 to index
            %swap3A_121 = tpu.vector_load %arg13[%swap3A, %swap3A_120] {strides = array<i32>} : memref<80x64xbf16, #tpu.memory_space<vmem>>, vector<32xbf16>,
            tpu.vector_store %arg13[%swap3A, %swap3A_120], %max3A {strides = array<i32>} : memref<80x64xbf16, #tpu.memory_space<vmem>>, vector<32xbf16>,
          }
          %scan3A_105 = arith.constant 2 : i32
        }
        %scan3A_88 = arith.constant 80 : i32
        %mul3A_89 = arith.constant 80 : i32
        %mul3A_90 = arith.muli %add3A_27, %mul3A_89 : i32
        %add3A_91 = arith.addi %mul3A_2, %mul3A_90 : i32
        %dma_start3A_92 = arith.constant 0 : i32
        %dma_start3A_93 = tpu.memref_slice %arg5[%add3A_91, %dma_start3A_92] : memref<320000x64xbf16, #tpu.memory_space<hbm>> -> memref<80x64xbf16, #tpu.memory_space<hbm>>
        %dma_start3A_94 = arith.constant 0 : i32
        %dma_start3A_95 = tpu.memref_slice %arg5[%add3A_91, %dma_start3A_94] : memref<320000x64xbf16, #tpu.memory_space<hbm>> -> memref<80x64xbf16, #tpu.memory_space<hbm>>
        tpu.enqueue_dma source(%arg13 : memref<80x64xbf16, #tpu.memory_space<vmem>>) target(%dma_start3A_95 : memref<80x64xbf16, #tpu.memory_space<hbm>>) target_semaphore(%arg19 : memref<!tpu.dma_semaphore, #tpu.memory_space<semaphore_mem>>)
      } else {
      }
    }
    %scan3A_15 = arith.constant 125 : i32
    %dma_wait3A = arith.constant 0 : i32
    %dma_wait3A_16 = tpu.memref_slice %arg5[%mul3A_2, %dma_wait3A] : memref<320000x64xbf16, #tpu.memory_space<hbm>> -> memref<80x64xbf16, #tpu.memory_space<hbm>>
    %dma_wait3A_17 = arith.constant 0 : i32
    %dma_wait3A_18 = tpu.memref_slice %arg5[%mul3A_2, %dma_wait3A_17] : memref<320000x64xbf16, #tpu.memory_space<hbm>> -> memref<80x64xbf16, #tpu.memory_space<hbm>>
    tpu.wait_dma2 semaphore(%arg18 : memref<!tpu.dma_semaphore, #tpu.memory_space<semaphore_mem>>) src(%arg10 : memref<80x64xbf16, #tpu.memory_space<vmem>>) dst(%dma_wait3A_18 : memref<80x64xbf16, #tpu.memory_space<hbm>>)
    %dma_wait3A_19 = arith.constant 0 : i32
    %dma_wait3A_20 = tpu.memref_slice %arg5[%mul3A_2, %dma_wait3A_19] : memref<320000x64xbf16, #tpu.memory_space<hbm>> -> memref<80x64xbf16, #tpu.memory_space<hbm>>
    %dma_wait3A_21 = arith.constant 0 : i32
    %dma_wait3A_22 = tpu.memref_slice %arg5[%mul3A_2, %dma_wait3A_21] : memref<320000x64xbf16, #tpu.memory_space<hbm>> -> memref<80x64xbf16, #tpu.memory_space<hbm>>
    tpu.wait_dma2 semaphore(%arg19 : memref<!tpu.dma_semaphore, #tpu.memory_space<semaphore_mem>>) src(%arg13 : memref<80x64xbf16, #tpu.memory_space<vmem>>) dst(%dma_wait3A_22 : memref<80x64xbf16, #tpu.memory_space<hbm>>)
    return
  }
}

#map = affine_map<(d0, d1) -> (0, 0)>
#map1 = affine_map<(d0, d1) -> (0)>
module attributes {stable_mosaic.version = 14 : i64} {
  func.func @_stage_d_kernel(%arg0: i32, %arg1: i32, %arg2: memref<320000x128xf32, #tpu.memory_space<hbm>>, %arg3: memref<320000xi32, #tpu.memory_space<hbm>>, %arg4: memref<10240x128xf32, #tpu.memory_space<hbm>>, %arg5: memref<1280xi32, #tpu.memory_space<vmem>>, %arg6: memref<1280xi32, #tpu.memory_space<vmem>>, %arg7: memref<1600xi32, #tpu.memory_space<vmem>>, %arg8: memref<1600xi32, #tpu.memory_space<vmem>>, %arg9: memref<64x128xf32, #tpu.memory_space<vmem>>, %arg10: memref<64x128xf32, #tpu.memory_space<vmem>>, %arg11: memref<328x128xf32, #tpu.memory_space<vmem>>, %arg12: memref<5248x128xf32, #tpu.memory_space<vmem_shared>>, %arg13: memref<328xi32, #tpu.memory_space<smem>>, %arg14: memref<1xi32, #tpu.memory_space<smem>>, %arg15: memref<!tpu.dma_semaphore, #tpu.memory_space<semaphore_mem>>, %arg16: memref<!tpu.dma_semaphore, #tpu.memory_space<semaphore_mem>>, %arg17: memref<!tpu.dma_semaphore, #tpu.memory_space<semaphore_mem>>, %arg18: memref<!tpu.dma_semaphore, #tpu.memory_space<semaphore_mem>>, %arg19: memref<!tpu.dma_semaphore, #tpu.memory_space<semaphore_mem>>, %arg20: memref<!tpu.dma_semaphore, #tpu.memory_space<semaphore_mem>>) attributes {dimension_semantics = [#tpu.dimension_semantics<core_parallel>, #tpu.dimension_semantics<subcore_parallel>], iteration_bounds = array<i64: 2, 16>, scalar_prefetch = 0 : i64, scratch_operands = 16 : i64, tpu.core_type = #tpu.core_type<sc_vector_subcore>, window_params = [{transform_indices = #map}, {transform_indices = #map1}, {transform_indices = #map}]} {
    %mul3A = arith.constant 16 : i32
    %mul3A_0 = arith.muli %arg0, %mul3A : i32
    %add3A = arith.addi %mul3A_0, %arg1 : i32
    %mul3A_1 = arith.constant 320 : i32
    %mul3A_2 = arith.muli %add3A, %mul3A_1 : i32
    %mul3A_3 = arith.constant 328 : i32
    %mul3A_4 = arith.muli %arg1, %mul3A_3 : i32
    %broadcast_in_dim3A = arith.constant 0.000000e+00 : f32
    %broadcast_in_dim3A_5 = vector.broadcast %broadcast_in_dim3A : f32 to vector<16xf32>
    %broadcast_in_dim3A_6 = arith.constant -3.000000e+38 : f32
    %broadcast_in_dim3A_7 = vector.broadcast %broadcast_in_dim3A_6 : f32 to vector<16xf32>
    %iota3A = tpu.iota {dimensions = array<i32: 0>} : vector<16xi32>
    %lt3A = arith.constant 16 : i32
    %lt3A_8 = vector.broadcast %lt3A : i32 to vector<16xi32>
    %lt3A_9 = arith.cmpi slt, %iota3A, %lt3A_8 : vector<16xi32>
    %scan3A = arith.constant 0 : i32
    %scan3A_10 = arith.constant 64 : i32
    %scan3A_11 = arith.addi %scan3A, %scan3A_10 : i32
    %scan3A_12 = arith.constant 1 : i32
    scf.for %scan3A_185 = %scan3A to %scan3A_11 step %scan3A_12  : i32 {
      %mul3A_186 = arith.constant 1 : i32
      %mul3A_187 = arith.muli %scan3A_185, %mul3A_186 : i32
      %add3A_188 = arith.constant 0 : i32
      %add3A_189 = arith.addi %add3A_188, %mul3A_187 : i32
      %scan3A_190 = arith.constant 0 : i32
      %scan3A_191 = arith.constant 8 : i32
      %scan3A_192 = arith.addi %scan3A_190, %scan3A_191 : i32
      %scan3A_193 = arith.constant 1 : i32
      scf.for %scan3A_195 = %scan3A_190 to %scan3A_192 step %scan3A_193  : i32 {
        %mul3A_196 = arith.constant 16 : i32
        %mul3A_197 = arith.muli %scan3A_195, %mul3A_196 : i32
        %add3A_198 = arith.constant 0 : i32
        %add3A_199 = arith.addi %add3A_198, %mul3A_197 : i32
        %swap3A_200 = arith.index_cast %add3A_189 : i32 to index
        %swap3A_201 = arith.index_cast %add3A_199 : i32 to index
        %swap3A_202 = tpu.vector_load %arg9[%swap3A_200, %swap3A_201] {strides = array<i32>} : memref<64x128xf32, #tpu.memory_space<vmem>>, vector<16xf32>,
        tpu.vector_store %arg9[%swap3A_200, %swap3A_201], %broadcast_in_dim3A_5 {strides = array<i32>} : memref<64x128xf32, #tpu.memory_space<vmem>>, vector<16xf32>,
      }
      %scan3A_194 = arith.constant 8 : i32
    }
    %scan3A_13 = arith.constant 64 : i32
    %scan3A_14 = arith.constant 0 : i32
    %scan3A_15 = arith.constant 5 : i32
    %scan3A_16 = arith.addi %scan3A_14, %scan3A_15 : i32
    %scan3A_17 = arith.constant 1 : i32
    scf.for %scan3A_185 = %scan3A_14 to %scan3A_16 step %scan3A_17  : i32 {
      %mul3A_186 = arith.constant 1 : i32
      %mul3A_187 = arith.muli %scan3A_185, %mul3A_186 : i32
      %add3A_188 = arith.constant 0 : i32
      %add3A_189 = arith.addi %add3A_188, %mul3A_187 : i32
      %mul3A_190 = arith.constant 64 : i32
      %mul3A_191 = arith.muli %add3A_189, %mul3A_190 : i32
      %add3A_192 = arith.addi %mul3A_4, %mul3A_191 : i32
      "tpu.region"() ({
        %run_scoped3A = tpu.sem_alloc : memref<!tpu.dma_semaphore, #tpu.memory_space<semaphore_mem>>
        %dma_start3A_193 = arith.constant 0 : i32
        %dma_start3A_194 = tpu.memref_slice %arg12[%add3A_192, %dma_start3A_193] : memref<5248x128xf32, #tpu.memory_space<vmem_shared>> -> memref<64x128xf32, #tpu.memory_space<vmem_shared>>
        %dma_start3A_195 = arith.constant 0 : i32
        %dma_start3A_196 = tpu.memref_slice %arg12[%add3A_192, %dma_start3A_195] : memref<5248x128xf32, #tpu.memory_space<vmem_shared>> -> memref<64x128xf32, #tpu.memory_space<vmem_shared>>
        tpu.enqueue_dma source(%arg9 : memref<64x128xf32, #tpu.memory_space<vmem>>) target(%dma_start3A_196 : memref<64x128xf32, #tpu.memory_space<vmem_shared>>) target_semaphore(%run_scoped3A : memref<!tpu.dma_semaphore, #tpu.memory_space<semaphore_mem>>)
        %dma_wait3A = arith.constant 0 : i32
        %dma_wait3A_197 = tpu.memref_slice %arg12[%add3A_192, %dma_wait3A] : memref<5248x128xf32, #tpu.memory_space<vmem_shared>> -> memref<64x128xf32, #tpu.memory_space<vmem_shared>>
        %dma_wait3A_198 = arith.constant 0 : i32
        %dma_wait3A_199 = tpu.memref_slice %arg12[%add3A_192, %dma_wait3A_198] : memref<5248x128xf32, #tpu.memory_space<vmem_shared>> -> memref<64x128xf32, #tpu.memory_space<vmem_shared>>
        tpu.wait_dma2 semaphore(%run_scoped3A : memref<!tpu.dma_semaphore, #tpu.memory_space<semaphore_mem>>) src(%arg9 : memref<64x128xf32, #tpu.memory_space<vmem>>) dst(%dma_wait3A_199 : memref<64x128xf32, #tpu.memory_space<vmem_shared>>)
        tpu.yield
      }) : () -> ()
    }
    %scan3A_18 = arith.constant 5 : i32
    %add3A_19 = arith.constant 320 : i32
    %add3A_20 = arith.addi %mul3A_4, %add3A_19 : i32
    "tpu.region"() ({
      %run_scoped3A = tpu.sem_alloc : memref<!tpu.dma_semaphore, #tpu.memory_space<semaphore_mem>>
      %dma_start3A_185 = arith.constant 0 : i32
      %dma_start3A_186 = arith.constant 0 : i32
      %dma_start3A_187 = tpu.memref_slice %arg9[%dma_start3A_185, %dma_start3A_186] : memref<64x128xf32, #tpu.memory_space<vmem>> -> memref<8x128xf32, #tpu.memory_space<vmem>>
      %dma_start3A_188 = arith.constant 0 : i32
      %dma_start3A_189 = tpu.memref_slice %arg12[%add3A_20, %dma_start3A_188] : memref<5248x128xf32, #tpu.memory_space<vmem_shared>> -> memref<8x128xf32, #tpu.memory_space<vmem_shared>>
      %dma_start3A_190 = arith.constant 0 : i32
      %dma_start3A_191 = tpu.memref_slice %arg12[%add3A_20, %dma_start3A_190] : memref<5248x128xf32, #tpu.memory_space<vmem_shared>> -> memref<8x128xf32, #tpu.memory_space<vmem_shared>>
      %dma_start3A_192 = arith.constant 0 : i32
      %dma_start3A_193 = arith.constant 0 : i32
      %dma_start3A_194 = tpu.memref_slice %arg9[%dma_start3A_192, %dma_start3A_193] : memref<64x128xf32, #tpu.memory_space<vmem>> -> memref<8x128xf32, #tpu.memory_space<vmem>>
      tpu.enqueue_dma source(%dma_start3A_194 : memref<8x128xf32, #tpu.memory_space<vmem>>) target(%dma_start3A_191 : memref<8x128xf32, #tpu.memory_space<vmem_shared>>) target_semaphore(%run_scoped3A : memref<!tpu.dma_semaphore, #tpu.memory_space<semaphore_mem>>)
      %dma_wait3A = arith.constant 0 : i32
      %dma_wait3A_195 = arith.constant 0 : i32
      %dma_wait3A_196 = tpu.memref_slice %arg9[%dma_wait3A, %dma_wait3A_195] : memref<64x128xf32, #tpu.memory_space<vmem>> -> memref<8x128xf32, #tpu.memory_space<vmem>>
      %dma_wait3A_197 = arith.constant 0 : i32
      %dma_wait3A_198 = tpu.memref_slice %arg12[%add3A_20, %dma_wait3A_197] : memref<5248x128xf32, #tpu.memory_space<vmem_shared>> -> memref<8x128xf32, #tpu.memory_space<vmem_shared>>
      %dma_wait3A_199 = arith.constant 0 : i32
      %dma_wait3A_200 = tpu.memref_slice %arg12[%add3A_20, %dma_wait3A_199] : memref<5248x128xf32, #tpu.memory_space<vmem_shared>> -> memref<8x128xf32, #tpu.memory_space<vmem_shared>>
      %dma_wait3A_201 = arith.constant 0 : i32
      %dma_wait3A_202 = arith.constant 0 : i32
      %dma_wait3A_203 = tpu.memref_slice %arg9[%dma_wait3A_201, %dma_wait3A_202] : memref<64x128xf32, #tpu.memory_space<vmem>> -> memref<8x128xf32, #tpu.memory_space<vmem>>
      tpu.wait_dma2 semaphore(%run_scoped3A : memref<!tpu.dma_semaphore, #tpu.memory_space<semaphore_mem>>) src(%dma_wait3A_203 : memref<8x128xf32, #tpu.memory_space<vmem>>) dst(%dma_wait3A_200 : memref<8x128xf32, #tpu.memory_space<vmem_shared>>)
      tpu.yield
    }) : () -> ()
    %scan3A_21 = arith.constant 0 : i32
    %scan3A_22 = arith.constant 328 : i32
    %scan3A_23 = arith.addi %scan3A_21, %scan3A_22 : i32
    %scan3A_24 = arith.constant 1 : i32
    scf.for %scan3A_185 = %scan3A_21 to %scan3A_23 step %scan3A_24  : i32 {
      %mul3A_186 = arith.constant 1 : i32
      %mul3A_187 = arith.muli %scan3A_185, %mul3A_186 : i32
      %add3A_188 = arith.constant 0 : i32
      %add3A_189 = arith.addi %add3A_188, %mul3A_187 : i32
      %swap3A_190 = arith.constant 0 : i32
      %swap3A_191 = arith.index_cast %add3A_189 : i32 to index
      %swap3A_192 = memref.load %arg13[%swap3A_191] : memref<328xi32, #tpu.memory_space<smem>>
      memref.store %swap3A_190, %arg13[%swap3A_191] : memref<328xi32, #tpu.memory_space<smem>>
    }
    %scan3A_25 = arith.constant 328 : i32
    %scan3A_26 = arith.constant 0 : i32
    %scan3A_27 = arith.constant 328 : i32
    %scan3A_28 = arith.addi %scan3A_26, %scan3A_27 : i32
    %scan3A_29 = arith.constant 1 : i32
    scf.for %scan3A_185 = %scan3A_26 to %scan3A_28 step %scan3A_29  : i32 {
      %mul3A_186 = arith.constant 1 : i32
      %mul3A_187 = arith.muli %scan3A_185, %mul3A_186 : i32
      %add3A_188 = arith.constant 0 : i32
      %add3A_189 = arith.addi %add3A_188, %mul3A_187 : i32
      %scan3A_190 = arith.constant 0 : i32
      %scan3A_191 = arith.constant 8 : i32
      %scan3A_192 = arith.addi %scan3A_190, %scan3A_191 : i32
      %scan3A_193 = arith.constant 1 : i32
      scf.for %scan3A_195 = %scan3A_190 to %scan3A_192 step %scan3A_193  : i32 {
        %mul3A_196 = arith.constant 16 : i32
        %mul3A_197 = arith.muli %scan3A_195, %mul3A_196 : i32
        %add3A_198 = arith.constant 0 : i32
        %add3A_199 = arith.addi %add3A_198, %mul3A_197 : i32
        %swap3A_200 = arith.index_cast %add3A_189 : i32 to index
        %swap3A_201 = arith.index_cast %add3A_199 : i32 to index
        %swap3A_202 = tpu.vector_load %arg11[%swap3A_200, %swap3A_201] {strides = array<i32>} : memref<328x128xf32, #tpu.memory_space<vmem>>, vector<16xf32>,
        tpu.vector_store %arg11[%swap3A_200, %swap3A_201], %broadcast_in_dim3A_7 {strides = array<i32>} : memref<328x128xf32, #tpu.memory_space<vmem>>, vector<16xf32>,
      }
      %scan3A_194 = arith.constant 8 : i32
    }
    %scan3A_30 = arith.constant 328 : i32
    %swap3A = arith.constant 0 : i32
    %swap3A_31 = arith.constant 0 : i32
    %swap3A_32 = arith.index_cast %swap3A_31 : i32 to index
    %swap3A_33 = memref.load %arg14[%swap3A_32] : memref<1xi32, #tpu.memory_space<smem>>
    memref.store %swap3A, %arg14[%swap3A_32] : memref<1xi32, #tpu.memory_space<smem>>
    %dma_start3A = arith.constant 0 : i32
    %dma_start3A_34 = tpu.memref_slice %arg3[%dma_start3A] : memref<320000xi32, #tpu.memory_space<hbm>> -> memref<1280xi32, #tpu.memory_space<hbm>>
    %dma_start3A_35 = arith.constant 0 : i32
    %dma_start3A_36 = tpu.memref_slice %arg3[%dma_start3A_35] : memref<320000xi32, #tpu.memory_space<hbm>> -> memref<1280xi32, #tpu.memory_space<hbm>>
    tpu.enqueue_dma source(%dma_start3A_36 : memref<1280xi32, #tpu.memory_space<hbm>>) target(%arg5 : memref<1280xi32, #tpu.memory_space<vmem>>) target_semaphore(%arg17 : memref<!tpu.dma_semaphore, #tpu.memory_space<semaphore_mem>>)
    %scan3A_37 = arith.constant 0 : i32
    %scan3A_38 = arith.constant 250 : i32
    %scan3A_39 = arith.addi %scan3A_37, %scan3A_38 : i32
    %scan3A_40 = arith.constant 1 : i32
    scf.for %scan3A_185 = %scan3A_37 to %scan3A_39 step %scan3A_40  : i32 {
      %mul3A_186 = arith.constant 1 : i32
      %mul3A_187 = arith.muli %scan3A_185, %mul3A_186 : i32
      %add3A_188 = arith.constant 0 : i32
      %add3A_189 = arith.addi %add3A_188, %mul3A_187 : i32
      %jit3A_190 = arith.constant 2 : i32
      %eq3A_191 = arith.constant 0 : i32
      %eq3A_192 = arith.cmpi eq, %jit3A_190, %eq3A_191 : i32
      %jit3A_193 = arith.constant 1 : i32
      %select_n3A_194 = arith.select %eq3A_192, %jit3A_193, %jit3A_190 : i32
      %rem3A_195 = arith.remsi %add3A_189, %select_n3A_194 : i32
      %ne3A_196 = arith.constant 0 : i32
      %ne3A_197 = arith.cmpi ne, %rem3A_195, %ne3A_196 : i32
      %lt3A_198 = arith.constant 0 : i32
      %lt3A_199 = arith.cmpi slt, %rem3A_195, %lt3A_198 : i32
      %lt3A_200 = arith.constant 0 : i32
      %lt3A_201 = arith.cmpi slt, %select_n3A_194, %lt3A_200 : i32
      %ne3A_202 = arith.xori %lt3A_199, %lt3A_201 : i1
      %and3A_203 = arith.andi %ne3A_202, %ne3A_197 : i1
      %add3A_204 = arith.addi %rem3A_195, %select_n3A_194 : i32
      %select_n3A_205 = arith.select %and3A_203, %add3A_204, %rem3A_195 : i32
      %eq3A_206 = arith.constant 0 : i32
      %eq3A_207 = arith.cmpi eq, %select_n3A_205, %eq3A_206 : i32
      %convert_element_type3A_208 = arith.extui %eq3A_207 : i1 to i32
      %cond3A_209 = arith.constant 0 : i32
      %cond3A_210 = arith.cmpi ne, %convert_element_type3A_208, %cond3A_209 : i32
      scf.if %cond3A_210 {
        %mul3A_232 = arith.constant 1280 : i32
        %mul3A_233 = arith.muli %add3A_189, %mul3A_232 : i32
        %dma_wait3A = tpu.memref_slice %arg3[%mul3A_233] : memref<320000xi32, #tpu.memory_space<hbm>> -> memref<1280xi32, #tpu.memory_space<hbm>>
        %dma_wait3A_234 = tpu.memref_slice %arg3[%mul3A_233] : memref<320000xi32, #tpu.memory_space<hbm>> -> memref<1280xi32, #tpu.memory_space<hbm>>
        tpu.wait_dma2 semaphore(%arg17 : memref<!tpu.dma_semaphore, #tpu.memory_space<semaphore_mem>>) src(%dma_wait3A_234 : memref<1280xi32, #tpu.memory_space<hbm>>) dst(%arg5 : memref<1280xi32, #tpu.memory_space<vmem>>)
        %add3A_235 = arith.constant 1 : i32
        %add3A_236 = arith.addi %add3A_189, %add3A_235 : i32
        %lt3A_237 = arith.constant 250 : i32
        %lt3A_238 = arith.cmpi slt, %add3A_236, %lt3A_237 : i32
        %convert_element_type3A_239 = arith.extui %lt3A_238 : i1 to i32
        %cond3A_240 = arith.constant 0 : i32
        %cond3A_241 = arith.cmpi ne, %convert_element_type3A_239, %cond3A_240 : i32
        scf.if %cond3A_241 {
          %add3A_254 = arith.constant 1 : i32
          %add3A_255 = arith.addi %add3A_189, %add3A_254 : i32
          %mul3A_256 = arith.constant 1280 : i32
          %mul3A_257 = arith.muli %add3A_255, %mul3A_256 : i32
          %dma_start3A_258 = tpu.memref_slice %arg3[%mul3A_257] : memref<320000xi32, #tpu.memory_space<hbm>> -> memref<1280xi32, #tpu.memory_space<hbm>>
          %dma_start3A_259 = tpu.memref_slice %arg3[%mul3A_257] : memref<320000xi32, #tpu.memory_space<hbm>> -> memref<1280xi32, #tpu.memory_space<hbm>>
          tpu.enqueue_dma source(%dma_start3A_259 : memref<1280xi32, #tpu.memory_space<hbm>>) target(%arg6 : memref<1280xi32, #tpu.memory_space<vmem>>) target_semaphore(%arg18 : memref<!tpu.dma_semaphore, #tpu.memory_space<semaphore_mem>>)
        } else {
        }
        %scan3A_242 = arith.constant 0 : i32
        %scan3A_243 = arith.constant 80 : i32
        %scan3A_244 = arith.addi %scan3A_242, %scan3A_243 : i32
        %scan3A_245 = arith.constant 1 : i32
        scf.for %scan3A_254 = %scan3A_242 to %scan3A_244 step %scan3A_245  : i32 {
          %mul3A_255 = arith.constant 1 : i32
          %mul3A_256 = arith.muli %scan3A_254, %mul3A_255 : i32
          %add3A_257 = arith.constant 0 : i32
          %add3A_258 = arith.addi %add3A_257, %mul3A_256 : i32
          %mul3A_259 = arith.constant 16 : i32
          %mul3A_260 = arith.muli %add3A_258, %mul3A_259 : i32
          %get3A_261 = arith.index_cast %mul3A_260 : i32 to index
          %get3A_262 = tpu.vector_load %arg5[%get3A_261] {strides = array<i32>} : memref<1280xi32, #tpu.memory_space<vmem>>, vector<16xi32>,
          %ge3A_263 = vector.broadcast %mul3A_2 : i32 to vector<16xi32>
          %ge3A_264 = arith.cmpi sge, %get3A_262, %ge3A_263 : vector<16xi32>
          %add3A_265 = arith.constant 320 : i32
          %add3A_266 = arith.addi %mul3A_2, %add3A_265 : i32
          %lt3A_267 = vector.broadcast %add3A_266 : i32 to vector<16xi32>
          %lt3A_268 = arith.cmpi slt, %get3A_262, %lt3A_267 : vector<16xi32>
          %and3A_269 = arith.andi %ge3A_264, %lt3A_268 : vector<16xi1>
          %mul3A_270 = arith.constant 1280 : i32
          %mul3A_271 = arith.muli %add3A_189, %mul3A_270 : i32
          %mul3A_272 = arith.constant 16 : i32
          %mul3A_273 = arith.muli %add3A_258, %mul3A_272 : i32
          %add3A_274 = arith.addi %mul3A_271, %mul3A_273 : i32
          %add3A_275 = vector.broadcast %add3A_274 : i32 to vector<16xi32>
          %add3A_276 = arith.addi %add3A_275, %iota3A : vector<16xi32>
          %get3A_277 = arith.constant 0 : i32
          %get3A_278 = arith.index_cast %get3A_277 : i32 to index
          %get3A_279 = memref.load %arg14[%get3A_278] : memref<1xi32, #tpu.memory_space<smem>>
          %swap3A_280 = arith.index_cast %get3A_279 : i32 to index
          %swap3A_281 = tpu.vector_load %arg7[%swap3A_280] masked %and3A_269 {strides = array<i32>} : memref<1600xi32, #tpu.memory_space<vmem>>, vector<16xi32>, vector<16xi1>
          tpu.vector_store %arg7[%swap3A_280], %add3A_276 masked %and3A_269 {strides = array<i32>} : memref<1600xi32, #tpu.memory_space<vmem>>, vector<16xi32>, vector<16xi1>
          %sub3A_282 = arith.subi %mul3A_4, %mul3A_2 : i32
          %add3A_283 = vector.broadcast %sub3A_282 : i32 to vector<16xi32>
          %add3A_284 = arith.addi %get3A_262, %add3A_283 : vector<16xi32>
          %swap3A_285 = arith.index_cast %get3A_279 : i32 to index
          %swap3A_286 = tpu.vector_load %arg8[%swap3A_285] masked %and3A_269 {strides = array<i32>} : memref<1600xi32, #tpu.memory_space<vmem>>, vector<16xi32>, vector<16xi1>
          tpu.vector_store %arg8[%swap3A_285], %add3A_284 masked %and3A_269 {strides = array<i32>} : memref<1600xi32, #tpu.memory_space<vmem>>, vector<16xi32>, vector<16xi1>
          %convert_element_type3A_287 = arith.extui %and3A_269 : vector<16xi1> to vector<16xi32>
          %reduce_sum3A = arith.constant true
          %reduce_sum3A_288 = vector.broadcast %reduce_sum3A : i1 to vector<16xi1>
          %reduce_sum3A_289 = tpu.scan <sum>, %convert_element_type3A_287 masked %reduce_sum3A_288 : vector<16xi32>, vector<16xi1> -> vector<16xi32>
          %reduce_sum3A_290 = vector.extract %reduce_sum3A_289[15] : i32 from vector<16xi32>
          %add3A_291 = arith.addi %get3A_279, %reduce_sum3A_290 : i32
          %swap3A_292 = arith.constant 0 : i32
          %swap3A_293 = arith.index_cast %swap3A_292 : i32 to index
          %swap3A_294 = memref.load %arg14[%swap3A_293] : memref<1xi32, #tpu.memory_space<smem>>
          memref.store %add3A_291, %arg14[%swap3A_293] : memref<1xi32, #tpu.memory_space<smem>>
        }
        %scan3A_246 = arith.constant 80 : i32
        %get3A_247 = arith.constant 0 : i32
        %get3A_248 = arith.index_cast %get3A_247 : i32 to index
        %get3A_249 = memref.load %arg14[%get3A_248] : memref<1xi32, #tpu.memory_space<smem>>
        %ge3A = arith.constant 256 : i32
        %ge3A_250 = arith.cmpi sge, %get3A_249, %ge3A : i32
        %convert_element_type3A_251 = arith.extui %ge3A_250 : i1 to i32
        %cond3A_252 = arith.constant 0 : i32
        %cond3A_253 = arith.cmpi ne, %convert_element_type3A_251, %cond3A_252 : i32
        scf.if %cond3A_253 {
          %get3A_254 = arith.constant 0 : i32
          %get3A_255 = arith.index_cast %get3A_254 : i32 to index
          %get3A_256 = memref.load %arg14[%get3A_255] : memref<1xi32, #tpu.memory_space<smem>>
          %jit3A_257 = arith.constant 64 : i32
          %div3A_258 = arith.divsi %get3A_256, %jit3A_257 : i32
          %sign3A_259 = arith.constant 0 : i32
          %sign3A_260 = arith.cmpi sgt, %get3A_256, %sign3A_259 : i32
          %sign3A_261 = arith.extui %sign3A_260 : i1 to i32
          %sign3A_262 = arith.constant 0 : i32
          %sign3A_263 = arith.cmpi slt, %get3A_256, %sign3A_262 : i32
          %sign3A_264 = arith.extui %sign3A_263 : i1 to i32
          %sign3A_265 = arith.subi %sign3A_261, %sign3A_264 : i32
          %sign3A_266 = arith.constant 0 : i32
          %sign3A_267 = arith.cmpi sgt, %jit3A_257, %sign3A_266 : i32
          %sign3A_268 = arith.extui %sign3A_267 : i1 to i32
          %sign3A_269 = arith.constant 0 : i32
          %sign3A_270 = arith.cmpi slt, %jit3A_257, %sign3A_269 : i32
          %sign3A_271 = arith.extui %sign3A_270 : i1 to i32
          %sign3A_272 = arith.subi %sign3A_268, %sign3A_271 : i32
          %ne3A_273 = arith.cmpi ne, %sign3A_265, %sign3A_272 : i32
          %rem3A_274 = arith.remsi %get3A_256, %jit3A_257 : i32
          %ne3A_275 = arith.constant 0 : i32
          %ne3A_276 = arith.cmpi ne, %rem3A_274, %ne3A_275 : i32
          %and3A_277 = arith.andi %ne3A_273, %ne3A_276 : i1
          %sub3A_278 = arith.constant 1 : i32
          %sub3A_279 = arith.subi %div3A_258, %sub3A_278 : i32
          %select_n3A_280 = arith.select %and3A_277, %sub3A_279, %div3A_258 : i32
          %gt3A_281 = arith.constant 0 : i32
          %gt3A_282 = arith.cmpi sgt, %select_n3A_280, %gt3A_281 : i32
          %convert_element_type3A_283 = arith.extui %gt3A_282 : i1 to i32
          %cond3A_284 = arith.constant 0 : i32
          %cond3A_285 = arith.cmpi ne, %convert_element_type3A_283, %cond3A_284 : i32
          scf.if %cond3A_285 {
            %dma_start3A_404 = arith.constant 0 : i32
            %dma_start3A_405 = tpu.memref_slice %arg7[%dma_start3A_404] : memref<1600xi32, #tpu.memory_space<vmem>> -> memref<64xi32, #tpu.memory_space<vmem>>
            %dma_start3A_406 = arith.constant 0 : i32
            %dma_start3A_407 = arith.constant 0 : i32
            %dma_start3A_408 = tpu.memref_slice %arg2[%dma_start3A_406, %dma_start3A_407] : memref<320000x128xf32, #tpu.memory_space<hbm>> -> memref<320000x128xf32, #tpu.memory_space<hbm>>
            tpu.enqueue_indirect_dma source(%dma_start3A_408 : memref<320000x128xf32, #tpu.memory_space<hbm>>) target(%arg9 : memref<64x128xf32, #tpu.memory_space<vmem>>) offsets(%dma_start3A_405 : memref<64xi32, #tpu.memory_space<vmem>>) semaphore(%arg15 : memref<!tpu.dma_semaphore, #tpu.memory_space<semaphore_mem>>)
          } else {
          }
          %sub3A_286 = arith.constant 0 : i32
          %sub3A_287 = arith.subi %select_n3A_280, %sub3A_286 : i32
          %sub3A_288 = arith.constant 1 : i32
          %sub3A_289 = arith.constant 1 : i32
          %sub3A_290 = arith.subi %sub3A_288, %sub3A_289 : i32
          %add3A_291 = arith.addi %sub3A_287, %sub3A_290 : i32
          %div3A_292 = arith.constant 1 : i32
          %div3A_293 = arith.divsi %add3A_291, %div3A_292 : i32
          %while3A_294 = arith.constant 1 : i32
          %while3A_295 = arith.constant 0 : i32
          %while3A_296 = arith.constant 0 : i32
          %while3A_297 = arith.subi %div3A_293, %while3A_296 : i32
          %while3A_298 = arith.addi %while3A_296, %while3A_297 : i32
          %while3A_299 = arith.constant 1 : i32
          %while3A_300 = arith.divsi %while3A_297, %while3A_299 : i32
          %while3A_301 = arith.muli %while3A_300, %while3A_299 : i32
          %while3A_302 = arith.addi %while3A_296, %while3A_301 : i32
          %while3A_303 = arith.constant 1 : i32
          scf.for %while3A_404 = %while3A_296 to %while3A_302 step %while3A_303  : i32 {
            %mul3A_405 = arith.muli %while3A_404, %while3A_294 : i32
            %add3A_406 = arith.addi %while3A_295, %mul3A_405 : i32
            %jit3A_407 = arith.constant 2 : i32
            %eq3A_408 = arith.constant 0 : i32
            %eq3A_409 = arith.cmpi eq, %jit3A_407, %eq3A_408 : i32
            %jit3A_410 = arith.constant 1 : i32
            %select_n3A_411 = arith.select %eq3A_409, %jit3A_410, %jit3A_407 : i32
            %rem3A_412 = arith.remsi %add3A_406, %select_n3A_411 : i32
            %ne3A_413 = arith.constant 0 : i32
            %ne3A_414 = arith.cmpi ne, %rem3A_412, %ne3A_413 : i32
            %lt3A_415 = arith.constant 0 : i32
            %lt3A_416 = arith.cmpi slt, %rem3A_412, %lt3A_415 : i32
            %lt3A_417 = arith.constant 0 : i32
            %lt3A_418 = arith.cmpi slt, %select_n3A_411, %lt3A_417 : i32
            %ne3A_419 = arith.xori %lt3A_416, %lt3A_418 : i1
            %and3A_420 = arith.andi %ne3A_419, %ne3A_414 : i1
            %add3A_421 = arith.addi %rem3A_412, %select_n3A_411 : i32
            %select_n3A_422 = arith.select %and3A_420, %add3A_421, %rem3A_412 : i32
            %eq3A_423 = arith.constant 0 : i32
            %eq3A_424 = arith.cmpi eq, %select_n3A_422, %eq3A_423 : i32
            %convert_element_type3A_425 = arith.extui %eq3A_424 : i1 to i32
            %cond3A_426 = arith.constant 0 : i32
            %cond3A_427 = arith.cmpi ne, %convert_element_type3A_425, %cond3A_426 : i32
            scf.if %cond3A_427 {
              %ge3A_449 = arith.constant 1 : i32
              %ge3A_450 = arith.cmpi sge, %add3A_406, %ge3A_449 : i32
              %convert_element_type3A_451 = arith.extui %ge3A_450 : i1 to i32
              %cond3A_452 = arith.constant 0 : i32
              %cond3A_453 = arith.cmpi ne, %convert_element_type3A_451, %cond3A_452 : i32
              scf.if %cond3A_453 {
                %sub3A_477 = arith.constant 1 : i32
                %sub3A_478 = arith.subi %add3A_406, %sub3A_477 : i32
                %mul3A_479 = arith.constant 64 : i32
                %mul3A_480 = arith.muli %sub3A_478, %mul3A_479 : i32
                %dma_wait3A_481 = tpu.memref_slice %arg8[%mul3A_480] : memref<1600xi32, #tpu.memory_space<vmem>> -> memref<64xi32, #tpu.memory_space<vmem>>
                %dma_wait3A_482 = arith.constant 0 : i32
                %dma_wait3A_483 = arith.constant 0 : i32
                %dma_wait3A_484 = tpu.memref_slice %arg12[%dma_wait3A_482, %dma_wait3A_483] : memref<5248x128xf32, #tpu.memory_space<vmem_shared>> -> memref<5248x128xf32, #tpu.memory_space<vmem_shared>>
                tpu.wait_indirect_dma semaphore(%arg20 : memref<!tpu.dma_semaphore, #tpu.memory_space<semaphore_mem>>) src(%arg10 : memref<64x128xf32, #tpu.memory_space<vmem>>) dst(%dma_wait3A_484 : memref<5248x128xf32, #tpu.memory_space<vmem_shared>>)
              } else {
              }
              %mul3A_454 = arith.constant 64 : i32
              %mul3A_455 = arith.muli %add3A_406, %mul3A_454 : i32
              %dma_wait3A_456 = tpu.memref_slice %arg7[%mul3A_455] : memref<1600xi32, #tpu.memory_space<vmem>> -> memref<64xi32, #tpu.memory_space<vmem>>
              %dma_wait3A_457 = arith.constant 0 : i32
              %dma_wait3A_458 = arith.constant 0 : i32
              %dma_wait3A_459 = tpu.memref_slice %arg2[%dma_wait3A_457, %dma_wait3A_458] : memref<320000x128xf32, #tpu.memory_space<hbm>> -> memref<320000x128xf32, #tpu.memory_space<hbm>>
              tpu.wait_indirect_dma semaphore(%arg15 : memref<!tpu.dma_semaphore, #tpu.memory_space<semaphore_mem>>) src(%dma_wait3A_459 : memref<320000x128xf32, #tpu.memory_space<hbm>>) dst(%arg9 : memref<64x128xf32, #tpu.memory_space<vmem>>)
              %add3A_460 = arith.constant 1 : i32
              %add3A_461 = arith.addi %add3A_406, %add3A_460 : i32
              %lt3A_462 = arith.cmpi slt, %add3A_461, %select_n3A_280 : i32
              %convert_element_type3A_463 = arith.extui %lt3A_462 : i1 to i32
              %cond3A_464 = arith.constant 0 : i32
              %cond3A_465 = arith.cmpi ne, %convert_element_type3A_463, %cond3A_464 : i32
              scf.if %cond3A_465 {
                %add3A_477 = arith.constant 1 : i32
                %add3A_478 = arith.addi %add3A_406, %add3A_477 : i32
                %mul3A_479 = arith.constant 64 : i32
                %mul3A_480 = arith.muli %add3A_478, %mul3A_479 : i32
                %dma_start3A_481 = tpu.memref_slice %arg7[%mul3A_480] : memref<1600xi32, #tpu.memory_space<vmem>> -> memref<64xi32, #tpu.memory_space<vmem>>
                %dma_start3A_482 = arith.constant 0 : i32
                %dma_start3A_483 = arith.constant 0 : i32
                %dma_start3A_484 = tpu.memref_slice %arg2[%dma_start3A_482, %dma_start3A_483] : memref<320000x128xf32, #tpu.memory_space<hbm>> -> memref<320000x128xf32, #tpu.memory_space<hbm>>
                tpu.enqueue_indirect_dma source(%dma_start3A_484 : memref<320000x128xf32, #tpu.memory_space<hbm>>) target(%arg10 : memref<64x128xf32, #tpu.memory_space<vmem>>) offsets(%dma_start3A_481 : memref<64xi32, #tpu.memory_space<vmem>>) semaphore(%arg16 : memref<!tpu.dma_semaphore, #tpu.memory_space<semaphore_mem>>)
              } else {
              }
              %mul3A_466 = arith.constant 64 : i32
              %mul3A_467 = arith.muli %add3A_406, %mul3A_466 : i32
              %dma_start3A_468 = tpu.memref_slice %arg8[%mul3A_467] : memref<1600xi32, #tpu.memory_space<vmem>> -> memref<64xi32, #tpu.memory_space<vmem>>
              %dma_start3A_469 = arith.constant 0 : i32
              %dma_start3A_470 = arith.constant 0 : i32
              %dma_start3A_471 = tpu.memref_slice %arg12[%dma_start3A_469, %dma_start3A_470] : memref<5248x128xf32, #tpu.memory_space<vmem_shared>> -> memref<5248x128xf32, #tpu.memory_space<vmem_shared>>
              tpu.enqueue_indirect_dma source(%arg9 : memref<64x128xf32, #tpu.memory_space<vmem>>) target(%dma_start3A_471 : memref<5248x128xf32, #tpu.memory_space<vmem_shared>>) offsets(%dma_start3A_468 : memref<64xi32, #tpu.memory_space<vmem>>) semaphore(%arg19 : memref<!tpu.dma_semaphore, #tpu.memory_space<semaphore_mem>>) {add = true}
              %scan3A_472 = arith.constant 0 : i32
              %scan3A_473 = arith.constant 64 : i32
              %scan3A_474 = arith.addi %scan3A_472, %scan3A_473 : i32
              %scan3A_475 = arith.constant 1 : i32
              scf.for %scan3A_477 = %scan3A_472 to %scan3A_474 step %scan3A_475  : i32 {
                %mul3A_478 = arith.constant 1 : i32
                %mul3A_479 = arith.muli %scan3A_477, %mul3A_478 : i32
                %add3A_480 = arith.constant 0 : i32
                %add3A_481 = arith.addi %add3A_480, %mul3A_479 : i32
                %mul3A_482 = arith.constant 64 : i32
                %mul3A_483 = arith.muli %add3A_406, %mul3A_482 : i32
                %add3A_484 = arith.addi %mul3A_483, %add3A_481 : i32
                %get3A_485 = arith.index_cast %add3A_484 : i32 to index
                %get3A_486 = tpu.vector_load %arg8[%get3A_485] {strides = array<i32>} : memref<1600xi32, #tpu.memory_space<vmem>>, vector<16xi32>,
                %slice3A = vector.extract_strided_slice %get3A_486 {offsets = [0], sizes = [1], strides = [1]} : vector<16xi32> to vector<1xi32>
                %squeeze3A = vector.extract %slice3A[0] : i32 from vector<1xi32>
                %sub3A_487 = arith.subi %squeeze3A, %mul3A_4 : i32
                %get3A_488 = arith.index_cast %sub3A_487 : i32 to index
                %get3A_489 = memref.load %arg13[%get3A_488] : memref<328xi32, #tpu.memory_space<smem>>
                %add3A_490 = arith.constant 1 : i32
                %add3A_491 = arith.addi %get3A_489, %add3A_490 : i32
                %swap3A_492 = arith.index_cast %sub3A_487 : i32 to index
                %swap3A_493 = memref.load %arg13[%swap3A_492] : memref<328xi32, #tpu.memory_space<smem>>
                memref.store %add3A_491, %arg13[%swap3A_492] : memref<328xi32, #tpu.memory_space<smem>>
                %scan3A_494 = arith.constant 0 : i32
                %scan3A_495 = arith.constant 8 : i32
                %scan3A_496 = arith.addi %scan3A_494, %scan3A_495 : i32
                %scan3A_497 = arith.constant 1 : i32
                scf.for %scan3A_499 = %scan3A_494 to %scan3A_496 step %scan3A_497  : i32 {
                  %mul3A_500 = arith.constant 16 : i32
                  %mul3A_501 = arith.muli %scan3A_499, %mul3A_500 : i32
                  %add3A_502 = arith.constant 0 : i32
                  %add3A_503 = arith.addi %add3A_502, %mul3A_501 : i32
                  %get3A_504 = arith.index_cast %add3A_481 : i32 to index
                  %get3A_505 = arith.index_cast %add3A_503 : i32 to index
                  %get3A_506 = tpu.vector_load %arg9[%get3A_504, %get3A_505] {strides = array<i32>} : memref<64x128xf32, #tpu.memory_space<vmem>>, vector<16xf32>,
                  %get3A_507 = arith.index_cast %sub3A_487 : i32 to index
                  %get3A_508 = arith.index_cast %add3A_503 : i32 to index
                  %get3A_509 = tpu.vector_load %arg11[%get3A_507, %get3A_508] {strides = array<i32>} : memref<328x128xf32, #tpu.memory_space<vmem>>, vector<16xf32>,
                  %max3A = arith.maximumf %get3A_509, %get3A_506 : vector<16xf32>
                  %swap3A_510 = arith.index_cast %sub3A_487 : i32 to index
                  %swap3A_511 = arith.index_cast %add3A_503 : i32 to index
                  %swap3A_512 = tpu.vector_load %arg11[%swap3A_510, %swap3A_511] {strides = array<i32>} : memref<328x128xf32, #tpu.memory_space<vmem>>, vector<16xf32>,
                  tpu.vector_store %arg11[%swap3A_510, %swap3A_511], %max3A {strides = array<i32>} : memref<328x128xf32, #tpu.memory_space<vmem>>, vector<16xf32>,
                }
                %scan3A_498 = arith.constant 8 : i32
              }
              %scan3A_476 = arith.constant 64 : i32
            } else {
            }
            %jit3A_428 = arith.constant 2 : i32
            %eq3A_429 = arith.constant 0 : i32
            %eq3A_430 = arith.cmpi eq, %jit3A_428, %eq3A_429 : i32
            %jit3A_431 = arith.constant 1 : i32
            %select_n3A_432 = arith.select %eq3A_430, %jit3A_431, %jit3A_428 : i32
            %rem3A_433 = arith.remsi %add3A_406, %select_n3A_432 : i32
            %ne3A_434 = arith.constant 0 : i32
            %ne3A_435 = arith.cmpi ne, %rem3A_433, %ne3A_434 : i32
            %lt3A_436 = arith.constant 0 : i32
            %lt3A_437 = arith.cmpi slt, %rem3A_433, %lt3A_436 : i32
            %lt3A_438 = arith.constant 0 : i32
            %lt3A_439 = arith.cmpi slt, %select_n3A_432, %lt3A_438 : i32
            %ne3A_440 = arith.xori %lt3A_437, %lt3A_439 : i1
            %and3A_441 = arith.andi %ne3A_440, %ne3A_435 : i1
            %add3A_442 = arith.addi %rem3A_433, %select_n3A_432 : i32
            %select_n3A_443 = arith.select %and3A_441, %add3A_442, %rem3A_433 : i32
            %eq3A_444 = arith.constant 1 : i32
            %eq3A_445 = arith.cmpi eq, %select_n3A_443, %eq3A_444 : i32
            %convert_element_type3A_446 = arith.extui %eq3A_445 : i1 to i32
            %cond3A_447 = arith.constant 0 : i32
            %cond3A_448 = arith.cmpi ne, %convert_element_type3A_446, %cond3A_447 : i32
            scf.if %cond3A_448 {
              %ge3A_449 = arith.constant 1 : i32
              %ge3A_450 = arith.cmpi sge, %add3A_406, %ge3A_449 : i32
              %convert_element_type3A_451 = arith.extui %ge3A_450 : i1 to i32
              %cond3A_452 = arith.constant 0 : i32
              %cond3A_453 = arith.cmpi ne, %convert_element_type3A_451, %cond3A_452 : i32
              scf.if %cond3A_453 {
                %sub3A_477 = arith.constant 1 : i32
                %sub3A_478 = arith.subi %add3A_406, %sub3A_477 : i32
                %mul3A_479 = arith.constant 64 : i32
                %mul3A_480 = arith.muli %sub3A_478, %mul3A_479 : i32
                %dma_wait3A_481 = tpu.memref_slice %arg8[%mul3A_480] : memref<1600xi32, #tpu.memory_space<vmem>> -> memref<64xi32, #tpu.memory_space<vmem>>
                %dma_wait3A_482 = arith.constant 0 : i32
                %dma_wait3A_483 = arith.constant 0 : i32
                %dma_wait3A_484 = tpu.memref_slice %arg12[%dma_wait3A_482, %dma_wait3A_483] : memref<5248x128xf32, #tpu.memory_space<vmem_shared>> -> memref<5248x128xf32, #tpu.memory_space<vmem_shared>>
                tpu.wait_indirect_dma semaphore(%arg19 : memref<!tpu.dma_semaphore, #tpu.memory_space<semaphore_mem>>) src(%arg9 : memref<64x128xf32, #tpu.memory_space<vmem>>) dst(%dma_wait3A_484 : memref<5248x128xf32, #tpu.memory_space<vmem_shared>>)
              } else {
              }
              %mul3A_454 = arith.constant 64 : i32
              %mul3A_455 = arith.muli %add3A_406, %mul3A_454 : i32
              %dma_wait3A_456 = tpu.memref_slice %arg7[%mul3A_455] : memref<1600xi32, #tpu.memory_space<vmem>> -> memref<64xi32, #tpu.memory_space<vmem>>
              %dma_wait3A_457 = arith.constant 0 : i32
              %dma_wait3A_458 = arith.constant 0 : i32
              %dma_wait3A_459 = tpu.memref_slice %arg2[%dma_wait3A_457, %dma_wait3A_458] : memref<320000x128xf32, #tpu.memory_space<hbm>> -> memref<320000x128xf32, #tpu.memory_space<hbm>>
              tpu.wait_indirect_dma semaphore(%arg16 : memref<!tpu.dma_semaphore, #tpu.memory_space<semaphore_mem>>) src(%dma_wait3A_459 : memref<320000x128xf32, #tpu.memory_space<hbm>>) dst(%arg10 : memref<64x128xf32, #tpu.memory_space<vmem>>)
              %add3A_460 = arith.constant 1 : i32
              %add3A_461 = arith.addi %add3A_406, %add3A_460 : i32
              %lt3A_462 = arith.cmpi slt, %add3A_461, %select_n3A_280 : i32
              %convert_element_type3A_463 = arith.extui %lt3A_462 : i1 to i32
              %cond3A_464 = arith.constant 0 : i32
              %cond3A_465 = arith.cmpi ne, %convert_element_type3A_463, %cond3A_464 : i32
              scf.if %cond3A_465 {
                %add3A_477 = arith.constant 1 : i32
                %add3A_478 = arith.addi %add3A_406, %add3A_477 : i32
                %mul3A_479 = arith.constant 64 : i32
                %mul3A_480 = arith.muli %add3A_478, %mul3A_479 : i32
                %dma_start3A_481 = tpu.memref_slice %arg7[%mul3A_480] : memref<1600xi32, #tpu.memory_space<vmem>> -> memref<64xi32, #tpu.memory_space<vmem>>
                %dma_start3A_482 = arith.constant 0 : i32
                %dma_start3A_483 = arith.constant 0 : i32
                %dma_start3A_484 = tpu.memref_slice %arg2[%dma_start3A_482, %dma_start3A_483] : memref<320000x128xf32, #tpu.memory_space<hbm>> -> memref<320000x128xf32, #tpu.memory_space<hbm>>
                tpu.enqueue_indirect_dma source(%dma_start3A_484 : memref<320000x128xf32, #tpu.memory_space<hbm>>) target(%arg9 : memref<64x128xf32, #tpu.memory_space<vmem>>) offsets(%dma_start3A_481 : memref<64xi32, #tpu.memory_space<vmem>>) semaphore(%arg15 : memref<!tpu.dma_semaphore, #tpu.memory_space<semaphore_mem>>)
              } else {
              }
              %mul3A_466 = arith.constant 64 : i32
              %mul3A_467 = arith.muli %add3A_406, %mul3A_466 : i32
              %dma_start3A_468 = tpu.memref_slice %arg8[%mul3A_467] : memref<1600xi32, #tpu.memory_space<vmem>> -> memref<64xi32, #tpu.memory_space<vmem>>
              %dma_start3A_469 = arith.constant 0 : i32
              %dma_start3A_470 = arith.constant 0 : i32
              %dma_start3A_471 = tpu.memref_slice %arg12[%dma_start3A_469, %dma_start3A_470] : memref<5248x128xf32, #tpu.memory_space<vmem_shared>> -> memref<5248x128xf32, #tpu.memory_space<vmem_shared>>
              tpu.enqueue_indirect_dma source(%arg10 : memref<64x128xf32, #tpu.memory_space<vmem>>) target(%dma_start3A_471 : memref<5248x128xf32, #tpu.memory_space<vmem_shared>>) offsets(%dma_start3A_468 : memref<64xi32, #tpu.memory_space<vmem>>) semaphore(%arg20 : memref<!tpu.dma_semaphore, #tpu.memory_space<semaphore_mem>>) {add = true}
              %scan3A_472 = arith.constant 0 : i32
              %scan3A_473 = arith.constant 64 : i32
              %scan3A_474 = arith.addi %scan3A_472, %scan3A_473 : i32
              %scan3A_475 = arith.constant 1 : i32
              scf.for %scan3A_477 = %scan3A_472 to %scan3A_474 step %scan3A_475  : i32 {
                %mul3A_478 = arith.constant 1 : i32
                %mul3A_479 = arith.muli %scan3A_477, %mul3A_478 : i32
                %add3A_480 = arith.constant 0 : i32
                %add3A_481 = arith.addi %add3A_480, %mul3A_479 : i32
                %mul3A_482 = arith.constant 64 : i32
                %mul3A_483 = arith.muli %add3A_406, %mul3A_482 : i32
                %add3A_484 = arith.addi %mul3A_483, %add3A_481 : i32
                %get3A_485 = arith.index_cast %add3A_484 : i32 to index
                %get3A_486 = tpu.vector_load %arg8[%get3A_485] {strides = array<i32>} : memref<1600xi32, #tpu.memory_space<vmem>>, vector<16xi32>,
                %slice3A = vector.extract_strided_slice %get3A_486 {offsets = [0], sizes = [1], strides = [1]} : vector<16xi32> to vector<1xi32>
                %squeeze3A = vector.extract %slice3A[0] : i32 from vector<1xi32>
                %sub3A_487 = arith.subi %squeeze3A, %mul3A_4 : i32
                %get3A_488 = arith.index_cast %sub3A_487 : i32 to index
                %get3A_489 = memref.load %arg13[%get3A_488] : memref<328xi32, #tpu.memory_space<smem>>
                %add3A_490 = arith.constant 1 : i32
                %add3A_491 = arith.addi %get3A_489, %add3A_490 : i32
                %swap3A_492 = arith.index_cast %sub3A_487 : i32 to index
                %swap3A_493 = memref.load %arg13[%swap3A_492] : memref<328xi32, #tpu.memory_space<smem>>
                memref.store %add3A_491, %arg13[%swap3A_492] : memref<328xi32, #tpu.memory_space<smem>>
                %scan3A_494 = arith.constant 0 : i32
                %scan3A_495 = arith.constant 8 : i32
                %scan3A_496 = arith.addi %scan3A_494, %scan3A_495 : i32
                %scan3A_497 = arith.constant 1 : i32
                scf.for %scan3A_499 = %scan3A_494 to %scan3A_496 step %scan3A_497  : i32 {
                  %mul3A_500 = arith.constant 16 : i32
                  %mul3A_501 = arith.muli %scan3A_499, %mul3A_500 : i32
                  %add3A_502 = arith.constant 0 : i32
                  %add3A_503 = arith.addi %add3A_502, %mul3A_501 : i32
                  %get3A_504 = arith.index_cast %add3A_481 : i32 to index
                  %get3A_505 = arith.index_cast %add3A_503 : i32 to index
                  %get3A_506 = tpu.vector_load %arg10[%get3A_504, %get3A_505] {strides = array<i32>} : memref<64x128xf32, #tpu.memory_space<vmem>>, vector<16xf32>,
                  %get3A_507 = arith.index_cast %sub3A_487 : i32 to index
                  %get3A_508 = arith.index_cast %add3A_503 : i32 to index
                  %get3A_509 = tpu.vector_load %arg11[%get3A_507, %get3A_508] {strides = array<i32>} : memref<328x128xf32, #tpu.memory_space<vmem>>, vector<16xf32>,
                  %max3A = arith.maximumf %get3A_509, %get3A_506 : vector<16xf32>
                  %swap3A_510 = arith.index_cast %sub3A_487 : i32 to index
                  %swap3A_511 = arith.index_cast %add3A_503 : i32 to index
                  %swap3A_512 = tpu.vector_load %arg11[%swap3A_510, %swap3A_511] {strides = array<i32>} : memref<328x128xf32, #tpu.memory_space<vmem>>, vector<16xf32>,
                  tpu.vector_store %arg11[%swap3A_510, %swap3A_511], %max3A {strides = array<i32>} : memref<328x128xf32, #tpu.memory_space<vmem>>, vector<16xf32>,
                }
                %scan3A_498 = arith.constant 8 : i32
              }
              %scan3A_476 = arith.constant 64 : i32
            } else {
            }
          }
          %while3A_304 = arith.constant 1 : i32
          scf.for %while3A_404 = %while3A_302 to %while3A_298 step %while3A_304  : i32 {
            %mul3A_405 = arith.muli %while3A_404, %while3A_294 : i32
            %add3A_406 = arith.addi %while3A_295, %mul3A_405 : i32
            %jit3A_407 = arith.constant 2 : i32
            %eq3A_408 = arith.constant 0 : i32
            %eq3A_409 = arith.cmpi eq, %jit3A_407, %eq3A_408 : i32
            %jit3A_410 = arith.constant 1 : i32
            %select_n3A_411 = arith.select %eq3A_409, %jit3A_410, %jit3A_407 : i32
            %rem3A_412 = arith.remsi %add3A_406, %select_n3A_411 : i32
            %ne3A_413 = arith.constant 0 : i32
            %ne3A_414 = arith.cmpi ne, %rem3A_412, %ne3A_413 : i32
            %lt3A_415 = arith.constant 0 : i32
            %lt3A_416 = arith.cmpi slt, %rem3A_412, %lt3A_415 : i32
            %lt3A_417 = arith.constant 0 : i32
            %lt3A_418 = arith.cmpi slt, %select_n3A_411, %lt3A_417 : i32
            %ne3A_419 = arith.xori %lt3A_416, %lt3A_418 : i1
            %and3A_420 = arith.andi %ne3A_419, %ne3A_414 : i1
            %add3A_421 = arith.addi %rem3A_412, %select_n3A_411 : i32
            %select_n3A_422 = arith.select %and3A_420, %add3A_421, %rem3A_412 : i32
            %eq3A_423 = arith.constant 0 : i32
            %eq3A_424 = arith.cmpi eq, %select_n3A_422, %eq3A_423 : i32
            %convert_element_type3A_425 = arith.extui %eq3A_424 : i1 to i32
            %cond3A_426 = arith.constant 0 : i32
            %cond3A_427 = arith.cmpi ne, %convert_element_type3A_425, %cond3A_426 : i32
            scf.if %cond3A_427 {
              %ge3A_449 = arith.constant 1 : i32
              %ge3A_450 = arith.cmpi sge, %add3A_406, %ge3A_449 : i32
              %convert_element_type3A_451 = arith.extui %ge3A_450 : i1 to i32
              %cond3A_452 = arith.constant 0 : i32
              %cond3A_453 = arith.cmpi ne, %convert_element_type3A_451, %cond3A_452 : i32
              scf.if %cond3A_453 {
                %sub3A_477 = arith.constant 1 : i32
                %sub3A_478 = arith.subi %add3A_406, %sub3A_477 : i32
                %mul3A_479 = arith.constant 64 : i32
                %mul3A_480 = arith.muli %sub3A_478, %mul3A_479 : i32
                %dma_wait3A_481 = tpu.memref_slice %arg8[%mul3A_480] : memref<1600xi32, #tpu.memory_space<vmem>> -> memref<64xi32, #tpu.memory_space<vmem>>
                %dma_wait3A_482 = arith.constant 0 : i32
                %dma_wait3A_483 = arith.constant 0 : i32
                %dma_wait3A_484 = tpu.memref_slice %arg12[%dma_wait3A_482, %dma_wait3A_483] : memref<5248x128xf32, #tpu.memory_space<vmem_shared>> -> memref<5248x128xf32, #tpu.memory_space<vmem_shared>>
                tpu.wait_indirect_dma semaphore(%arg20 : memref<!tpu.dma_semaphore, #tpu.memory_space<semaphore_mem>>) src(%arg10 : memref<64x128xf32, #tpu.memory_space<vmem>>) dst(%dma_wait3A_484 : memref<5248x128xf32, #tpu.memory_space<vmem_shared>>)
              } else {
              }
              %mul3A_454 = arith.constant 64 : i32
              %mul3A_455 = arith.muli %add3A_406, %mul3A_454 : i32
              %dma_wait3A_456 = tpu.memref_slice %arg7[%mul3A_455] : memref<1600xi32, #tpu.memory_space<vmem>> -> memref<64xi32, #tpu.memory_space<vmem>>
              %dma_wait3A_457 = arith.constant 0 : i32
              %dma_wait3A_458 = arith.constant 0 : i32
              %dma_wait3A_459 = tpu.memref_slice %arg2[%dma_wait3A_457, %dma_wait3A_458] : memref<320000x128xf32, #tpu.memory_space<hbm>> -> memref<320000x128xf32, #tpu.memory_space<hbm>>
              tpu.wait_indirect_dma semaphore(%arg15 : memref<!tpu.dma_semaphore, #tpu.memory_space<semaphore_mem>>) src(%dma_wait3A_459 : memref<320000x128xf32, #tpu.memory_space<hbm>>) dst(%arg9 : memref<64x128xf32, #tpu.memory_space<vmem>>)
              %add3A_460 = arith.constant 1 : i32
              %add3A_461 = arith.addi %add3A_406, %add3A_460 : i32
              %lt3A_462 = arith.cmpi slt, %add3A_461, %select_n3A_280 : i32
              %convert_element_type3A_463 = arith.extui %lt3A_462 : i1 to i32
              %cond3A_464 = arith.constant 0 : i32
              %cond3A_465 = arith.cmpi ne, %convert_element_type3A_463, %cond3A_464 : i32
              scf.if %cond3A_465 {
                %add3A_477 = arith.constant 1 : i32
                %add3A_478 = arith.addi %add3A_406, %add3A_477 : i32
                %mul3A_479 = arith.constant 64 : i32
                %mul3A_480 = arith.muli %add3A_478, %mul3A_479 : i32
                %dma_start3A_481 = tpu.memref_slice %arg7[%mul3A_480] : memref<1600xi32, #tpu.memory_space<vmem>> -> memref<64xi32, #tpu.memory_space<vmem>>
                %dma_start3A_482 = arith.constant 0 : i32
                %dma_start3A_483 = arith.constant 0 : i32
                %dma_start3A_484 = tpu.memref_slice %arg2[%dma_start3A_482, %dma_start3A_483] : memref<320000x128xf32, #tpu.memory_space<hbm>> -> memref<320000x128xf32, #tpu.memory_space<hbm>>
                tpu.enqueue_indirect_dma source(%dma_start3A_484 : memref<320000x128xf32, #tpu.memory_space<hbm>>) target(%arg10 : memref<64x128xf32, #tpu.memory_space<vmem>>) offsets(%dma_start3A_481 : memref<64xi32, #tpu.memory_space<vmem>>) semaphore(%arg16 : memref<!tpu.dma_semaphore, #tpu.memory_space<semaphore_mem>>)
              } else {
              }
              %mul3A_466 = arith.constant 64 : i32
              %mul3A_467 = arith.muli %add3A_406, %mul3A_466 : i32
              %dma_start3A_468 = tpu.memref_slice %arg8[%mul3A_467] : memref<1600xi32, #tpu.memory_space<vmem>> -> memref<64xi32, #tpu.memory_space<vmem>>
              %dma_start3A_469 = arith.constant 0 : i32
              %dma_start3A_470 = arith.constant 0 : i32
              %dma_start3A_471 = tpu.memref_slice %arg12[%dma_start3A_469, %dma_start3A_470] : memref<5248x128xf32, #tpu.memory_space<vmem_shared>> -> memref<5248x128xf32, #tpu.memory_space<vmem_shared>>
              tpu.enqueue_indirect_dma source(%arg9 : memref<64x128xf32, #tpu.memory_space<vmem>>) target(%dma_start3A_471 : memref<5248x128xf32, #tpu.memory_space<vmem_shared>>) offsets(%dma_start3A_468 : memref<64xi32, #tpu.memory_space<vmem>>) semaphore(%arg19 : memref<!tpu.dma_semaphore, #tpu.memory_space<semaphore_mem>>) {add = true}
              %scan3A_472 = arith.constant 0 : i32
              %scan3A_473 = arith.constant 64 : i32
              %scan3A_474 = arith.addi %scan3A_472, %scan3A_473 : i32
              %scan3A_475 = arith.constant 1 : i32
              scf.for %scan3A_477 = %scan3A_472 to %scan3A_474 step %scan3A_475  : i32 {
                %mul3A_478 = arith.constant 1 : i32
                %mul3A_479 = arith.muli %scan3A_477, %mul3A_478 : i32
                %add3A_480 = arith.constant 0 : i32
                %add3A_481 = arith.addi %add3A_480, %mul3A_479 : i32
                %mul3A_482 = arith.constant 64 : i32
                %mul3A_483 = arith.muli %add3A_406, %mul3A_482 : i32
                %add3A_484 = arith.addi %mul3A_483, %add3A_481 : i32
                %get3A_485 = arith.index_cast %add3A_484 : i32 to index
                %get3A_486 = tpu.vector_load %arg8[%get3A_485] {strides = array<i32>} : memref<1600xi32, #tpu.memory_space<vmem>>, vector<16xi32>,
                %slice3A = vector.extract_strided_slice %get3A_486 {offsets = [0], sizes = [1], strides = [1]} : vector<16xi32> to vector<1xi32>
                %squeeze3A = vector.extract %slice3A[0] : i32 from vector<1xi32>
                %sub3A_487 = arith.subi %squeeze3A, %mul3A_4 : i32
                %get3A_488 = arith.index_cast %sub3A_487 : i32 to index
                %get3A_489 = memref.load %arg13[%get3A_488] : memref<328xi32, #tpu.memory_space<smem>>
                %add3A_490 = arith.constant 1 : i32
                %add3A_491 = arith.addi %get3A_489, %add3A_490 : i32
                %swap3A_492 = arith.index_cast %sub3A_487 : i32 to index
                %swap3A_493 = memref.load %arg13[%swap3A_492] : memref<328xi32, #tpu.memory_space<smem>>
                memref.store %add3A_491, %arg13[%swap3A_492] : memref<328xi32, #tpu.memory_space<smem>>
                %scan3A_494 = arith.constant 0 : i32
                %scan3A_495 = arith.constant 8 : i32
                %scan3A_496 = arith.addi %scan3A_494, %scan3A_495 : i32
                %scan3A_497 = arith.constant 1 : i32
                scf.for %scan3A_499 = %scan3A_494 to %scan3A_496 step %scan3A_497  : i32 {
                  %mul3A_500 = arith.constant 16 : i32
                  %mul3A_501 = arith.muli %scan3A_499, %mul3A_500 : i32
                  %add3A_502 = arith.constant 0 : i32
                  %add3A_503 = arith.addi %add3A_502, %mul3A_501 : i32
                  %get3A_504 = arith.index_cast %add3A_481 : i32 to index
                  %get3A_505 = arith.index_cast %add3A_503 : i32 to index
                  %get3A_506 = tpu.vector_load %arg9[%get3A_504, %get3A_505] {strides = array<i32>} : memref<64x128xf32, #tpu.memory_space<vmem>>, vector<16xf32>,
                  %get3A_507 = arith.index_cast %sub3A_487 : i32 to index
                  %get3A_508 = arith.index_cast %add3A_503 : i32 to index
                  %get3A_509 = tpu.vector_load %arg11[%get3A_507, %get3A_508] {strides = array<i32>} : memref<328x128xf32, #tpu.memory_space<vmem>>, vector<16xf32>,
                  %max3A = arith.maximumf %get3A_509, %get3A_506 : vector<16xf32>
                  %swap3A_510 = arith.index_cast %sub3A_487 : i32 to index
                  %swap3A_511 = arith.index_cast %add3A_503 : i32 to index
                  %swap3A_512 = tpu.vector_load %arg11[%swap3A_510, %swap3A_511] {strides = array<i32>} : memref<328x128xf32, #tpu.memory_space<vmem>>, vector<16xf32>,
                  tpu.vector_store %arg11[%swap3A_510, %swap3A_511], %max3A {strides = array<i32>} : memref<328x128xf32, #tpu.memory_space<vmem>>, vector<16xf32>,
                }
                %scan3A_498 = arith.constant 8 : i32
              }
              %scan3A_476 = arith.constant 64 : i32
            } else {
            }
            %jit3A_428 = arith.constant 2 : i32
            %eq3A_429 = arith.constant 0 : i32
            %eq3A_430 = arith.cmpi eq, %jit3A_428, %eq3A_429 : i32
            %jit3A_431 = arith.constant 1 : i32
            %select_n3A_432 = arith.select %eq3A_430, %jit3A_431, %jit3A_428 : i32
            %rem3A_433 = arith.remsi %add3A_406, %select_n3A_432 : i32
            %ne3A_434 = arith.constant 0 : i32
            %ne3A_435 = arith.cmpi ne, %rem3A_433, %ne3A_434 : i32
            %lt3A_436 = arith.constant 0 : i32
            %lt3A_437 = arith.cmpi slt, %rem3A_433, %lt3A_436 : i32
            %lt3A_438 = arith.constant 0 : i32
            %lt3A_439 = arith.cmpi slt, %select_n3A_432, %lt3A_438 : i32
            %ne3A_440 = arith.xori %lt3A_437, %lt3A_439 : i1
            %and3A_441 = arith.andi %ne3A_440, %ne3A_435 : i1
            %add3A_442 = arith.addi %rem3A_433, %select_n3A_432 : i32
            %select_n3A_443 = arith.select %and3A_441, %add3A_442, %rem3A_433 : i32
            %eq3A_444 = arith.constant 1 : i32
            %eq3A_445 = arith.cmpi eq, %select_n3A_443, %eq3A_444 : i32
            %convert_element_type3A_446 = arith.extui %eq3A_445 : i1 to i32
            %cond3A_447 = arith.constant 0 : i32
            %cond3A_448 = arith.cmpi ne, %convert_element_type3A_446, %cond3A_447 : i32
            scf.if %cond3A_448 {
              %ge3A_449 = arith.constant 1 : i32
              %ge3A_450 = arith.cmpi sge, %add3A_406, %ge3A_449 : i32
              %convert_element_type3A_451 = arith.extui %ge3A_450 : i1 to i32
              %cond3A_452 = arith.constant 0 : i32
              %cond3A_453 = arith.cmpi ne, %convert_element_type3A_451, %cond3A_452 : i32
              scf.if %cond3A_453 {
                %sub3A_477 = arith.constant 1 : i32
                %sub3A_478 = arith.subi %add3A_406, %sub3A_477 : i32
                %mul3A_479 = arith.constant 64 : i32
                %mul3A_480 = arith.muli %sub3A_478, %mul3A_479 : i32
                %dma_wait3A_481 = tpu.memref_slice %arg8[%mul3A_480] : memref<1600xi32, #tpu.memory_space<vmem>> -> memref<64xi32, #tpu.memory_space<vmem>>
                %dma_wait3A_482 = arith.constant 0 : i32
                %dma_wait3A_483 = arith.constant 0 : i32
                %dma_wait3A_484 = tpu.memref_slice %arg12[%dma_wait3A_482, %dma_wait3A_483] : memref<5248x128xf32, #tpu.memory_space<vmem_shared>> -> memref<5248x128xf32, #tpu.memory_space<vmem_shared>>
                tpu.wait_indirect_dma semaphore(%arg19 : memref<!tpu.dma_semaphore, #tpu.memory_space<semaphore_mem>>) src(%arg9 : memref<64x128xf32, #tpu.memory_space<vmem>>) dst(%dma_wait3A_484 : memref<5248x128xf32, #tpu.memory_space<vmem_shared>>)
              } else {
              }
              %mul3A_454 = arith.constant 64 : i32
              %mul3A_455 = arith.muli %add3A_406, %mul3A_454 : i32
              %dma_wait3A_456 = tpu.memref_slice %arg7[%mul3A_455] : memref<1600xi32, #tpu.memory_space<vmem>> -> memref<64xi32, #tpu.memory_space<vmem>>
              %dma_wait3A_457 = arith.constant 0 : i32
              %dma_wait3A_458 = arith.constant 0 : i32
              %dma_wait3A_459 = tpu.memref_slice %arg2[%dma_wait3A_457, %dma_wait3A_458] : memref<320000x128xf32, #tpu.memory_space<hbm>> -> memref<320000x128xf32, #tpu.memory_space<hbm>>
              tpu.wait_indirect_dma semaphore(%arg16 : memref<!tpu.dma_semaphore, #tpu.memory_space<semaphore_mem>>) src(%dma_wait3A_459 : memref<320000x128xf32, #tpu.memory_space<hbm>>) dst(%arg10 : memref<64x128xf32, #tpu.memory_space<vmem>>)
              %add3A_460 = arith.constant 1 : i32
              %add3A_461 = arith.addi %add3A_406, %add3A_460 : i32
              %lt3A_462 = arith.cmpi slt, %add3A_461, %select_n3A_280 : i32
              %convert_element_type3A_463 = arith.extui %lt3A_462 : i1 to i32
              %cond3A_464 = arith.constant 0 : i32
              %cond3A_465 = arith.cmpi ne, %convert_element_type3A_463, %cond3A_464 : i32
              scf.if %cond3A_465 {
                %add3A_477 = arith.constant 1 : i32
                %add3A_478 = arith.addi %add3A_406, %add3A_477 : i32
                %mul3A_479 = arith.constant 64 : i32
                %mul3A_480 = arith.muli %add3A_478, %mul3A_479 : i32
                %dma_start3A_481 = tpu.memref_slice %arg7[%mul3A_480] : memref<1600xi32, #tpu.memory_space<vmem>> -> memref<64xi32, #tpu.memory_space<vmem>>
                %dma_start3A_482 = arith.constant 0 : i32
                %dma_start3A_483 = arith.constant 0 : i32
                %dma_start3A_484 = tpu.memref_slice %arg2[%dma_start3A_482, %dma_start3A_483] : memref<320000x128xf32, #tpu.memory_space<hbm>> -> memref<320000x128xf32, #tpu.memory_space<hbm>>
                tpu.enqueue_indirect_dma source(%dma_start3A_484 : memref<320000x128xf32, #tpu.memory_space<hbm>>) target(%arg9 : memref<64x128xf32, #tpu.memory_space<vmem>>) offsets(%dma_start3A_481 : memref<64xi32, #tpu.memory_space<vmem>>) semaphore(%arg15 : memref<!tpu.dma_semaphore, #tpu.memory_space<semaphore_mem>>)
              } else {
              }
              %mul3A_466 = arith.constant 64 : i32
              %mul3A_467 = arith.muli %add3A_406, %mul3A_466 : i32
              %dma_start3A_468 = tpu.memref_slice %arg8[%mul3A_467] : memref<1600xi32, #tpu.memory_space<vmem>> -> memref<64xi32, #tpu.memory_space<vmem>>
              %dma_start3A_469 = arith.constant 0 : i32
              %dma_start3A_470 = arith.constant 0 : i32
              %dma_start3A_471 = tpu.memref_slice %arg12[%dma_start3A_469, %dma_start3A_470] : memref<5248x128xf32, #tpu.memory_space<vmem_shared>> -> memref<5248x128xf32, #tpu.memory_space<vmem_shared>>
              tpu.enqueue_indirect_dma source(%arg10 : memref<64x128xf32, #tpu.memory_space<vmem>>) target(%dma_start3A_471 : memref<5248x128xf32, #tpu.memory_space<vmem_shared>>) offsets(%dma_start3A_468 : memref<64xi32, #tpu.memory_space<vmem>>) semaphore(%arg20 : memref<!tpu.dma_semaphore, #tpu.memory_space<semaphore_mem>>) {add = true}
              %scan3A_472 = arith.constant 0 : i32
              %scan3A_473 = arith.constant 64 : i32
              %scan3A_474 = arith.addi %scan3A_472, %scan3A_473 : i32
              %scan3A_475 = arith.constant 1 : i32
              scf.for %scan3A_477 = %scan3A_472 to %scan3A_474 step %scan3A_475  : i32 {
                %mul3A_478 = arith.constant 1 : i32
                %mul3A_479 = arith.muli %scan3A_477, %mul3A_478 : i32
                %add3A_480 = arith.constant 0 : i32
                %add3A_481 = arith.addi %add3A_480, %mul3A_479 : i32
                %mul3A_482 = arith.constant 64 : i32
                %mul3A_483 = arith.muli %add3A_406, %mul3A_482 : i32
                %add3A_484 = arith.addi %mul3A_483, %add3A_481 : i32
                %get3A_485 = arith.index_cast %add3A_484 : i32 to index
                %get3A_486 = tpu.vector_load %arg8[%get3A_485] {strides = array<i32>} : memref<1600xi32, #tpu.memory_space<vmem>>, vector<16xi32>,
                %slice3A = vector.extract_strided_slice %get3A_486 {offsets = [0], sizes = [1], strides = [1]} : vector<16xi32> to vector<1xi32>
                %squeeze3A = vector.extract %slice3A[0] : i32 from vector<1xi32>
                %sub3A_487 = arith.subi %squeeze3A, %mul3A_4 : i32
                %get3A_488 = arith.index_cast %sub3A_487 : i32 to index
                %get3A_489 = memref.load %arg13[%get3A_488] : memref<328xi32, #tpu.memory_space<smem>>
                %add3A_490 = arith.constant 1 : i32
                %add3A_491 = arith.addi %get3A_489, %add3A_490 : i32
                %swap3A_492 = arith.index_cast %sub3A_487 : i32 to index
                %swap3A_493 = memref.load %arg13[%swap3A_492] : memref<328xi32, #tpu.memory_space<smem>>
                memref.store %add3A_491, %arg13[%swap3A_492] : memref<328xi32, #tpu.memory_space<smem>>
                %scan3A_494 = arith.constant 0 : i32
                %scan3A_495 = arith.constant 8 : i32
                %scan3A_496 = arith.addi %scan3A_494, %scan3A_495 : i32
                %scan3A_497 = arith.constant 1 : i32
                scf.for %scan3A_499 = %scan3A_494 to %scan3A_496 step %scan3A_497  : i32 {
                  %mul3A_500 = arith.constant 16 : i32
                  %mul3A_501 = arith.muli %scan3A_499, %mul3A_500 : i32
                  %add3A_502 = arith.constant 0 : i32
                  %add3A_503 = arith.addi %add3A_502, %mul3A_501 : i32
                  %get3A_504 = arith.index_cast %add3A_481 : i32 to index
                  %get3A_505 = arith.index_cast %add3A_503 : i32 to index
                  %get3A_506 = tpu.vector_load %arg10[%get3A_504, %get3A_505] {strides = array<i32>} : memref<64x128xf32, #tpu.memory_space<vmem>>, vector<16xf32>,
                  %get3A_507 = arith.index_cast %sub3A_487 : i32 to index
                  %get3A_508 = arith.index_cast %add3A_503 : i32 to index
                  %get3A_509 = tpu.vector_load %arg11[%get3A_507, %get3A_508] {strides = array<i32>} : memref<328x128xf32, #tpu.memory_space<vmem>>, vector<16xf32>,
                  %max3A = arith.maximumf %get3A_509, %get3A_506 : vector<16xf32>
                  %swap3A_510 = arith.index_cast %sub3A_487 : i32 to index
                  %swap3A_511 = arith.index_cast %add3A_503 : i32 to index
                  %swap3A_512 = tpu.vector_load %arg11[%swap3A_510, %swap3A_511] {strides = array<i32>} : memref<328x128xf32, #tpu.memory_space<vmem>>, vector<16xf32>,
                  tpu.vector_store %arg11[%swap3A_510, %swap3A_511], %max3A {strides = array<i32>} : memref<328x128xf32, #tpu.memory_space<vmem>>, vector<16xf32>,
                }
                %scan3A_498 = arith.constant 8 : i32
              }
              %scan3A_476 = arith.constant 64 : i32
            } else {
            }
          }
          %jit3A_305 = arith.constant 2 : i32
          %eq3A_306 = arith.constant 0 : i32
          %eq3A_307 = arith.cmpi eq, %jit3A_305, %eq3A_306 : i32
          %jit3A_308 = arith.constant 1 : i32
          %select_n3A_309 = arith.select %eq3A_307, %jit3A_308, %jit3A_305 : i32
          %rem3A_310 = arith.remsi %select_n3A_280, %select_n3A_309 : i32
          %ne3A_311 = arith.constant 0 : i32
          %ne3A_312 = arith.cmpi ne, %rem3A_310, %ne3A_311 : i32
          %lt3A_313 = arith.constant 0 : i32
          %lt3A_314 = arith.cmpi slt, %rem3A_310, %lt3A_313 : i32
          %lt3A_315 = arith.constant 0 : i32
          %lt3A_316 = arith.cmpi slt, %select_n3A_309, %lt3A_315 : i32
          %ne3A_317 = arith.xori %lt3A_314, %lt3A_316 : i1
          %and3A_318 = arith.andi %ne3A_317, %ne3A_312 : i1
          %add3A_319 = arith.addi %rem3A_310, %select_n3A_309 : i32
          %select_n3A_320 = arith.select %and3A_318, %add3A_319, %rem3A_310 : i32
          %eq3A_321 = arith.constant 1 : i32
          %eq3A_322 = arith.cmpi eq, %select_n3A_320, %eq3A_321 : i32
          %convert_element_type3A_323 = arith.extui %eq3A_322 : i1 to i32
          %cond3A_324 = arith.constant 0 : i32
          %cond3A_325 = arith.cmpi ne, %convert_element_type3A_323, %cond3A_324 : i32
          scf.if %cond3A_325 {
            %sub3A_404 = arith.constant 1 : i32
            %sub3A_405 = arith.subi %select_n3A_280, %sub3A_404 : i32
            %mul3A_406 = arith.constant 64 : i32
            %mul3A_407 = arith.muli %sub3A_405, %mul3A_406 : i32
            %dma_wait3A_408 = tpu.memref_slice %arg8[%mul3A_407] : memref<1600xi32, #tpu.memory_space<vmem>> -> memref<64xi32, #tpu.memory_space<vmem>>
            %dma_wait3A_409 = arith.constant 0 : i32
            %dma_wait3A_410 = arith.constant 0 : i32
            %dma_wait3A_411 = tpu.memref_slice %arg12[%dma_wait3A_409, %dma_wait3A_410] : memref<5248x128xf32, #tpu.memory_space<vmem_shared>> -> memref<5248x128xf32, #tpu.memory_space<vmem_shared>>
            tpu.wait_indirect_dma semaphore(%arg19 : memref<!tpu.dma_semaphore, #tpu.memory_space<semaphore_mem>>) src(%arg9 : memref<64x128xf32, #tpu.memory_space<vmem>>) dst(%dma_wait3A_411 : memref<5248x128xf32, #tpu.memory_space<vmem_shared>>)
          } else {
          }
          %gt3A_326 = arith.constant 0 : i32
          %gt3A_327 = arith.cmpi sgt, %select_n3A_280, %gt3A_326 : i32
          %jit3A_328 = arith.constant 2 : i32
          %eq3A_329 = arith.constant 0 : i32
          %eq3A_330 = arith.cmpi eq, %jit3A_328, %eq3A_329 : i32
          %jit3A_331 = arith.constant 1 : i32
          %select_n3A_332 = arith.select %eq3A_330, %jit3A_331, %jit3A_328 : i32
          %rem3A_333 = arith.remsi %select_n3A_280, %select_n3A_332 : i32
          %ne3A_334 = arith.constant 0 : i32
          %ne3A_335 = arith.cmpi ne, %rem3A_333, %ne3A_334 : i32
          %lt3A_336 = arith.constant 0 : i32
          %lt3A_337 = arith.cmpi slt, %rem3A_333, %lt3A_336 : i32
          %lt3A_338 = arith.constant 0 : i32
          %lt3A_339 = arith.cmpi slt, %select_n3A_332, %lt3A_338 : i32
          %ne3A_340 = arith.xori %lt3A_337, %lt3A_339 : i1
          %and3A_341 = arith.andi %ne3A_340, %ne3A_335 : i1
          %add3A_342 = arith.addi %rem3A_333, %select_n3A_332 : i32
          %select_n3A_343 = arith.select %and3A_341, %add3A_342, %rem3A_333 : i32
          %eq3A_344 = arith.constant 0 : i32
          %eq3A_345 = arith.cmpi eq, %select_n3A_343, %eq3A_344 : i32
          %and3A_346 = arith.andi %gt3A_327, %eq3A_345 : i1
          %convert_element_type3A_347 = arith.extui %and3A_346 : i1 to i32
          %cond3A_348 = arith.constant 0 : i32
          %cond3A_349 = arith.cmpi ne, %convert_element_type3A_347, %cond3A_348 : i32
          scf.if %cond3A_349 {
            %sub3A_404 = arith.constant 1 : i32
            %sub3A_405 = arith.subi %select_n3A_280, %sub3A_404 : i32
            %mul3A_406 = arith.constant 64 : i32
            %mul3A_407 = arith.muli %sub3A_405, %mul3A_406 : i32
            %dma_wait3A_408 = tpu.memref_slice %arg8[%mul3A_407] : memref<1600xi32, #tpu.memory_space<vmem>> -> memref<64xi32, #tpu.memory_space<vmem>>
            %dma_wait3A_409 = arith.constant 0 : i32
            %dma_wait3A_410 = arith.constant 0 : i32
            %dma_wait3A_411 = tpu.memref_slice %arg12[%dma_wait3A_409, %dma_wait3A_410] : memref<5248x128xf32, #tpu.memory_space<vmem_shared>> -> memref<5248x128xf32, #tpu.memory_space<vmem_shared>>
            tpu.wait_indirect_dma semaphore(%arg20 : memref<!tpu.dma_semaphore, #tpu.memory_space<semaphore_mem>>) src(%arg10 : memref<64x128xf32, #tpu.memory_space<vmem>>) dst(%dma_wait3A_411 : memref<5248x128xf32, #tpu.memory_space<vmem_shared>>)
          } else {
          }
          %mul3A_350 = arith.constant 64 : i32
          %mul3A_351 = arith.muli %select_n3A_280, %mul3A_350 : i32
          %add3A_352 = arith.constant 0 : i32
          %add3A_353 = arith.addi %mul3A_351, %add3A_352 : i32
          %get3A_354 = arith.index_cast %add3A_353 : i32 to index
          %get3A_355 = tpu.vector_load %arg7[%get3A_354] {strides = array<i32>} : memref<1600xi32, #tpu.memory_space<vmem>>, vector<16xi32>,
          %swap3A_356 = arith.constant 0 : index
          %swap3A_357 = tpu.vector_load %arg7[%swap3A_356] {strides = array<i32>} : memref<1600xi32, #tpu.memory_space<vmem>>, vector<16xi32>,
          tpu.vector_store %arg7[%swap3A_356], %get3A_355 {strides = array<i32>} : memref<1600xi32, #tpu.memory_space<vmem>>, vector<16xi32>,
          %add3A_358 = arith.constant 0 : i32
          %add3A_359 = arith.addi %mul3A_351, %add3A_358 : i32
          %get3A_360 = arith.index_cast %add3A_359 : i32 to index
          %get3A_361 = tpu.vector_load %arg8[%get3A_360] {strides = array<i32>} : memref<1600xi32, #tpu.memory_space<vmem>>, vector<16xi32>,
          %swap3A_362 = arith.constant 0 : index
          %swap3A_363 = tpu.vector_load %arg8[%swap3A_362] {strides = array<i32>} : memref<1600xi32, #tpu.memory_space<vmem>>, vector<16xi32>,
          tpu.vector_store %arg8[%swap3A_362], %get3A_361 {strides = array<i32>} : memref<1600xi32, #tpu.memory_space<vmem>>, vector<16xi32>,
          %add3A_364 = arith.constant 16 : i32
          %add3A_365 = arith.addi %mul3A_351, %add3A_364 : i32
          %get3A_366 = arith.index_cast %add3A_365 : i32 to index
          %get3A_367 = tpu.vector_load %arg7[%get3A_366] {strides = array<i32>} : memref<1600xi32, #tpu.memory_space<vmem>>, vector<16xi32>,
          %swap3A_368 = arith.constant 16 : index
          %swap3A_369 = tpu.vector_load %arg7[%swap3A_368] {strides = array<i32>} : memref<1600xi32, #tpu.memory_space<vmem>>, vector<16xi32>,
          tpu.vector_store %arg7[%swap3A_368], %get3A_367 {strides = array<i32>} : memref<1600xi32, #tpu.memory_space<vmem>>, vector<16xi32>,
          %add3A_370 = arith.constant 16 : i32
          %add3A_371 = arith.addi %mul3A_351, %add3A_370 : i32
          %get3A_372 = arith.index_cast %add3A_371 : i32 to index
          %get3A_373 = tpu.vector_load %arg8[%get3A_372] {strides = array<i32>} : memref<1600xi32, #tpu.memory_space<vmem>>, vector<16xi32>,
          %swap3A_374 = arith.constant 16 : index
          %swap3A_375 = tpu.vector_load %arg8[%swap3A_374] {strides = array<i32>} : memref<1600xi32, #tpu.memory_space<vmem>>, vector<16xi32>,
          tpu.vector_store %arg8[%swap3A_374], %get3A_373 {strides = array<i32>} : memref<1600xi32, #tpu.memory_space<vmem>>, vector<16xi32>,
          %add3A_376 = arith.constant 32 : i32
          %add3A_377 = arith.addi %mul3A_351, %add3A_376 : i32
          %get3A_378 = arith.index_cast %add3A_377 : i32 to index
          %get3A_379 = tpu.vector_load %arg7[%get3A_378] {strides = array<i32>} : memref<1600xi32, #tpu.memory_space<vmem>>, vector<16xi32>,
          %swap3A_380 = arith.constant 32 : index
          %swap3A_381 = tpu.vector_load %arg7[%swap3A_380] {strides = array<i32>} : memref<1600xi32, #tpu.memory_space<vmem>>, vector<16xi32>,
          tpu.vector_store %arg7[%swap3A_380], %get3A_379 {strides = array<i32>} : memref<1600xi32, #tpu.memory_space<vmem>>, vector<16xi32>,
          %add3A_382 = arith.constant 32 : i32
          %add3A_383 = arith.addi %mul3A_351, %add3A_382 : i32
          %get3A_384 = arith.index_cast %add3A_383 : i32 to index
          %get3A_385 = tpu.vector_load %arg8[%get3A_384] {strides = array<i32>} : memref<1600xi32, #tpu.memory_space<vmem>>, vector<16xi32>,
          %swap3A_386 = arith.constant 32 : index
          %swap3A_387 = tpu.vector_load %arg8[%swap3A_386] {strides = array<i32>} : memref<1600xi32, #tpu.memory_space<vmem>>, vector<16xi32>,
          tpu.vector_store %arg8[%swap3A_386], %get3A_385 {strides = array<i32>} : memref<1600xi32, #tpu.memory_space<vmem>>, vector<16xi32>,
          %add3A_388 = arith.constant 48 : i32
          %add3A_389 = arith.addi %mul3A_351, %add3A_388 : i32
          %get3A_390 = arith.index_cast %add3A_389 : i32 to index
          %get3A_391 = tpu.vector_load %arg7[%get3A_390] {strides = array<i32>} : memref<1600xi32, #tpu.memory_space<vmem>>, vector<16xi32>,
          %swap3A_392 = arith.constant 48 : index
          %swap3A_393 = tpu.vector_load %arg7[%swap3A_392] {strides = array<i32>} : memref<1600xi32, #tpu.memory_space<vmem>>, vector<16xi32>,
          tpu.vector_store %arg7[%swap3A_392], %get3A_391 {strides = array<i32>} : memref<1600xi32, #tpu.memory_space<vmem>>, vector<16xi32>,
          %add3A_394 = arith.constant 48 : i32
          %add3A_395 = arith.addi %mul3A_351, %add3A_394 : i32
          %get3A_396 = arith.index_cast %add3A_395 : i32 to index
          %get3A_397 = tpu.vector_load %arg8[%get3A_396] {strides = array<i32>} : memref<1600xi32, #tpu.memory_space<vmem>>, vector<16xi32>,
          %swap3A_398 = arith.constant 48 : index
          %swap3A_399 = tpu.vector_load %arg8[%swap3A_398] {strides = array<i32>} : memref<1600xi32, #tpu.memory_space<vmem>>, vector<16xi32>,
          tpu.vector_store %arg8[%swap3A_398], %get3A_397 {strides = array<i32>} : memref<1600xi32, #tpu.memory_space<vmem>>, vector<16xi32>,
          %sub3A_400 = arith.subi %get3A_256, %mul3A_351 : i32
          %swap3A_401 = arith.constant 0 : i32
          %swap3A_402 = arith.index_cast %swap3A_401 : i32 to index
          %swap3A_403 = memref.load %arg14[%swap3A_402] : memref<1xi32, #tpu.memory_space<smem>>
          memref.store %sub3A_400, %arg14[%swap3A_402] : memref<1xi32, #tpu.memory_space<smem>>
        } else {
        }
      } else {
      }
      %jit3A_211 = arith.constant 2 : i32
      %eq3A_212 = arith.constant 0 : i32
      %eq3A_213 = arith.cmpi eq, %jit3A_211, %eq3A_212 : i32
      %jit3A_214 = arith.constant 1 : i32
      %select_n3A_215 = arith.select %eq3A_213, %jit3A_214, %jit3A_211 : i32
      %rem3A_216 = arith.remsi %add3A_189, %select_n3A_215 : i32
      %ne3A_217 = arith.constant 0 : i32
      %ne3A_218 = arith.cmpi ne, %rem3A_216, %ne3A_217 : i32
      %lt3A_219 = arith.constant 0 : i32
      %lt3A_220 = arith.cmpi slt, %rem3A_216, %lt3A_219 : i32
      %lt3A_221 = arith.constant 0 : i32
      %lt3A_222 = arith.cmpi slt, %select_n3A_215, %lt3A_221 : i32
      %ne3A_223 = arith.xori %lt3A_220, %lt3A_222 : i1
      %and3A_224 = arith.andi %ne3A_223, %ne3A_218 : i1
      %add3A_225 = arith.addi %rem3A_216, %select_n3A_215 : i32
      %select_n3A_226 = arith.select %and3A_224, %add3A_225, %rem3A_216 : i32
      %eq3A_227 = arith.constant 1 : i32
      %eq3A_228 = arith.cmpi eq, %select_n3A_226, %eq3A_227 : i32
      %convert_element_type3A_229 = arith.extui %eq3A_228 : i1 to i32
      %cond3A_230 = arith.constant 0 : i32
      %cond3A_231 = arith.cmpi ne, %convert_element_type3A_229, %cond3A_230 : i32
      scf.if %cond3A_231 {
        %mul3A_232 = arith.constant 1280 : i32
        %mul3A_233 = arith.muli %add3A_189, %mul3A_232 : i32
        %dma_wait3A = tpu.memref_slice %arg3[%mul3A_233] : memref<320000xi32, #tpu.memory_space<hbm>> -> memref<1280xi32, #tpu.memory_space<hbm>>
        %dma_wait3A_234 = tpu.memref_slice %arg3[%mul3A_233] : memref<320000xi32, #tpu.memory_space<hbm>> -> memref<1280xi32, #tpu.memory_space<hbm>>
        tpu.wait_dma2 semaphore(%arg18 : memref<!tpu.dma_semaphore, #tpu.memory_space<semaphore_mem>>) src(%dma_wait3A_234 : memref<1280xi32, #tpu.memory_space<hbm>>) dst(%arg6 : memref<1280xi32, #tpu.memory_space<vmem>>)
        %add3A_235 = arith.constant 1 : i32
        %add3A_236 = arith.addi %add3A_189, %add3A_235 : i32
        %lt3A_237 = arith.constant 250 : i32
        %lt3A_238 = arith.cmpi slt, %add3A_236, %lt3A_237 : i32
        %convert_element_type3A_239 = arith.extui %lt3A_238 : i1 to i32
        %cond3A_240 = arith.constant 0 : i32
        %cond3A_241 = arith.cmpi ne, %convert_element_type3A_239, %cond3A_240 : i32
        scf.if %cond3A_241 {
          %add3A_254 = arith.constant 1 : i32
          %add3A_255 = arith.addi %add3A_189, %add3A_254 : i32
          %mul3A_256 = arith.constant 1280 : i32
          %mul3A_257 = arith.muli %add3A_255, %mul3A_256 : i32
          %dma_start3A_258 = tpu.memref_slice %arg3[%mul3A_257] : memref<320000xi32, #tpu.memory_space<hbm>> -> memref<1280xi32, #tpu.memory_space<hbm>>
          %dma_start3A_259 = tpu.memref_slice %arg3[%mul3A_257] : memref<320000xi32, #tpu.memory_space<hbm>> -> memref<1280xi32, #tpu.memory_space<hbm>>
          tpu.enqueue_dma source(%dma_start3A_259 : memref<1280xi32, #tpu.memory_space<hbm>>) target(%arg5 : memref<1280xi32, #tpu.memory_space<vmem>>) target_semaphore(%arg17 : memref<!tpu.dma_semaphore, #tpu.memory_space<semaphore_mem>>)
        } else {
        }
        %scan3A_242 = arith.constant 0 : i32
        %scan3A_243 = arith.constant 80 : i32
        %scan3A_244 = arith.addi %scan3A_242, %scan3A_243 : i32
        %scan3A_245 = arith.constant 1 : i32
        scf.for %scan3A_254 = %scan3A_242 to %scan3A_244 step %scan3A_245  : i32 {
          %mul3A_255 = arith.constant 1 : i32
          %mul3A_256 = arith.muli %scan3A_254, %mul3A_255 : i32
          %add3A_257 = arith.constant 0 : i32
          %add3A_258 = arith.addi %add3A_257, %mul3A_256 : i32
          %mul3A_259 = arith.constant 16 : i32
          %mul3A_260 = arith.muli %add3A_258, %mul3A_259 : i32
          %get3A_261 = arith.index_cast %mul3A_260 : i32 to index
          %get3A_262 = tpu.vector_load %arg6[%get3A_261] {strides = array<i32>} : memref<1280xi32, #tpu.memory_space<vmem>>, vector<16xi32>,
          %ge3A_263 = vector.broadcast %mul3A_2 : i32 to vector<16xi32>
          %ge3A_264 = arith.cmpi sge, %get3A_262, %ge3A_263 : vector<16xi32>
          %add3A_265 = arith.constant 320 : i32
          %add3A_266 = arith.addi %mul3A_2, %add3A_265 : i32
          %lt3A_267 = vector.broadcast %add3A_266 : i32 to vector<16xi32>
          %lt3A_268 = arith.cmpi slt, %get3A_262, %lt3A_267 : vector<16xi32>
          %and3A_269 = arith.andi %ge3A_264, %lt3A_268 : vector<16xi1>
          %mul3A_270 = arith.constant 1280 : i32
          %mul3A_271 = arith.muli %add3A_189, %mul3A_270 : i32
          %mul3A_272 = arith.constant 16 : i32
          %mul3A_273 = arith.muli %add3A_258, %mul3A_272 : i32
          %add3A_274 = arith.addi %mul3A_271, %mul3A_273 : i32
          %add3A_275 = vector.broadcast %add3A_274 : i32 to vector<16xi32>
          %add3A_276 = arith.addi %add3A_275, %iota3A : vector<16xi32>
          %get3A_277 = arith.constant 0 : i32
          %get3A_278 = arith.index_cast %get3A_277 : i32 to index
          %get3A_279 = memref.load %arg14[%get3A_278] : memref<1xi32, #tpu.memory_space<smem>>
          %swap3A_280 = arith.index_cast %get3A_279 : i32 to index
          %swap3A_281 = tpu.vector_load %arg7[%swap3A_280] masked %and3A_269 {strides = array<i32>} : memref<1600xi32, #tpu.memory_space<vmem>>, vector<16xi32>, vector<16xi1>
          tpu.vector_store %arg7[%swap3A_280], %add3A_276 masked %and3A_269 {strides = array<i32>} : memref<1600xi32, #tpu.memory_space<vmem>>, vector<16xi32>, vector<16xi1>
          %sub3A_282 = arith.subi %mul3A_4, %mul3A_2 : i32
          %add3A_283 = vector.broadcast %sub3A_282 : i32 to vector<16xi32>
          %add3A_284 = arith.addi %get3A_262, %add3A_283 : vector<16xi32>
          %swap3A_285 = arith.index_cast %get3A_279 : i32 to index
          %swap3A_286 = tpu.vector_load %arg8[%swap3A_285] masked %and3A_269 {strides = array<i32>} : memref<1600xi32, #tpu.memory_space<vmem>>, vector<16xi32>, vector<16xi1>
          tpu.vector_store %arg8[%swap3A_285], %add3A_284 masked %and3A_269 {strides = array<i32>} : memref<1600xi32, #tpu.memory_space<vmem>>, vector<16xi32>, vector<16xi1>
          %convert_element_type3A_287 = arith.extui %and3A_269 : vector<16xi1> to vector<16xi32>
          %reduce_sum3A = arith.constant true
          %reduce_sum3A_288 = vector.broadcast %reduce_sum3A : i1 to vector<16xi1>
          %reduce_sum3A_289 = tpu.scan <sum>, %convert_element_type3A_287 masked %reduce_sum3A_288 : vector<16xi32>, vector<16xi1> -> vector<16xi32>
          %reduce_sum3A_290 = vector.extract %reduce_sum3A_289[15] : i32 from vector<16xi32>
          %add3A_291 = arith.addi %get3A_279, %reduce_sum3A_290 : i32
          %swap3A_292 = arith.constant 0 : i32
          %swap3A_293 = arith.index_cast %swap3A_292 : i32 to index
          %swap3A_294 = memref.load %arg14[%swap3A_293] : memref<1xi32, #tpu.memory_space<smem>>
          memref.store %add3A_291, %arg14[%swap3A_293] : memref<1xi32, #tpu.memory_space<smem>>
        }
        %scan3A_246 = arith.constant 80 : i32
        %get3A_247 = arith.constant 0 : i32
        %get3A_248 = arith.index_cast %get3A_247 : i32 to index
        %get3A_249 = memref.load %arg14[%get3A_248] : memref<1xi32, #tpu.memory_space<smem>>
        %ge3A = arith.constant 256 : i32
        %ge3A_250 = arith.cmpi sge, %get3A_249, %ge3A : i32
        %convert_element_type3A_251 = arith.extui %ge3A_250 : i1 to i32
        %cond3A_252 = arith.constant 0 : i32
        %cond3A_253 = arith.cmpi ne, %convert_element_type3A_251, %cond3A_252 : i32
        scf.if %cond3A_253 {
          %get3A_254 = arith.constant 0 : i32
          %get3A_255 = arith.index_cast %get3A_254 : i32 to index
          %get3A_256 = memref.load %arg14[%get3A_255] : memref<1xi32, #tpu.memory_space<smem>>
          %jit3A_257 = arith.constant 64 : i32
          %div3A_258 = arith.divsi %get3A_256, %jit3A_257 : i32
          %sign3A_259 = arith.constant 0 : i32
          %sign3A_260 = arith.cmpi sgt, %get3A_256, %sign3A_259 : i32
          %sign3A_261 = arith.extui %sign3A_260 : i1 to i32
          %sign3A_262 = arith.constant 0 : i32
          %sign3A_263 = arith.cmpi slt, %get3A_256, %sign3A_262 : i32
          %sign3A_264 = arith.extui %sign3A_263 : i1 to i32
          %sign3A_265 = arith.subi %sign3A_261, %sign3A_264 : i32
          %sign3A_266 = arith.constant 0 : i32
          %sign3A_267 = arith.cmpi sgt, %jit3A_257, %sign3A_266 : i32
          %sign3A_268 = arith.extui %sign3A_267 : i1 to i32
          %sign3A_269 = arith.constant 0 : i32
          %sign3A_270 = arith.cmpi slt, %jit3A_257, %sign3A_269 : i32
          %sign3A_271 = arith.extui %sign3A_270 : i1 to i32
          %sign3A_272 = arith.subi %sign3A_268, %sign3A_271 : i32
          %ne3A_273 = arith.cmpi ne, %sign3A_265, %sign3A_272 : i32
          %rem3A_274 = arith.remsi %get3A_256, %jit3A_257 : i32
          %ne3A_275 = arith.constant 0 : i32
          %ne3A_276 = arith.cmpi ne, %rem3A_274, %ne3A_275 : i32
          %and3A_277 = arith.andi %ne3A_273, %ne3A_276 : i1
          %sub3A_278 = arith.constant 1 : i32
          %sub3A_279 = arith.subi %div3A_258, %sub3A_278 : i32
          %select_n3A_280 = arith.select %and3A_277, %sub3A_279, %div3A_258 : i32
          %gt3A_281 = arith.constant 0 : i32
          %gt3A_282 = arith.cmpi sgt, %select_n3A_280, %gt3A_281 : i32
          %convert_element_type3A_283 = arith.extui %gt3A_282 : i1 to i32
          %cond3A_284 = arith.constant 0 : i32
          %cond3A_285 = arith.cmpi ne, %convert_element_type3A_283, %cond3A_284 : i32
          scf.if %cond3A_285 {
            %dma_start3A_404 = arith.constant 0 : i32
            %dma_start3A_405 = tpu.memref_slice %arg7[%dma_start3A_404] : memref<1600xi32, #tpu.memory_space<vmem>> -> memref<64xi32, #tpu.memory_space<vmem>>
            %dma_start3A_406 = arith.constant 0 : i32
            %dma_start3A_407 = arith.constant 0 : i32
            %dma_start3A_408 = tpu.memref_slice %arg2[%dma_start3A_406, %dma_start3A_407] : memref<320000x128xf32, #tpu.memory_space<hbm>> -> memref<320000x128xf32, #tpu.memory_space<hbm>>
            tpu.enqueue_indirect_dma source(%dma_start3A_408 : memref<320000x128xf32, #tpu.memory_space<hbm>>) target(%arg9 : memref<64x128xf32, #tpu.memory_space<vmem>>) offsets(%dma_start3A_405 : memref<64xi32, #tpu.memory_space<vmem>>) semaphore(%arg15 : memref<!tpu.dma_semaphore, #tpu.memory_space<semaphore_mem>>)
          } else {
          }
          %sub3A_286 = arith.constant 0 : i32
          %sub3A_287 = arith.subi %select_n3A_280, %sub3A_286 : i32
          %sub3A_288 = arith.constant 1 : i32
          %sub3A_289 = arith.constant 1 : i32
          %sub3A_290 = arith.subi %sub3A_288, %sub3A_289 : i32
          %add3A_291 = arith.addi %sub3A_287, %sub3A_290 : i32
          %div3A_292 = arith.constant 1 : i32
          %div3A_293 = arith.divsi %add3A_291, %div3A_292 : i32
          %while3A_294 = arith.constant 1 : i32
          %while3A_295 = arith.constant 0 : i32
          %while3A_296 = arith.constant 0 : i32
          %while3A_297 = arith.subi %div3A_293, %while3A_296 : i32
          %while3A_298 = arith.addi %while3A_296, %while3A_297 : i32
          %while3A_299 = arith.constant 1 : i32
          %while3A_300 = arith.divsi %while3A_297, %while3A_299 : i32
          %while3A_301 = arith.muli %while3A_300, %while3A_299 : i32
          %while3A_302 = arith.addi %while3A_296, %while3A_301 : i32
          %while3A_303 = arith.constant 1 : i32
          scf.for %while3A_404 = %while3A_296 to %while3A_302 step %while3A_303  : i32 {
            %mul3A_405 = arith.muli %while3A_404, %while3A_294 : i32
            %add3A_406 = arith.addi %while3A_295, %mul3A_405 : i32
            %jit3A_407 = arith.constant 2 : i32
            %eq3A_408 = arith.constant 0 : i32
            %eq3A_409 = arith.cmpi eq, %jit3A_407, %eq3A_408 : i32
            %jit3A_410 = arith.constant 1 : i32
            %select_n3A_411 = arith.select %eq3A_409, %jit3A_410, %jit3A_407 : i32
            %rem3A_412 = arith.remsi %add3A_406, %select_n3A_411 : i32
            %ne3A_413 = arith.constant 0 : i32
            %ne3A_414 = arith.cmpi ne, %rem3A_412, %ne3A_413 : i32
            %lt3A_415 = arith.constant 0 : i32
            %lt3A_416 = arith.cmpi slt, %rem3A_412, %lt3A_415 : i32
            %lt3A_417 = arith.constant 0 : i32
            %lt3A_418 = arith.cmpi slt, %select_n3A_411, %lt3A_417 : i32
            %ne3A_419 = arith.xori %lt3A_416, %lt3A_418 : i1
            %and3A_420 = arith.andi %ne3A_419, %ne3A_414 : i1
            %add3A_421 = arith.addi %rem3A_412, %select_n3A_411 : i32
            %select_n3A_422 = arith.select %and3A_420, %add3A_421, %rem3A_412 : i32
            %eq3A_423 = arith.constant 0 : i32
            %eq3A_424 = arith.cmpi eq, %select_n3A_422, %eq3A_423 : i32
            %convert_element_type3A_425 = arith.extui %eq3A_424 : i1 to i32
            %cond3A_426 = arith.constant 0 : i32
            %cond3A_427 = arith.cmpi ne, %convert_element_type3A_425, %cond3A_426 : i32
            scf.if %cond3A_427 {
              %ge3A_449 = arith.constant 1 : i32
              %ge3A_450 = arith.cmpi sge, %add3A_406, %ge3A_449 : i32
              %convert_element_type3A_451 = arith.extui %ge3A_450 : i1 to i32
              %cond3A_452 = arith.constant 0 : i32
              %cond3A_453 = arith.cmpi ne, %convert_element_type3A_451, %cond3A_452 : i32
              scf.if %cond3A_453 {
                %sub3A_477 = arith.constant 1 : i32
                %sub3A_478 = arith.subi %add3A_406, %sub3A_477 : i32
                %mul3A_479 = arith.constant 64 : i32
                %mul3A_480 = arith.muli %sub3A_478, %mul3A_479 : i32
                %dma_wait3A_481 = tpu.memref_slice %arg8[%mul3A_480] : memref<1600xi32, #tpu.memory_space<vmem>> -> memref<64xi32, #tpu.memory_space<vmem>>
                %dma_wait3A_482 = arith.constant 0 : i32
                %dma_wait3A_483 = arith.constant 0 : i32
                %dma_wait3A_484 = tpu.memref_slice %arg12[%dma_wait3A_482, %dma_wait3A_483] : memref<5248x128xf32, #tpu.memory_space<vmem_shared>> -> memref<5248x128xf32, #tpu.memory_space<vmem_shared>>
                tpu.wait_indirect_dma semaphore(%arg20 : memref<!tpu.dma_semaphore, #tpu.memory_space<semaphore_mem>>) src(%arg10 : memref<64x128xf32, #tpu.memory_space<vmem>>) dst(%dma_wait3A_484 : memref<5248x128xf32, #tpu.memory_space<vmem_shared>>)
              } else {
              }
              %mul3A_454 = arith.constant 64 : i32
              %mul3A_455 = arith.muli %add3A_406, %mul3A_454 : i32
              %dma_wait3A_456 = tpu.memref_slice %arg7[%mul3A_455] : memref<1600xi32, #tpu.memory_space<vmem>> -> memref<64xi32, #tpu.memory_space<vmem>>
              %dma_wait3A_457 = arith.constant 0 : i32
              %dma_wait3A_458 = arith.constant 0 : i32
              %dma_wait3A_459 = tpu.memref_slice %arg2[%dma_wait3A_457, %dma_wait3A_458] : memref<320000x128xf32, #tpu.memory_space<hbm>> -> memref<320000x128xf32, #tpu.memory_space<hbm>>
              tpu.wait_indirect_dma semaphore(%arg15 : memref<!tpu.dma_semaphore, #tpu.memory_space<semaphore_mem>>) src(%dma_wait3A_459 : memref<320000x128xf32, #tpu.memory_space<hbm>>) dst(%arg9 : memref<64x128xf32, #tpu.memory_space<vmem>>)
              %add3A_460 = arith.constant 1 : i32
              %add3A_461 = arith.addi %add3A_406, %add3A_460 : i32
              %lt3A_462 = arith.cmpi slt, %add3A_461, %select_n3A_280 : i32
              %convert_element_type3A_463 = arith.extui %lt3A_462 : i1 to i32
              %cond3A_464 = arith.constant 0 : i32
              %cond3A_465 = arith.cmpi ne, %convert_element_type3A_463, %cond3A_464 : i32
              scf.if %cond3A_465 {
                %add3A_477 = arith.constant 1 : i32
                %add3A_478 = arith.addi %add3A_406, %add3A_477 : i32
                %mul3A_479 = arith.constant 64 : i32
                %mul3A_480 = arith.muli %add3A_478, %mul3A_479 : i32
                %dma_start3A_481 = tpu.memref_slice %arg7[%mul3A_480] : memref<1600xi32, #tpu.memory_space<vmem>> -> memref<64xi32, #tpu.memory_space<vmem>>
                %dma_start3A_482 = arith.constant 0 : i32
                %dma_start3A_483 = arith.constant 0 : i32
                %dma_start3A_484 = tpu.memref_slice %arg2[%dma_start3A_482, %dma_start3A_483] : memref<320000x128xf32, #tpu.memory_space<hbm>> -> memref<320000x128xf32, #tpu.memory_space<hbm>>
                tpu.enqueue_indirect_dma source(%dma_start3A_484 : memref<320000x128xf32, #tpu.memory_space<hbm>>) target(%arg10 : memref<64x128xf32, #tpu.memory_space<vmem>>) offsets(%dma_start3A_481 : memref<64xi32, #tpu.memory_space<vmem>>) semaphore(%arg16 : memref<!tpu.dma_semaphore, #tpu.memory_space<semaphore_mem>>)
              } else {
              }
              %mul3A_466 = arith.constant 64 : i32
              %mul3A_467 = arith.muli %add3A_406, %mul3A_466 : i32
              %dma_start3A_468 = tpu.memref_slice %arg8[%mul3A_467] : memref<1600xi32, #tpu.memory_space<vmem>> -> memref<64xi32, #tpu.memory_space<vmem>>
              %dma_start3A_469 = arith.constant 0 : i32
              %dma_start3A_470 = arith.constant 0 : i32
              %dma_start3A_471 = tpu.memref_slice %arg12[%dma_start3A_469, %dma_start3A_470] : memref<5248x128xf32, #tpu.memory_space<vmem_shared>> -> memref<5248x128xf32, #tpu.memory_space<vmem_shared>>
              tpu.enqueue_indirect_dma source(%arg9 : memref<64x128xf32, #tpu.memory_space<vmem>>) target(%dma_start3A_471 : memref<5248x128xf32, #tpu.memory_space<vmem_shared>>) offsets(%dma_start3A_468 : memref<64xi32, #tpu.memory_space<vmem>>) semaphore(%arg19 : memref<!tpu.dma_semaphore, #tpu.memory_space<semaphore_mem>>) {add = true}
              %scan3A_472 = arith.constant 0 : i32
              %scan3A_473 = arith.constant 64 : i32
              %scan3A_474 = arith.addi %scan3A_472, %scan3A_473 : i32
              %scan3A_475 = arith.constant 1 : i32
              scf.for %scan3A_477 = %scan3A_472 to %scan3A_474 step %scan3A_475  : i32 {
                %mul3A_478 = arith.constant 1 : i32
                %mul3A_479 = arith.muli %scan3A_477, %mul3A_478 : i32
                %add3A_480 = arith.constant 0 : i32
                %add3A_481 = arith.addi %add3A_480, %mul3A_479 : i32
                %mul3A_482 = arith.constant 64 : i32
                %mul3A_483 = arith.muli %add3A_406, %mul3A_482 : i32
                %add3A_484 = arith.addi %mul3A_483, %add3A_481 : i32
                %get3A_485 = arith.index_cast %add3A_484 : i32 to index
                %get3A_486 = tpu.vector_load %arg8[%get3A_485] {strides = array<i32>} : memref<1600xi32, #tpu.memory_space<vmem>>, vector<16xi32>,
                %slice3A = vector.extract_strided_slice %get3A_486 {offsets = [0], sizes = [1], strides = [1]} : vector<16xi32> to vector<1xi32>
                %squeeze3A = vector.extract %slice3A[0] : i32 from vector<1xi32>
                %sub3A_487 = arith.subi %squeeze3A, %mul3A_4 : i32
                %get3A_488 = arith.index_cast %sub3A_487 : i32 to index
                %get3A_489 = memref.load %arg13[%get3A_488] : memref<328xi32, #tpu.memory_space<smem>>
                %add3A_490 = arith.constant 1 : i32
                %add3A_491 = arith.addi %get3A_489, %add3A_490 : i32
                %swap3A_492 = arith.index_cast %sub3A_487 : i32 to index
                %swap3A_493 = memref.load %arg13[%swap3A_492] : memref<328xi32, #tpu.memory_space<smem>>
                memref.store %add3A_491, %arg13[%swap3A_492] : memref<328xi32, #tpu.memory_space<smem>>
                %scan3A_494 = arith.constant 0 : i32
                %scan3A_495 = arith.constant 8 : i32
                %scan3A_496 = arith.addi %scan3A_494, %scan3A_495 : i32
                %scan3A_497 = arith.constant 1 : i32
                scf.for %scan3A_499 = %scan3A_494 to %scan3A_496 step %scan3A_497  : i32 {
                  %mul3A_500 = arith.constant 16 : i32
                  %mul3A_501 = arith.muli %scan3A_499, %mul3A_500 : i32
                  %add3A_502 = arith.constant 0 : i32
                  %add3A_503 = arith.addi %add3A_502, %mul3A_501 : i32
                  %get3A_504 = arith.index_cast %add3A_481 : i32 to index
                  %get3A_505 = arith.index_cast %add3A_503 : i32 to index
                  %get3A_506 = tpu.vector_load %arg9[%get3A_504, %get3A_505] {strides = array<i32>} : memref<64x128xf32, #tpu.memory_space<vmem>>, vector<16xf32>,
                  %get3A_507 = arith.index_cast %sub3A_487 : i32 to index
                  %get3A_508 = arith.index_cast %add3A_503 : i32 to index
                  %get3A_509 = tpu.vector_load %arg11[%get3A_507, %get3A_508] {strides = array<i32>} : memref<328x128xf32, #tpu.memory_space<vmem>>, vector<16xf32>,
                  %max3A = arith.maximumf %get3A_509, %get3A_506 : vector<16xf32>
                  %swap3A_510 = arith.index_cast %sub3A_487 : i32 to index
                  %swap3A_511 = arith.index_cast %add3A_503 : i32 to index
                  %swap3A_512 = tpu.vector_load %arg11[%swap3A_510, %swap3A_511] {strides = array<i32>} : memref<328x128xf32, #tpu.memory_space<vmem>>, vector<16xf32>,
                  tpu.vector_store %arg11[%swap3A_510, %swap3A_511], %max3A {strides = array<i32>} : memref<328x128xf32, #tpu.memory_space<vmem>>, vector<16xf32>,
                }
                %scan3A_498 = arith.constant 8 : i32
              }
              %scan3A_476 = arith.constant 64 : i32
            } else {
            }
            %jit3A_428 = arith.constant 2 : i32
            %eq3A_429 = arith.constant 0 : i32
            %eq3A_430 = arith.cmpi eq, %jit3A_428, %eq3A_429 : i32
            %jit3A_431 = arith.constant 1 : i32
            %select_n3A_432 = arith.select %eq3A_430, %jit3A_431, %jit3A_428 : i32
            %rem3A_433 = arith.remsi %add3A_406, %select_n3A_432 : i32
            %ne3A_434 = arith.constant 0 : i32
            %ne3A_435 = arith.cmpi ne, %rem3A_433, %ne3A_434 : i32
            %lt3A_436 = arith.constant 0 : i32
            %lt3A_437 = arith.cmpi slt, %rem3A_433, %lt3A_436 : i32
            %lt3A_438 = arith.constant 0 : i32
            %lt3A_439 = arith.cmpi slt, %select_n3A_432, %lt3A_438 : i32
            %ne3A_440 = arith.xori %lt3A_437, %lt3A_439 : i1
            %and3A_441 = arith.andi %ne3A_440, %ne3A_435 : i1
            %add3A_442 = arith.addi %rem3A_433, %select_n3A_432 : i32
            %select_n3A_443 = arith.select %and3A_441, %add3A_442, %rem3A_433 : i32
            %eq3A_444 = arith.constant 1 : i32
            %eq3A_445 = arith.cmpi eq, %select_n3A_443, %eq3A_444 : i32
            %convert_element_type3A_446 = arith.extui %eq3A_445 : i1 to i32
            %cond3A_447 = arith.constant 0 : i32
            %cond3A_448 = arith.cmpi ne, %convert_element_type3A_446, %cond3A_447 : i32
            scf.if %cond3A_448 {
              %ge3A_449 = arith.constant 1 : i32
              %ge3A_450 = arith.cmpi sge, %add3A_406, %ge3A_449 : i32
              %convert_element_type3A_451 = arith.extui %ge3A_450 : i1 to i32
              %cond3A_452 = arith.constant 0 : i32
              %cond3A_453 = arith.cmpi ne, %convert_element_type3A_451, %cond3A_452 : i32
              scf.if %cond3A_453 {
                %sub3A_477 = arith.constant 1 : i32
                %sub3A_478 = arith.subi %add3A_406, %sub3A_477 : i32
                %mul3A_479 = arith.constant 64 : i32
                %mul3A_480 = arith.muli %sub3A_478, %mul3A_479 : i32
                %dma_wait3A_481 = tpu.memref_slice %arg8[%mul3A_480] : memref<1600xi32, #tpu.memory_space<vmem>> -> memref<64xi32, #tpu.memory_space<vmem>>
                %dma_wait3A_482 = arith.constant 0 : i32
                %dma_wait3A_483 = arith.constant 0 : i32
                %dma_wait3A_484 = tpu.memref_slice %arg12[%dma_wait3A_482, %dma_wait3A_483] : memref<5248x128xf32, #tpu.memory_space<vmem_shared>> -> memref<5248x128xf32, #tpu.memory_space<vmem_shared>>
                tpu.wait_indirect_dma semaphore(%arg19 : memref<!tpu.dma_semaphore, #tpu.memory_space<semaphore_mem>>) src(%arg9 : memref<64x128xf32, #tpu.memory_space<vmem>>) dst(%dma_wait3A_484 : memref<5248x128xf32, #tpu.memory_space<vmem_shared>>)
              } else {
              }
              %mul3A_454 = arith.constant 64 : i32
              %mul3A_455 = arith.muli %add3A_406, %mul3A_454 : i32
              %dma_wait3A_456 = tpu.memref_slice %arg7[%mul3A_455] : memref<1600xi32, #tpu.memory_space<vmem>> -> memref<64xi32, #tpu.memory_space<vmem>>
              %dma_wait3A_457 = arith.constant 0 : i32
              %dma_wait3A_458 = arith.constant 0 : i32
              %dma_wait3A_459 = tpu.memref_slice %arg2[%dma_wait3A_457, %dma_wait3A_458] : memref<320000x128xf32, #tpu.memory_space<hbm>> -> memref<320000x128xf32, #tpu.memory_space<hbm>>
              tpu.wait_indirect_dma semaphore(%arg16 : memref<!tpu.dma_semaphore, #tpu.memory_space<semaphore_mem>>) src(%dma_wait3A_459 : memref<320000x128xf32, #tpu.memory_space<hbm>>) dst(%arg10 : memref<64x128xf32, #tpu.memory_space<vmem>>)
              %add3A_460 = arith.constant 1 : i32
              %add3A_461 = arith.addi %add3A_406, %add3A_460 : i32
              %lt3A_462 = arith.cmpi slt, %add3A_461, %select_n3A_280 : i32
              %convert_element_type3A_463 = arith.extui %lt3A_462 : i1 to i32
              %cond3A_464 = arith.constant 0 : i32
              %cond3A_465 = arith.cmpi ne, %convert_element_type3A_463, %cond3A_464 : i32
              scf.if %cond3A_465 {
                %add3A_477 = arith.constant 1 : i32
                %add3A_478 = arith.addi %add3A_406, %add3A_477 : i32
                %mul3A_479 = arith.constant 64 : i32
                %mul3A_480 = arith.muli %add3A_478, %mul3A_479 : i32
                %dma_start3A_481 = tpu.memref_slice %arg7[%mul3A_480] : memref<1600xi32, #tpu.memory_space<vmem>> -> memref<64xi32, #tpu.memory_space<vmem>>
                %dma_start3A_482 = arith.constant 0 : i32
                %dma_start3A_483 = arith.constant 0 : i32
                %dma_start3A_484 = tpu.memref_slice %arg2[%dma_start3A_482, %dma_start3A_483] : memref<320000x128xf32, #tpu.memory_space<hbm>> -> memref<320000x128xf32, #tpu.memory_space<hbm>>
                tpu.enqueue_indirect_dma source(%dma_start3A_484 : memref<320000x128xf32, #tpu.memory_space<hbm>>) target(%arg9 : memref<64x128xf32, #tpu.memory_space<vmem>>) offsets(%dma_start3A_481 : memref<64xi32, #tpu.memory_space<vmem>>) semaphore(%arg15 : memref<!tpu.dma_semaphore, #tpu.memory_space<semaphore_mem>>)
              } else {
              }
              %mul3A_466 = arith.constant 64 : i32
              %mul3A_467 = arith.muli %add3A_406, %mul3A_466 : i32
              %dma_start3A_468 = tpu.memref_slice %arg8[%mul3A_467] : memref<1600xi32, #tpu.memory_space<vmem>> -> memref<64xi32, #tpu.memory_space<vmem>>
              %dma_start3A_469 = arith.constant 0 : i32
              %dma_start3A_470 = arith.constant 0 : i32
              %dma_start3A_471 = tpu.memref_slice %arg12[%dma_start3A_469, %dma_start3A_470] : memref<5248x128xf32, #tpu.memory_space<vmem_shared>> -> memref<5248x128xf32, #tpu.memory_space<vmem_shared>>
              tpu.enqueue_indirect_dma source(%arg10 : memref<64x128xf32, #tpu.memory_space<vmem>>) target(%dma_start3A_471 : memref<5248x128xf32, #tpu.memory_space<vmem_shared>>) offsets(%dma_start3A_468 : memref<64xi32, #tpu.memory_space<vmem>>) semaphore(%arg20 : memref<!tpu.dma_semaphore, #tpu.memory_space<semaphore_mem>>) {add = true}
              %scan3A_472 = arith.constant 0 : i32
              %scan3A_473 = arith.constant 64 : i32
              %scan3A_474 = arith.addi %scan3A_472, %scan3A_473 : i32
              %scan3A_475 = arith.constant 1 : i32
              scf.for %scan3A_477 = %scan3A_472 to %scan3A_474 step %scan3A_475  : i32 {
                %mul3A_478 = arith.constant 1 : i32
                %mul3A_479 = arith.muli %scan3A_477, %mul3A_478 : i32
                %add3A_480 = arith.constant 0 : i32
                %add3A_481 = arith.addi %add3A_480, %mul3A_479 : i32
                %mul3A_482 = arith.constant 64 : i32
                %mul3A_483 = arith.muli %add3A_406, %mul3A_482 : i32
                %add3A_484 = arith.addi %mul3A_483, %add3A_481 : i32
                %get3A_485 = arith.index_cast %add3A_484 : i32 to index
                %get3A_486 = tpu.vector_load %arg8[%get3A_485] {strides = array<i32>} : memref<1600xi32, #tpu.memory_space<vmem>>, vector<16xi32>,
                %slice3A = vector.extract_strided_slice %get3A_486 {offsets = [0], sizes = [1], strides = [1]} : vector<16xi32> to vector<1xi32>
                %squeeze3A = vector.extract %slice3A[0] : i32 from vector<1xi32>
                %sub3A_487 = arith.subi %squeeze3A, %mul3A_4 : i32
                %get3A_488 = arith.index_cast %sub3A_487 : i32 to index
                %get3A_489 = memref.load %arg13[%get3A_488] : memref<328xi32, #tpu.memory_space<smem>>
                %add3A_490 = arith.constant 1 : i32
                %add3A_491 = arith.addi %get3A_489, %add3A_490 : i32
                %swap3A_492 = arith.index_cast %sub3A_487 : i32 to index
                %swap3A_493 = memref.load %arg13[%swap3A_492] : memref<328xi32, #tpu.memory_space<smem>>
                memref.store %add3A_491, %arg13[%swap3A_492] : memref<328xi32, #tpu.memory_space<smem>>
                %scan3A_494 = arith.constant 0 : i32
                %scan3A_495 = arith.constant 8 : i32
                %scan3A_496 = arith.addi %scan3A_494, %scan3A_495 : i32
                %scan3A_497 = arith.constant 1 : i32
                scf.for %scan3A_499 = %scan3A_494 to %scan3A_496 step %scan3A_497  : i32 {
                  %mul3A_500 = arith.constant 16 : i32
                  %mul3A_501 = arith.muli %scan3A_499, %mul3A_500 : i32
                  %add3A_502 = arith.constant 0 : i32
                  %add3A_503 = arith.addi %add3A_502, %mul3A_501 : i32
                  %get3A_504 = arith.index_cast %add3A_481 : i32 to index
                  %get3A_505 = arith.index_cast %add3A_503 : i32 to index
                  %get3A_506 = tpu.vector_load %arg10[%get3A_504, %get3A_505] {strides = array<i32>} : memref<64x128xf32, #tpu.memory_space<vmem>>, vector<16xf32>,
                  %get3A_507 = arith.index_cast %sub3A_487 : i32 to index
                  %get3A_508 = arith.index_cast %add3A_503 : i32 to index
                  %get3A_509 = tpu.vector_load %arg11[%get3A_507, %get3A_508] {strides = array<i32>} : memref<328x128xf32, #tpu.memory_space<vmem>>, vector<16xf32>,
                  %max3A = arith.maximumf %get3A_509, %get3A_506 : vector<16xf32>
                  %swap3A_510 = arith.index_cast %sub3A_487 : i32 to index
                  %swap3A_511 = arith.index_cast %add3A_503 : i32 to index
                  %swap3A_512 = tpu.vector_load %arg11[%swap3A_510, %swap3A_511] {strides = array<i32>} : memref<328x128xf32, #tpu.memory_space<vmem>>, vector<16xf32>,
                  tpu.vector_store %arg11[%swap3A_510, %swap3A_511], %max3A {strides = array<i32>} : memref<328x128xf32, #tpu.memory_space<vmem>>, vector<16xf32>,
                }
                %scan3A_498 = arith.constant 8 : i32
              }
              %scan3A_476 = arith.constant 64 : i32
            } else {
            }
          }
          %while3A_304 = arith.constant 1 : i32
          scf.for %while3A_404 = %while3A_302 to %while3A_298 step %while3A_304  : i32 {
            %mul3A_405 = arith.muli %while3A_404, %while3A_294 : i32
            %add3A_406 = arith.addi %while3A_295, %mul3A_405 : i32
            %jit3A_407 = arith.constant 2 : i32
            %eq3A_408 = arith.constant 0 : i32
            %eq3A_409 = arith.cmpi eq, %jit3A_407, %eq3A_408 : i32
            %jit3A_410 = arith.constant 1 : i32
            %select_n3A_411 = arith.select %eq3A_409, %jit3A_410, %jit3A_407 : i32
            %rem3A_412 = arith.remsi %add3A_406, %select_n3A_411 : i32
            %ne3A_413 = arith.constant 0 : i32
            %ne3A_414 = arith.cmpi ne, %rem3A_412, %ne3A_413 : i32
            %lt3A_415 = arith.constant 0 : i32
            %lt3A_416 = arith.cmpi slt, %rem3A_412, %lt3A_415 : i32
            %lt3A_417 = arith.constant 0 : i32
            %lt3A_418 = arith.cmpi slt, %select_n3A_411, %lt3A_417 : i32
            %ne3A_419 = arith.xori %lt3A_416, %lt3A_418 : i1
            %and3A_420 = arith.andi %ne3A_419, %ne3A_414 : i1
            %add3A_421 = arith.addi %rem3A_412, %select_n3A_411 : i32
            %select_n3A_422 = arith.select %and3A_420, %add3A_421, %rem3A_412 : i32
            %eq3A_423 = arith.constant 0 : i32
            %eq3A_424 = arith.cmpi eq, %select_n3A_422, %eq3A_423 : i32
            %convert_element_type3A_425 = arith.extui %eq3A_424 : i1 to i32
            %cond3A_426 = arith.constant 0 : i32
            %cond3A_427 = arith.cmpi ne, %convert_element_type3A_425, %cond3A_426 : i32
            scf.if %cond3A_427 {
              %ge3A_449 = arith.constant 1 : i32
              %ge3A_450 = arith.cmpi sge, %add3A_406, %ge3A_449 : i32
              %convert_element_type3A_451 = arith.extui %ge3A_450 : i1 to i32
              %cond3A_452 = arith.constant 0 : i32
              %cond3A_453 = arith.cmpi ne, %convert_element_type3A_451, %cond3A_452 : i32
              scf.if %cond3A_453 {
                %sub3A_477 = arith.constant 1 : i32
                %sub3A_478 = arith.subi %add3A_406, %sub3A_477 : i32
                %mul3A_479 = arith.constant 64 : i32
                %mul3A_480 = arith.muli %sub3A_478, %mul3A_479 : i32
                %dma_wait3A_481 = tpu.memref_slice %arg8[%mul3A_480] : memref<1600xi32, #tpu.memory_space<vmem>> -> memref<64xi32, #tpu.memory_space<vmem>>
                %dma_wait3A_482 = arith.constant 0 : i32
                %dma_wait3A_483 = arith.constant 0 : i32
                %dma_wait3A_484 = tpu.memref_slice %arg12[%dma_wait3A_482, %dma_wait3A_483] : memref<5248x128xf32, #tpu.memory_space<vmem_shared>> -> memref<5248x128xf32, #tpu.memory_space<vmem_shared>>
                tpu.wait_indirect_dma semaphore(%arg20 : memref<!tpu.dma_semaphore, #tpu.memory_space<semaphore_mem>>) src(%arg10 : memref<64x128xf32, #tpu.memory_space<vmem>>) dst(%dma_wait3A_484 : memref<5248x128xf32, #tpu.memory_space<vmem_shared>>)
              } else {
              }
              %mul3A_454 = arith.constant 64 : i32
              %mul3A_455 = arith.muli %add3A_406, %mul3A_454 : i32
              %dma_wait3A_456 = tpu.memref_slice %arg7[%mul3A_455] : memref<1600xi32, #tpu.memory_space<vmem>> -> memref<64xi32, #tpu.memory_space<vmem>>
              %dma_wait3A_457 = arith.constant 0 : i32
              %dma_wait3A_458 = arith.constant 0 : i32
              %dma_wait3A_459 = tpu.memref_slice %arg2[%dma_wait3A_457, %dma_wait3A_458] : memref<320000x128xf32, #tpu.memory_space<hbm>> -> memref<320000x128xf32, #tpu.memory_space<hbm>>
              tpu.wait_indirect_dma semaphore(%arg15 : memref<!tpu.dma_semaphore, #tpu.memory_space<semaphore_mem>>) src(%dma_wait3A_459 : memref<320000x128xf32, #tpu.memory_space<hbm>>) dst(%arg9 : memref<64x128xf32, #tpu.memory_space<vmem>>)
              %add3A_460 = arith.constant 1 : i32
              %add3A_461 = arith.addi %add3A_406, %add3A_460 : i32
              %lt3A_462 = arith.cmpi slt, %add3A_461, %select_n3A_280 : i32
              %convert_element_type3A_463 = arith.extui %lt3A_462 : i1 to i32
              %cond3A_464 = arith.constant 0 : i32
              %cond3A_465 = arith.cmpi ne, %convert_element_type3A_463, %cond3A_464 : i32
              scf.if %cond3A_465 {
                %add3A_477 = arith.constant 1 : i32
                %add3A_478 = arith.addi %add3A_406, %add3A_477 : i32
                %mul3A_479 = arith.constant 64 : i32
                %mul3A_480 = arith.muli %add3A_478, %mul3A_479 : i32
                %dma_start3A_481 = tpu.memref_slice %arg7[%mul3A_480] : memref<1600xi32, #tpu.memory_space<vmem>> -> memref<64xi32, #tpu.memory_space<vmem>>
                %dma_start3A_482 = arith.constant 0 : i32
                %dma_start3A_483 = arith.constant 0 : i32
                %dma_start3A_484 = tpu.memref_slice %arg2[%dma_start3A_482, %dma_start3A_483] : memref<320000x128xf32, #tpu.memory_space<hbm>> -> memref<320000x128xf32, #tpu.memory_space<hbm>>
                tpu.enqueue_indirect_dma source(%dma_start3A_484 : memref<320000x128xf32, #tpu.memory_space<hbm>>) target(%arg10 : memref<64x128xf32, #tpu.memory_space<vmem>>) offsets(%dma_start3A_481 : memref<64xi32, #tpu.memory_space<vmem>>) semaphore(%arg16 : memref<!tpu.dma_semaphore, #tpu.memory_space<semaphore_mem>>)
              } else {
              }
              %mul3A_466 = arith.constant 64 : i32
              %mul3A_467 = arith.muli %add3A_406, %mul3A_466 : i32
              %dma_start3A_468 = tpu.memref_slice %arg8[%mul3A_467] : memref<1600xi32, #tpu.memory_space<vmem>> -> memref<64xi32, #tpu.memory_space<vmem>>
              %dma_start3A_469 = arith.constant 0 : i32
              %dma_start3A_470 = arith.constant 0 : i32
              %dma_start3A_471 = tpu.memref_slice %arg12[%dma_start3A_469, %dma_start3A_470] : memref<5248x128xf32, #tpu.memory_space<vmem_shared>> -> memref<5248x128xf32, #tpu.memory_space<vmem_shared>>
              tpu.enqueue_indirect_dma source(%arg9 : memref<64x128xf32, #tpu.memory_space<vmem>>) target(%dma_start3A_471 : memref<5248x128xf32, #tpu.memory_space<vmem_shared>>) offsets(%dma_start3A_468 : memref<64xi32, #tpu.memory_space<vmem>>) semaphore(%arg19 : memref<!tpu.dma_semaphore, #tpu.memory_space<semaphore_mem>>) {add = true}
              %scan3A_472 = arith.constant 0 : i32
              %scan3A_473 = arith.constant 64 : i32
              %scan3A_474 = arith.addi %scan3A_472, %scan3A_473 : i32
              %scan3A_475 = arith.constant 1 : i32
              scf.for %scan3A_477 = %scan3A_472 to %scan3A_474 step %scan3A_475  : i32 {
                %mul3A_478 = arith.constant 1 : i32
                %mul3A_479 = arith.muli %scan3A_477, %mul3A_478 : i32
                %add3A_480 = arith.constant 0 : i32
                %add3A_481 = arith.addi %add3A_480, %mul3A_479 : i32
                %mul3A_482 = arith.constant 64 : i32
                %mul3A_483 = arith.muli %add3A_406, %mul3A_482 : i32
                %add3A_484 = arith.addi %mul3A_483, %add3A_481 : i32
                %get3A_485 = arith.index_cast %add3A_484 : i32 to index
                %get3A_486 = tpu.vector_load %arg8[%get3A_485] {strides = array<i32>} : memref<1600xi32, #tpu.memory_space<vmem>>, vector<16xi32>,
                %slice3A = vector.extract_strided_slice %get3A_486 {offsets = [0], sizes = [1], strides = [1]} : vector<16xi32> to vector<1xi32>
                %squeeze3A = vector.extract %slice3A[0] : i32 from vector<1xi32>
                %sub3A_487 = arith.subi %squeeze3A, %mul3A_4 : i32
                %get3A_488 = arith.index_cast %sub3A_487 : i32 to index
                %get3A_489 = memref.load %arg13[%get3A_488] : memref<328xi32, #tpu.memory_space<smem>>
                %add3A_490 = arith.constant 1 : i32
                %add3A_491 = arith.addi %get3A_489, %add3A_490 : i32
                %swap3A_492 = arith.index_cast %sub3A_487 : i32 to index
                %swap3A_493 = memref.load %arg13[%swap3A_492] : memref<328xi32, #tpu.memory_space<smem>>
                memref.store %add3A_491, %arg13[%swap3A_492] : memref<328xi32, #tpu.memory_space<smem>>
                %scan3A_494 = arith.constant 0 : i32
                %scan3A_495 = arith.constant 8 : i32
                %scan3A_496 = arith.addi %scan3A_494, %scan3A_495 : i32
                %scan3A_497 = arith.constant 1 : i32
                scf.for %scan3A_499 = %scan3A_494 to %scan3A_496 step %scan3A_497  : i32 {
                  %mul3A_500 = arith.constant 16 : i32
                  %mul3A_501 = arith.muli %scan3A_499, %mul3A_500 : i32
                  %add3A_502 = arith.constant 0 : i32
                  %add3A_503 = arith.addi %add3A_502, %mul3A_501 : i32
                  %get3A_504 = arith.index_cast %add3A_481 : i32 to index
                  %get3A_505 = arith.index_cast %add3A_503 : i32 to index
                  %get3A_506 = tpu.vector_load %arg9[%get3A_504, %get3A_505] {strides = array<i32>} : memref<64x128xf32, #tpu.memory_space<vmem>>, vector<16xf32>,
                  %get3A_507 = arith.index_cast %sub3A_487 : i32 to index
                  %get3A_508 = arith.index_cast %add3A_503 : i32 to index
                  %get3A_509 = tpu.vector_load %arg11[%get3A_507, %get3A_508] {strides = array<i32>} : memref<328x128xf32, #tpu.memory_space<vmem>>, vector<16xf32>,
                  %max3A = arith.maximumf %get3A_509, %get3A_506 : vector<16xf32>
                  %swap3A_510 = arith.index_cast %sub3A_487 : i32 to index
                  %swap3A_511 = arith.index_cast %add3A_503 : i32 to index
                  %swap3A_512 = tpu.vector_load %arg11[%swap3A_510, %swap3A_511] {strides = array<i32>} : memref<328x128xf32, #tpu.memory_space<vmem>>, vector<16xf32>,
                  tpu.vector_store %arg11[%swap3A_510, %swap3A_511], %max3A {strides = array<i32>} : memref<328x128xf32, #tpu.memory_space<vmem>>, vector<16xf32>,
                }
                %scan3A_498 = arith.constant 8 : i32
              }
              %scan3A_476 = arith.constant 64 : i32
            } else {
            }
            %jit3A_428 = arith.constant 2 : i32
            %eq3A_429 = arith.constant 0 : i32
            %eq3A_430 = arith.cmpi eq, %jit3A_428, %eq3A_429 : i32
            %jit3A_431 = arith.constant 1 : i32
            %select_n3A_432 = arith.select %eq3A_430, %jit3A_431, %jit3A_428 : i32
            %rem3A_433 = arith.remsi %add3A_406, %select_n3A_432 : i32
            %ne3A_434 = arith.constant 0 : i32
            %ne3A_435 = arith.cmpi ne, %rem3A_433, %ne3A_434 : i32
            %lt3A_436 = arith.constant 0 : i32
            %lt3A_437 = arith.cmpi slt, %rem3A_433, %lt3A_436 : i32
            %lt3A_438 = arith.constant 0 : i32
            %lt3A_439 = arith.cmpi slt, %select_n3A_432, %lt3A_438 : i32
            %ne3A_440 = arith.xori %lt3A_437, %lt3A_439 : i1
            %and3A_441 = arith.andi %ne3A_440, %ne3A_435 : i1
            %add3A_442 = arith.addi %rem3A_433, %select_n3A_432 : i32
            %select_n3A_443 = arith.select %and3A_441, %add3A_442, %rem3A_433 : i32
            %eq3A_444 = arith.constant 1 : i32
            %eq3A_445 = arith.cmpi eq, %select_n3A_443, %eq3A_444 : i32
            %convert_element_type3A_446 = arith.extui %eq3A_445 : i1 to i32
            %cond3A_447 = arith.constant 0 : i32
            %cond3A_448 = arith.cmpi ne, %convert_element_type3A_446, %cond3A_447 : i32
            scf.if %cond3A_448 {
              %ge3A_449 = arith.constant 1 : i32
              %ge3A_450 = arith.cmpi sge, %add3A_406, %ge3A_449 : i32
              %convert_element_type3A_451 = arith.extui %ge3A_450 : i1 to i32
              %cond3A_452 = arith.constant 0 : i32
              %cond3A_453 = arith.cmpi ne, %convert_element_type3A_451, %cond3A_452 : i32
              scf.if %cond3A_453 {
                %sub3A_477 = arith.constant 1 : i32
                %sub3A_478 = arith.subi %add3A_406, %sub3A_477 : i32
                %mul3A_479 = arith.constant 64 : i32
                %mul3A_480 = arith.muli %sub3A_478, %mul3A_479 : i32
                %dma_wait3A_481 = tpu.memref_slice %arg8[%mul3A_480] : memref<1600xi32, #tpu.memory_space<vmem>> -> memref<64xi32, #tpu.memory_space<vmem>>
                %dma_wait3A_482 = arith.constant 0 : i32
                %dma_wait3A_483 = arith.constant 0 : i32
                %dma_wait3A_484 = tpu.memref_slice %arg12[%dma_wait3A_482, %dma_wait3A_483] : memref<5248x128xf32, #tpu.memory_space<vmem_shared>> -> memref<5248x128xf32, #tpu.memory_space<vmem_shared>>
                tpu.wait_indirect_dma semaphore(%arg19 : memref<!tpu.dma_semaphore, #tpu.memory_space<semaphore_mem>>) src(%arg9 : memref<64x128xf32, #tpu.memory_space<vmem>>) dst(%dma_wait3A_484 : memref<5248x128xf32, #tpu.memory_space<vmem_shared>>)
              } else {
              }
              %mul3A_454 = arith.constant 64 : i32
              %mul3A_455 = arith.muli %add3A_406, %mul3A_454 : i32
              %dma_wait3A_456 = tpu.memref_slice %arg7[%mul3A_455] : memref<1600xi32, #tpu.memory_space<vmem>> -> memref<64xi32, #tpu.memory_space<vmem>>
              %dma_wait3A_457 = arith.constant 0 : i32
              %dma_wait3A_458 = arith.constant 0 : i32
              %dma_wait3A_459 = tpu.memref_slice %arg2[%dma_wait3A_457, %dma_wait3A_458] : memref<320000x128xf32, #tpu.memory_space<hbm>> -> memref<320000x128xf32, #tpu.memory_space<hbm>>
              tpu.wait_indirect_dma semaphore(%arg16 : memref<!tpu.dma_semaphore, #tpu.memory_space<semaphore_mem>>) src(%dma_wait3A_459 : memref<320000x128xf32, #tpu.memory_space<hbm>>) dst(%arg10 : memref<64x128xf32, #tpu.memory_space<vmem>>)
              %add3A_460 = arith.constant 1 : i32
              %add3A_461 = arith.addi %add3A_406, %add3A_460 : i32
              %lt3A_462 = arith.cmpi slt, %add3A_461, %select_n3A_280 : i32
              %convert_element_type3A_463 = arith.extui %lt3A_462 : i1 to i32
              %cond3A_464 = arith.constant 0 : i32
              %cond3A_465 = arith.cmpi ne, %convert_element_type3A_463, %cond3A_464 : i32
              scf.if %cond3A_465 {
                %add3A_477 = arith.constant 1 : i32
                %add3A_478 = arith.addi %add3A_406, %add3A_477 : i32
                %mul3A_479 = arith.constant 64 : i32
                %mul3A_480 = arith.muli %add3A_478, %mul3A_479 : i32
                %dma_start3A_481 = tpu.memref_slice %arg7[%mul3A_480] : memref<1600xi32, #tpu.memory_space<vmem>> -> memref<64xi32, #tpu.memory_space<vmem>>
                %dma_start3A_482 = arith.constant 0 : i32
                %dma_start3A_483 = arith.constant 0 : i32
                %dma_start3A_484 = tpu.memref_slice %arg2[%dma_start3A_482, %dma_start3A_483] : memref<320000x128xf32, #tpu.memory_space<hbm>> -> memref<320000x128xf32, #tpu.memory_space<hbm>>
                tpu.enqueue_indirect_dma source(%dma_start3A_484 : memref<320000x128xf32, #tpu.memory_space<hbm>>) target(%arg9 : memref<64x128xf32, #tpu.memory_space<vmem>>) offsets(%dma_start3A_481 : memref<64xi32, #tpu.memory_space<vmem>>) semaphore(%arg15 : memref<!tpu.dma_semaphore, #tpu.memory_space<semaphore_mem>>)
              } else {
              }
              %mul3A_466 = arith.constant 64 : i32
              %mul3A_467 = arith.muli %add3A_406, %mul3A_466 : i32
              %dma_start3A_468 = tpu.memref_slice %arg8[%mul3A_467] : memref<1600xi32, #tpu.memory_space<vmem>> -> memref<64xi32, #tpu.memory_space<vmem>>
              %dma_start3A_469 = arith.constant 0 : i32
              %dma_start3A_470 = arith.constant 0 : i32
              %dma_start3A_471 = tpu.memref_slice %arg12[%dma_start3A_469, %dma_start3A_470] : memref<5248x128xf32, #tpu.memory_space<vmem_shared>> -> memref<5248x128xf32, #tpu.memory_space<vmem_shared>>
              tpu.enqueue_indirect_dma source(%arg10 : memref<64x128xf32, #tpu.memory_space<vmem>>) target(%dma_start3A_471 : memref<5248x128xf32, #tpu.memory_space<vmem_shared>>) offsets(%dma_start3A_468 : memref<64xi32, #tpu.memory_space<vmem>>) semaphore(%arg20 : memref<!tpu.dma_semaphore, #tpu.memory_space<semaphore_mem>>) {add = true}
              %scan3A_472 = arith.constant 0 : i32
              %scan3A_473 = arith.constant 64 : i32
              %scan3A_474 = arith.addi %scan3A_472, %scan3A_473 : i32
              %scan3A_475 = arith.constant 1 : i32
              scf.for %scan3A_477 = %scan3A_472 to %scan3A_474 step %scan3A_475  : i32 {
                %mul3A_478 = arith.constant 1 : i32
                %mul3A_479 = arith.muli %scan3A_477, %mul3A_478 : i32
                %add3A_480 = arith.constant 0 : i32
                %add3A_481 = arith.addi %add3A_480, %mul3A_479 : i32
                %mul3A_482 = arith.constant 64 : i32
                %mul3A_483 = arith.muli %add3A_406, %mul3A_482 : i32
                %add3A_484 = arith.addi %mul3A_483, %add3A_481 : i32
                %get3A_485 = arith.index_cast %add3A_484 : i32 to index
                %get3A_486 = tpu.vector_load %arg8[%get3A_485] {strides = array<i32>} : memref<1600xi32, #tpu.memory_space<vmem>>, vector<16xi32>,
                %slice3A = vector.extract_strided_slice %get3A_486 {offsets = [0], sizes = [1], strides = [1]} : vector<16xi32> to vector<1xi32>
                %squeeze3A = vector.extract %slice3A[0] : i32 from vector<1xi32>
                %sub3A_487 = arith.subi %squeeze3A, %mul3A_4 : i32
                %get3A_488 = arith.index_cast %sub3A_487 : i32 to index
                %get3A_489 = memref.load %arg13[%get3A_488] : memref<328xi32, #tpu.memory_space<smem>>
                %add3A_490 = arith.constant 1 : i32
                %add3A_491 = arith.addi %get3A_489, %add3A_490 : i32
                %swap3A_492 = arith.index_cast %sub3A_487 : i32 to index
                %swap3A_493 = memref.load %arg13[%swap3A_492] : memref<328xi32, #tpu.memory_space<smem>>
                memref.store %add3A_491, %arg13[%swap3A_492] : memref<328xi32, #tpu.memory_space<smem>>
                %scan3A_494 = arith.constant 0 : i32
                %scan3A_495 = arith.constant 8 : i32
                %scan3A_496 = arith.addi %scan3A_494, %scan3A_495 : i32
                %scan3A_497 = arith.constant 1 : i32
                scf.for %scan3A_499 = %scan3A_494 to %scan3A_496 step %scan3A_497  : i32 {
                  %mul3A_500 = arith.constant 16 : i32
                  %mul3A_501 = arith.muli %scan3A_499, %mul3A_500 : i32
                  %add3A_502 = arith.constant 0 : i32
                  %add3A_503 = arith.addi %add3A_502, %mul3A_501 : i32
                  %get3A_504 = arith.index_cast %add3A_481 : i32 to index
                  %get3A_505 = arith.index_cast %add3A_503 : i32 to index
                  %get3A_506 = tpu.vector_load %arg10[%get3A_504, %get3A_505] {strides = array<i32>} : memref<64x128xf32, #tpu.memory_space<vmem>>, vector<16xf32>,
                  %get3A_507 = arith.index_cast %sub3A_487 : i32 to index
                  %get3A_508 = arith.index_cast %add3A_503 : i32 to index
                  %get3A_509 = tpu.vector_load %arg11[%get3A_507, %get3A_508] {strides = array<i32>} : memref<328x128xf32, #tpu.memory_space<vmem>>, vector<16xf32>,
                  %max3A = arith.maximumf %get3A_509, %get3A_506 : vector<16xf32>
                  %swap3A_510 = arith.index_cast %sub3A_487 : i32 to index
                  %swap3A_511 = arith.index_cast %add3A_503 : i32 to index
                  %swap3A_512 = tpu.vector_load %arg11[%swap3A_510, %swap3A_511] {strides = array<i32>} : memref<328x128xf32, #tpu.memory_space<vmem>>, vector<16xf32>,
                  tpu.vector_store %arg11[%swap3A_510, %swap3A_511], %max3A {strides = array<i32>} : memref<328x128xf32, #tpu.memory_space<vmem>>, vector<16xf32>,
                }
                %scan3A_498 = arith.constant 8 : i32
              }
              %scan3A_476 = arith.constant 64 : i32
            } else {
            }
          }
          %jit3A_305 = arith.constant 2 : i32
          %eq3A_306 = arith.constant 0 : i32
          %eq3A_307 = arith.cmpi eq, %jit3A_305, %eq3A_306 : i32
          %jit3A_308 = arith.constant 1 : i32
          %select_n3A_309 = arith.select %eq3A_307, %jit3A_308, %jit3A_305 : i32
          %rem3A_310 = arith.remsi %select_n3A_280, %select_n3A_309 : i32
          %ne3A_311 = arith.constant 0 : i32
          %ne3A_312 = arith.cmpi ne, %rem3A_310, %ne3A_311 : i32
          %lt3A_313 = arith.constant 0 : i32
          %lt3A_314 = arith.cmpi slt, %rem3A_310, %lt3A_313 : i32
          %lt3A_315 = arith.constant 0 : i32
          %lt3A_316 = arith.cmpi slt, %select_n3A_309, %lt3A_315 : i32
          %ne3A_317 = arith.xori %lt3A_314, %lt3A_316 : i1
          %and3A_318 = arith.andi %ne3A_317, %ne3A_312 : i1
          %add3A_319 = arith.addi %rem3A_310, %select_n3A_309 : i32
          %select_n3A_320 = arith.select %and3A_318, %add3A_319, %rem3A_310 : i32
          %eq3A_321 = arith.constant 1 : i32
          %eq3A_322 = arith.cmpi eq, %select_n3A_320, %eq3A_321 : i32
          %convert_element_type3A_323 = arith.extui %eq3A_322 : i1 to i32
          %cond3A_324 = arith.constant 0 : i32
          %cond3A_325 = arith.cmpi ne, %convert_element_type3A_323, %cond3A_324 : i32
          scf.if %cond3A_325 {
            %sub3A_404 = arith.constant 1 : i32
            %sub3A_405 = arith.subi %select_n3A_280, %sub3A_404 : i32
            %mul3A_406 = arith.constant 64 : i32
            %mul3A_407 = arith.muli %sub3A_405, %mul3A_406 : i32
            %dma_wait3A_408 = tpu.memref_slice %arg8[%mul3A_407] : memref<1600xi32, #tpu.memory_space<vmem>> -> memref<64xi32, #tpu.memory_space<vmem>>
            %dma_wait3A_409 = arith.constant 0 : i32
            %dma_wait3A_410 = arith.constant 0 : i32
            %dma_wait3A_411 = tpu.memref_slice %arg12[%dma_wait3A_409, %dma_wait3A_410] : memref<5248x128xf32, #tpu.memory_space<vmem_shared>> -> memref<5248x128xf32, #tpu.memory_space<vmem_shared>>
            tpu.wait_indirect_dma semaphore(%arg19 : memref<!tpu.dma_semaphore, #tpu.memory_space<semaphore_mem>>) src(%arg9 : memref<64x128xf32, #tpu.memory_space<vmem>>) dst(%dma_wait3A_411 : memref<5248x128xf32, #tpu.memory_space<vmem_shared>>)
          } else {
          }
          %gt3A_326 = arith.constant 0 : i32
          %gt3A_327 = arith.cmpi sgt, %select_n3A_280, %gt3A_326 : i32
          %jit3A_328 = arith.constant 2 : i32
          %eq3A_329 = arith.constant 0 : i32
          %eq3A_330 = arith.cmpi eq, %jit3A_328, %eq3A_329 : i32
          %jit3A_331 = arith.constant 1 : i32
          %select_n3A_332 = arith.select %eq3A_330, %jit3A_331, %jit3A_328 : i32
          %rem3A_333 = arith.remsi %select_n3A_280, %select_n3A_332 : i32
          %ne3A_334 = arith.constant 0 : i32
          %ne3A_335 = arith.cmpi ne, %rem3A_333, %ne3A_334 : i32
          %lt3A_336 = arith.constant 0 : i32
          %lt3A_337 = arith.cmpi slt, %rem3A_333, %lt3A_336 : i32
          %lt3A_338 = arith.constant 0 : i32
          %lt3A_339 = arith.cmpi slt, %select_n3A_332, %lt3A_338 : i32
          %ne3A_340 = arith.xori %lt3A_337, %lt3A_339 : i1
          %and3A_341 = arith.andi %ne3A_340, %ne3A_335 : i1
          %add3A_342 = arith.addi %rem3A_333, %select_n3A_332 : i32
          %select_n3A_343 = arith.select %and3A_341, %add3A_342, %rem3A_333 : i32
          %eq3A_344 = arith.constant 0 : i32
          %eq3A_345 = arith.cmpi eq, %select_n3A_343, %eq3A_344 : i32
          %and3A_346 = arith.andi %gt3A_327, %eq3A_345 : i1
          %convert_element_type3A_347 = arith.extui %and3A_346 : i1 to i32
          %cond3A_348 = arith.constant 0 : i32
          %cond3A_349 = arith.cmpi ne, %convert_element_type3A_347, %cond3A_348 : i32
          scf.if %cond3A_349 {
            %sub3A_404 = arith.constant 1 : i32
            %sub3A_405 = arith.subi %select_n3A_280, %sub3A_404 : i32
            %mul3A_406 = arith.constant 64 : i32
            %mul3A_407 = arith.muli %sub3A_405, %mul3A_406 : i32
            %dma_wait3A_408 = tpu.memref_slice %arg8[%mul3A_407] : memref<1600xi32, #tpu.memory_space<vmem>> -> memref<64xi32, #tpu.memory_space<vmem>>
            %dma_wait3A_409 = arith.constant 0 : i32
            %dma_wait3A_410 = arith.constant 0 : i32
            %dma_wait3A_411 = tpu.memref_slice %arg12[%dma_wait3A_409, %dma_wait3A_410] : memref<5248x128xf32, #tpu.memory_space<vmem_shared>> -> memref<5248x128xf32, #tpu.memory_space<vmem_shared>>
            tpu.wait_indirect_dma semaphore(%arg20 : memref<!tpu.dma_semaphore, #tpu.memory_space<semaphore_mem>>) src(%arg10 : memref<64x128xf32, #tpu.memory_space<vmem>>) dst(%dma_wait3A_411 : memref<5248x128xf32, #tpu.memory_space<vmem_shared>>)
          } else {
          }
          %mul3A_350 = arith.constant 64 : i32
          %mul3A_351 = arith.muli %select_n3A_280, %mul3A_350 : i32
          %add3A_352 = arith.constant 0 : i32
          %add3A_353 = arith.addi %mul3A_351, %add3A_352 : i32
          %get3A_354 = arith.index_cast %add3A_353 : i32 to index
          %get3A_355 = tpu.vector_load %arg7[%get3A_354] {strides = array<i32>} : memref<1600xi32, #tpu.memory_space<vmem>>, vector<16xi32>,
          %swap3A_356 = arith.constant 0 : index
          %swap3A_357 = tpu.vector_load %arg7[%swap3A_356] {strides = array<i32>} : memref<1600xi32, #tpu.memory_space<vmem>>, vector<16xi32>,
          tpu.vector_store %arg7[%swap3A_356], %get3A_355 {strides = array<i32>} : memref<1600xi32, #tpu.memory_space<vmem>>, vector<16xi32>,
          %add3A_358 = arith.constant 0 : i32
          %add3A_359 = arith.addi %mul3A_351, %add3A_358 : i32
          %get3A_360 = arith.index_cast %add3A_359 : i32 to index
          %get3A_361 = tpu.vector_load %arg8[%get3A_360] {strides = array<i32>} : memref<1600xi32, #tpu.memory_space<vmem>>, vector<16xi32>,
          %swap3A_362 = arith.constant 0 : index
          %swap3A_363 = tpu.vector_load %arg8[%swap3A_362] {strides = array<i32>} : memref<1600xi32, #tpu.memory_space<vmem>>, vector<16xi32>,
          tpu.vector_store %arg8[%swap3A_362], %get3A_361 {strides = array<i32>} : memref<1600xi32, #tpu.memory_space<vmem>>, vector<16xi32>,
          %add3A_364 = arith.constant 16 : i32
          %add3A_365 = arith.addi %mul3A_351, %add3A_364 : i32
          %get3A_366 = arith.index_cast %add3A_365 : i32 to index
          %get3A_367 = tpu.vector_load %arg7[%get3A_366] {strides = array<i32>} : memref<1600xi32, #tpu.memory_space<vmem>>, vector<16xi32>,
          %swap3A_368 = arith.constant 16 : index
          %swap3A_369 = tpu.vector_load %arg7[%swap3A_368] {strides = array<i32>} : memref<1600xi32, #tpu.memory_space<vmem>>, vector<16xi32>,
          tpu.vector_store %arg7[%swap3A_368], %get3A_367 {strides = array<i32>} : memref<1600xi32, #tpu.memory_space<vmem>>, vector<16xi32>,
          %add3A_370 = arith.constant 16 : i32
          %add3A_371 = arith.addi %mul3A_351, %add3A_370 : i32
          %get3A_372 = arith.index_cast %add3A_371 : i32 to index
          %get3A_373 = tpu.vector_load %arg8[%get3A_372] {strides = array<i32>} : memref<1600xi32, #tpu.memory_space<vmem>>, vector<16xi32>,
          %swap3A_374 = arith.constant 16 : index
          %swap3A_375 = tpu.vector_load %arg8[%swap3A_374] {strides = array<i32>} : memref<1600xi32, #tpu.memory_space<vmem>>, vector<16xi32>,
          tpu.vector_store %arg8[%swap3A_374], %get3A_373 {strides = array<i32>} : memref<1600xi32, #tpu.memory_space<vmem>>, vector<16xi32>,
          %add3A_376 = arith.constant 32 : i32
          %add3A_377 = arith.addi %mul3A_351, %add3A_376 : i32
          %get3A_378 = arith.index_cast %add3A_377 : i32 to index
          %get3A_379 = tpu.vector_load %arg7[%get3A_378] {strides = array<i32>} : memref<1600xi32, #tpu.memory_space<vmem>>, vector<16xi32>,
          %swap3A_380 = arith.constant 32 : index
          %swap3A_381 = tpu.vector_load %arg7[%swap3A_380] {strides = array<i32>} : memref<1600xi32, #tpu.memory_space<vmem>>, vector<16xi32>,
          tpu.vector_store %arg7[%swap3A_380], %get3A_379 {strides = array<i32>} : memref<1600xi32, #tpu.memory_space<vmem>>, vector<16xi32>,
          %add3A_382 = arith.constant 32 : i32
          %add3A_383 = arith.addi %mul3A_351, %add3A_382 : i32
          %get3A_384 = arith.index_cast %add3A_383 : i32 to index
          %get3A_385 = tpu.vector_load %arg8[%get3A_384] {strides = array<i32>} : memref<1600xi32, #tpu.memory_space<vmem>>, vector<16xi32>,
          %swap3A_386 = arith.constant 32 : index
          %swap3A_387 = tpu.vector_load %arg8[%swap3A_386] {strides = array<i32>} : memref<1600xi32, #tpu.memory_space<vmem>>, vector<16xi32>,
          tpu.vector_store %arg8[%swap3A_386], %get3A_385 {strides = array<i32>} : memref<1600xi32, #tpu.memory_space<vmem>>, vector<16xi32>,
          %add3A_388 = arith.constant 48 : i32
          %add3A_389 = arith.addi %mul3A_351, %add3A_388 : i32
          %get3A_390 = arith.index_cast %add3A_389 : i32 to index
          %get3A_391 = tpu.vector_load %arg7[%get3A_390] {strides = array<i32>} : memref<1600xi32, #tpu.memory_space<vmem>>, vector<16xi32>,
          %swap3A_392 = arith.constant 48 : index
          %swap3A_393 = tpu.vector_load %arg7[%swap3A_392] {strides = array<i32>} : memref<1600xi32, #tpu.memory_space<vmem>>, vector<16xi32>,
          tpu.vector_store %arg7[%swap3A_392], %get3A_391 {strides = array<i32>} : memref<1600xi32, #tpu.memory_space<vmem>>, vector<16xi32>,
          %add3A_394 = arith.constant 48 : i32
          %add3A_395 = arith.addi %mul3A_351, %add3A_394 : i32
          %get3A_396 = arith.index_cast %add3A_395 : i32 to index
          %get3A_397 = tpu.vector_load %arg8[%get3A_396] {strides = array<i32>} : memref<1600xi32, #tpu.memory_space<vmem>>, vector<16xi32>,
          %swap3A_398 = arith.constant 48 : index
          %swap3A_399 = tpu.vector_load %arg8[%swap3A_398] {strides = array<i32>} : memref<1600xi32, #tpu.memory_space<vmem>>, vector<16xi32>,
          tpu.vector_store %arg8[%swap3A_398], %get3A_397 {strides = array<i32>} : memref<1600xi32, #tpu.memory_space<vmem>>, vector<16xi32>,
          %sub3A_400 = arith.subi %get3A_256, %mul3A_351 : i32
          %swap3A_401 = arith.constant 0 : i32
          %swap3A_402 = arith.index_cast %swap3A_401 : i32 to index
          %swap3A_403 = memref.load %arg14[%swap3A_402] : memref<1xi32, #tpu.memory_space<smem>>
          memref.store %sub3A_400, %arg14[%swap3A_402] : memref<1xi32, #tpu.memory_space<smem>>
        } else {
        }
      } else {
      }
    }
    %scan3A_41 = arith.constant 250 : i32
    %get3A = arith.constant 0 : i32
    %get3A_42 = arith.index_cast %get3A : i32 to index
    %get3A_43 = memref.load %arg14[%get3A_42] : memref<1xi32, #tpu.memory_space<smem>>
    %add3A_44 = arith.constant 0 : i32
    %add3A_45 = arith.addi %get3A_43, %add3A_44 : i32
    %broadcast_in_dim3A_46 = arith.constant 0 : i32
    %broadcast_in_dim3A_47 = vector.broadcast %broadcast_in_dim3A_46 : i32 to vector<16xi32>
    %swap3A_48 = arith.index_cast %add3A_45 : i32 to index
    %swap3A_49 = tpu.vector_load %arg7[%swap3A_48] masked %lt3A_9 {strides = array<i32>} : memref<1600xi32, #tpu.memory_space<vmem>>, vector<16xi32>, vector<16xi1>
    tpu.vector_store %arg7[%swap3A_48], %broadcast_in_dim3A_47 masked %lt3A_9 {strides = array<i32>} : memref<1600xi32, #tpu.memory_space<vmem>>, vector<16xi32>, vector<16xi1>
    %add3A_50 = arith.constant 0 : i32
    %add3A_51 = arith.addi %get3A_43, %add3A_50 : i32
    %add3A_52 = arith.constant 327 : i32
    %add3A_53 = arith.addi %mul3A_4, %add3A_52 : i32
    %broadcast_in_dim3A_54 = vector.broadcast %add3A_53 : i32 to vector<16xi32>
    %swap3A_55 = arith.index_cast %add3A_51 : i32 to index
    %swap3A_56 = tpu.vector_load %arg8[%swap3A_55] masked %lt3A_9 {strides = array<i32>} : memref<1600xi32, #tpu.memory_space<vmem>>, vector<16xi32>, vector<16xi1>
    tpu.vector_store %arg8[%swap3A_55], %broadcast_in_dim3A_54 masked %lt3A_9 {strides = array<i32>} : memref<1600xi32, #tpu.memory_space<vmem>>, vector<16xi32>, vector<16xi1>
    %add3A_57 = arith.constant 16 : i32
    %add3A_58 = arith.addi %get3A_43, %add3A_57 : i32
    %broadcast_in_dim3A_59 = arith.constant 0 : i32
    %broadcast_in_dim3A_60 = vector.broadcast %broadcast_in_dim3A_59 : i32 to vector<16xi32>
    %swap3A_61 = arith.index_cast %add3A_58 : i32 to index
    %swap3A_62 = tpu.vector_load %arg7[%swap3A_61] masked %lt3A_9 {strides = array<i32>} : memref<1600xi32, #tpu.memory_space<vmem>>, vector<16xi32>, vector<16xi1>
    tpu.vector_store %arg7[%swap3A_61], %broadcast_in_dim3A_60 masked %lt3A_9 {strides = array<i32>} : memref<1600xi32, #tpu.memory_space<vmem>>, vector<16xi32>, vector<16xi1>
    %add3A_63 = arith.constant 16 : i32
    %add3A_64 = arith.addi %get3A_43, %add3A_63 : i32
    %add3A_65 = arith.constant 327 : i32
    %add3A_66 = arith.addi %mul3A_4, %add3A_65 : i32
    %broadcast_in_dim3A_67 = vector.broadcast %add3A_66 : i32 to vector<16xi32>
    %swap3A_68 = arith.index_cast %add3A_64 : i32 to index
    %swap3A_69 = tpu.vector_load %arg8[%swap3A_68] masked %lt3A_9 {strides = array<i32>} : memref<1600xi32, #tpu.memory_space<vmem>>, vector<16xi32>, vector<16xi1>
    tpu.vector_store %arg8[%swap3A_68], %broadcast_in_dim3A_67 masked %lt3A_9 {strides = array<i32>} : memref<1600xi32, #tpu.memory_space<vmem>>, vector<16xi32>, vector<16xi1>
    %add3A_70 = arith.constant 32 : i32
    %add3A_71 = arith.addi %get3A_43, %add3A_70 : i32
    %broadcast_in_dim3A_72 = arith.constant 0 : i32
    %broadcast_in_dim3A_73 = vector.broadcast %broadcast_in_dim3A_72 : i32 to vector<16xi32>
    %swap3A_74 = arith.index_cast %add3A_71 : i32 to index
    %swap3A_75 = tpu.vector_load %arg7[%swap3A_74] masked %lt3A_9 {strides = array<i32>} : memref<1600xi32, #tpu.memory_space<vmem>>, vector<16xi32>, vector<16xi1>
    tpu.vector_store %arg7[%swap3A_74], %broadcast_in_dim3A_73 masked %lt3A_9 {strides = array<i32>} : memref<1600xi32, #tpu.memory_space<vmem>>, vector<16xi32>, vector<16xi1>
    %add3A_76 = arith.constant 32 : i32
    %add3A_77 = arith.addi %get3A_43, %add3A_76 : i32
    %add3A_78 = arith.constant 327 : i32
    %add3A_79 = arith.addi %mul3A_4, %add3A_78 : i32
    %broadcast_in_dim3A_80 = vector.broadcast %add3A_79 : i32 to vector<16xi32>
    %swap3A_81 = arith.index_cast %add3A_77 : i32 to index
    %swap3A_82 = tpu.vector_load %arg8[%swap3A_81] masked %lt3A_9 {strides = array<i32>} : memref<1600xi32, #tpu.memory_space<vmem>>, vector<16xi32>, vector<16xi1>
    tpu.vector_store %arg8[%swap3A_81], %broadcast_in_dim3A_80 masked %lt3A_9 {strides = array<i32>} : memref<1600xi32, #tpu.memory_space<vmem>>, vector<16xi32>, vector<16xi1>
    %add3A_83 = arith.constant 48 : i32
    %add3A_84 = arith.addi %get3A_43, %add3A_83 : i32
    %broadcast_in_dim3A_85 = arith.constant 0 : i32
    %broadcast_in_dim3A_86 = vector.broadcast %broadcast_in_dim3A_85 : i32 to vector<16xi32>
    %swap3A_87 = arith.index_cast %add3A_84 : i32 to index
    %swap3A_88 = tpu.vector_load %arg7[%swap3A_87] masked %lt3A_9 {strides = array<i32>} : memref<1600xi32, #tpu.memory_space<vmem>>, vector<16xi32>, vector<16xi1>
    tpu.vector_store %arg7[%swap3A_87], %broadcast_in_dim3A_86 masked %lt3A_9 {strides = array<i32>} : memref<1600xi32, #tpu.memory_space<vmem>>, vector<16xi32>, vector<16xi1>
    %add3A_89 = arith.constant 48 : i32
    %add3A_90 = arith.addi %get3A_43, %add3A_89 : i32
    %add3A_91 = arith.constant 327 : i32
    %add3A_92 = arith.addi %mul3A_4, %add3A_91 : i32
    %broadcast_in_dim3A_93 = vector.broadcast %add3A_92 : i32 to vector<16xi32>
    %swap3A_94 = arith.index_cast %add3A_90 : i32 to index
    %swap3A_95 = tpu.vector_load %arg8[%swap3A_94] masked %lt3A_9 {strides = array<i32>} : memref<1600xi32, #tpu.memory_space<vmem>>, vector<16xi32>, vector<16xi1>
    tpu.vector_store %arg8[%swap3A_94], %broadcast_in_dim3A_93 masked %lt3A_9 {strides = array<i32>} : memref<1600xi32, #tpu.memory_space<vmem>>, vector<16xi32>, vector<16xi1>
    %add3A_96 = arith.constant 64 : i32
    %add3A_97 = arith.addi %get3A_43, %add3A_96 : i32
    %sub3A = arith.constant 1 : i32
    %sub3A_98 = arith.subi %add3A_97, %sub3A : i32
    %jit3A = arith.constant 64 : i32
    %div3A = arith.divsi %sub3A_98, %jit3A : i32
    %sign3A = arith.constant 0 : i32
    %sign3A_99 = arith.cmpi sgt, %sub3A_98, %sign3A : i32
    %sign3A_100 = arith.extui %sign3A_99 : i1 to i32
    %sign3A_101 = arith.constant 0 : i32
    %sign3A_102 = arith.cmpi slt, %sub3A_98, %sign3A_101 : i32
    %sign3A_103 = arith.extui %sign3A_102 : i1 to i32
    %sign3A_104 = arith.subi %sign3A_100, %sign3A_103 : i32
    %sign3A_105 = arith.constant 0 : i32
    %sign3A_106 = arith.cmpi sgt, %jit3A, %sign3A_105 : i32
    %sign3A_107 = arith.extui %sign3A_106 : i1 to i32
    %sign3A_108 = arith.constant 0 : i32
    %sign3A_109 = arith.cmpi slt, %jit3A, %sign3A_108 : i32
    %sign3A_110 = arith.extui %sign3A_109 : i1 to i32
    %sign3A_111 = arith.subi %sign3A_107, %sign3A_110 : i32
    %ne3A = arith.cmpi ne, %sign3A_104, %sign3A_111 : i32
    %rem3A = arith.remsi %sub3A_98, %jit3A : i32
    %ne3A_112 = arith.constant 0 : i32
    %ne3A_113 = arith.cmpi ne, %rem3A, %ne3A_112 : i32
    %and3A = arith.andi %ne3A, %ne3A_113 : i1
    %sub3A_114 = arith.constant 1 : i32
    %sub3A_115 = arith.subi %div3A, %sub3A_114 : i32
    %select_n3A = arith.select %and3A, %sub3A_115, %div3A : i32
    %gt3A = arith.constant 0 : i32
    %gt3A_116 = arith.cmpi sgt, %select_n3A, %gt3A : i32
    %convert_element_type3A = arith.extui %gt3A_116 : i1 to i32
    %cond3A = arith.constant 0 : i32
    %cond3A_117 = arith.cmpi ne, %convert_element_type3A, %cond3A : i32
    scf.if %cond3A_117 {
      %dma_start3A_185 = arith.constant 0 : i32
      %dma_start3A_186 = tpu.memref_slice %arg7[%dma_start3A_185] : memref<1600xi32, #tpu.memory_space<vmem>> -> memref<64xi32, #tpu.memory_space<vmem>>
      %dma_start3A_187 = arith.constant 0 : i32
      %dma_start3A_188 = arith.constant 0 : i32
      %dma_start3A_189 = tpu.memref_slice %arg2[%dma_start3A_187, %dma_start3A_188] : memref<320000x128xf32, #tpu.memory_space<hbm>> -> memref<320000x128xf32, #tpu.memory_space<hbm>>
      tpu.enqueue_indirect_dma source(%dma_start3A_189 : memref<320000x128xf32, #tpu.memory_space<hbm>>) target(%arg9 : memref<64x128xf32, #tpu.memory_space<vmem>>) offsets(%dma_start3A_186 : memref<64xi32, #tpu.memory_space<vmem>>) semaphore(%arg15 : memref<!tpu.dma_semaphore, #tpu.memory_space<semaphore_mem>>)
    } else {
    }
    %sub3A_118 = arith.constant 0 : i32
    %sub3A_119 = arith.subi %select_n3A, %sub3A_118 : i32
    %sub3A_120 = arith.constant 1 : i32
    %sub3A_121 = arith.constant 1 : i32
    %sub3A_122 = arith.subi %sub3A_120, %sub3A_121 : i32
    %add3A_123 = arith.addi %sub3A_119, %sub3A_122 : i32
    %div3A_124 = arith.constant 1 : i32
    %div3A_125 = arith.divsi %add3A_123, %div3A_124 : i32
    %while3A = arith.constant 1 : i32
    %while3A_126 = arith.constant 0 : i32
    %while3A_127 = arith.constant 0 : i32
    %while3A_128 = arith.subi %div3A_125, %while3A_127 : i32
    %while3A_129 = arith.addi %while3A_127, %while3A_128 : i32
    %while3A_130 = arith.constant 1 : i32
    %while3A_131 = arith.divsi %while3A_128, %while3A_130 : i32
    %while3A_132 = arith.muli %while3A_131, %while3A_130 : i32
    %while3A_133 = arith.addi %while3A_127, %while3A_132 : i32
    %while3A_134 = arith.constant 1 : i32
    scf.for %while3A_185 = %while3A_127 to %while3A_133 step %while3A_134  : i32 {
      %mul3A_186 = arith.muli %while3A_185, %while3A : i32
      %add3A_187 = arith.addi %while3A_126, %mul3A_186 : i32
      %jit3A_188 = arith.constant 2 : i32
      %eq3A_189 = arith.constant 0 : i32
      %eq3A_190 = arith.cmpi eq, %jit3A_188, %eq3A_189 : i32
      %jit3A_191 = arith.constant 1 : i32
      %select_n3A_192 = arith.select %eq3A_190, %jit3A_191, %jit3A_188 : i32
      %rem3A_193 = arith.remsi %add3A_187, %select_n3A_192 : i32
      %ne3A_194 = arith.constant 0 : i32
      %ne3A_195 = arith.cmpi ne, %rem3A_193, %ne3A_194 : i32
      %lt3A_196 = arith.constant 0 : i32
      %lt3A_197 = arith.cmpi slt, %rem3A_193, %lt3A_196 : i32
      %lt3A_198 = arith.constant 0 : i32
      %lt3A_199 = arith.cmpi slt, %select_n3A_192, %lt3A_198 : i32
      %ne3A_200 = arith.xori %lt3A_197, %lt3A_199 : i1
      %and3A_201 = arith.andi %ne3A_200, %ne3A_195 : i1
      %add3A_202 = arith.addi %rem3A_193, %select_n3A_192 : i32
      %select_n3A_203 = arith.select %and3A_201, %add3A_202, %rem3A_193 : i32
      %eq3A_204 = arith.constant 0 : i32
      %eq3A_205 = arith.cmpi eq, %select_n3A_203, %eq3A_204 : i32
      %convert_element_type3A_206 = arith.extui %eq3A_205 : i1 to i32
      %cond3A_207 = arith.constant 0 : i32
      %cond3A_208 = arith.cmpi ne, %convert_element_type3A_206, %cond3A_207 : i32
      scf.if %cond3A_208 {
        %ge3A = arith.constant 1 : i32
        %ge3A_230 = arith.cmpi sge, %add3A_187, %ge3A : i32
        %convert_element_type3A_231 = arith.extui %ge3A_230 : i1 to i32
        %cond3A_232 = arith.constant 0 : i32
        %cond3A_233 = arith.cmpi ne, %convert_element_type3A_231, %cond3A_232 : i32
        scf.if %cond3A_233 {
          %sub3A_256 = arith.constant 1 : i32
          %sub3A_257 = arith.subi %add3A_187, %sub3A_256 : i32
          %mul3A_258 = arith.constant 64 : i32
          %mul3A_259 = arith.muli %sub3A_257, %mul3A_258 : i32
          %dma_wait3A_260 = tpu.memref_slice %arg8[%mul3A_259] : memref<1600xi32, #tpu.memory_space<vmem>> -> memref<64xi32, #tpu.memory_space<vmem>>
          %dma_wait3A_261 = arith.constant 0 : i32
          %dma_wait3A_262 = arith.constant 0 : i32
          %dma_wait3A_263 = tpu.memref_slice %arg12[%dma_wait3A_261, %dma_wait3A_262] : memref<5248x128xf32, #tpu.memory_space<vmem_shared>> -> memref<5248x128xf32, #tpu.memory_space<vmem_shared>>
          tpu.wait_indirect_dma semaphore(%arg20 : memref<!tpu.dma_semaphore, #tpu.memory_space<semaphore_mem>>) src(%arg10 : memref<64x128xf32, #tpu.memory_space<vmem>>) dst(%dma_wait3A_263 : memref<5248x128xf32, #tpu.memory_space<vmem_shared>>)
        } else {
        }
        %mul3A_234 = arith.constant 64 : i32
        %mul3A_235 = arith.muli %add3A_187, %mul3A_234 : i32
        %dma_wait3A = tpu.memref_slice %arg7[%mul3A_235] : memref<1600xi32, #tpu.memory_space<vmem>> -> memref<64xi32, #tpu.memory_space<vmem>>
        %dma_wait3A_236 = arith.constant 0 : i32
        %dma_wait3A_237 = arith.constant 0 : i32
        %dma_wait3A_238 = tpu.memref_slice %arg2[%dma_wait3A_236, %dma_wait3A_237] : memref<320000x128xf32, #tpu.memory_space<hbm>> -> memref<320000x128xf32, #tpu.memory_space<hbm>>
        tpu.wait_indirect_dma semaphore(%arg15 : memref<!tpu.dma_semaphore, #tpu.memory_space<semaphore_mem>>) src(%dma_wait3A_238 : memref<320000x128xf32, #tpu.memory_space<hbm>>) dst(%arg9 : memref<64x128xf32, #tpu.memory_space<vmem>>)
        %add3A_239 = arith.constant 1 : i32
        %add3A_240 = arith.addi %add3A_187, %add3A_239 : i32
        %lt3A_241 = arith.cmpi slt, %add3A_240, %select_n3A : i32
        %convert_element_type3A_242 = arith.extui %lt3A_241 : i1 to i32
        %cond3A_243 = arith.constant 0 : i32
        %cond3A_244 = arith.cmpi ne, %convert_element_type3A_242, %cond3A_243 : i32
        scf.if %cond3A_244 {
          %add3A_256 = arith.constant 1 : i32
          %add3A_257 = arith.addi %add3A_187, %add3A_256 : i32
          %mul3A_258 = arith.constant 64 : i32
          %mul3A_259 = arith.muli %add3A_257, %mul3A_258 : i32
          %dma_start3A_260 = tpu.memref_slice %arg7[%mul3A_259] : memref<1600xi32, #tpu.memory_space<vmem>> -> memref<64xi32, #tpu.memory_space<vmem>>
          %dma_start3A_261 = arith.constant 0 : i32
          %dma_start3A_262 = arith.constant 0 : i32
          %dma_start3A_263 = tpu.memref_slice %arg2[%dma_start3A_261, %dma_start3A_262] : memref<320000x128xf32, #tpu.memory_space<hbm>> -> memref<320000x128xf32, #tpu.memory_space<hbm>>
          tpu.enqueue_indirect_dma source(%dma_start3A_263 : memref<320000x128xf32, #tpu.memory_space<hbm>>) target(%arg10 : memref<64x128xf32, #tpu.memory_space<vmem>>) offsets(%dma_start3A_260 : memref<64xi32, #tpu.memory_space<vmem>>) semaphore(%arg16 : memref<!tpu.dma_semaphore, #tpu.memory_space<semaphore_mem>>)
        } else {
        }
        %mul3A_245 = arith.constant 64 : i32
        %mul3A_246 = arith.muli %add3A_187, %mul3A_245 : i32
        %dma_start3A_247 = tpu.memref_slice %arg8[%mul3A_246] : memref<1600xi32, #tpu.memory_space<vmem>> -> memref<64xi32, #tpu.memory_space<vmem>>
        %dma_start3A_248 = arith.constant 0 : i32
        %dma_start3A_249 = arith.constant 0 : i32
        %dma_start3A_250 = tpu.memref_slice %arg12[%dma_start3A_248, %dma_start3A_249] : memref<5248x128xf32, #tpu.memory_space<vmem_shared>> -> memref<5248x128xf32, #tpu.memory_space<vmem_shared>>
        tpu.enqueue_indirect_dma source(%arg9 : memref<64x128xf32, #tpu.memory_space<vmem>>) target(%dma_start3A_250 : memref<5248x128xf32, #tpu.memory_space<vmem_shared>>) offsets(%dma_start3A_247 : memref<64xi32, #tpu.memory_space<vmem>>) semaphore(%arg19 : memref<!tpu.dma_semaphore, #tpu.memory_space<semaphore_mem>>) {add = true}
        %scan3A_251 = arith.constant 0 : i32
        %scan3A_252 = arith.constant 64 : i32
        %scan3A_253 = arith.addi %scan3A_251, %scan3A_252 : i32
        %scan3A_254 = arith.constant 1 : i32
        scf.for %scan3A_256 = %scan3A_251 to %scan3A_253 step %scan3A_254  : i32 {
          %mul3A_257 = arith.constant 1 : i32
          %mul3A_258 = arith.muli %scan3A_256, %mul3A_257 : i32
          %add3A_259 = arith.constant 0 : i32
          %add3A_260 = arith.addi %add3A_259, %mul3A_258 : i32
          %mul3A_261 = arith.constant 64 : i32
          %mul3A_262 = arith.muli %add3A_187, %mul3A_261 : i32
          %add3A_263 = arith.addi %mul3A_262, %add3A_260 : i32
          %get3A_264 = arith.index_cast %add3A_263 : i32 to index
          %get3A_265 = tpu.vector_load %arg8[%get3A_264] {strides = array<i32>} : memref<1600xi32, #tpu.memory_space<vmem>>, vector<16xi32>,
          %slice3A = vector.extract_strided_slice %get3A_265 {offsets = [0], sizes = [1], strides = [1]} : vector<16xi32> to vector<1xi32>
          %squeeze3A = vector.extract %slice3A[0] : i32 from vector<1xi32>
          %sub3A_266 = arith.subi %squeeze3A, %mul3A_4 : i32
          %get3A_267 = arith.index_cast %sub3A_266 : i32 to index
          %get3A_268 = memref.load %arg13[%get3A_267] : memref<328xi32, #tpu.memory_space<smem>>
          %add3A_269 = arith.constant 1 : i32
          %add3A_270 = arith.addi %get3A_268, %add3A_269 : i32
          %swap3A_271 = arith.index_cast %sub3A_266 : i32 to index
          %swap3A_272 = memref.load %arg13[%swap3A_271] : memref<328xi32, #tpu.memory_space<smem>>
          memref.store %add3A_270, %arg13[%swap3A_271] : memref<328xi32, #tpu.memory_space<smem>>
          %scan3A_273 = arith.constant 0 : i32
          %scan3A_274 = arith.constant 8 : i32
          %scan3A_275 = arith.addi %scan3A_273, %scan3A_274 : i32
          %scan3A_276 = arith.constant 1 : i32
          scf.for %scan3A_278 = %scan3A_273 to %scan3A_275 step %scan3A_276  : i32 {
            %mul3A_279 = arith.constant 16 : i32
            %mul3A_280 = arith.muli %scan3A_278, %mul3A_279 : i32
            %add3A_281 = arith.constant 0 : i32
            %add3A_282 = arith.addi %add3A_281, %mul3A_280 : i32
            %get3A_283 = arith.index_cast %add3A_260 : i32 to index
            %get3A_284 = arith.index_cast %add3A_282 : i32 to index
            %get3A_285 = tpu.vector_load %arg9[%get3A_283, %get3A_284] {strides = array<i32>} : memref<64x128xf32, #tpu.memory_space<vmem>>, vector<16xf32>,
            %get3A_286 = arith.index_cast %sub3A_266 : i32 to index
            %get3A_287 = arith.index_cast %add3A_282 : i32 to index
            %get3A_288 = tpu.vector_load %arg11[%get3A_286, %get3A_287] {strides = array<i32>} : memref<328x128xf32, #tpu.memory_space<vmem>>, vector<16xf32>,
            %max3A = arith.maximumf %get3A_288, %get3A_285 : vector<16xf32>
            %swap3A_289 = arith.index_cast %sub3A_266 : i32 to index
            %swap3A_290 = arith.index_cast %add3A_282 : i32 to index
            %swap3A_291 = tpu.vector_load %arg11[%swap3A_289, %swap3A_290] {strides = array<i32>} : memref<328x128xf32, #tpu.memory_space<vmem>>, vector<16xf32>,
            tpu.vector_store %arg11[%swap3A_289, %swap3A_290], %max3A {strides = array<i32>} : memref<328x128xf32, #tpu.memory_space<vmem>>, vector<16xf32>,
          }
          %scan3A_277 = arith.constant 8 : i32
        }
        %scan3A_255 = arith.constant 64 : i32
      } else {
      }
      %jit3A_209 = arith.constant 2 : i32
      %eq3A_210 = arith.constant 0 : i32
      %eq3A_211 = arith.cmpi eq, %jit3A_209, %eq3A_210 : i32
      %jit3A_212 = arith.constant 1 : i32
      %select_n3A_213 = arith.select %eq3A_211, %jit3A_212, %jit3A_209 : i32
      %rem3A_214 = arith.remsi %add3A_187, %select_n3A_213 : i32
      %ne3A_215 = arith.constant 0 : i32
      %ne3A_216 = arith.cmpi ne, %rem3A_214, %ne3A_215 : i32
      %lt3A_217 = arith.constant 0 : i32
      %lt3A_218 = arith.cmpi slt, %rem3A_214, %lt3A_217 : i32
      %lt3A_219 = arith.constant 0 : i32
      %lt3A_220 = arith.cmpi slt, %select_n3A_213, %lt3A_219 : i32
      %ne3A_221 = arith.xori %lt3A_218, %lt3A_220 : i1
      %and3A_222 = arith.andi %ne3A_221, %ne3A_216 : i1
      %add3A_223 = arith.addi %rem3A_214, %select_n3A_213 : i32
      %select_n3A_224 = arith.select %and3A_222, %add3A_223, %rem3A_214 : i32
      %eq3A_225 = arith.constant 1 : i32
      %eq3A_226 = arith.cmpi eq, %select_n3A_224, %eq3A_225 : i32
      %convert_element_type3A_227 = arith.extui %eq3A_226 : i1 to i32
      %cond3A_228 = arith.constant 0 : i32
      %cond3A_229 = arith.cmpi ne, %convert_element_type3A_227, %cond3A_228 : i32
      scf.if %cond3A_229 {
        %ge3A = arith.constant 1 : i32
        %ge3A_230 = arith.cmpi sge, %add3A_187, %ge3A : i32
        %convert_element_type3A_231 = arith.extui %ge3A_230 : i1 to i32
        %cond3A_232 = arith.constant 0 : i32
        %cond3A_233 = arith.cmpi ne, %convert_element_type3A_231, %cond3A_232 : i32
        scf.if %cond3A_233 {
          %sub3A_256 = arith.constant 1 : i32
          %sub3A_257 = arith.subi %add3A_187, %sub3A_256 : i32
          %mul3A_258 = arith.constant 64 : i32
          %mul3A_259 = arith.muli %sub3A_257, %mul3A_258 : i32
          %dma_wait3A_260 = tpu.memref_slice %arg8[%mul3A_259] : memref<1600xi32, #tpu.memory_space<vmem>> -> memref<64xi32, #tpu.memory_space<vmem>>
          %dma_wait3A_261 = arith.constant 0 : i32
          %dma_wait3A_262 = arith.constant 0 : i32
          %dma_wait3A_263 = tpu.memref_slice %arg12[%dma_wait3A_261, %dma_wait3A_262] : memref<5248x128xf32, #tpu.memory_space<vmem_shared>> -> memref<5248x128xf32, #tpu.memory_space<vmem_shared>>
          tpu.wait_indirect_dma semaphore(%arg19 : memref<!tpu.dma_semaphore, #tpu.memory_space<semaphore_mem>>) src(%arg9 : memref<64x128xf32, #tpu.memory_space<vmem>>) dst(%dma_wait3A_263 : memref<5248x128xf32, #tpu.memory_space<vmem_shared>>)
        } else {
        }
        %mul3A_234 = arith.constant 64 : i32
        %mul3A_235 = arith.muli %add3A_187, %mul3A_234 : i32
        %dma_wait3A = tpu.memref_slice %arg7[%mul3A_235] : memref<1600xi32, #tpu.memory_space<vmem>> -> memref<64xi32, #tpu.memory_space<vmem>>
        %dma_wait3A_236 = arith.constant 0 : i32
        %dma_wait3A_237 = arith.constant 0 : i32
        %dma_wait3A_238 = tpu.memref_slice %arg2[%dma_wait3A_236, %dma_wait3A_237] : memref<320000x128xf32, #tpu.memory_space<hbm>> -> memref<320000x128xf32, #tpu.memory_space<hbm>>
        tpu.wait_indirect_dma semaphore(%arg16 : memref<!tpu.dma_semaphore, #tpu.memory_space<semaphore_mem>>) src(%dma_wait3A_238 : memref<320000x128xf32, #tpu.memory_space<hbm>>) dst(%arg10 : memref<64x128xf32, #tpu.memory_space<vmem>>)
        %add3A_239 = arith.constant 1 : i32
        %add3A_240 = arith.addi %add3A_187, %add3A_239 : i32
        %lt3A_241 = arith.cmpi slt, %add3A_240, %select_n3A : i32
        %convert_element_type3A_242 = arith.extui %lt3A_241 : i1 to i32
        %cond3A_243 = arith.constant 0 : i32
        %cond3A_244 = arith.cmpi ne, %convert_element_type3A_242, %cond3A_243 : i32
        scf.if %cond3A_244 {
          %add3A_256 = arith.constant 1 : i32
          %add3A_257 = arith.addi %add3A_187, %add3A_256 : i32
          %mul3A_258 = arith.constant 64 : i32
          %mul3A_259 = arith.muli %add3A_257, %mul3A_258 : i32
          %dma_start3A_260 = tpu.memref_slice %arg7[%mul3A_259] : memref<1600xi32, #tpu.memory_space<vmem>> -> memref<64xi32, #tpu.memory_space<vmem>>
          %dma_start3A_261 = arith.constant 0 : i32
          %dma_start3A_262 = arith.constant 0 : i32
          %dma_start3A_263 = tpu.memref_slice %arg2[%dma_start3A_261, %dma_start3A_262] : memref<320000x128xf32, #tpu.memory_space<hbm>> -> memref<320000x128xf32, #tpu.memory_space<hbm>>
          tpu.enqueue_indirect_dma source(%dma_start3A_263 : memref<320000x128xf32, #tpu.memory_space<hbm>>) target(%arg9 : memref<64x128xf32, #tpu.memory_space<vmem>>) offsets(%dma_start3A_260 : memref<64xi32, #tpu.memory_space<vmem>>) semaphore(%arg15 : memref<!tpu.dma_semaphore, #tpu.memory_space<semaphore_mem>>)
        } else {
        }
        %mul3A_245 = arith.constant 64 : i32
        %mul3A_246 = arith.muli %add3A_187, %mul3A_245 : i32
        %dma_start3A_247 = tpu.memref_slice %arg8[%mul3A_246] : memref<1600xi32, #tpu.memory_space<vmem>> -> memref<64xi32, #tpu.memory_space<vmem>>
        %dma_start3A_248 = arith.constant 0 : i32
        %dma_start3A_249 = arith.constant 0 : i32
        %dma_start3A_250 = tpu.memref_slice %arg12[%dma_start3A_248, %dma_start3A_249] : memref<5248x128xf32, #tpu.memory_space<vmem_shared>> -> memref<5248x128xf32, #tpu.memory_space<vmem_shared>>
        tpu.enqueue_indirect_dma source(%arg10 : memref<64x128xf32, #tpu.memory_space<vmem>>) target(%dma_start3A_250 : memref<5248x128xf32, #tpu.memory_space<vmem_shared>>) offsets(%dma_start3A_247 : memref<64xi32, #tpu.memory_space<vmem>>) semaphore(%arg20 : memref<!tpu.dma_semaphore, #tpu.memory_space<semaphore_mem>>) {add = true}
        %scan3A_251 = arith.constant 0 : i32
        %scan3A_252 = arith.constant 64 : i32
        %scan3A_253 = arith.addi %scan3A_251, %scan3A_252 : i32
        %scan3A_254 = arith.constant 1 : i32
        scf.for %scan3A_256 = %scan3A_251 to %scan3A_253 step %scan3A_254  : i32 {
          %mul3A_257 = arith.constant 1 : i32
          %mul3A_258 = arith.muli %scan3A_256, %mul3A_257 : i32
          %add3A_259 = arith.constant 0 : i32
          %add3A_260 = arith.addi %add3A_259, %mul3A_258 : i32
          %mul3A_261 = arith.constant 64 : i32
          %mul3A_262 = arith.muli %add3A_187, %mul3A_261 : i32
          %add3A_263 = arith.addi %mul3A_262, %add3A_260 : i32
          %get3A_264 = arith.index_cast %add3A_263 : i32 to index
          %get3A_265 = tpu.vector_load %arg8[%get3A_264] {strides = array<i32>} : memref<1600xi32, #tpu.memory_space<vmem>>, vector<16xi32>,
          %slice3A = vector.extract_strided_slice %get3A_265 {offsets = [0], sizes = [1], strides = [1]} : vector<16xi32> to vector<1xi32>
          %squeeze3A = vector.extract %slice3A[0] : i32 from vector<1xi32>
          %sub3A_266 = arith.subi %squeeze3A, %mul3A_4 : i32
          %get3A_267 = arith.index_cast %sub3A_266 : i32 to index
          %get3A_268 = memref.load %arg13[%get3A_267] : memref<328xi32, #tpu.memory_space<smem>>
          %add3A_269 = arith.constant 1 : i32
          %add3A_270 = arith.addi %get3A_268, %add3A_269 : i32
          %swap3A_271 = arith.index_cast %sub3A_266 : i32 to index
          %swap3A_272 = memref.load %arg13[%swap3A_271] : memref<328xi32, #tpu.memory_space<smem>>
          memref.store %add3A_270, %arg13[%swap3A_271] : memref<328xi32, #tpu.memory_space<smem>>
          %scan3A_273 = arith.constant 0 : i32
          %scan3A_274 = arith.constant 8 : i32
          %scan3A_275 = arith.addi %scan3A_273, %scan3A_274 : i32
          %scan3A_276 = arith.constant 1 : i32
          scf.for %scan3A_278 = %scan3A_273 to %scan3A_275 step %scan3A_276  : i32 {
            %mul3A_279 = arith.constant 16 : i32
            %mul3A_280 = arith.muli %scan3A_278, %mul3A_279 : i32
            %add3A_281 = arith.constant 0 : i32
            %add3A_282 = arith.addi %add3A_281, %mul3A_280 : i32
            %get3A_283 = arith.index_cast %add3A_260 : i32 to index
            %get3A_284 = arith.index_cast %add3A_282 : i32 to index
            %get3A_285 = tpu.vector_load %arg10[%get3A_283, %get3A_284] {strides = array<i32>} : memref<64x128xf32, #tpu.memory_space<vmem>>, vector<16xf32>,
            %get3A_286 = arith.index_cast %sub3A_266 : i32 to index
            %get3A_287 = arith.index_cast %add3A_282 : i32 to index
            %get3A_288 = tpu.vector_load %arg11[%get3A_286, %get3A_287] {strides = array<i32>} : memref<328x128xf32, #tpu.memory_space<vmem>>, vector<16xf32>,
            %max3A = arith.maximumf %get3A_288, %get3A_285 : vector<16xf32>
            %swap3A_289 = arith.index_cast %sub3A_266 : i32 to index
            %swap3A_290 = arith.index_cast %add3A_282 : i32 to index
            %swap3A_291 = tpu.vector_load %arg11[%swap3A_289, %swap3A_290] {strides = array<i32>} : memref<328x128xf32, #tpu.memory_space<vmem>>, vector<16xf32>,
            tpu.vector_store %arg11[%swap3A_289, %swap3A_290], %max3A {strides = array<i32>} : memref<328x128xf32, #tpu.memory_space<vmem>>, vector<16xf32>,
          }
          %scan3A_277 = arith.constant 8 : i32
        }
        %scan3A_255 = arith.constant 64 : i32
      } else {
      }
    }
    %while3A_135 = arith.constant 1 : i32
    scf.for %while3A_185 = %while3A_133 to %while3A_129 step %while3A_135  : i32 {
      %mul3A_186 = arith.muli %while3A_185, %while3A : i32
      %add3A_187 = arith.addi %while3A_126, %mul3A_186 : i32
      %jit3A_188 = arith.constant 2 : i32
      %eq3A_189 = arith.constant 0 : i32
      %eq3A_190 = arith.cmpi eq, %jit3A_188, %eq3A_189 : i32
      %jit3A_191 = arith.constant 1 : i32
      %select_n3A_192 = arith.select %eq3A_190, %jit3A_191, %jit3A_188 : i32
      %rem3A_193 = arith.remsi %add3A_187, %select_n3A_192 : i32
      %ne3A_194 = arith.constant 0 : i32
      %ne3A_195 = arith.cmpi ne, %rem3A_193, %ne3A_194 : i32
      %lt3A_196 = arith.constant 0 : i32
      %lt3A_197 = arith.cmpi slt, %rem3A_193, %lt3A_196 : i32
      %lt3A_198 = arith.constant 0 : i32
      %lt3A_199 = arith.cmpi slt, %select_n3A_192, %lt3A_198 : i32
      %ne3A_200 = arith.xori %lt3A_197, %lt3A_199 : i1
      %and3A_201 = arith.andi %ne3A_200, %ne3A_195 : i1
      %add3A_202 = arith.addi %rem3A_193, %select_n3A_192 : i32
      %select_n3A_203 = arith.select %and3A_201, %add3A_202, %rem3A_193 : i32
      %eq3A_204 = arith.constant 0 : i32
      %eq3A_205 = arith.cmpi eq, %select_n3A_203, %eq3A_204 : i32
      %convert_element_type3A_206 = arith.extui %eq3A_205 : i1 to i32
      %cond3A_207 = arith.constant 0 : i32
      %cond3A_208 = arith.cmpi ne, %convert_element_type3A_206, %cond3A_207 : i32
      scf.if %cond3A_208 {
        %ge3A = arith.constant 1 : i32
        %ge3A_230 = arith.cmpi sge, %add3A_187, %ge3A : i32
        %convert_element_type3A_231 = arith.extui %ge3A_230 : i1 to i32
        %cond3A_232 = arith.constant 0 : i32
        %cond3A_233 = arith.cmpi ne, %convert_element_type3A_231, %cond3A_232 : i32
        scf.if %cond3A_233 {
          %sub3A_256 = arith.constant 1 : i32
          %sub3A_257 = arith.subi %add3A_187, %sub3A_256 : i32
          %mul3A_258 = arith.constant 64 : i32
          %mul3A_259 = arith.muli %sub3A_257, %mul3A_258 : i32
          %dma_wait3A_260 = tpu.memref_slice %arg8[%mul3A_259] : memref<1600xi32, #tpu.memory_space<vmem>> -> memref<64xi32, #tpu.memory_space<vmem>>
          %dma_wait3A_261 = arith.constant 0 : i32
          %dma_wait3A_262 = arith.constant 0 : i32
          %dma_wait3A_263 = tpu.memref_slice %arg12[%dma_wait3A_261, %dma_wait3A_262] : memref<5248x128xf32, #tpu.memory_space<vmem_shared>> -> memref<5248x128xf32, #tpu.memory_space<vmem_shared>>
          tpu.wait_indirect_dma semaphore(%arg20 : memref<!tpu.dma_semaphore, #tpu.memory_space<semaphore_mem>>) src(%arg10 : memref<64x128xf32, #tpu.memory_space<vmem>>) dst(%dma_wait3A_263 : memref<5248x128xf32, #tpu.memory_space<vmem_shared>>)
        } else {
        }
        %mul3A_234 = arith.constant 64 : i32
        %mul3A_235 = arith.muli %add3A_187, %mul3A_234 : i32
        %dma_wait3A = tpu.memref_slice %arg7[%mul3A_235] : memref<1600xi32, #tpu.memory_space<vmem>> -> memref<64xi32, #tpu.memory_space<vmem>>
        %dma_wait3A_236 = arith.constant 0 : i32
        %dma_wait3A_237 = arith.constant 0 : i32
        %dma_wait3A_238 = tpu.memref_slice %arg2[%dma_wait3A_236, %dma_wait3A_237] : memref<320000x128xf32, #tpu.memory_space<hbm>> -> memref<320000x128xf32, #tpu.memory_space<hbm>>
        tpu.wait_indirect_dma semaphore(%arg15 : memref<!tpu.dma_semaphore, #tpu.memory_space<semaphore_mem>>) src(%dma_wait3A_238 : memref<320000x128xf32, #tpu.memory_space<hbm>>) dst(%arg9 : memref<64x128xf32, #tpu.memory_space<vmem>>)
        %add3A_239 = arith.constant 1 : i32
        %add3A_240 = arith.addi %add3A_187, %add3A_239 : i32
        %lt3A_241 = arith.cmpi slt, %add3A_240, %select_n3A : i32
        %convert_element_type3A_242 = arith.extui %lt3A_241 : i1 to i32
        %cond3A_243 = arith.constant 0 : i32
        %cond3A_244 = arith.cmpi ne, %convert_element_type3A_242, %cond3A_243 : i32
        scf.if %cond3A_244 {
          %add3A_256 = arith.constant 1 : i32
          %add3A_257 = arith.addi %add3A_187, %add3A_256 : i32
          %mul3A_258 = arith.constant 64 : i32
          %mul3A_259 = arith.muli %add3A_257, %mul3A_258 : i32
          %dma_start3A_260 = tpu.memref_slice %arg7[%mul3A_259] : memref<1600xi32, #tpu.memory_space<vmem>> -> memref<64xi32, #tpu.memory_space<vmem>>
          %dma_start3A_261 = arith.constant 0 : i32
          %dma_start3A_262 = arith.constant 0 : i32
          %dma_start3A_263 = tpu.memref_slice %arg2[%dma_start3A_261, %dma_start3A_262] : memref<320000x128xf32, #tpu.memory_space<hbm>> -> memref<320000x128xf32, #tpu.memory_space<hbm>>
          tpu.enqueue_indirect_dma source(%dma_start3A_263 : memref<320000x128xf32, #tpu.memory_space<hbm>>) target(%arg10 : memref<64x128xf32, #tpu.memory_space<vmem>>) offsets(%dma_start3A_260 : memref<64xi32, #tpu.memory_space<vmem>>) semaphore(%arg16 : memref<!tpu.dma_semaphore, #tpu.memory_space<semaphore_mem>>)
        } else {
        }
        %mul3A_245 = arith.constant 64 : i32
        %mul3A_246 = arith.muli %add3A_187, %mul3A_245 : i32
        %dma_start3A_247 = tpu.memref_slice %arg8[%mul3A_246] : memref<1600xi32, #tpu.memory_space<vmem>> -> memref<64xi32, #tpu.memory_space<vmem>>
        %dma_start3A_248 = arith.constant 0 : i32
        %dma_start3A_249 = arith.constant 0 : i32
        %dma_start3A_250 = tpu.memref_slice %arg12[%dma_start3A_248, %dma_start3A_249] : memref<5248x128xf32, #tpu.memory_space<vmem_shared>> -> memref<5248x128xf32, #tpu.memory_space<vmem_shared>>
        tpu.enqueue_indirect_dma source(%arg9 : memref<64x128xf32, #tpu.memory_space<vmem>>) target(%dma_start3A_250 : memref<5248x128xf32, #tpu.memory_space<vmem_shared>>) offsets(%dma_start3A_247 : memref<64xi32, #tpu.memory_space<vmem>>) semaphore(%arg19 : memref<!tpu.dma_semaphore, #tpu.memory_space<semaphore_mem>>) {add = true}
        %scan3A_251 = arith.constant 0 : i32
        %scan3A_252 = arith.constant 64 : i32
        %scan3A_253 = arith.addi %scan3A_251, %scan3A_252 : i32
        %scan3A_254 = arith.constant 1 : i32
        scf.for %scan3A_256 = %scan3A_251 to %scan3A_253 step %scan3A_254  : i32 {
          %mul3A_257 = arith.constant 1 : i32
          %mul3A_258 = arith.muli %scan3A_256, %mul3A_257 : i32
          %add3A_259 = arith.constant 0 : i32
          %add3A_260 = arith.addi %add3A_259, %mul3A_258 : i32
          %mul3A_261 = arith.constant 64 : i32
          %mul3A_262 = arith.muli %add3A_187, %mul3A_261 : i32
          %add3A_263 = arith.addi %mul3A_262, %add3A_260 : i32
          %get3A_264 = arith.index_cast %add3A_263 : i32 to index
          %get3A_265 = tpu.vector_load %arg8[%get3A_264] {strides = array<i32>} : memref<1600xi32, #tpu.memory_space<vmem>>, vector<16xi32>,
          %slice3A = vector.extract_strided_slice %get3A_265 {offsets = [0], sizes = [1], strides = [1]} : vector<16xi32> to vector<1xi32>
          %squeeze3A = vector.extract %slice3A[0] : i32 from vector<1xi32>
          %sub3A_266 = arith.subi %squeeze3A, %mul3A_4 : i32
          %get3A_267 = arith.index_cast %sub3A_266 : i32 to index
          %get3A_268 = memref.load %arg13[%get3A_267] : memref<328xi32, #tpu.memory_space<smem>>
          %add3A_269 = arith.constant 1 : i32
          %add3A_270 = arith.addi %get3A_268, %add3A_269 : i32
          %swap3A_271 = arith.index_cast %sub3A_266 : i32 to index
          %swap3A_272 = memref.load %arg13[%swap3A_271] : memref<328xi32, #tpu.memory_space<smem>>
          memref.store %add3A_270, %arg13[%swap3A_271] : memref<328xi32, #tpu.memory_space<smem>>
          %scan3A_273 = arith.constant 0 : i32
          %scan3A_274 = arith.constant 8 : i32
          %scan3A_275 = arith.addi %scan3A_273, %scan3A_274 : i32
          %scan3A_276 = arith.constant 1 : i32
          scf.for %scan3A_278 = %scan3A_273 to %scan3A_275 step %scan3A_276  : i32 {
            %mul3A_279 = arith.constant 16 : i32
            %mul3A_280 = arith.muli %scan3A_278, %mul3A_279 : i32
            %add3A_281 = arith.constant 0 : i32
            %add3A_282 = arith.addi %add3A_281, %mul3A_280 : i32
            %get3A_283 = arith.index_cast %add3A_260 : i32 to index
            %get3A_284 = arith.index_cast %add3A_282 : i32 to index
            %get3A_285 = tpu.vector_load %arg9[%get3A_283, %get3A_284] {strides = array<i32>} : memref<64x128xf32, #tpu.memory_space<vmem>>, vector<16xf32>,
            %get3A_286 = arith.index_cast %sub3A_266 : i32 to index
            %get3A_287 = arith.index_cast %add3A_282 : i32 to index
            %get3A_288 = tpu.vector_load %arg11[%get3A_286, %get3A_287] {strides = array<i32>} : memref<328x128xf32, #tpu.memory_space<vmem>>, vector<16xf32>,
            %max3A = arith.maximumf %get3A_288, %get3A_285 : vector<16xf32>
            %swap3A_289 = arith.index_cast %sub3A_266 : i32 to index
            %swap3A_290 = arith.index_cast %add3A_282 : i32 to index
            %swap3A_291 = tpu.vector_load %arg11[%swap3A_289, %swap3A_290] {strides = array<i32>} : memref<328x128xf32, #tpu.memory_space<vmem>>, vector<16xf32>,
            tpu.vector_store %arg11[%swap3A_289, %swap3A_290], %max3A {strides = array<i32>} : memref<328x128xf32, #tpu.memory_space<vmem>>, vector<16xf32>,
          }
          %scan3A_277 = arith.constant 8 : i32
        }
        %scan3A_255 = arith.constant 64 : i32
      } else {
      }
      %jit3A_209 = arith.constant 2 : i32
      %eq3A_210 = arith.constant 0 : i32
      %eq3A_211 = arith.cmpi eq, %jit3A_209, %eq3A_210 : i32
      %jit3A_212 = arith.constant 1 : i32
      %select_n3A_213 = arith.select %eq3A_211, %jit3A_212, %jit3A_209 : i32
      %rem3A_214 = arith.remsi %add3A_187, %select_n3A_213 : i32
      %ne3A_215 = arith.constant 0 : i32
      %ne3A_216 = arith.cmpi ne, %rem3A_214, %ne3A_215 : i32
      %lt3A_217 = arith.constant 0 : i32
      %lt3A_218 = arith.cmpi slt, %rem3A_214, %lt3A_217 : i32
      %lt3A_219 = arith.constant 0 : i32
      %lt3A_220 = arith.cmpi slt, %select_n3A_213, %lt3A_219 : i32
      %ne3A_221 = arith.xori %lt3A_218, %lt3A_220 : i1
      %and3A_222 = arith.andi %ne3A_221, %ne3A_216 : i1
      %add3A_223 = arith.addi %rem3A_214, %select_n3A_213 : i32
      %select_n3A_224 = arith.select %and3A_222, %add3A_223, %rem3A_214 : i32
      %eq3A_225 = arith.constant 1 : i32
      %eq3A_226 = arith.cmpi eq, %select_n3A_224, %eq3A_225 : i32
      %convert_element_type3A_227 = arith.extui %eq3A_226 : i1 to i32
      %cond3A_228 = arith.constant 0 : i32
      %cond3A_229 = arith.cmpi ne, %convert_element_type3A_227, %cond3A_228 : i32
      scf.if %cond3A_229 {
        %ge3A = arith.constant 1 : i32
        %ge3A_230 = arith.cmpi sge, %add3A_187, %ge3A : i32
        %convert_element_type3A_231 = arith.extui %ge3A_230 : i1 to i32
        %cond3A_232 = arith.constant 0 : i32
        %cond3A_233 = arith.cmpi ne, %convert_element_type3A_231, %cond3A_232 : i32
        scf.if %cond3A_233 {
          %sub3A_256 = arith.constant 1 : i32
          %sub3A_257 = arith.subi %add3A_187, %sub3A_256 : i32
          %mul3A_258 = arith.constant 64 : i32
          %mul3A_259 = arith.muli %sub3A_257, %mul3A_258 : i32
          %dma_wait3A_260 = tpu.memref_slice %arg8[%mul3A_259] : memref<1600xi32, #tpu.memory_space<vmem>> -> memref<64xi32, #tpu.memory_space<vmem>>
          %dma_wait3A_261 = arith.constant 0 : i32
          %dma_wait3A_262 = arith.constant 0 : i32
          %dma_wait3A_263 = tpu.memref_slice %arg12[%dma_wait3A_261, %dma_wait3A_262] : memref<5248x128xf32, #tpu.memory_space<vmem_shared>> -> memref<5248x128xf32, #tpu.memory_space<vmem_shared>>
          tpu.wait_indirect_dma semaphore(%arg19 : memref<!tpu.dma_semaphore, #tpu.memory_space<semaphore_mem>>) src(%arg9 : memref<64x128xf32, #tpu.memory_space<vmem>>) dst(%dma_wait3A_263 : memref<5248x128xf32, #tpu.memory_space<vmem_shared>>)
        } else {
        }
        %mul3A_234 = arith.constant 64 : i32
        %mul3A_235 = arith.muli %add3A_187, %mul3A_234 : i32
        %dma_wait3A = tpu.memref_slice %arg7[%mul3A_235] : memref<1600xi32, #tpu.memory_space<vmem>> -> memref<64xi32, #tpu.memory_space<vmem>>
        %dma_wait3A_236 = arith.constant 0 : i32
        %dma_wait3A_237 = arith.constant 0 : i32
        %dma_wait3A_238 = tpu.memref_slice %arg2[%dma_wait3A_236, %dma_wait3A_237] : memref<320000x128xf32, #tpu.memory_space<hbm>> -> memref<320000x128xf32, #tpu.memory_space<hbm>>
        tpu.wait_indirect_dma semaphore(%arg16 : memref<!tpu.dma_semaphore, #tpu.memory_space<semaphore_mem>>) src(%dma_wait3A_238 : memref<320000x128xf32, #tpu.memory_space<hbm>>) dst(%arg10 : memref<64x128xf32, #tpu.memory_space<vmem>>)
        %add3A_239 = arith.constant 1 : i32
        %add3A_240 = arith.addi %add3A_187, %add3A_239 : i32
        %lt3A_241 = arith.cmpi slt, %add3A_240, %select_n3A : i32
        %convert_element_type3A_242 = arith.extui %lt3A_241 : i1 to i32
        %cond3A_243 = arith.constant 0 : i32
        %cond3A_244 = arith.cmpi ne, %convert_element_type3A_242, %cond3A_243 : i32
        scf.if %cond3A_244 {
          %add3A_256 = arith.constant 1 : i32
          %add3A_257 = arith.addi %add3A_187, %add3A_256 : i32
          %mul3A_258 = arith.constant 64 : i32
          %mul3A_259 = arith.muli %add3A_257, %mul3A_258 : i32
          %dma_start3A_260 = tpu.memref_slice %arg7[%mul3A_259] : memref<1600xi32, #tpu.memory_space<vmem>> -> memref<64xi32, #tpu.memory_space<vmem>>
          %dma_start3A_261 = arith.constant 0 : i32
          %dma_start3A_262 = arith.constant 0 : i32
          %dma_start3A_263 = tpu.memref_slice %arg2[%dma_start3A_261, %dma_start3A_262] : memref<320000x128xf32, #tpu.memory_space<hbm>> -> memref<320000x128xf32, #tpu.memory_space<hbm>>
          tpu.enqueue_indirect_dma source(%dma_start3A_263 : memref<320000x128xf32, #tpu.memory_space<hbm>>) target(%arg9 : memref<64x128xf32, #tpu.memory_space<vmem>>) offsets(%dma_start3A_260 : memref<64xi32, #tpu.memory_space<vmem>>) semaphore(%arg15 : memref<!tpu.dma_semaphore, #tpu.memory_space<semaphore_mem>>)
        } else {
        }
        %mul3A_245 = arith.constant 64 : i32
        %mul3A_246 = arith.muli %add3A_187, %mul3A_245 : i32
        %dma_start3A_247 = tpu.memref_slice %arg8[%mul3A_246] : memref<1600xi32, #tpu.memory_space<vmem>> -> memref<64xi32, #tpu.memory_space<vmem>>
        %dma_start3A_248 = arith.constant 0 : i32
        %dma_start3A_249 = arith.constant 0 : i32
        %dma_start3A_250 = tpu.memref_slice %arg12[%dma_start3A_248, %dma_start3A_249] : memref<5248x128xf32, #tpu.memory_space<vmem_shared>> -> memref<5248x128xf32, #tpu.memory_space<vmem_shared>>
        tpu.enqueue_indirect_dma source(%arg10 : memref<64x128xf32, #tpu.memory_space<vmem>>) target(%dma_start3A_250 : memref<5248x128xf32, #tpu.memory_space<vmem_shared>>) offsets(%dma_start3A_247 : memref<64xi32, #tpu.memory_space<vmem>>) semaphore(%arg20 : memref<!tpu.dma_semaphore, #tpu.memory_space<semaphore_mem>>) {add = true}
        %scan3A_251 = arith.constant 0 : i32
        %scan3A_252 = arith.constant 64 : i32
        %scan3A_253 = arith.addi %scan3A_251, %scan3A_252 : i32
        %scan3A_254 = arith.constant 1 : i32
        scf.for %scan3A_256 = %scan3A_251 to %scan3A_253 step %scan3A_254  : i32 {
          %mul3A_257 = arith.constant 1 : i32
          %mul3A_258 = arith.muli %scan3A_256, %mul3A_257 : i32
          %add3A_259 = arith.constant 0 : i32
          %add3A_260 = arith.addi %add3A_259, %mul3A_258 : i32
          %mul3A_261 = arith.constant 64 : i32
          %mul3A_262 = arith.muli %add3A_187, %mul3A_261 : i32
          %add3A_263 = arith.addi %mul3A_262, %add3A_260 : i32
          %get3A_264 = arith.index_cast %add3A_263 : i32 to index
          %get3A_265 = tpu.vector_load %arg8[%get3A_264] {strides = array<i32>} : memref<1600xi32, #tpu.memory_space<vmem>>, vector<16xi32>,
          %slice3A = vector.extract_strided_slice %get3A_265 {offsets = [0], sizes = [1], strides = [1]} : vector<16xi32> to vector<1xi32>
          %squeeze3A = vector.extract %slice3A[0] : i32 from vector<1xi32>
          %sub3A_266 = arith.subi %squeeze3A, %mul3A_4 : i32
          %get3A_267 = arith.index_cast %sub3A_266 : i32 to index
          %get3A_268 = memref.load %arg13[%get3A_267] : memref<328xi32, #tpu.memory_space<smem>>
          %add3A_269 = arith.constant 1 : i32
          %add3A_270 = arith.addi %get3A_268, %add3A_269 : i32
          %swap3A_271 = arith.index_cast %sub3A_266 : i32 to index
          %swap3A_272 = memref.load %arg13[%swap3A_271] : memref<328xi32, #tpu.memory_space<smem>>
          memref.store %add3A_270, %arg13[%swap3A_271] : memref<328xi32, #tpu.memory_space<smem>>
          %scan3A_273 = arith.constant 0 : i32
          %scan3A_274 = arith.constant 8 : i32
          %scan3A_275 = arith.addi %scan3A_273, %scan3A_274 : i32
          %scan3A_276 = arith.constant 1 : i32
          scf.for %scan3A_278 = %scan3A_273 to %scan3A_275 step %scan3A_276  : i32 {
            %mul3A_279 = arith.constant 16 : i32
            %mul3A_280 = arith.muli %scan3A_278, %mul3A_279 : i32
            %add3A_281 = arith.constant 0 : i32
            %add3A_282 = arith.addi %add3A_281, %mul3A_280 : i32
            %get3A_283 = arith.index_cast %add3A_260 : i32 to index
            %get3A_284 = arith.index_cast %add3A_282 : i32 to index
            %get3A_285 = tpu.vector_load %arg10[%get3A_283, %get3A_284] {strides = array<i32>} : memref<64x128xf32, #tpu.memory_space<vmem>>, vector<16xf32>,
            %get3A_286 = arith.index_cast %sub3A_266 : i32 to index
            %get3A_287 = arith.index_cast %add3A_282 : i32 to index
            %get3A_288 = tpu.vector_load %arg11[%get3A_286, %get3A_287] {strides = array<i32>} : memref<328x128xf32, #tpu.memory_space<vmem>>, vector<16xf32>,
            %max3A = arith.maximumf %get3A_288, %get3A_285 : vector<16xf32>
            %swap3A_289 = arith.index_cast %sub3A_266 : i32 to index
            %swap3A_290 = arith.index_cast %add3A_282 : i32 to index
            %swap3A_291 = tpu.vector_load %arg11[%swap3A_289, %swap3A_290] {strides = array<i32>} : memref<328x128xf32, #tpu.memory_space<vmem>>, vector<16xf32>,
            tpu.vector_store %arg11[%swap3A_289, %swap3A_290], %max3A {strides = array<i32>} : memref<328x128xf32, #tpu.memory_space<vmem>>, vector<16xf32>,
          }
          %scan3A_277 = arith.constant 8 : i32
        }
        %scan3A_255 = arith.constant 64 : i32
      } else {
      }
    }
    %jit3A_136 = arith.constant 2 : i32
    %eq3A = arith.constant 0 : i32
    %eq3A_137 = arith.cmpi eq, %jit3A_136, %eq3A : i32
    %jit3A_138 = arith.constant 1 : i32
    %select_n3A_139 = arith.select %eq3A_137, %jit3A_138, %jit3A_136 : i32
    %rem3A_140 = arith.remsi %select_n3A, %select_n3A_139 : i32
    %ne3A_141 = arith.constant 0 : i32
    %ne3A_142 = arith.cmpi ne, %rem3A_140, %ne3A_141 : i32
    %lt3A_143 = arith.constant 0 : i32
    %lt3A_144 = arith.cmpi slt, %rem3A_140, %lt3A_143 : i32
    %lt3A_145 = arith.constant 0 : i32
    %lt3A_146 = arith.cmpi slt, %select_n3A_139, %lt3A_145 : i32
    %ne3A_147 = arith.xori %lt3A_144, %lt3A_146 : i1
    %and3A_148 = arith.andi %ne3A_147, %ne3A_142 : i1
    %add3A_149 = arith.addi %rem3A_140, %select_n3A_139 : i32
    %select_n3A_150 = arith.select %and3A_148, %add3A_149, %rem3A_140 : i32
    %eq3A_151 = arith.constant 1 : i32
    %eq3A_152 = arith.cmpi eq, %select_n3A_150, %eq3A_151 : i32
    %convert_element_type3A_153 = arith.extui %eq3A_152 : i1 to i32
    %cond3A_154 = arith.constant 0 : i32
    %cond3A_155 = arith.cmpi ne, %convert_element_type3A_153, %cond3A_154 : i32
    scf.if %cond3A_155 {
      %sub3A_185 = arith.constant 1 : i32
      %sub3A_186 = arith.subi %select_n3A, %sub3A_185 : i32
      %mul3A_187 = arith.constant 64 : i32
      %mul3A_188 = arith.muli %sub3A_186, %mul3A_187 : i32
      %dma_wait3A = tpu.memref_slice %arg8[%mul3A_188] : memref<1600xi32, #tpu.memory_space<vmem>> -> memref<64xi32, #tpu.memory_space<vmem>>
      %dma_wait3A_189 = arith.constant 0 : i32
      %dma_wait3A_190 = arith.constant 0 : i32
      %dma_wait3A_191 = tpu.memref_slice %arg12[%dma_wait3A_189, %dma_wait3A_190] : memref<5248x128xf32, #tpu.memory_space<vmem_shared>> -> memref<5248x128xf32, #tpu.memory_space<vmem_shared>>
      tpu.wait_indirect_dma semaphore(%arg19 : memref<!tpu.dma_semaphore, #tpu.memory_space<semaphore_mem>>) src(%arg9 : memref<64x128xf32, #tpu.memory_space<vmem>>) dst(%dma_wait3A_191 : memref<5248x128xf32, #tpu.memory_space<vmem_shared>>)
    } else {
    }
    %gt3A_156 = arith.constant 0 : i32
    %gt3A_157 = arith.cmpi sgt, %select_n3A, %gt3A_156 : i32
    %jit3A_158 = arith.constant 2 : i32
    %eq3A_159 = arith.constant 0 : i32
    %eq3A_160 = arith.cmpi eq, %jit3A_158, %eq3A_159 : i32
    %jit3A_161 = arith.constant 1 : i32
    %select_n3A_162 = arith.select %eq3A_160, %jit3A_161, %jit3A_158 : i32
    %rem3A_163 = arith.remsi %select_n3A, %select_n3A_162 : i32
    %ne3A_164 = arith.constant 0 : i32
    %ne3A_165 = arith.cmpi ne, %rem3A_163, %ne3A_164 : i32
    %lt3A_166 = arith.constant 0 : i32
    %lt3A_167 = arith.cmpi slt, %rem3A_163, %lt3A_166 : i32
    %lt3A_168 = arith.constant 0 : i32
    %lt3A_169 = arith.cmpi slt, %select_n3A_162, %lt3A_168 : i32
    %ne3A_170 = arith.xori %lt3A_167, %lt3A_169 : i1
    %and3A_171 = arith.andi %ne3A_170, %ne3A_165 : i1
    %add3A_172 = arith.addi %rem3A_163, %select_n3A_162 : i32
    %select_n3A_173 = arith.select %and3A_171, %add3A_172, %rem3A_163 : i32
    %eq3A_174 = arith.constant 0 : i32
    %eq3A_175 = arith.cmpi eq, %select_n3A_173, %eq3A_174 : i32
    %and3A_176 = arith.andi %gt3A_157, %eq3A_175 : i1
    %convert_element_type3A_177 = arith.extui %and3A_176 : i1 to i32
    %cond3A_178 = arith.constant 0 : i32
    %cond3A_179 = arith.cmpi ne, %convert_element_type3A_177, %cond3A_178 : i32
    scf.if %cond3A_179 {
      %sub3A_185 = arith.constant 1 : i32
      %sub3A_186 = arith.subi %select_n3A, %sub3A_185 : i32
      %mul3A_187 = arith.constant 64 : i32
      %mul3A_188 = arith.muli %sub3A_186, %mul3A_187 : i32
      %dma_wait3A = tpu.memref_slice %arg8[%mul3A_188] : memref<1600xi32, #tpu.memory_space<vmem>> -> memref<64xi32, #tpu.memory_space<vmem>>
      %dma_wait3A_189 = arith.constant 0 : i32
      %dma_wait3A_190 = arith.constant 0 : i32
      %dma_wait3A_191 = tpu.memref_slice %arg12[%dma_wait3A_189, %dma_wait3A_190] : memref<5248x128xf32, #tpu.memory_space<vmem_shared>> -> memref<5248x128xf32, #tpu.memory_space<vmem_shared>>
      tpu.wait_indirect_dma semaphore(%arg20 : memref<!tpu.dma_semaphore, #tpu.memory_space<semaphore_mem>>) src(%arg10 : memref<64x128xf32, #tpu.memory_space<vmem>>) dst(%dma_wait3A_191 : memref<5248x128xf32, #tpu.memory_space<vmem_shared>>)
    } else {
    }
    %scan3A_180 = arith.constant 0 : i32
    %scan3A_181 = arith.constant 5 : i32
    %scan3A_182 = arith.addi %scan3A_180, %scan3A_181 : i32
    %scan3A_183 = arith.constant 1 : i32
    scf.for %scan3A_185 = %scan3A_180 to %scan3A_182 step %scan3A_183  : i32 {
      %mul3A_186 = arith.constant 1 : i32
      %mul3A_187 = arith.muli %scan3A_185, %mul3A_186 : i32
      %add3A_188 = arith.constant 0 : i32
      %add3A_189 = arith.addi %add3A_188, %mul3A_187 : i32
      %mul3A_190 = arith.constant 64 : i32
      %mul3A_191 = arith.muli %add3A_189, %mul3A_190 : i32
      %add3A_192 = arith.addi %mul3A_4, %mul3A_191 : i32
      "tpu.region"() ({
        %run_scoped3A = tpu.sem_alloc : memref<!tpu.dma_semaphore, #tpu.memory_space<semaphore_mem>>
        %dma_start3A_201 = arith.constant 0 : i32
        %dma_start3A_202 = tpu.memref_slice %arg12[%add3A_192, %dma_start3A_201] : memref<5248x128xf32, #tpu.memory_space<vmem_shared>> -> memref<64x128xf32, #tpu.memory_space<vmem_shared>>
        %dma_start3A_203 = arith.constant 0 : i32
        %dma_start3A_204 = tpu.memref_slice %arg12[%add3A_192, %dma_start3A_203] : memref<5248x128xf32, #tpu.memory_space<vmem_shared>> -> memref<64x128xf32, #tpu.memory_space<vmem_shared>>
        tpu.enqueue_dma source(%dma_start3A_204 : memref<64x128xf32, #tpu.memory_space<vmem_shared>>) target(%arg9 : memref<64x128xf32, #tpu.memory_space<vmem>>) target_semaphore(%run_scoped3A : memref<!tpu.dma_semaphore, #tpu.memory_space<semaphore_mem>>)
        %dma_wait3A = arith.constant 0 : i32
        %dma_wait3A_205 = tpu.memref_slice %arg12[%add3A_192, %dma_wait3A] : memref<5248x128xf32, #tpu.memory_space<vmem_shared>> -> memref<64x128xf32, #tpu.memory_space<vmem_shared>>
        %dma_wait3A_206 = arith.constant 0 : i32
        %dma_wait3A_207 = tpu.memref_slice %arg12[%add3A_192, %dma_wait3A_206] : memref<5248x128xf32, #tpu.memory_space<vmem_shared>> -> memref<64x128xf32, #tpu.memory_space<vmem_shared>>
        tpu.wait_dma2 semaphore(%run_scoped3A : memref<!tpu.dma_semaphore, #tpu.memory_space<semaphore_mem>>) src(%dma_wait3A_207 : memref<64x128xf32, #tpu.memory_space<vmem_shared>>) dst(%arg9 : memref<64x128xf32, #tpu.memory_space<vmem>>)
        tpu.yield
      }) : () -> ()
      %scan3A_193 = arith.constant 0 : i32
      %scan3A_194 = arith.constant 64 : i32
      %scan3A_195 = arith.addi %scan3A_193, %scan3A_194 : i32
      %scan3A_196 = arith.constant 1 : i32
      scf.for %scan3A_201 = %scan3A_193 to %scan3A_195 step %scan3A_196  : i32 {
        %mul3A_202 = arith.constant 1 : i32
        %mul3A_203 = arith.muli %scan3A_201, %mul3A_202 : i32
        %add3A_204 = arith.constant 0 : i32
        %add3A_205 = arith.addi %add3A_204, %mul3A_203 : i32
        %mul3A_206 = arith.constant 64 : i32
        %mul3A_207 = arith.muli %add3A_189, %mul3A_206 : i32
        %add3A_208 = arith.addi %mul3A_207, %add3A_205 : i32
        %get3A_209 = arith.index_cast %add3A_208 : i32 to index
        %get3A_210 = memref.load %arg13[%get3A_209] : memref<328xi32, #tpu.memory_space<smem>>
        %broadcast_in_dim3A_211 = vector.broadcast %get3A_210 : i32 to vector<16xi32>
        %convert_element_type3A_212 = arith.sitofp %broadcast_in_dim3A_211 : vector<16xi32> to vector<16xf32>
        %max3A = arith.constant 1.000000e+00 : f32
        %max3A_213 = vector.broadcast %max3A : f32 to vector<16xf32>
        %max3A_214 = arith.maximumf %convert_element_type3A_212, %max3A_213 : vector<16xf32>
        %div3A_215 = arith.constant 1.000000e+00 : f32
        %div3A_216 = vector.broadcast %div3A_215 : f32 to vector<16xf32>
        %div3A_217 = arith.divf %div3A_216, %max3A_214 : vector<16xf32>
        %gt3A_218 = arith.constant 0.000000e+00 : f32
        %gt3A_219 = vector.broadcast %gt3A_218 : f32 to vector<16xf32>
        %gt3A_220 = arith.cmpf ogt, %convert_element_type3A_212, %gt3A_219 : vector<16xf32>
        %scan3A_221 = arith.constant 0 : i32
        %scan3A_222 = arith.constant 8 : i32
        %scan3A_223 = arith.addi %scan3A_221, %scan3A_222 : i32
        %scan3A_224 = arith.constant 1 : i32
        scf.for %scan3A_226 = %scan3A_221 to %scan3A_223 step %scan3A_224  : i32 {
          %mul3A_227 = arith.constant 16 : i32
          %mul3A_228 = arith.muli %scan3A_226, %mul3A_227 : i32
          %add3A_229 = arith.constant 0 : i32
          %add3A_230 = arith.addi %add3A_229, %mul3A_228 : i32
          %get3A_231 = arith.index_cast %add3A_205 : i32 to index
          %get3A_232 = arith.index_cast %add3A_230 : i32 to index
          %get3A_233 = tpu.vector_load %arg9[%get3A_231, %get3A_232] {strides = array<i32>} : memref<64x128xf32, #tpu.memory_space<vmem>>, vector<16xf32>,
          %mul3A_234 = arith.mulf %get3A_233, %div3A_217 : vector<16xf32>
          %mul3A_235 = arith.constant 64 : i32
          %mul3A_236 = arith.muli %add3A_189, %mul3A_235 : i32
          %add3A_237 = arith.addi %mul3A_236, %add3A_205 : i32
          %get3A_238 = arith.index_cast %add3A_237 : i32 to index
          %get3A_239 = arith.index_cast %add3A_230 : i32 to index
          %get3A_240 = tpu.vector_load %arg11[%get3A_238, %get3A_239] {strides = array<i32>} : memref<328x128xf32, #tpu.memory_space<vmem>>, vector<16xf32>,
          %jit3A_241 = arith.constant 0.000000e+00 : f32
          %broadcast_in_dim3A_242 = vector.broadcast %jit3A_241 : f32 to vector<16xf32>
          %select_n3A_243 = arith.select %gt3A_220, %get3A_240, %broadcast_in_dim3A_242 : vector<16xi1>, vector<16xf32>
          %add3A_244 = arith.addf %mul3A_234, %select_n3A_243 : vector<16xf32>
          %swap3A_245 = arith.index_cast %add3A_205 : i32 to index
          %swap3A_246 = arith.index_cast %add3A_230 : i32 to index
          %swap3A_247 = tpu.vector_load %arg10[%swap3A_245, %swap3A_246] {strides = array<i32>} : memref<64x128xf32, #tpu.memory_space<vmem>>, vector<16xf32>,
          tpu.vector_store %arg10[%swap3A_245, %swap3A_246], %add3A_244 {strides = array<i32>} : memref<64x128xf32, #tpu.memory_space<vmem>>, vector<16xf32>,
        }
        %scan3A_225 = arith.constant 8 : i32
      }
      %scan3A_197 = arith.constant 64 : i32
      %mul3A_198 = arith.constant 64 : i32
      %mul3A_199 = arith.muli %add3A_189, %mul3A_198 : i32
      %add3A_200 = arith.addi %mul3A_2, %mul3A_199 : i32
      "tpu.region"() ({
        %run_scoped3A = tpu.sem_alloc : memref<!tpu.dma_semaphore, #tpu.memory_space<semaphore_mem>>
        %dma_start3A_201 = arith.constant 0 : i32
        %dma_start3A_202 = tpu.memref_slice %arg4[%add3A_200, %dma_start3A_201] : memref<10240x128xf32, #tpu.memory_space<hbm>> -> memref<64x128xf32, #tpu.memory_space<hbm>>
        %dma_start3A_203 = arith.constant 0 : i32
        %dma_start3A_204 = tpu.memref_slice %arg4[%add3A_200, %dma_start3A_203] : memref<10240x128xf32, #tpu.memory_space<hbm>> -> memref<64x128xf32, #tpu.memory_space<hbm>>
        tpu.enqueue_dma source(%arg10 : memref<64x128xf32, #tpu.memory_space<vmem>>) target(%dma_start3A_204 : memref<64x128xf32, #tpu.memory_space<hbm>>) target_semaphore(%run_scoped3A : memref<!tpu.dma_semaphore, #tpu.memory_space<semaphore_mem>>)
        %dma_wait3A = arith.constant 0 : i32
        %dma_wait3A_205 = tpu.memref_slice %arg4[%add3A_200, %dma_wait3A] : memref<10240x128xf32, #tpu.memory_space<hbm>> -> memref<64x128xf32, #tpu.memory_space<hbm>>
        %dma_wait3A_206 = arith.constant 0 : i32
        %dma_wait3A_207 = tpu.memref_slice %arg4[%add3A_200, %dma_wait3A_206] : memref<10240x128xf32, #tpu.memory_space<hbm>> -> memref<64x128xf32, #tpu.memory_space<hbm>>
        tpu.wait_dma2 semaphore(%run_scoped3A : memref<!tpu.dma_semaphore, #tpu.memory_space<semaphore_mem>>) src(%arg10 : memref<64x128xf32, #tpu.memory_space<vmem>>) dst(%dma_wait3A_207 : memref<64x128xf32, #tpu.memory_space<hbm>>)
        tpu.yield
      }) : () -> ()
    }
    %scan3A_184 = arith.constant 5 : i32
    return
  }
}

module attributes {stable_mosaic.version = 14 : i64} {
  func.func @_stage_a_body(%arg0: memref<10000x128xf32, #tpu.memory_space<vmem>>, %arg1: memref<128x64xf32, #tpu.memory_space<vmem>>, %arg2: memref<128x64xf32, #tpu.memory_space<vmem>>, %arg3: memref<1x64xf32, #tpu.memory_space<vmem>>, %arg4: memref<10000x128xbf16, #tpu.memory_space<vmem>>) attributes {dimension_semantics = [], scalar_prefetch = 0 : i64, scratch_operands = 0 : i64, tpu.core_type = #tpu.core_type<tc>} {
    %get3A = arith.constant 0 : index
    %get3A_0 = arith.constant 0 : index
    %get3A_1 = vector.load %arg0[%get3A, %get3A_0] : memref<10000x128xf32, #tpu.memory_space<vmem>>, vector<10000x128xf32>
    %get3A_2 = arith.constant 0 : index
    %get3A_3 = arith.constant 0 : index
    %get3A_4 = vector.load %arg1[%get3A_2, %get3A_3] : memref<128x64xf32, #tpu.memory_space<vmem>>, vector<128x64xf32>
    %dot_general3A = arith.constant dense<0.000000e+00> : vector<10000x64xf32>
    %dot_general3A_5 = tpu.matmul %get3A_1, %get3A_4, %dot_general3A {dimension_numbers = #tpu.dot_dimension_numbers<[1], [0], [0], [1], [0, 0, 1, 1], [], []>, transpose_lhs_hint = false} : vector<10000x128xf32>, vector<128x64xf32>, vector<10000x64xf32> -> vector<10000x64xf32>
    %get3A_6 = arith.constant 0 : index
    %get3A_7 = arith.constant 0 : index
    %get3A_8 = vector.load %arg2[%get3A_6, %get3A_7] : memref<128x64xf32, #tpu.memory_space<vmem>>, vector<128x64xf32>
    %dot_general3A_9 = arith.constant dense<0.000000e+00> : vector<10000x64xf32>
    %dot_general3A_10 = tpu.matmul %get3A_1, %get3A_8, %dot_general3A_9 {dimension_numbers = #tpu.dot_dimension_numbers<[1], [0], [0], [1], [0, 0, 1, 1], [], []>, transpose_lhs_hint = false} : vector<10000x128xf32>, vector<128x64xf32>, vector<10000x64xf32> -> vector<10000x64xf32>
    %get3A_11 = arith.constant 0 : index
    %get3A_12 = arith.constant 0 : index
    %get3A_13 = vector.load %arg3[%get3A_11, %get3A_12] : memref<1x64xf32, #tpu.memory_space<vmem>>, vector<1x64xf32>
    %add3A = vector.broadcast %get3A_13 : vector<1x64xf32> to vector<10000x64xf32>
    %add3A_14 = arith.addf %dot_general3A_10, %add3A : vector<10000x64xf32>
    %concatenate3A = tpu.concatenate %dot_general3A_5, %add3A_14 in 1 : vector<10000x64xf32>, vector<10000x64xf32> -> vector<10000x128xf32>
    %convert_element_type3A = arith.truncf %concatenate3A : vector<10000x128xf32> to vector<10000x128xbf16>
    %swap3A = arith.constant 0 : index
    %swap3A_15 = arith.constant 0 : index
    %swap3A_16 = vector.load %arg4[%swap3A, %swap3A_15] : memref<10000x128xbf16, #tpu.memory_space<vmem>>, vector<10000x128xbf16>
    tpu.vector_store %arg4[%swap3A, %swap3A_15], %convert_element_type3A {strides = array<i32>} : memref<10000x128xbf16, #tpu.memory_space<vmem>>, vector<10000x128xbf16>,
    return
  }
}

module attributes {stable_mosaic.version = 14 : i64} {
  func.func @_stage_c_body(%arg0: i32, %arg1: memref<3200x64xbf16, #tpu.memory_space<vmem>>, %arg2: memref<64x128xf32, #tpu.memory_space<vmem>>, %arg3: memref<1x128xf32, #tpu.memory_space<vmem>>, %arg4: memref<1x128xf32, #tpu.memory_space<vmem>>, %arg5: memref<1x128xf32, #tpu.memory_space<vmem>>, %arg6: memref<3200x128xf32, #tpu.memory_space<vmem>>) attributes {dimension_semantics = [#tpu.dimension_semantics<arbitrary>], iteration_bounds = array<i64: 100>, scalar_prefetch = 0 : i64, scratch_operands = 0 : i64, tpu.core_type = #tpu.core_type<tc>, window_params = [{transform_indices = @transform_0, window_bounds = array<i64: 3200, 64>}, {pipeline_mode = #tpu.pipeline_mode<synchronous>, transform_indices = @transform_1, window_bounds = array<i64: 64, 128>}, {pipeline_mode = #tpu.pipeline_mode<synchronous>, transform_indices = @transform_2, window_bounds = array<i64: 1, 128>}, {pipeline_mode = #tpu.pipeline_mode<synchronous>, transform_indices = @transform_3, window_bounds = array<i64: 1, 128>}, {pipeline_mode = #tpu.pipeline_mode<synchronous>, transform_indices = @transform_4, window_bounds = array<i64: 1, 128>}, {transform_indices = @transform_5, window_bounds = array<i64: 3200, 128>}]} {
    %get3A = arith.constant 0 : index
    %get3A_0 = arith.constant 0 : index
    %get3A_1 = vector.load %arg1[%get3A, %get3A_0] : memref<3200x64xbf16, #tpu.memory_space<vmem>>, vector<3200x64xbf16>
    %get3A_2 = arith.constant 0 : index
    %get3A_3 = arith.constant 0 : index
    %get3A_4 = vector.load %arg2[%get3A_2, %get3A_3] : memref<64x128xf32, #tpu.memory_space<vmem>>, vector<64x128xf32>
    %convert_element_type3A = arith.truncf %get3A_4 : vector<64x128xf32> to vector<64x128xbf16>
    %dot_general3A = arith.constant dense<0.000000e+00> : vector<3200x128xf32>
    %dot_general3A_5 = tpu.matmul %get3A_1, %convert_element_type3A, %dot_general3A {dimension_numbers = #tpu.dot_dimension_numbers<[1], [0], [0], [1], [0, 0, 1, 1], [], []>, transpose_lhs_hint = false} : vector<3200x64xbf16>, vector<64x128xbf16>, vector<3200x128xf32> -> vector<3200x128xf32>
    %get3A_6 = arith.constant 0 : index
    %get3A_7 = arith.constant 0 : index
    %get3A_8 = vector.load %arg3[%get3A_6, %get3A_7] : memref<1x128xf32, #tpu.memory_space<vmem>>, vector<1x128xf32>
    %add3A = vector.broadcast %get3A_8 : vector<1x128xf32> to vector<3200x128xf32>
    %add3A_9 = arith.addf %dot_general3A_5, %add3A : vector<3200x128xf32>
    %reduce_sum3A = arith.constant dense<0.000000e+00> : vector<3200xf32>
    %reduce_sum3A_10 = vector.multi_reduction <add>, %add3A_9, %reduce_sum3A [1] : vector<3200x128xf32> to vector<3200xf32>
    %broadcast_in_dim3A = vector.shape_cast %reduce_sum3A_10 : vector<3200xf32> to vector<3200x1xf32>
    %div3A = arith.constant 1.280000e+02 : f32
    %div3A_11 = vector.broadcast %div3A : f32 to vector<3200x1xf32>
    %div3A_12 = arith.divf %broadcast_in_dim3A, %div3A_11 : vector<3200x1xf32>
    %sub3A = vector.broadcast %div3A_12 : vector<3200x1xf32> to vector<3200x128xf32>
    %sub3A_13 = arith.subf %add3A_9, %sub3A : vector<3200x128xf32>
    %integer_pow3A = arith.mulf %sub3A_13, %sub3A_13 : vector<3200x128xf32>
    %reduce_sum3A_14 = arith.constant dense<0.000000e+00> : vector<3200xf32>
    %reduce_sum3A_15 = vector.multi_reduction <add>, %integer_pow3A, %reduce_sum3A_14 [1] : vector<3200x128xf32> to vector<3200xf32>
    %broadcast_in_dim3A_16 = vector.shape_cast %reduce_sum3A_15 : vector<3200xf32> to vector<3200x1xf32>
    %div3A_17 = arith.constant 1.280000e+02 : f32
    %div3A_18 = vector.broadcast %div3A_17 : f32 to vector<3200x1xf32>
    %div3A_19 = arith.divf %broadcast_in_dim3A_16, %div3A_18 : vector<3200x1xf32>
    %sub3A_20 = vector.broadcast %div3A_12 : vector<3200x1xf32> to vector<3200x128xf32>
    %sub3A_21 = arith.subf %add3A_9, %sub3A_20 : vector<3200x128xf32>
    %add3A_22 = arith.constant 9.99999974E-6 : f32
    %add3A_23 = vector.broadcast %add3A_22 : f32 to vector<3200x1xf32>
    %add3A_24 = arith.addf %div3A_19, %add3A_23 : vector<3200x1xf32>
    %rsqrt3A = math.rsqrt %add3A_24 : vector<3200x1xf32>
    %mul3A = vector.broadcast %rsqrt3A : vector<3200x1xf32> to vector<3200x128xf32>
    %mul3A_25 = arith.mulf %sub3A_21, %mul3A : vector<3200x128xf32>
    %get3A_26 = arith.constant 0 : index
    %get3A_27 = arith.constant 0 : index
    %get3A_28 = vector.load %arg4[%get3A_26, %get3A_27] : memref<1x128xf32, #tpu.memory_space<vmem>>, vector<1x128xf32>
    %mul3A_29 = vector.broadcast %get3A_28 : vector<1x128xf32> to vector<3200x128xf32>
    %mul3A_30 = arith.mulf %mul3A_25, %mul3A_29 : vector<3200x128xf32>
    %get3A_31 = arith.constant 0 : index
    %get3A_32 = arith.constant 0 : index
    %get3A_33 = vector.load %arg5[%get3A_31, %get3A_32] : memref<1x128xf32, #tpu.memory_space<vmem>>, vector<1x128xf32>
    %add3A_34 = vector.broadcast %get3A_33 : vector<1x128xf32> to vector<3200x128xf32>
    %add3A_35 = arith.addf %mul3A_30, %add3A_34 : vector<3200x128xf32>
    %swap3A = arith.constant 0 : index
    %swap3A_36 = arith.constant 0 : index
    %swap3A_37 = vector.load %arg6[%swap3A, %swap3A_36] : memref<3200x128xf32, #tpu.memory_space<vmem>>, vector<3200x128xf32>
    tpu.vector_store %arg6[%swap3A, %swap3A_36], %add3A_35 {strides = array<i32>} : memref<3200x128xf32, #tpu.memory_space<vmem>>, vector<3200x128xf32>,
    return
  }
  func.func @transform_0(%arg0: i32) -> (i32, i32) {
    %c0_i32 = arith.constant 0 : i32
    %c0_i32_0 = arith.constant 0 : i32
    return %arg0, %c0_i32 : i32, i32
  }
  func.func @transform_1(%arg0: i32) -> (i32, i32) {
    %c0_i32 = arith.constant 0 : i32
    %c0_i32_0 = arith.constant 0 : i32
    %c0_i32_1 = arith.constant 0 : i32
    return %c0_i32, %c0_i32_0 : i32, i32
  }
  func.func @transform_2(%arg0: i32) -> (i32, i32) {
    %c0_i32 = arith.constant 0 : i32
    %c0_i32_0 = arith.constant 0 : i32
    %c0_i32_1 = arith.constant 0 : i32
    return %c0_i32, %c0_i32_0 : i32, i32
  }
  func.func @transform_3(%arg0: i32) -> (i32, i32) {
    %c0_i32 = arith.constant 0 : i32
    %c0_i32_0 = arith.constant 0 : i32
    %c0_i32_1 = arith.constant 0 : i32
    return %c0_i32, %c0_i32_0 : i32, i32
  }
  func.func @transform_4(%arg0: i32) -> (i32, i32) {
    %c0_i32 = arith.constant 0 : i32
    %c0_i32_0 = arith.constant 0 : i32
    %c0_i32_1 = arith.constant 0 : i32
    return %c0_i32, %c0_i32_0 : i32, i32
  }
  func.func @transform_5(%arg0: i32) -> (i32, i32) {
    %c0_i32 = arith.constant 0 : i32
    %c0_i32_0 = arith.constant 0 : i32
    return %arg0, %c0_i32 : i32, i32
  }
}

</mosaic_0001>

<sc_bundles>
// kernel: kernel.6.cloned.1.call-start
scs
__scs_entry_jumppad:
0x0: {  	(pc) =	sbr.rel $0x88, $3  }
0x1: {  	(tag) =	ssettag $0x0;
	lr =	simm.s32 $0x1  }
0x2: {  	[smem:$0x3F99] =	sst lr;
	_ =	strace $0xD0000000  }
0x3: {  	_ = 	snop  }
0x4: {  	_ = 	snop  }
0x5: {  	_ = 	snop  }
0x6: {  	_ = 	snop  }
0x7: {  	_ = 	snop  }
__scs_overlays_trampoline_lowered:
0x8: {  	[smem:$0x3FA8] =	sst s0  }
0x9: {  	[smem:$0x3FA9] =	sst s1  }
0xa: {  	[smem:$0x3FAA] =	sst s2  }
0xb: {  	[smem:$0x3FAB] =	sst s3  }
0xc: {  	[smem:$0x3FAC] =	sst s4  }
0xd: {  	[smem:$0x3FAD] =	sst s5  }
0xe: {  	[smem:$0x3FAE] =	sst s6  }
0xf: {  	[smem:$0x3FAF] =	sst s7  }
0x10: {  	[smem:$0x3FB0] =	sst s8  }
0x11: {  	[smem:$0x3FB1] =	sst s9;
	s0 =	simm.s32 @!p0 $0x0  }
0x12: {  	s1 =	sld [smem:$0x3F97];
	s0 =	simm.s32 @p0 $0x1  }
0x13: {  	[smem:$0x3FB2] =	sst s0;
	s0 =	simm.s32 @!p1 $0x0  }
0x14: {  	s2 =	sld [smem:$0x3F96];
	s0 =	simm.s32 @p1 $0x1  }
0x15: {  	[smem:$0x3FB3] =	sst s0;
	s0 =	simm.s32 @!p2 $0x0  }
0x16: {  	s3 =	sld [smem:$0x3FDB];
	s0 =	simm.s32 @p2 $0x1  }
0x17: {  	s4 =	simm.s32 $0x1BF5;
	[smem:$0x3FB5] =	sst s0  }
0x18: {  	s0 =	sld [smem:$0x3F98];
	_ =	swait.ge [sflag:s4], $0x0  }
0x19: {  	s7 =	sld [smem:$0x3F99]  }
0x1a: {  	s8 =	sadd.s32 $0xFFFFE003, lr  }
0x1b: {  	s9 =	sadd.s32 $0xFFFFFEF7, lr;
	s5 =	simm.s32 $0xFFFFFFFF;
	p2 =	slt.u32 s8, $0xFFFFF086  }
0x1c: {  	p1 =	slt.u32 s9, $0xF7A;
	s5 =	simm.s32 @!p2 $0x0  }
0x1d: {  	s5 =	simm.s32 @p1 $0x1;
	p0 =	seq.s32 s7, s2  }
0x1e: {  	s7 =	smul.u32 @!p0 $0xF7A, s2;
	p2 =	seq.s32 @!p0 s5, $0x0  }
0x1f: {  	s9 =	smul.u32 $0xF7A, s1;
	s8 =	simm.s32 @!p0 $0x1BF5;
	p2 =	por !p2, p0  }
0x20: {  	[sflag:s8] =	ssyncset.s32 @!p0 $0xFFFFF086;
	s6 =	sadd.s32 @!p0 s3, s7;
	s7 =	simm.s32 @!p0 $0x108  }
0x21: {  	s3 =	sadd.s32 s3, s9;
	s6 =	sadd.s32 @!p0 $0x88, s6;
	s7 =	simm.s32 @p2 $0x1082  }
0x22: {  	[simem:s7], [sflag:s8] =	dma.local @!p0 [hbm:s6], $0xF7A  }
0x23: {  	s9 =	sor.u32 $0xD0000000, s2;
	s6 =	simm.s32 $0x108;
	_ =	swait.ge @!p0 [sflag:s8], $0x0  }
0x24: {  	s3 =	sadd.s32 $0x88, s3;
	s6 =	simm.s32 @!p1 $0x1082;
	[sflag:s4] =	ssyncset.s32 $0xFFFFF086  }
0x25: {  	[simem:s6], [sflag:s4] =	dma.local [hbm:s3], $0xF7A  }
0x26: {  	[smem:$0x3F99] =	sst s1;
	(tag) =	ssettag s2;
	_ =	strace s9  }
0x27: {  	s1 =	sld [smem:$0x3FA9]  }
0x28: {  	s2 =	sld [smem:$0x3FAA]  }
0x29: {  	s4 =	sld [smem:$0x3FAC]  }
0x2a: {  	p0 =	seq.s32 s5, $0x0;
	s5 =	sld [smem:$0x3FAD]  }
0x2b: {  	s6 =	sld [smem:$0x3FAE]  }
0x2c: {  	s7 =	sld [smem:$0x3FAF]  }
0x2d: {  	s3 =	simm.s32 $0x108;
	s8 =	sld [smem:$0x3FB0]  }
0x2e: {  	s3 =	simm.s32 @!p0 $0x1082;
	s9 =	sld [smem:$0x3FB1]  }
0x2f: {  	lr =	sadd.s32 s0, s3;
	s0 =	sld [smem:$0x3FA8]  }
0x30: {  	s3 =	sld [smem:$0x3FAB]  }
0x31: {  	[smem:$0x3FB4] =	sst s10  }
0x32: {  	s10 =	sld [smem:$0x3FB2];
	_ =	sdelay $0x3  }
0x33: {  	p0 =	seq.s32 s10, $0x1;
	s10 =	sld [smem:$0x3FB4];
	_ =	sdelay $0x3  }
0x34: {  	[smem:$0x3FB4] =	sst s10  }
0x35: {  	s10 =	sld [smem:$0x3FB3];
	_ =	sdelay $0x3  }
0x36: {  	p1 =	seq.s32 s10, $0x1;
	s10 =	sld [smem:$0x3FB4];
	_ =	sdelay $0x3  }
0x37: {  	[smem:$0x3FB4] =	sst s10  }
0x38: {  	s10 =	sld [smem:$0x3FB5]  }
0x39: {  	_ = 	snop;
	(pc) =	sbr.ind lr, $3  }
0x3a: {  	_ = 	snop  }
0x3b: {  	_ = 	snop  }
0x3c: {  	p2 =	seq.s32 s10, $0x1;
	s10 =	sld [smem:$0x3FB4]  }
0x3d: {  	_ =	shalt  }
0x3e: {  	_ =	shalt  }
0x3f: {  	_ =	shalt  }
0x40: {  	_ =	shalt  }
0x41: {  	_ =	shalt  }
0x42: {  	_ =	shalt  }
0x43: {  	_ =	shalt  }
0x44: {  	_ =	shalt  }
0x45: {  	_ =	shalt  }
0x46: {  	_ =	shalt  }
0x47: {  	_ =	shalt  }
0x48: {  	_ =	shalt  }
0x49: {  	_ =	shalt  }
0x4a: {  	_ =	shalt  }
0x4b: {  	_ =	shalt  }
0x4c: {  	_ =	shalt  }
0x4d: {  	_ =	shalt  }
0x4e: {  	_ =	shalt  }
0x4f: {  	_ =	shalt  }
0x50: {  	_ =	shalt  }
0x51: {  	_ =	shalt  }
0x52: {  	_ =	shalt  }
0x53: {  	_ =	shalt  }
0x54: {  	_ =	shalt  }
0x55: {  	_ =	shalt  }
0x56: {  	_ =	shalt  }
0x57: {  	_ =	shalt  }
0x58: {  	_ =	shalt  }
0x59: {  	_ =	shalt  }
0x5a: {  	_ =	shalt  }
0x5b: {  	_ =	shalt  }
0x5c: {  	_ =	shalt  }
0x5d: {  	_ =	shalt  }
0x5e: {  	_ =	shalt  }
0x5f: {  	_ =	shalt  }
0x60: {  	_ =	shalt  }
0x61: {  	_ =	shalt  }
0x62: {  	_ =	shalt  }
0x63: {  	_ =	shalt  }
0x64: {  	_ =	shalt  }
0x65: {  	_ =	shalt  }
0x66: {  	_ =	shalt  }
0x67: {  	_ =	shalt  }
0x68: {  	_ =	shalt  }
0x69: {  	_ =	shalt  }
0x6a: {  	_ =	shalt  }
0x6b: {  	_ =	shalt  }
0x6c: {  	_ =	shalt  }
0x6d: {  	_ =	shalt  }
0x6e: {  	_ =	shalt  }
0x6f: {  	_ =	shalt  }
0x70: {  	_ =	shalt  }
0x71: {  	_ =	shalt  }
0x72: {  	_ =	shalt  }
0x73: {  	_ =	shalt  }
0x74: {  	_ =	shalt  }
0x75: {  	_ =	shalt  }
0x76: {  	_ =	shalt  }
0x77: {  	_ =	shalt  }
0x78: {  	_ =	shalt  }
0x79: {  	_ =	shalt  }
0x7a: {  	_ =	shalt  }
0x7b: {  	_ =	shalt  }
0x7c: {  	_ =	shalt  }
0x7d: {  	_ =	shalt  }
0x7e: {  	_ =	shalt  }
0x7f: {  	_ =	shalt  }
0x80: {  	_ =	shalt  }
0x81: {  	_ =	shalt  }
0x82: {  	_ =	shalt  }
0x83: {  	_ =	shalt  }
0x84: {  	_ =	shalt  }
0x85: {  	_ =	shalt  }
0x86: {  	_ =	shalt  }
0x87: {  	_ =	shalt  }
.Lfunc_end0:
.L_simem_size_0:
called_computation_lowered:
.L_overlay_start_0:
0x88: {  	s2 =	sld [smem:$0x3FD9]  }
0x89: {  	s3 =	sld [smem:$0x3FFE];
	_ =	sdelay $0x1  }
0x8a: {  	s1 =	srdreg.scid  }
0x8b: {  	s0 =	sand.u32 $0x1, s1  }
0x8c: {  	s17 =	sshll.u32 s0, $0xA;
	s2 =	sadd.s32 s3, s2  }
0x8d: {  	s2 =	sadd.s32 s2, s17  }
0x8e: {  	[smem:$0x3FC0] =	sst s2  }
0x8f: {  	_ = 	snop  }
0x90: {  	s2 =	sld [smem:$0x3FD0];
	(tm) =	ssettm $0x1  }
0x91: {  	s18 =	sld [smem:$0x3FFB];
	_ =	sdelay $0x3  }
0x92: {  	_ =	strace s18  }
0x93: {  	s3 =	sld [smem:$0x3FFC];
	_ =	sdelay $0x3  }
0x94: {  	_ =	strace s3  }
0x95: {  	s3 =	sld [smem:$0x3FFD];
	_ =	sdelay $0x3  }
0x96: {  	_ =	strace s3  }
0x97: {  	_ =	strace $0x8FFFFFFF  }
0x98: {  	s19 =	sld [smem:$0x3FDB];
	_ =	sdelay $0x1  }
0x99: {  	s4 =	simm.s32 $_scs_section_size  }
0x9a: {  	s5 =	simm.s32 $_size__tile_overlayer_lowered;
	s6 =	simm.s32 $_tile_overlayer_lowered  }
0x9b: {  	s22 =	simm.s32 $0x1BFF;
	s21 =	sshll.u32 s6, $0x1;
	s3 =	sadd.s32 s4, s19  }
0x9c: {  	s7 =	simm.s32 $0x0;
	s20 =	sshll.u32 s5, $0x1;
	s5 =	sadd.s32 s21, s3  }
0x9d: {  	[timem:s7], [sflag:s22] =	dma.local [hbm:s5], s20  }
0x9e: {  	_ =	swait.ge [sflag:s22], s20  }
0x9f: {  	s4 =	ssub.s32 $0x0, s20;
	[sflag:s22] =	ssyncset.done $0x0  }
0xa0: {  	[sflag:s22] =	ssyncadd.s32 s4;
	_ =	sdelay $0x1  }
0xa1: {  	s23 =	simm.s32 $0x1B8B  }
0xa2: {  	_ =	swait.ge [sflag:s23], $0x1  }
0xa3: {  	[sflag:s23] =	ssyncset.done $0x0  }
0xa4: {  	s25 =	simm.s32 $0x1B8E;
	s24 =	sld [smem:$0x3FFE];
	[sflag:s23] =	ssyncadd.s32 $0xFFFFFFFF  }
0xa5: {  	s26 =	simm.s32 $execute0_lowered;
	[smem:$0x3FD2] =	sst s25  }
0xa6: {  	s5 =	sshll.u32 s26, $0x1;
	_ =	strace $0x80000046;
	[dreg:$0x1] =	wrdreg $0xFFFFFFFF  }
0xa7: {  	s28 =	simm.s32 $_size_execute0_lowered;
	s3 =	sadd.s32 s3, s5;
	[dreg:$0x0] =	wrdreg $0x0  }
0xa8: {  	s5 =	sshll.u32 s28, $0x1;
	[dreg:$0x2] =	wrdreg s3  }
0xa9: {  	[dreg:$0x3] =	wrdreg s5  }
0xaa: {  	[dreg:$0x4] =	wrdreg $0xC0  }
0xab: {  	_ =	task [dreg:s7], $0x5FFFF  }
0xac: {  	[dreg:$0x1] =	wrdreg $0xFFFFFFFF  }
0xad: {  	[dreg:$0x0] =	wrdreg $0x60  }
0xae: {  	[dreg:$0x2] =	wrdreg s2  }
0xaf: {  	[dreg:$0x3] =	wrdreg s24  }
0xb0: {  	[dreg:$0x4] =	wrdreg $0x9  }
0xb1: {  	_ =	task.clear_ibuf [dreg:s7], $0x5FFFF;
	_ =	strace $0x90000046  }
0xb2: {  	s29 =	simm.s32 $0x9;
	_ =	strace $0x80000048  }
0xb3: {  	_ =	swait.ge [sflag:s29], $0x1  }
0xb4: {  	[sflag:s29] =	ssyncadd.s32 $0xFFFFFFFF  }
0xb5: {  	_ =	strace $0x90000048  }
0xb6: {  	_ =	sfence  }
0xb7: {  	s30 =	sld [smem:$0x0];
	_ =	sdelay $0x2  }
0xb8: {  	s31 =	sshll.u32 s1, $0xD;
	s1 =	sshrl.u32 s1, $0x2  }
0xb9: {  	s3 =	sand.u32 $0x4000, s31;
	s1 =	sadd.s32 s1, s30  }
0xba: {  	s0 =	sor.u32 s3, s0;
	s1 =	sshll.u32 s1, $0x11  }
0xbb: {  	s0 =	sor.u32 s1, s0  }
0xbc: {  	s0 =	sadd.s32 $0x8F2B, s0  }
0xbd: {  	[sflag:s0] =	ssyncadd.remote.s32 $0x1  }
0xbe: {  	_ =	sfence.sel $0xFFFF  }
0xbf: {  	[dreg:$0x0] =	wrdreg $0xFFFFFFFF;
	(pc) =	sbr.abs _section_cstart, $3  }
0xc0: {  	[dreg:$0x1] =	wrdreg $0xFFFFFFFF  }
0xc1: {  	_ =	task.clear_ibuf [dreg:s7], $0x2FFFF;
	_ =	strace $0x9FFFFFFF  }
0xc2: {  	(tm) =	ssettm $0x7FFFFFFF  }
0xc3: {  	_ =	shalt  }
tec
execute0_lowered:
.L_overlay_start_1:
0x0: {  	(tag) =	ssettag $0x1  }
0x1: {  	s2 =	rddreg [dreg:$0x0]  }
0x2: {  	s0 =	srdreg.scid;
	s6 =	rddreg [dreg:$0x1]  }
0x3: {  	s3 =	simm.s32 $0x0;
	s9 =	simm.s32 $0x7;
	s10 =	simm.s32 $0x2710  }
0x4: {  	s11 =	simm.s32 $0x50;
	s12 =	simm.s32 $0x4E20;
	s13 =	simm.s32 $0x6220  }
0x5: {  	s14 =	simm.s32 $0x3;
	s15 =	simm.s32 $0x4;
	s5 =	sand.u32 $0x1, s0  }
0x6: {  	s16 =	simm.s32 $0x6;
	s0 =	stileid.u32;
	s1 =	sshll.u32 s5, $0x4  }
0x7: {  	s17 =	simm.s32 $0xA820;
	s18 =	simm.s32 $0x5;
	s4 =	sor.u32 s0, s1  }
0x8: {  	s19 =	simm.s32 $0x1;
	s20 =	simm.s32 $0x2;
	s4 =	smul.u32 $0x2710, s4  }
.Ltmp0:
0x9: {  	s21 =	simm.s32 $0x7620;
	s22 =	simm.s32 $0x0;
	(pc) =	sbr.rel .LBB2_1-.Ltmp0, $4  }
0xa: {  	[smem:$0x7FF] =	sst s3;
	s8 =	ssub.s32 $0x2, s5;
	s5 =	sadd.s32 $0x14C00, s6  }
0xb: {  	s1 =	rddreg [dreg:$0x2];
	s31 =	sshrl.u32 s8, $0x1;
	s7 =	sshrl.u32 s4, $0x3  }
0xc: {  	_ =	strace $0x80000047;
	s8 =	ssub.s32 s8, s31;
	s7 =	sadd.s32 s7, s6  }
0xd: {  	v0 =	vimm.bf16 $0.0e+00;
	s8 =	smax.u32 s8, $0x1;
	s6 =	sadd.s32 $0xAE00, s7;
	s7 =	sadd.s32 $0x1000, s7  }
.LBB2_10:
0xe: {  	s22 =	sadd.s32 $0x1, s22  }
0xf: {  	_ =	swait.ge [sflag:s18], $0xA00;
	p0 =	sne.s32 s22, s8  }
.Ltmp1:
0x10: {  	[sflag:s18] =	ssyncset.done $0x0;
	(pc) =	sbr.rel @!p0 .LBB2_11-.Ltmp1, $4  }
0x11: {  	[sflag:s18] =	ssyncadd.s32 $0xFFFFF600  }
0x12: {  	_ =	swait.ge [sflag:s16], $0xA00  }
0x13: {  	[sflag:s16] =	ssyncset.done $0x0  }
0x14: {  	[sflag:s16] =	ssyncadd.s32 $0xFFFFF600  }
.LBB2_1:
0x15: {  	[tilespmem:s3], [sflag:$0x7] =	stream.linear.gather [hbm4b:s6+s3], $0x2710, $0x38;
	[tilespmem:$0xB220] =	vst v63  }
0x16: {  	_ =	swait.ge [sflag:s9], $0x2710  }
0x17: {  	[sflag:s9] =	ssyncset.done $0x0  }
0x18: {  	[sflag:s9] =	ssyncadd.s32 $0xFFFFD8F0  }
0x19: {  	[tilespmem:s10], [sflag:$0x7] =	stream.linear.gather [hbm4b:s7+s3], $0x2710, $0x38;
	[tilespmem:$0xB220] =	vst v63  }
0x1a: {  	_ =	swait.ge [sflag:s9], $0x2710  }
.Ltmp2:
0x1b: {  	[sflag:s9] =	ssyncset.done $0x0;
	(pc) =	sbr.rel .LBB2_2-.Ltmp2, $4  }
0x1c: {  	[sflag:s9] =	ssyncadd.s32 $0xFFFFD8F0  }
0x1d: {  	[tilespmem:s12], [sflag:$0x1] =	stream.indirect.gather [hbm4b:s2+s11], $0x40, s3, s11, $0xb8;
	[tilespmem:$0xB220] =	vst v63  }
0x1e: {  	s23 =	simm.s32 $0x0  }
0x1f: {  	[tilespmem:s13], [sflag:$0x2] =	stream.indirect.gather [hbm4b:s2+s11], $0x40, s10, s11, $0xb8;
	[tilespmem:$0xB220] =	vst v63  }
.LBB2_9:
0x20: {  	s23 =	sadd.s32 $0x1, s23  }
0x21: {  	p0 =	sne.s32 s23, $0x7D  }
.Ltmp3:
0x22: {  	_ = 	snop;
	(pc) =	sbr.rel @!p0 .LBB2_10-.Ltmp3, $1  }
0x23: {  	_ =	sdelay $0x3  }
.LBB2_2:
0x24: {  	s24 =	sand.u32 $0x1, s23  }
0x25: {  	p0 =	seq.s32 s24, $0x1  }
.Ltmp4:
0x26: {  	_ = 	snop;
	(pc) =	sbr.rel @p0 .LBB2_6-.Ltmp4, $1  }
0x27: {  	_ =	sdelay $0x3  }
0x28: {  	_ =	swait.ge [sflag:s19], $0x1400  }
0x29: {  	[sflag:s19] =	ssyncset.done $0x0  }
0x2a: {  	p0 =	seq.s32 s23, $0x7C;
	[sflag:s19] =	ssyncadd.s32 $0xFFFFEC00  }
0x2b: {  	s25 =	smul.u32 @!p0 $0x50, s23;
	_ =	swait.ge [sflag:s20], $0x1400  }
0x2c: {  	s28 =	simm.s32 @!p0 $0x50;
	[sflag:s20] =	ssyncset.done $0x0  }
0x2d: {  	s29 =	simm.s32 @!p0 $0x8020;
	s26 =	sadd.s32 @!p0 $0x50, s25;
	[sflag:s20] =	ssyncadd.s32 $0xFFFFEC00  }
0x2e: {  	[tilespmem:s29], [sflag:$0x3] =	stream.indirect.gather @!p0 [hbm4b:s2+s28], $0x40, s26, s28, $0xb8;
	[tilespmem:$0xB220] =	vst v63  }
0x2f: {  	p1 =	slt.u32 @!p0 s23, $0x2;
	s25 =	sadd.s32 @!p0 $0x2760, s25;
	s26 =	simm.s32 @!p0 $0x9420  }
0x30: {  	[tilespmem:s26], [sflag:$0x4] =	stream.indirect.gather @!p0 [hbm4b:s2+s28], $0x40, s25, s28, $0xb8;
	[tilespmem:$0xB220] =	vst v63  }
0x31: {  	p0 =	por p0, !p1  }
0x32: {  	_ =	swait.ge @p0 [sflag:s18], $0xA00  }
0x33: {  	[sflag:s18] =	ssyncset.done @p0 $0x0  }
0x34: {  	s31 =	simm.s32 $0x0;
	[sflag:s18] =	ssyncadd.s32 @p0 $0xFFFFF600  }
0x35: {  	v1 =	vld [tilespmem:s31+$0x4E20]  }
0x36: {  	v2 =	vld [tilespmem:s31+$0x6240];
	_ =	sdelay $0x4  }
0x37: {  	v1 =	vadd.bf16 v2, v1;
	_ =	sdelay $0x1  }
0x38: {  	s25 =	simm.s32 $0x7630;
	v1 =	vmax.bf16 v1, v0  }
0x39: {  	[tilespmem:s25+$0xFFFFFFF0] =	vst v1  }
0x3a: {  	v1 =	vld [tilespmem:s31+$0x4E30]  }
0x3b: {  	v2 =	vld [tilespmem:s31+$0x6250];
	_ =	sdelay $0x4  }
0x3c: {  	s28 =	simm.s32 $0x100;
	s26 =	simm.s32 $0x7630;
	v1 =	vadd.bf16 v2, v1  }
.LBB2_4:
0x3d: {  	p0 =	sne.s32 s28, $0x4F00  }
0x3e: {  	s25 =	sadd.s32 $0x20, s25;
	s29 =	smov.u32 s28;
	s28 =	sadd.s32 $0x100, s28  }
0x3f: {  	v1 =	vmax.bf16 v1, v0  }
0x40: {  	s29 =	sshra.s32 s29, $0x2;
	[tilespmem:s26+$0x0] =	vst v1;
	s26 =	smov.u32 s25  }
0x41: {  	v1 =	vld [tilespmem:s29+$0x4E20]  }
0x42: {  	v2 =	vld [tilespmem:s29+$0x6240];
	_ =	sdelay $0x4  }
0x43: {  	v1 =	vadd.bf16 v2, v1;
	_ =	sdelay $0x1  }
0x44: {  	v1 =	vmax.bf16 v1, v0  }
0x45: {  	[tilespmem:s25+$0xFFFFFFF0] =	vst v1  }
0x46: {  	v1 =	vld [tilespmem:s29+$0x4E30]  }
0x47: {  	v2 =	vld [tilespmem:s29+$0x6250]  }
.Ltmp5:
0x48: {  	(pc) =	sbr.rel @p0 .LBB2_4-.Ltmp5, $2  }
0x49: {  	_ =	sdelay $0x2  }
0x4a: {  	v1 =	vadd.bf16 v2, v1  }
0x4b: {  	s25 =	smul.u32 $0x50, s23;
	p0 =	seq.s32 s24, $0x0  }
.Ltmp6:
0x4c: {  	_ = 	snop;
	(pc) =	sbr.rel @p0 .LBB2_9-.Ltmp6, $4  }
0x4d: {  	s25 =	sadd.s32 s4, s25  }
0x4e: {  	v1 =	vmax.bf16 v1, v0;
	s25 =	sshll.u32 s25, $0x2  }
0x4f: {  	[tilespmem:s26+$0x0] =	vst v1;
	s25 =	sadd.s32 s5, s25  }
0x50: {  	[hbm4b:s25+s3] =	stream.linear.scatter [tilespmem:s21], [sflag:$0x5], $0xA00, $0x38;
	[tilespmem:$0xB220] =	vst v63  }
.LBB2_6:
0x51: {  	_ =	swait.ge [sflag:s14], $0x1400  }
0x52: {  	[sflag:s14] =	ssyncset.done $0x0  }
0x53: {  	p0 =	seq.s32 s23, $0x7C;
	[sflag:s14] =	ssyncadd.s32 $0xFFFFEC00  }
0x54: {  	s24 =	smul.u32 @!p0 $0x50, s23;
	_ =	swait.ge [sflag:s15], $0x1400  }
0x55: {  	s26 =	simm.s32 @!p0 $0x50;
	[sflag:s15] =	ssyncset.done $0x0  }
0x56: {  	s28 =	simm.s32 @!p0 $0x4E20;
	s25 =	sadd.s32 @!p0 $0x50, s24;
	[sflag:s15] =	ssyncadd.s32 $0xFFFFEC00  }
0x57: {  	[tilespmem:s28], [sflag:$0x1] =	stream.indirect.gather @!p0 [hbm4b:s2+s26], $0x40, s25, s26, $0xb8;
	[tilespmem:$0xB220] =	vst v63  }
0x58: {  	p1 =	slt.u32 @!p0 s23, $0x2;
	s24 =	sadd.s32 @!p0 $0x2760, s24;
	s25 =	simm.s32 @!p0 $0x6220  }
0x59: {  	[tilespmem:s25], [sflag:$0x2] =	stream.indirect.gather @!p0 [hbm4b:s2+s26], $0x40, s24, s26, $0xb8;
	[tilespmem:$0xB220] =	vst v63  }
0x5a: {  	p0 =	por p0, !p1  }
0x5b: {  	_ =	swait.ge @p0 [sflag:s16], $0xA00  }
0x5c: {  	[sflag:s16] =	ssyncset.done @p0 $0x0  }
0x5d: {  	s31 =	simm.s32 $0x0;
	[sflag:s16] =	ssyncadd.s32 @p0 $0xFFFFF600  }
0x5e: {  	v1 =	vld [tilespmem:s31+$0x8020]  }
0x5f: {  	v2 =	vld [tilespmem:s31+$0x9440];
	_ =	sdelay $0x4  }
0x60: {  	v1 =	vadd.bf16 v2, v1;
	_ =	sdelay $0x1  }
0x61: {  	s24 =	simm.s32 $0xA830;
	v1 =	vmax.bf16 v1, v0  }
0x62: {  	[tilespmem:s24+$0xFFFFFFF0] =	vst v1  }
0x63: {  	v1 =	vld [tilespmem:s31+$0x8030]  }
0x64: {  	v2 =	vld [tilespmem:s31+$0x9450];
	_ =	sdelay $0x4  }
0x65: {  	s26 =	simm.s32 $0x100;
	s25 =	simm.s32 $0xA830;
	v1 =	vadd.bf16 v2, v1  }
.LBB2_7:
0x66: {  	p0 =	sne.s32 s26, $0x4F00  }
0x67: {  	s24 =	sadd.s32 $0x20, s24;
	s28 =	smov.u32 s26;
	s26 =	sadd.s32 $0x100, s26  }
0x68: {  	v1 =	vmax.bf16 v1, v0  }
0x69: {  	s28 =	sshra.s32 s28, $0x2;
	[tilespmem:s25+$0x0] =	vst v1;
	s25 =	smov.u32 s24  }
0x6a: {  	v1 =	vld [tilespmem:s28+$0x8020]  }
0x6b: {  	v2 =	vld [tilespmem:s28+$0x9440];
	_ =	sdelay $0x4  }
0x6c: {  	v1 =	vadd.bf16 v2, v1;
	_ =	sdelay $0x1  }
0x6d: {  	v1 =	vmax.bf16 v1, v0  }
0x6e: {  	[tilespmem:s24+$0xFFFFFFF0] =	vst v1  }
0x6f: {  	v1 =	vld [tilespmem:s28+$0x8030]  }
0x70: {  	v2 =	vld [tilespmem:s28+$0x9450]  }
.Ltmp7:
0x71: {  	(pc) =	sbr.rel @p0 .LBB2_7-.Ltmp7, $2  }
0x72: {  	_ =	sdelay $0x2  }
0x73: {  	v1 =	vadd.bf16 v2, v1  }
0x74: {  	s24 =	smul.u32 $0x50, s23  }
.Ltmp8:
0x75: {  	_ = 	snop;
	(pc) =	sbr.rel .LBB2_9-.Ltmp8, $4  }
0x76: {  	s24 =	sadd.s32 s4, s24  }
0x77: {  	v1 =	vmax.bf16 v1, v0;
	s24 =	sshll.u32 s24, $0x2  }
0x78: {  	[tilespmem:s25+$0x0] =	vst v1;
	s24 =	sadd.s32 s5, s24  }
0x79: {  	[hbm4b:s24+s3] =	stream.linear.scatter [tilespmem:s17], [sflag:$0x6], $0xA00, $0x38;
	[tilespmem:$0xB220] =	vst v63  }
.LBB2_11:
0x7a: {  	_ =	sfence.sel $0x180000  }
0x7b: {  	[bflag:$0x0] =	sbarrier.arrive $0xFFFF  }
0x7c: {  	p0 =	sne.s32 s0, $0x0;
	_ =	strace $0x90000047  }
0x7d: {  	s0 =	sadd.s32 @!p0 $0x100000, s1;
	[bflag:$0x2] =	sbarrier.arrive $0xFFFF  }
0x7e: {  	[sflag:s0] =	ssyncadd.tile.s32 @!p0 $0x1;
	_ =	shalt  }
.Lfunc_end2:
_tile_overlayer_lowered:
.L_overlay_start_2:
0x7f: {  	(tag) =	ssettag $0x2  }
0x80: {  	s0 =	rddreg [dreg:$0x0];
	s2 =	stileid.u32  }
0x81: {  	s1 =	rddreg [dreg:$0x1];
	p0 =	sne.s32 s2, $0x0  }
0x82: {  	s3 =	rddreg [dreg:$0x2];
	[bflag:$0x3] =	sbarrier.arrive $0xFFFF;
	s2 =	simm.s32 @!p0 $0x1C07  }
0x83: {  	[timem:s3], [sflag:s2] =	dma.local @!p0 [hbm:s0], s1  }
0x84: {  	s0 =	simm.s32 @!p0 $0x7  }
0x85: {  	_ =	swait.ge @!p0 [sflag:s0], s1  }
0x86: {  	s1 =	ssub.s32 @!p0 $0x0, s1;
	[sflag:s0] =	ssyncset.done @!p0 $0x0  }
0x87: {  	[sflag:s0] =	ssyncadd.s32 @!p0 s1  }
0x88: {  	[bflag:$0x3] =	sbarrier.arrive $0xFFFF  }
0x89: {  	_ =	shalt  }

// kernel: kernel.9.cloned.1.call-start
scs
__scs_entry_jumppad:
0x0: {  	(pc) =	sbr.rel $0x88, $3  }
0x1: {  	(tag) =	ssettag $0x0;
	lr =	simm.s32 $0x1  }
0x2: {  	[smem:$0x3F99] =	sst lr;
	_ =	strace $0xD0000000  }
0x3: {  	_ = 	snop  }
0x4: {  	_ = 	snop  }
0x5: {  	_ = 	snop  }
0x6: {  	_ = 	snop  }
0x7: {  	_ = 	snop  }
__scs_overlays_trampoline_lowered:
0x8: {  	[smem:$0x3FA8] =	sst s0  }
0x9: {  	[smem:$0x3FA9] =	sst s1  }
0xa: {  	[smem:$0x3FAA] =	sst s2  }
0xb: {  	[smem:$0x3FAB] =	sst s3  }
0xc: {  	[smem:$0x3FAC] =	sst s4  }
0xd: {  	[smem:$0x3FAD] =	sst s5  }
0xe: {  	[smem:$0x3FAE] =	sst s6  }
0xf: {  	[smem:$0x3FAF] =	sst s7  }
0x10: {  	[smem:$0x3FB0] =	sst s8  }
0x11: {  	[smem:$0x3FB1] =	sst s9;
	s0 =	simm.s32 @!p0 $0x0  }
0x12: {  	s1 =	sld [smem:$0x3F97];
	s0 =	simm.s32 @p0 $0x1  }
0x13: {  	[smem:$0x3FB2] =	sst s0;
	s0 =	simm.s32 @!p1 $0x0  }
0x14: {  	s2 =	sld [smem:$0x3F96];
	s0 =	simm.s32 @p1 $0x1  }
0x15: {  	[smem:$0x3FB3] =	sst s0;
	s0 =	simm.s32 @!p2 $0x0  }
0x16: {  	s3 =	sld [smem:$0x3FDB];
	s0 =	simm.s32 @p2 $0x1  }
0x17: {  	s4 =	simm.s32 $0x1BF5;
	[smem:$0x3FB5] =	sst s0  }
0x18: {  	s0 =	sld [smem:$0x3F98];
	_ =	swait.ge [sflag:s4], $0x0  }
0x19: {  	s7 =	sld [smem:$0x3F99]  }
0x1a: {  	s8 =	sadd.s32 $0xFFFFE003, lr  }
0x1b: {  	s9 =	sadd.s32 $0xFFFFFEF7, lr;
	s5 =	simm.s32 $0xFFFFFFFF;
	p2 =	slt.u32 s8, $0xFFFFF086  }
0x1c: {  	p1 =	slt.u32 s9, $0xF7A;
	s5 =	simm.s32 @!p2 $0x0  }
0x1d: {  	s5 =	simm.s32 @p1 $0x1;
	p0 =	seq.s32 s7, s2  }
0x1e: {  	s7 =	smul.u32 @!p0 $0xF7A, s2;
	p2 =	seq.s32 @!p0 s5, $0x0  }
0x1f: {  	s9 =	smul.u32 $0xF7A, s1;
	s8 =	simm.s32 @!p0 $0x1BF5;
	p2 =	por !p2, p0  }
0x20: {  	[sflag:s8] =	ssyncset.s32 @!p0 $0xFFFFF086;
	s6 =	sadd.s32 @!p0 s3, s7;
	s7 =	simm.s32 @!p0 $0x108  }
0x21: {  	s3 =	sadd.s32 s3, s9;
	s6 =	sadd.s32 @!p0 $0x88, s6;
	s7 =	simm.s32 @p2 $0x1082  }
0x22: {  	[simem:s7], [sflag:s8] =	dma.local @!p0 [hbm:s6], $0xF7A  }
0x23: {  	s9 =	sor.u32 $0xD0000000, s2;
	s6 =	simm.s32 $0x108;
	_ =	swait.ge @!p0 [sflag:s8], $0x0  }
0x24: {  	s3 =	sadd.s32 $0x88, s3;
	s6 =	simm.s32 @!p1 $0x1082;
	[sflag:s4] =	ssyncset.s32 $0xFFFFF086  }
0x25: {  	[simem:s6], [sflag:s4] =	dma.local [hbm:s3], $0xF7A  }
0x26: {  	[smem:$0x3F99] =	sst s1;
	(tag) =	ssettag s2;
	_ =	strace s9  }
0x27: {  	s1 =	sld [smem:$0x3FA9]  }
0x28: {  	s2 =	sld [smem:$0x3FAA]  }
0x29: {  	s4 =	sld [smem:$0x3FAC]  }
0x2a: {  	p0 =	seq.s32 s5, $0x0;
	s5 =	sld [smem:$0x3FAD]  }
0x2b: {  	s6 =	sld [smem:$0x3FAE]  }
0x2c: {  	s7 =	sld [smem:$0x3FAF]  }
0x2d: {  	s3 =	simm.s32 $0x108;
	s8 =	sld [smem:$0x3FB0]  }
0x2e: {  	s3 =	simm.s32 @!p0 $0x1082;
	s9 =	sld [smem:$0x3FB1]  }
0x2f: {  	lr =	sadd.s32 s0, s3;
	s0 =	sld [smem:$0x3FA8]  }
0x30: {  	s3 =	sld [smem:$0x3FAB]  }
0x31: {  	[smem:$0x3FB4] =	sst s10  }
0x32: {  	s10 =	sld [smem:$0x3FB2];
	_ =	sdelay $0x3  }
0x33: {  	p0 =	seq.s32 s10, $0x1;
	s10 =	sld [smem:$0x3FB4];
	_ =	sdelay $0x3  }
0x34: {  	[smem:$0x3FB4] =	sst s10  }
0x35: {  	s10 =	sld [smem:$0x3FB3];
	_ =	sdelay $0x3  }
0x36: {  	p1 =	seq.s32 s10, $0x1;
	s10 =	sld [smem:$0x3FB4];
	_ =	sdelay $0x3  }
0x37: {  	[smem:$0x3FB4] =	sst s10  }
0x38: {  	s10 =	sld [smem:$0x3FB5]  }
0x39: {  	_ = 	snop;
	(pc) =	sbr.ind lr, $3  }
0x3a: {  	_ = 	snop  }
0x3b: {  	_ = 	snop  }
0x3c: {  	p2 =	seq.s32 s10, $0x1;
	s10 =	sld [smem:$0x3FB4]  }
0x3d: {  	_ =	shalt  }
0x3e: {  	_ =	shalt  }
0x3f: {  	_ =	shalt  }
0x40: {  	_ =	shalt  }
0x41: {  	_ =	shalt  }
0x42: {  	_ =	shalt  }
0x43: {  	_ =	shalt  }
0x44: {  	_ =	shalt  }
0x45: {  	_ =	shalt  }
0x46: {  	_ =	shalt  }
0x47: {  	_ =	shalt  }
0x48: {  	_ =	shalt  }
0x49: {  	_ =	shalt  }
0x4a: {  	_ =	shalt  }
0x4b: {  	_ =	shalt  }
0x4c: {  	_ =	shalt  }
0x4d: {  	_ =	shalt  }
0x4e: {  	_ =	shalt  }
0x4f: {  	_ =	shalt  }
0x50: {  	_ =	shalt  }
0x51: {  	_ =	shalt  }
0x52: {  	_ =	shalt  }
0x53: {  	_ =	shalt  }
0x54: {  	_ =	shalt  }
0x55: {  	_ =	shalt  }
0x56: {  	_ =	shalt  }
0x57: {  	_ =	shalt  }
0x58: {  	_ =	shalt  }
0x59: {  	_ =	shalt  }
0x5a: {  	_ =	shalt  }
0x5b: {  	_ =	shalt  }
0x5c: {  	_ =	shalt  }
0x5d: {  	_ =	shalt  }
0x5e: {  	_ =	shalt  }
0x5f: {  	_ =	shalt  }
0x60: {  	_ =	shalt  }
0x61: {  	_ =	shalt  }
0x62: {  	_ =	shalt  }
0x63: {  	_ =	shalt  }
0x64: {  	_ =	shalt  }
0x65: {  	_ =	shalt  }
0x66: {  	_ =	shalt  }
0x67: {  	_ =	shalt  }
0x68: {  	_ =	shalt  }
0x69: {  	_ =	shalt  }
0x6a: {  	_ =	shalt  }
0x6b: {  	_ =	shalt  }
0x6c: {  	_ =	shalt  }
0x6d: {  	_ =	shalt  }
0x6e: {  	_ =	shalt  }
0x6f: {  	_ =	shalt  }
0x70: {  	_ =	shalt  }
0x71: {  	_ =	shalt  }
0x72: {  	_ =	shalt  }
0x73: {  	_ =	shalt  }
0x74: {  	_ =	shalt  }
0x75: {  	_ =	shalt  }
0x76: {  	_ =	shalt  }
0x77: {  	_ =	shalt  }
0x78: {  	_ =	shalt  }
0x79: {  	_ =	shalt  }
0x7a: {  	_ =	shalt  }
0x7b: {  	_ =	shalt  }
0x7c: {  	_ =	shalt  }
0x7d: {  	_ =	shalt  }
0x7e: {  	_ =	shalt  }
0x7f: {  	_ =	shalt  }
0x80: {  	_ =	shalt  }
0x81: {  	_ =	shalt  }
0x82: {  	_ =	shalt  }
0x83: {  	_ =	shalt  }
0x84: {  	_ =	shalt  }
0x85: {  	_ =	shalt  }
0x86: {  	_ =	shalt  }
0x87: {  	_ =	shalt  }
.Lfunc_end0:
.L_simem_size_0:
called_computation.1_lowered:
.L_overlay_start_0:
0x88: {  	s2 =	sld [smem:$0x3FD9]  }
0x89: {  	s3 =	sld [smem:$0x3FFE];
	_ =	sdelay $0x1  }
0x8a: {  	s1 =	srdreg.scid  }
0x8b: {  	s0 =	sand.u32 $0x1, s1  }
0x8c: {  	s16 =	sshll.u32 s0, $0xA;
	s2 =	sadd.s32 s3, s2  }
0x8d: {  	s2 =	sadd.s32 s2, s16  }
0x8e: {  	[smem:$0x3FC0] =	sst s2  }
0x8f: {  	_ = 	snop  }
0x90: {  	(tm) =	ssettm $0x1  }
0x91: {  	s17 =	sld [smem:$0x3FFB];
	_ =	sdelay $0x3  }
0x92: {  	_ =	strace s17  }
0x93: {  	s2 =	sld [smem:$0x3FFC];
	_ =	sdelay $0x3  }
0x94: {  	_ =	strace s2  }
0x95: {  	s2 =	sld [smem:$0x3FFD];
	_ =	sdelay $0x3  }
0x96: {  	_ =	strace s2  }
0x97: {  	_ =	strace $0x8FFFFFFF  }
0x98: {  	s18 =	sld [smem:$0x3FDB];
	_ =	sdelay $0x1  }
0x99: {  	s19 =	simm.s32 $_scs_section_size  }
0x9a: {  	s4 =	simm.s32 $_size__tile_overlayer_lowered;
	s5 =	simm.s32 $_tile_overlayer_lowered  }
0x9b: {  	s22 =	simm.s32 $0x1BFF;
	s21 =	sshll.u32 s5, $0x1;
	s2 =	sadd.s32 s19, s18  }
0x9c: {  	s6 =	simm.s32 $0x0;
	s20 =	sshll.u32 s4, $0x1;
	s4 =	sadd.s32 s21, s2  }
0x9d: {  	[timem:s6], [sflag:s22] =	dma.local [hbm:s4], s20  }
0x9e: {  	_ =	swait.ge [sflag:s22], s20  }
0x9f: {  	s3 =	ssub.s32 $0x0, s20;
	[sflag:s22] =	ssyncset.done $0x0  }
0xa0: {  	[sflag:s22] =	ssyncadd.s32 s3;
	_ =	sdelay $0x1  }
0xa1: {  	s23 =	simm.s32 $0x1B8B  }
0xa2: {  	_ =	swait.ge [sflag:s23], $0x1  }
0xa3: {  	[sflag:s23] =	ssyncset.done $0x0  }
0xa4: {  	s25 =	simm.s32 $0x1B8E;
	s24 =	sld [smem:$0x3FFE];
	[sflag:s23] =	ssyncadd.s32 $0xFFFFFFFF  }
0xa5: {  	s26 =	simm.s32 $execute0_lowered;
	[smem:$0x3FD2] =	sst s25  }
0xa6: {  	s4 =	sshll.u32 s26, $0x1;
	_ =	strace $0x80000049;
	[dreg:$0x1] =	wrdreg $0xFFFFFFFF  }
0xa7: {  	s28 =	simm.s32 $_size_execute0_lowered;
	s2 =	sadd.s32 s2, s4;
	[dreg:$0x0] =	wrdreg $0x0  }
0xa8: {  	s4 =	sshll.u32 s28, $0x1;
	[dreg:$0x2] =	wrdreg s2  }
0xa9: {  	[dreg:$0x3] =	wrdreg s4  }
0xaa: {  	[dreg:$0x4] =	wrdreg $0xC0  }
0xab: {  	_ =	task [dreg:s6], $0x5FFFF  }
0xac: {  	[dreg:$0x1] =	wrdreg $0xFFFFFFFF  }
0xad: {  	[dreg:$0x0] =	wrdreg $0x60  }
0xae: {  	[dreg:$0x2] =	wrdreg s24  }
0xaf: {  	[dreg:$0x3] =	wrdreg $0xFB000  }
0xb0: {  	[dreg:$0x4] =	wrdreg $0x9  }
0xb1: {  	_ =	task.clear_ibuf [dreg:s6], $0x5FFFF;
	_ =	strace $0x90000049  }
0xb2: {  	s29 =	simm.s32 $0x9;
	_ =	strace $0x8000004B  }
0xb3: {  	_ =	swait.ge [sflag:s29], $0x1  }
0xb4: {  	[sflag:s29] =	ssyncadd.s32 $0xFFFFFFFF  }
0xb5: {  	_ =	strace $0x9000004B  }
0xb6: {  	_ =	sfence  }
0xb7: {  	s30 =	sld [smem:$0x0];
	_ =	sdelay $0x2  }
0xb8: {  	s31 =	sshll.u32 s1, $0xD;
	s1 =	sshrl.u32 s1, $0x2  }
0xb9: {  	s3 =	sand.u32 $0x4000, s31;
	s1 =	sadd.s32 s1, s30  }
0xba: {  	s0 =	sor.u32 s3, s0;
	s1 =	sshll.u32 s1, $0x11  }
0xbb: {  	s0 =	sor.u32 s1, s0  }
0xbc: {  	s0 =	sadd.s32 $0x8F2B, s0  }
0xbd: {  	[sflag:s0] =	ssyncadd.remote.s32 $0x1  }
0xbe: {  	_ =	sfence.sel $0xFFFF  }
0xbf: {  	[dreg:$0x0] =	wrdreg $0xFFFFFFFF;
	(pc) =	sbr.abs _section_cstart, $3  }
0xc0: {  	[dreg:$0x1] =	wrdreg $0xFFFFFFFF  }
0xc1: {  	_ =	task.clear_ibuf [dreg:s6], $0x2FFFF;
	_ =	strace $0x9FFFFFFF  }
0xc2: {  	(tm) =	ssettm $0x7FFFFFFF  }
0xc3: {  	_ =	shalt  }
tec
execute0_lowered:
.L_overlay_start_1:
0x0: {  	(tag) =	ssettag $0x1  }
0x1: {  	s0 =	rddreg [dreg:$0x0]  }
0x2: {  	s1 =	rddreg [dreg:$0x1]  }
0x3: {  	s2 =	simm.s32 $0x0;
	s3 =	srdreg.scid;
	s7 =	stileid.u32  }
0x4: {  	s16 =	simm.s32 $0x1700;
	s17 =	simm.s32 $0x7;
	s18 =	simm.s32 $0x4  }
0x5: {  	s19 =	simm.s32 $0x40;
	s21 =	simm.s32 $0x5;
	[smem:$0x7FF] =	sst s2  }
0x6: {  	s3 =	sand.u32 $0x1, s3;
	s4 =	sadd.s32 $0x3BE400, s0;
	s8 =	smul.u32 $0x29000, s7  }
0x7: {  	_ =	strace $0x8000004A;
	s5 =	sshll.u32 s3, $0x4;
	s3 =	ssub.s32 $0x2, s3  }
0x8: {  	s6 =	sor.u32 s7, s5;
	s5 =	sadd.s32 $0xAE00, s0;
	s10 =	sshrl.u32 s8, $0x2  }
0x9: {  	s9 =	sshrl.u32 s3, $0x1;
	s7 =	smul.u32 $0x148, s7;
	s11 =	sadd.s32 s10, s1  }
0xa: {  	s22 =	ssub.s32 s3, s9;
	s23 =	sadd.s32 $0xA000, s11;
	[dreg:$0x3] =	wrdreg s11  }
0xb: {  	s8 =	sadd.s32 $0x14C00, s0;
	s0 =	smax.u32 s22, $0x1;
	[dreg:$0x4] =	wrdreg s23  }
0xc: {  	s6 =	smul.u32 $0x140, s6;
	s28 =	sadd.s32 $0x2000, s11;
	[dreg:$0x5] =	wrdreg s0  }
0xd: {  	s3 =	simm.s32 $0x0;
	s29 =	sadd.s32 $0x4000, s11;
	[dreg:$0x6] =	wrdreg s28  }
0xe: {  	s26 =	sadd.s32 $0x147, s7;
	s30 =	sadd.s32 $0x6000, s11;
	[dreg:$0x7] =	wrdreg s29  }
0xf: {  	v4 =	vimm.f32 $0.0e+00;
	v5 =	vimm.f32 $-3.000000010e+38;
	s31 =	sadd.s32 $0x8000, s11;
	s22 =	simm.s32 $0x2;
	[dreg:$0x8] =	wrdreg s30  }
0x10: {  	v6 =	vlaneseq.u32;
	v7 =	vimm.s32 $0x0;
	s24 =	sadd.s32 $0x140, s6;
	s25 =	ssub.s32 s7, s6;
	[dreg:$0x9] =	wrdreg s31;
	v0 =	vmov s6  }
0x11: {  	v3 =	vmov s26;
	s23 =	simm.s32 $0x3700;
	v1 =	vmov s24;
	v2 =	vmov s25;
	s24 =	simm.s32 $0x1;
	s25 =	simm.s32 $0x3  }
.LBB2_1:
0x12: {  	[dreg:$0xa] =	wrdreg s3;
	s0 =	simm.s32 $0x0;
	s3 =	simm.s32 $0x200  }
.LBB2_2:
0x13: {  	p0 =	sne.s32 s3, $0x7E00;
	[tilespmem:s0+$0x1770] =	vst v4  }
0x14: {  	[tilespmem:s0+$0x1700] =	vst v4  }
0x15: {  	[tilespmem:s0+$0x1710] =	vst v4  }
.Ltmp0:
0x16: {  	[tilespmem:s0+$0x1720] =	vst v4;
	(pc) =	sbr.rel @p0 .LBB2_2-.Ltmp0, $4  }
0x17: {  	[tilespmem:s0+$0x1730] =	vst v4  }
0x18: {  	[tilespmem:s0+$0x1740] =	vst v4  }
0x19: {  	[tilespmem:s0+$0x1750] =	vst v4  }
0x1a: {  	[tilespmem:s0+$0x1760] =	vst v4;
	s0 =	sshra.s32 s3, $0x2;
	s3 =	sadd.s32 $0x200, s3  }
0x1b: {  	[tilespmem:s0+$0x1770] =	vst v4  }
0x1c: {  	[tilespmem:s0+$0x1700] =	vst v4  }
0x1d: {  	[tilespmem:s0+$0x1710] =	vst v4  }
0x1e: {  	[tilespmem:s0+$0x1720] =	vst v4  }
0x1f: {  	[tilespmem:s0+$0x1730] =	vst v4  }
0x20: {  	[tilespmem:s0+$0x1740] =	vst v4  }
0x21: {  	[tilespmem:s0+$0x1750] =	vst v4  }
0x22: {  	[tilespmem:s0+$0x1760] =	vst v4;
	s20 =	rddreg [dreg:$0x3]  }
0x23: {  	[spmem:s20] =	stream.linear.scatter [tilespmem:s16], [sflag:$0x7], $0x2000, $0x38;
	[tilespmem:$0x19F00] =	vst v63  }
0x24: {  	_ =	swait.ge [sflag:s17], $0x2000  }
0x25: {  	[sflag:s17] =	ssyncset.done $0x0  }
0x26: {  	s26 =	rddreg [dreg:$0x6];
	[sflag:s17] =	ssyncadd.s32 $0xFFFFE000  }
0x27: {  	[spmem:s26] =	stream.linear.scatter [tilespmem:s16], [sflag:$0x7], $0x2000, $0x38;
	[tilespmem:$0x19F00] =	vst v63  }
0x28: {  	_ =	swait.ge [sflag:s17], $0x2000  }
0x29: {  	[sflag:s17] =	ssyncset.done $0x0  }
0x2a: {  	s28 =	rddreg [dreg:$0x7];
	[sflag:s17] =	ssyncadd.s32 $0xFFFFE000  }
0x2b: {  	[spmem:s28] =	stream.linear.scatter [tilespmem:s16], [sflag:$0x7], $0x2000, $0x38;
	[tilespmem:$0x19F00] =	vst v63  }
0x2c: {  	_ =	swait.ge [sflag:s17], $0x2000  }
0x2d: {  	[sflag:s17] =	ssyncset.done $0x0  }
0x2e: {  	s29 =	rddreg [dreg:$0x8];
	[sflag:s17] =	ssyncadd.s32 $0xFFFFE000  }
0x2f: {  	[spmem:s29] =	stream.linear.scatter [tilespmem:s16], [sflag:$0x7], $0x2000, $0x38;
	[tilespmem:$0x19F00] =	vst v63  }
0x30: {  	_ =	swait.ge [sflag:s17], $0x2000  }
0x31: {  	[sflag:s17] =	ssyncset.done $0x0  }
0x32: {  	s30 =	rddreg [dreg:$0x9];
	[sflag:s17] =	ssyncadd.s32 $0xFFFFE000  }
0x33: {  	[spmem:s30] =	stream.linear.scatter [tilespmem:s16], [sflag:$0x7], $0x2000, $0x38;
	[tilespmem:$0x19F00] =	vst v63  }
0x34: {  	_ =	swait.ge [sflag:s17], $0x2000  }
0x35: {  	[sflag:s17] =	ssyncset.done $0x0  }
0x36: {  	s31 =	rddreg [dreg:$0x4];
	[sflag:s17] =	ssyncadd.s32 $0xFFFFE000  }
0x37: {  	[spmem:s31] =	stream.linear.scatter [tilespmem:s16], [sflag:$0x7], $0x400, $0x38;
	[tilespmem:$0x19F00] =	vst v63  }
0x38: {  	_ =	swait.ge [sflag:s17], $0x400  }
0x39: {  	[sflag:s17] =	ssyncset.done $0x0  }
0x3a: {  	s0 =	simm.s32 $0x0;
	[sflag:s17] =	ssyncadd.s32 $0xFFFFFC00  }
.LBB2_4:
0x3b: {  	p0 =	sne.s32 s0, $0x51C  }
.Ltmp1:
0x3c: {  	_ = 	snop;
	(pc) =	sbr.rel @p0 .LBB2_4-.Ltmp1, $3  }
0x3d: {  	_ =	sdelay $0x1  }
0x3e: {  	s3 =	sshra.s32 s0, $0x2  }
0x3f: {  	s0 =	sadd.s32 $0x4, s0;
	[smem:s3] =	sst s2  }
0x40: {  	s0 =	simm.s32 $0x70;
	s3 =	simm.s32 $0x3C0  }
.LBB2_6:
0x41: {  	p0 =	sne.s32 s3, $0x28FC0;
	[tilespmem:s0+$0x5700] =	vst v5  }
0x42: {  	[tilespmem:s0+$0x5690] =	vst v5  }
0x43: {  	[tilespmem:s0+$0x56A0] =	vst v5  }
.Ltmp2:
0x44: {  	[tilespmem:s0+$0x56B0] =	vst v5;
	(pc) =	sbr.rel @p0 .LBB2_6-.Ltmp2, $4  }
0x45: {  	[tilespmem:s0+$0x56C0] =	vst v5  }
0x46: {  	[tilespmem:s0+$0x56D0] =	vst v5  }
0x47: {  	[tilespmem:s0+$0x56E0] =	vst v5  }
0x48: {  	[tilespmem:s0+$0x56F0] =	vst v5;
	s0 =	sshra.s32 s3, $0x2;
	s3 =	sadd.s32 $0x200, s3  }
0x49: {  	[tilespmem:s0+$0x5700] =	vst v5  }
0x4a: {  	[tilespmem:s0+$0x5690] =	vst v5  }
0x4b: {  	[tilespmem:s0+$0x56A0] =	vst v5  }
0x4c: {  	[tilespmem:s0+$0x56B0] =	vst v5  }
.Ltmp3:
0x4d: {  	[tilespmem:s0+$0x56C0] =	vst v5;
	(pc) =	sbr.rel .LBB2_8-.Ltmp3, $4  }
0x4e: {  	[tilespmem:s0+$0x56D0] =	vst v5  }
0x4f: {  	[tilespmem:s0+$0x56E0] =	vst v5  }
0x50: {  	[tilespmem:s0+$0x56F0] =	vst v5;
	s30 =	simm.s32 $0x0;
	s29 =	simm.s32 $0x0;
	s31 =	simm.s32 $0x0  }
0x51: {  	[tilespmem:s30], [sflag:$0x3] =	stream.linear.gather [hbm4b:s5+s30], $0x500, $0x38;
	[tilespmem:$0x19F00] =	vst v63  }
.LBB2_35:
0x52: {  	s0 =	sand.u32 $0x40, s29  }
0x53: {  	p0 =	seq.s32 s0, $0x0;
	s0 =	simm.s32 $0x6  }
0x54: {  	s0 =	simm.s32 @!p0 $0x5  }
0x55: {  	_ =	swait.ge [sflag:s0], $0x2000  }
0x56: {  	[sflag:s0] =	ssyncset.done $0x0  }
0x57: {  	s28 =	sand.u32 $0x7FFFFFC0, s29;
	[sflag:s0] =	ssyncadd.s32 $0xFFFFE000  }
0x58: {  	v8 =	vld [tilespmem:s28+$0xA00];
	_ =	sdelay $0x4  }
0x59: {  	[tilespmem:$0xA00] =	vst v8  }
0x5a: {  	v8 =	vld [tilespmem:s28+$0x1080];
	_ =	sdelay $0x4  }
0x5b: {  	[tilespmem:$0x1080] =	vst v8  }
0x5c: {  	v8 =	vld [tilespmem:s28+$0xA10];
	_ =	sdelay $0x4  }
0x5d: {  	[tilespmem:$0xA10] =	vst v8  }
0x5e: {  	v8 =	vld [tilespmem:s28+$0x1090];
	_ =	sdelay $0x4  }
0x5f: {  	[tilespmem:$0x1090] =	vst v8  }
0x60: {  	v8 =	vld [tilespmem:s28+$0xA20];
	_ =	sdelay $0x4  }
0x61: {  	[tilespmem:$0xA20] =	vst v8  }
0x62: {  	v8 =	vld [tilespmem:s28+$0x10A0];
	_ =	sdelay $0x4  }
0x63: {  	[tilespmem:$0x10A0] =	vst v8  }
0x64: {  	v8 =	vld [tilespmem:s28+$0xA30];
	_ =	sdelay $0x4  }
0x65: {  	[tilespmem:$0xA30] =	vst v8  }
0x66: {  	v8 =	vld [tilespmem:s28+$0x10B0];
	_ =	sdelay $0x3  }
0x67: {  	s29 =	sand.u32 $0x3F, s29  }
0x68: {  	[smem:$0x180] =	sst s29;
	[tilespmem:$0x10B0] =	vst v8  }
.LBB2_36:
0x69: {  	s31 =	sadd.s32 $0x1, s31  }
0x6a: {  	p0 =	sne.s32 s31, $0xFA  }
.Ltmp4:
0x6b: {  	_ = 	snop;
	(pc) =	sbr.rel @!p0 .LBB2_37-.Ltmp4, $2  }
0x6c: {  	_ =	sdelay $0x2  }
0x6d: {  	s30 =	sadd.s32 $0x500, s30  }
.LBB2_8:
0x6e: {  	s3 =	sand.u32 $0x1, s31  }
0x6f: {  	p0 =	seq.s32 s3, $0x1  }
.Ltmp5:
0x70: {  	_ = 	snop;
	(pc) =	sbr.rel @p0 .LBB2_23-.Ltmp5, $2  }
0x71: {  	_ =	sdelay $0x2  }
0x72: {  	s0 =	smul.u32 $0x500, s31  }
0x73: {  	_ = 	snop  }
0x74: {  	_ =	swait.ge [sflag:s25], $0x500;
	s10 =	simm.s32 $0x0;
	s9 =	sshrl.u32 s0, $0x3  }
0x75: {  	s11 =	simm.s32 $0x500;
	[sflag:s25] =	ssyncset.done $0x0;
	s9 =	sadd.s32 s5, s9  }
0x76: {  	s28 =	simm.s32 $0x0;
	[sflag:s25] =	ssyncadd.s32 $0xFFFFFB00;
	s9 =	sadd.s32 $0xA0, s9  }
0x77: {  	[tilespmem:s11], [sflag:$0x4] =	stream.linear.gather [hbm4b:s9+s10], $0x500, $0x38;
	[tilespmem:$0x19F00] =	vst v63  }
0x78: {  	v8 =	vld [tilespmem:s28+$0x0];
	_ =	sdelay $0x4  }
0x79: {  	vm0 =	vge.s32 v8, v0;
	vm1 =	vlt.s32 v8, v1  }
0x7a: {  	vm0 =	vmand vm0, vm1  }
0x7b: {  	v9 =	vsel vm0, $0x1, v7  }
0x7c: {  	(xrf0) =	vadd.scan.msk.s32 $0xffff, v9;
	_ =	sdelay $0x5  }
0x7d: {  	v9 =	vor.u32 s30, v6;
	v10, _, _ =	vpop (xrf0)  }
0x7e: {  	s9 =	simm.s32 $0x40;
	s10 =	smov.u32 s30;
	v8 =	vadd.s32 v2, v8;
	[tilespmem:s29+$0xA00] =	vst.msk vm0, v9;
	(v2sf) =	vpush v10, $0xF  }
.LBB2_10:
0x7f: {  	s11 =	sshra.s32 s9, $0x2;
	p0 =	sne.s32 s9, $0x13C0;
	[tilespmem:s29+$0x1080] =	vst.msk vm0, v8  }
0x80: {  	v8 =	vld [tilespmem:s11+$0x0];
	_ =	sdelay $0x4  }
0x81: {  	vm0 =	vge.s32 v8, v0;
	vm1 =	vlt.s32 v8, v1;
	v8 =	vadd.s32 v2, v8  }
0x82: {  	vm0 =	vmand vm0, vm1  }
0x83: {  	v9 =	vsel vm0, $0x1, v7  }
0x84: {  	(xrf0) =	vadd.scan.msk.s32 $0xffff, v9;
	_ =	sdelay $0x2  }
.Ltmp6:
0x85: {  	(pc) =	sbr.rel @p0 .LBB2_10-.Ltmp6, $4  }
0x86: {  	_ = 	snop  }
0x87: {  	s10 =	sadd.s32 $0x10, s10;
	s11 =	spop (v2sf)  }
0x88: {  	v9 =	vor.u32 s10, v6;
	v10, _, _ =	vpop (xrf0);
	s29 =	sadd.s32 s29, s11  }
0x89: {  	s9 =	sadd.s32 $0x40, s9;
	[tilespmem:s29+$0xA00] =	vst.msk vm0, v9;
	(v2sf) =	vpush v10, $0xF;
	[smem:$0x180] =	sst s29  }
0x8a: {  	_ =	sdelay $0xd  }
0x8b: {  	s9 =	spop (v2sf)  }
0x8c: {  	[tilespmem:s29+$0x1080] =	vst.msk vm0, v8;
	s29 =	sadd.s32 s29, s9  }
0x8d: {  	p0 =	slt.s32 s29, $0x100  }
.Ltmp7:
0x8e: {  	_ = 	snop;
	(pc) =	sbr.rel @p0 .LBB2_22-.Ltmp7, $2  }
0x8f: {  	_ =	sdelay $0x2  }
0x90: {  	[smem:$0x180] =	sst s29  }
.Ltmp8:
0x91: {  	(pc) =	sbr.rel .LBB2_13-.Ltmp8, $3  }
0x92: {  	_ =	sdelay $0x1  }
0x93: {  	s9 =	simm.s32 $0xA00;
	s10 =	sshrl.u32 s29, $0x6;
	s11 =	simm.s32 $0x0  }
0x94: {  	[tilespmem:s16], [sflag:$0x1] =	stream.indirect.gather [hbm4b:s4+s19], $0x80, s9, s19, $0xb8;
	[tilespmem:$0x19F00] =	vst v63  }
.LBB2_19:
0x95: {  	_ =	sdelay $0x2  }
0x96: {  	s9 =	sshra.s32 s9, $0x2;
	[tilespmem:s13+$0x5770] =	vst v9  }
0x97: {  	v8 =	vld.idx.msk [tilespmem:v8+s9+$0x0 ss:$0x1], $0xffff;
	_ =	sdelay $0x4  }
0x98: {  	(v2sf) =	vpush v8, $0x0;
	_ =	sdelay $0xe  }
0x99: {  	s20 =	spop (v2sf)  }
0x9a: {  	s9 =	ssub.s32 s20, s7  }
0x9b: {  	s11 =	sadd.s32 $0x80, s11;
	s26 =	sshll.u32 s9, $0x9  }
0x9c: {  	v8 =	vld [tilespmem:s11+$0xFFFFFFC0];
	s13 =	sshra.s32 s26, $0x2  }
0x9d: {  	v9 =	vld [tilespmem:s13+$0x5700];
	_ =	sdelay $0x4  }
0x9e: {  	v8 =	vmax.f32 v9, v8  }
0x9f: {  	[tilespmem:s13+$0x5700] =	vst v8;
	v8 =	vld [tilespmem:s13+$0x5710]  }
0xa0: {  	v57 =	vld [tilespmem:s11+$0xFFFFFFD0];
	_ =	sdelay $0x4  }
0xa1: {  	v8 =	vmax.f32 v8, v57  }
0xa2: {  	[tilespmem:s13+$0x5710] =	vst v8;
	v8 =	vld [tilespmem:s13+$0x5720]  }
0xa3: {  	v58 =	vld [tilespmem:s11+$0xFFFFFFE0];
	_ =	sdelay $0x4  }
0xa4: {  	v8 =	vmax.f32 v8, v58  }
0xa5: {  	[tilespmem:s13+$0x5720] =	vst v8;
	v8 =	vld [tilespmem:s13+$0x5730]  }
0xa6: {  	v59 =	vld [tilespmem:s11+$0xFFFFFFF0];
	_ =	sdelay $0x4  }
0xa7: {  	v8 =	vmax.f32 v8, v59  }
0xa8: {  	[tilespmem:s13+$0x5730] =	vst v8;
	v8 =	vld [tilespmem:s13+$0x5740]  }
0xa9: {  	v60 =	vld [tilespmem:s11+$0x0];
	_ =	sdelay $0x4  }
0xaa: {  	v8 =	vmax.f32 v8, v60  }
0xab: {  	[tilespmem:s13+$0x5740] =	vst v8;
	v8 =	vld [tilespmem:s13+$0x5750]  }
0xac: {  	v61 =	vld [tilespmem:s11+$0x10];
	_ =	sdelay $0x4  }
0xad: {  	v8 =	vmax.f32 v8, v61  }
0xae: {  	[tilespmem:s13+$0x5750] =	vst v8;
	v8 =	vld [tilespmem:s13+$0x5760]  }
0xaf: {  	v62 =	vld [tilespmem:s11+$0x20];
	_ =	sdelay $0x4  }
0xb0: {  	v8 =	vmax.f32 v8, v62  }
0xb1: {  	[tilespmem:s13+$0x5760] =	vst v8;
	v8 =	vld [tilespmem:s13+$0x5770]  }
0xb2: {  	v63 =	vld [tilespmem:s11+$0x30];
	_ =	sdelay $0x1  }
0xb3: {  	s28 =	sld [smem:s9+$0x0];
	_ =	sdelay $0x2  }
0xb4: {  	s11 =	sadd.s32 $0x1, s28;
	v8 =	vmax.f32 v8, v63  }
0xb5: {  	[smem:s9] =	sst s11;
	[tilespmem:s13+$0x5770] =	vst v8  }
.LBB2_20:
0xb6: {  	p0 =	sne.s32 s12, s10  }
.Ltmp9:
0xb7: {  	_ = 	snop;
	(pc) =	sbr.rel @!p0 .LBB2_21-.Ltmp9, $2  }
0xb8: {  	_ =	sdelay $0x2  }
0xb9: {  	s11 =	smov.u32 s12  }
.LBB2_13:
0xba: {  	s13 =	sand.u32 $0x1, s11  }
0xbb: {  	p0 =	seq.s32 s13, $0x1  }
.Ltmp10:
0xbc: {  	_ = 	snop;
	(pc) =	sbr.rel @p0 .LBB2_17-.Ltmp10, $1  }
0xbd: {  	_ =	sdelay $0x3  }
0xbe: {  	p0 =	seq.s32 s11, $0x0  }
0xbf: {  	s9 =	simm.s32 @!p0 $0x6  }
0xc0: {  	_ =	swait.ge @!p0 [sflag:s9], $0x2000  }
0xc1: {  	s12 =	sor.u32 $0x1, s11;
	s26 =	sshll.u32 s11, $0x8;
	[sflag:s9] =	ssyncset.done @!p0 $0x0  }
0xc2: {  	[sflag:s9] =	ssyncadd.s32 @!p0 $0xFFFFE000;
	p0 =	sge.u32 s12, s10;
	s9 =	sshra.s32 s26, $0x2  }
0xc3: {  	_ =	swait.ge [sflag:s24], $0x2000;
	s14 =	sshll.u32 @!p0 s12, $0x8;
	s9 =	sadd.s32 $0x1080, s9  }
0xc4: {  	s15 =	simm.s32 @!p0 $0x40;
	[sflag:s24] =	ssyncset.done $0x0;
	s14 =	sshra.s32 @!p0 s14, $0x2;
	v8 =	vmov s9  }
0xc5: {  	s26 =	simm.s32 @!p0 $0x3700;
	[sflag:s24] =	ssyncadd.s32 $0xFFFFE000;
	s14 =	sadd.s32 @!p0 $0xA00, s14  }
0xc6: {  	[tilespmem:s26], [sflag:$0x2] =	stream.indirect.gather @!p0 [hbm4b:s4+s15], $0x80, s14, s15, $0xb8;
	[tilespmem:$0x19F00] =	vst v63  }
0xc7: {  	s14 =	simm.s32 $0x0  }
0xc8: {  	[spmem:s1] =	stream.indirect.scatter.add.f32 [tilespmem:s16], [sflag:$0x5], $0x80, s9, s19, $0xb8;
	[tilespmem:$0x19F00] =	vst v63  }
0xc9: {  	v9 =	vld.idx.msk [tilespmem:v8+s14+$0x0 ss:$0x1], $0xffff;
	_ =	sdelay $0x4  }
0xca: {  	(v2sf) =	vpush v9, $0x0;
	_ =	sdelay $0xe  }
0xcb: {  	s15 =	spop (v2sf)  }
0xcc: {  	s26 =	ssub.s32 s15, s7  }
0xcd: {  	s14 =	simm.s32 $0x1740;
	s9 =	sshll.u32 s26, $0x9  }
0xce: {  	v9 =	vld [tilespmem:s14+$0xFFFFFFC0];
	s15 =	sshra.s32 s9, $0x2  }
0xcf: {  	v10 =	vld [tilespmem:s15+$0x5700];
	_ =	sdelay $0x4  }
0xd0: {  	v9 =	vmax.f32 v10, v9  }
0xd1: {  	[tilespmem:s15+$0x5700] =	vst v9;
	v9 =	vld [tilespmem:s15+$0x5710]  }
0xd2: {  	v10 =	vld [tilespmem:s14+$0xFFFFFFD0];
	_ =	sdelay $0x4  }
0xd3: {  	v9 =	vmax.f32 v9, v10  }
0xd4: {  	[tilespmem:s15+$0x5710] =	vst v9;
	v9 =	vld [tilespmem:s15+$0x5720]  }
0xd5: {  	v10 =	vld [tilespmem:s14+$0xFFFFFFE0];
	_ =	sdelay $0x4  }
0xd6: {  	v9 =	vmax.f32 v9, v10  }
0xd7: {  	[tilespmem:s15+$0x5720] =	vst v9;
	v9 =	vld [tilespmem:s15+$0x5730]  }
0xd8: {  	v10 =	vld [tilespmem:s14+$0xFFFFFFF0];
	_ =	sdelay $0x4  }
0xd9: {  	v9 =	vmax.f32 v9, v10  }
0xda: {  	[tilespmem:s15+$0x5730] =	vst v9;
	v9 =	vld [tilespmem:s15+$0x5740]  }
0xdb: {  	v10 =	vld [tilespmem:s14+$0x0];
	_ =	sdelay $0x4  }
0xdc: {  	v9 =	vmax.f32 v9, v10  }
0xdd: {  	[tilespmem:s15+$0x5740] =	vst v9;
	v9 =	vld [tilespmem:s15+$0x5750]  }
0xde: {  	v10 =	vld [tilespmem:s14+$0x10];
	_ =	sdelay $0x4  }
0xdf: {  	v9 =	vmax.f32 v9, v10  }
0xe0: {  	[tilespmem:s15+$0x5750] =	vst v9;
	v9 =	vld [tilespmem:s15+$0x5760]  }
0xe1: {  	v10 =	vld [tilespmem:s14+$0x20];
	_ =	sdelay $0x4  }
0xe2: {  	v9 =	vmax.f32 v9, v10  }
0xe3: {  	[tilespmem:s15+$0x5760] =	vst v9;
	v9 =	vld [tilespmem:s15+$0x5770]  }
0xe4: {  	v10 =	vld [tilespmem:s14+$0x30]  }
0xe5: {  	s20 =	sld [smem:s26+$0x0];
	_ =	sdelay $0x2  }
0xe6: {  	s20 =	sadd.s32 $0x1, s20  }
0xe7: {  	s28 =	simm.s32 $0x8;
	s9 =	simm.s32 $0x4;
	[smem:s26] =	sst s20;
	v9 =	vmax.f32 v9, v10  }
.LBB2_15:
0xe8: {  	s20 =	sshra.s32 s9, $0x2  }
0xe9: {  	[tilespmem:s15+$0x5770] =	vst v9;
	s14 =	sadd.s32 $0x80, s14;
	s9 =	smov.u32 s28;
	s26 =	sadd.s32 $0x4, s28  }
0xea: {  	p0 =	sne.s32 s28, $0xFC;
	v9 =	vld.idx.msk [tilespmem:v8+s20+$0x0 ss:$0x1], $0xffff;
	_ =	sdelay $0x5  }
0xeb: {  	(v2sf) =	vpush v9, $0x0;
	_ =	sdelay $0xe  }
0xec: {  	s15 =	spop (v2sf)  }
0xed: {  	s20 =	ssub.s32 s15, s7  }
0xee: {  	s28 =	sld [smem:s20+$0x0];
	s15 =	sshll.u32 s20, $0x9  }
0xef: {  	s15 =	sshra.s32 s15, $0x2;
	v9 =	vld [tilespmem:s14+$0xFFFFFFC0]  }
0xf0: {  	v10 =	vld [tilespmem:s15+$0x5700]  }
0xf1: {  	s28 =	sadd.s32 $0x1, s28  }
0xf2: {  	[smem:s20] =	sst s28;
	_ =	sdelay $0x2  }
0xf3: {  	v9 =	vmax.f32 v10, v9  }
0xf4: {  	[tilespmem:s15+$0x5700] =	vst v9;
	v9 =	vld [tilespmem:s15+$0x5710]  }
0xf5: {  	v10 =	vld [tilespmem:s14+$0xFFFFFFD0];
	_ =	sdelay $0x4  }
0xf6: {  	v9 =	vmax.f32 v9, v10  }
0xf7: {  	[tilespmem:s15+$0x5710] =	vst v9;
	v9 =	vld [tilespmem:s15+$0x5720]  }
0xf8: {  	v10 =	vld [tilespmem:s14+$0xFFFFFFE0];
	_ =	sdelay $0x4  }
0xf9: {  	v9 =	vmax.f32 v9, v10  }
0xfa: {  	[tilespmem:s15+$0x5720] =	vst v9;
	v9 =	vld [tilespmem:s15+$0x5730]  }
0xfb: {  	v10 =	vld [tilespmem:s14+$0xFFFFFFF0];
	_ =	sdelay $0x4  }
0xfc: {  	v9 =	vmax.f32 v9, v10  }
0xfd: {  	[tilespmem:s15+$0x5730] =	vst v9;
	v9 =	vld [tilespmem:s15+$0x5740]  }
0xfe: {  	v10 =	vld [tilespmem:s14+$0x0];
	_ =	sdelay $0x4  }
0xff: {  	v9 =	vmax.f32 v9, v10  }
0x100: {  	[tilespmem:s15+$0x5740] =	vst v9;
	v9 =	vld [tilespmem:s15+$0x5750]  }
0x101: {  	v10 =	vld [tilespmem:s14+$0x10];
	_ =	sdelay $0x4  }
0x102: {  	v9 =	vmax.f32 v9, v10  }
0x103: {  	[tilespmem:s15+$0x5750] =	vst v9;
	v9 =	vld [tilespmem:s15+$0x5760]  }
0x104: {  	v10 =	vld [tilespmem:s14+$0x20];
	_ =	sdelay $0x4  }
0x105: {  	v9 =	vmax.f32 v9, v10  }
0x106: {  	[tilespmem:s15+$0x5760] =	vst v9;
	v9 =	vld [tilespmem:s15+$0x5770]  }
0x107: {  	v10 =	vld [tilespmem:s14+$0x30]  }
.Ltmp11:
0x108: {  	(pc) =	sbr.rel @p0 .LBB2_15-.Ltmp11, $2  }
0x109: {  	_ =	sdelay $0x2  }
0x10a: {  	s28 =	smov.u32 s26;
	v9 =	vmax.f32 v9, v10  }
0x10b: {  	_ =	sdelay $0x2  }
0x10c: {  	s9 =	sshra.s32 s9, $0x2;
	[tilespmem:s15+$0x5770] =	vst v9  }
0x10d: {  	v8 =	vld.idx.msk [tilespmem:v8+s9+$0x0 ss:$0x1], $0xffff;
	_ =	sdelay $0x4  }
0x10e: {  	(v2sf) =	vpush v8, $0x0;
	_ =	sdelay $0xe  }
0x10f: {  	s20 =	spop (v2sf)  }
0x110: {  	s9 =	ssub.s32 s20, s7  }
0x111: {  	s14 =	sadd.s32 $0x80, s14;
	s26 =	sshll.u32 s9, $0x9  }
0x112: {  	v8 =	vld [tilespmem:s14+$0xFFFFFFC0];
	s15 =	sshra.s32 s26, $0x2  }
0x113: {  	v9 =	vld [tilespmem:s15+$0x5700];
	_ =	sdelay $0x4  }
0x114: {  	v8 =	vmax.f32 v9, v8  }
0x115: {  	[tilespmem:s15+$0x5700] =	vst v8;
	v8 =	vld [tilespmem:s15+$0x5710]  }
0x116: {  	v57 =	vld [tilespmem:s14+$0xFFFFFFD0];
	_ =	sdelay $0x4  }
0x117: {  	v8 =	vmax.f32 v8, v57  }
0x118: {  	[tilespmem:s15+$0x5710] =	vst v8;
	v8 =	vld [tilespmem:s15+$0x5720]  }
0x119: {  	v58 =	vld [tilespmem:s14+$0xFFFFFFE0];
	_ =	sdelay $0x4  }
0x11a: {  	v8 =	vmax.f32 v8, v58  }
0x11b: {  	[tilespmem:s15+$0x5720] =	vst v8;
	v8 =	vld [tilespmem:s15+$0x5730]  }
0x11c: {  	v59 =	vld [tilespmem:s14+$0xFFFFFFF0];
	_ =	sdelay $0x4  }
0x11d: {  	v8 =	vmax.f32 v8, v59  }
0x11e: {  	[tilespmem:s15+$0x5730] =	vst v8;
	v8 =	vld [tilespmem:s15+$0x5740]  }
0x11f: {  	v60 =	vld [tilespmem:s14+$0x0];
	_ =	sdelay $0x4  }
0x120: {  	v8 =	vmax.f32 v8, v60  }
0x121: {  	[tilespmem:s15+$0x5740] =	vst v8;
	v8 =	vld [tilespmem:s15+$0x5750]  }
0x122: {  	v61 =	vld [tilespmem:s14+$0x10];
	_ =	sdelay $0x4  }
0x123: {  	v8 =	vmax.f32 v8, v61  }
0x124: {  	[tilespmem:s15+$0x5750] =	vst v8;
	v8 =	vld [tilespmem:s15+$0x5760]  }
0x125: {  	v62 =	vld [tilespmem:s14+$0x20];
	_ =	sdelay $0x4  }
0x126: {  	v8 =	vmax.f32 v8, v62  }
0x127: {  	[tilespmem:s15+$0x5760] =	vst v8;
	v8 =	vld [tilespmem:s15+$0x5770]  }
0x128: {  	v63 =	vld [tilespmem:s14+$0x30]  }
0x129: {  	p0 =	seq.s32 s13, $0x0  }
.Ltmp12:
0x12a: {  	s28 =	sld [smem:s9+$0x0];
	(pc) =	sbr.rel @p0 .LBB2_20-.Ltmp12, $3  }
0x12b: {  	_ =	sdelay $0x1  }
0x12c: {  	s14 =	sadd.s32 $0x1, s28;
	v8 =	vmax.f32 v8, v63  }
0x12d: {  	[smem:s9] =	sst s14;
	[tilespmem:s15+$0x5770] =	vst v8  }
.LBB2_17:
0x12e: {  	_ =	swait.ge [sflag:s21], $0x2000  }
0x12f: {  	s12 =	sadd.s32 $0x1, s11;
	s9 =	sshll.u32 s11, $0x8;
	[sflag:s21] =	ssyncset.done $0x0  }
0x130: {  	p0 =	sge.u32 s12, s10;
	s9 =	sshra.s32 s9, $0x2;
	[sflag:s21] =	ssyncadd.s32 $0xFFFFE000  }
0x131: {  	s11 =	sshll.u32 @!p0 s12, $0x8;
	s9 =	sadd.s32 $0x1080, s9;
	_ =	swait.ge [sflag:s22], $0x2000  }
0x132: {  	s13 =	simm.s32 @!p0 $0x40;
	s11 =	sshra.s32 @!p0 s11, $0x2;
	v8 =	vmov s9;
	[sflag:s22] =	ssyncset.done $0x0  }
0x133: {  	s14 =	simm.s32 @!p0 $0x1700;
	s11 =	sadd.s32 @!p0 $0xA00, s11;
	[sflag:s22] =	ssyncadd.s32 $0xFFFFE000  }
0x134: {  	[tilespmem:s14], [sflag:$0x1] =	stream.indirect.gather @!p0 [hbm4b:s4+s13], $0x80, s11, s13, $0xb8;
	[tilespmem:$0x19F00] =	vst v63  }
0x135: {  	s15 =	simm.s32 $0x0  }
0x136: {  	[spmem:s1] =	stream.indirect.scatter.add.f32 [tilespmem:s23], [sflag:$0x6], $0x80, s9, s19, $0xb8;
	[tilespmem:$0x19F00] =	vst v63  }
0x137: {  	v9 =	vld.idx.msk [tilespmem:v8+s15+$0x0 ss:$0x1], $0xffff;
	_ =	sdelay $0x4  }
0x138: {  	(v2sf) =	vpush v9, $0x0;
	_ =	sdelay $0xe  }
0x139: {  	s20 =	spop (v2sf)  }
0x13a: {  	s26 =	ssub.s32 s20, s7  }
0x13b: {  	s11 =	simm.s32 $0x3740;
	s9 =	sshll.u32 s26, $0x9  }
0x13c: {  	v9 =	vld [tilespmem:s11+$0xFFFFFFC0];
	s13 =	sshra.s32 s9, $0x2  }
0x13d: {  	v10 =	vld [tilespmem:s13+$0x5700];
	_ =	sdelay $0x4  }
0x13e: {  	v9 =	vmax.f32 v10, v9  }
0x13f: {  	[tilespmem:s13+$0x5700] =	vst v9;
	v9 =	vld [tilespmem:s13+$0x5710]  }
0x140: {  	v10 =	vld [tilespmem:s11+$0xFFFFFFD0];
	_ =	sdelay $0x4  }
0x141: {  	v9 =	vmax.f32 v9, v10  }
0x142: {  	[tilespmem:s13+$0x5710] =	vst v9;
	v9 =	vld [tilespmem:s13+$0x5720]  }
0x143: {  	v10 =	vld [tilespmem:s11+$0xFFFFFFE0];
	_ =	sdelay $0x4  }
0x144: {  	v9 =	vmax.f32 v9, v10  }
0x145: {  	[tilespmem:s13+$0x5720] =	vst v9;
	v9 =	vld [tilespmem:s13+$0x5730]  }
0x146: {  	v10 =	vld [tilespmem:s11+$0xFFFFFFF0];
	_ =	sdelay $0x4  }
0x147: {  	v9 =	vmax.f32 v9, v10  }
0x148: {  	[tilespmem:s13+$0x5730] =	vst v9;
	v9 =	vld [tilespmem:s13+$0x5740]  }
0x149: {  	v10 =	vld [tilespmem:s11+$0x0];
	_ =	sdelay $0x4  }
0x14a: {  	v9 =	vmax.f32 v9, v10  }
0x14b: {  	[tilespmem:s13+$0x5740] =	vst v9;
	v9 =	vld [tilespmem:s13+$0x5750]  }
0x14c: {  	v10 =	vld [tilespmem:s11+$0x10];
	_ =	sdelay $0x4  }
0x14d: {  	v9 =	vmax.f32 v9, v10  }
0x14e: {  	[tilespmem:s13+$0x5750] =	vst v9;
	v9 =	vld [tilespmem:s13+$0x5760]  }
0x14f: {  	v10 =	vld [tilespmem:s11+$0x20];
	_ =	sdelay $0x4  }
0x150: {  	v9 =	vmax.f32 v9, v10  }
0x151: {  	[tilespmem:s13+$0x5760] =	vst v9;
	v9 =	vld [tilespmem:s13+$0x5770]  }
0x152: {  	v10 =	vld [tilespmem:s11+$0x30]  }
0x153: {  	s28 =	sld [smem:s26+$0x0];
	_ =	sdelay $0x2  }
0x154: {  	s20 =	sadd.s32 $0x1, s28  }
0x155: {  	s15 =	simm.s32 $0x8;
	s9 =	simm.s32 $0x4;
	[smem:s26] =	sst s20;
	v9 =	vmax.f32 v9, v10  }
.LBB2_18:
0x156: {  	s20 =	sshra.s32 s9, $0x2  }
0x157: {  	[tilespmem:s13+$0x5770] =	vst v9;
	s11 =	sadd.s32 $0x80, s11;
	s9 =	smov.u32 s15;
	s14 =	sadd.s32 $0x4, s15  }
0x158: {  	p0 =	sne.s32 s15, $0xFC;
	v9 =	vld.idx.msk [tilespmem:v8+s20+$0x0 ss:$0x1], $0xffff;
	_ =	sdelay $0x5  }
0x159: {  	(v2sf) =	vpush v9, $0x0;
	_ =	sdelay $0xe  }
0x15a: {  	s13 =	spop (v2sf)  }
0x15b: {  	s15 =	ssub.s32 s13, s7  }
0x15c: {  	s20 =	sld [smem:s15+$0x0];
	s13 =	sshll.u32 s15, $0x9  }
0x15d: {  	s13 =	sshra.s32 s13, $0x2;
	v9 =	vld [tilespmem:s11+$0xFFFFFFC0]  }
0x15e: {  	v10 =	vld [tilespmem:s13+$0x5700]  }
0x15f: {  	s20 =	sadd.s32 $0x1, s20  }
0x160: {  	[smem:s15] =	sst s20;
	_ =	sdelay $0x2  }
0x161: {  	v9 =	vmax.f32 v10, v9  }
0x162: {  	[tilespmem:s13+$0x5700] =	vst v9;
	v9 =	vld [tilespmem:s13+$0x5710]  }
0x163: {  	v10 =	vld [tilespmem:s11+$0xFFFFFFD0];
	_ =	sdelay $0x4  }
0x164: {  	v9 =	vmax.f32 v9, v10  }
0x165: {  	[tilespmem:s13+$0x5710] =	vst v9;
	v9 =	vld [tilespmem:s13+$0x5720]  }
0x166: {  	v10 =	vld [tilespmem:s11+$0xFFFFFFE0];
	_ =	sdelay $0x4  }
0x167: {  	v9 =	vmax.f32 v9, v10  }
0x168: {  	[tilespmem:s13+$0x5720] =	vst v9;
	v9 =	vld [tilespmem:s13+$0x5730]  }
0x169: {  	v10 =	vld [tilespmem:s11+$0xFFFFFFF0];
	_ =	sdelay $0x4  }
0x16a: {  	v9 =	vmax.f32 v9, v10  }
0x16b: {  	[tilespmem:s13+$0x5730] =	vst v9;
	v9 =	vld [tilespmem:s13+$0x5740]  }
0x16c: {  	v10 =	vld [tilespmem:s11+$0x0];
	_ =	sdelay $0x4  }
0x16d: {  	v9 =	vmax.f32 v9, v10  }
0x16e: {  	[tilespmem:s13+$0x5740] =	vst v9;
	v9 =	vld [tilespmem:s13+$0x5750]  }
0x16f: {  	v10 =	vld [tilespmem:s11+$0x10];
	_ =	sdelay $0x4  }
0x170: {  	v9 =	vmax.f32 v9, v10  }
0x171: {  	[tilespmem:s13+$0x5750] =	vst v9;
	v9 =	vld [tilespmem:s13+$0x5760]  }
0x172: {  	v10 =	vld [tilespmem:s11+$0x20];
	_ =	sdelay $0x4  }
0x173: {  	v9 =	vmax.f32 v9, v10  }
0x174: {  	[tilespmem:s13+$0x5760] =	vst v9;
	v9 =	vld [tilespmem:s13+$0x5770]  }
0x175: {  	v10 =	vld [tilespmem:s11+$0x30]  }
.Ltmp13:
0x176: {  	(pc) =	sbr.rel @p0 .LBB2_18-.Ltmp13, $2  }
0x177: {  	_ =	sdelay $0x2  }
0x178: {  	s15 =	smov.u32 s14;
	v9 =	vmax.f32 v9, v10  }
.Ltmp14:
0x179: {  	_ = 	snop;
	(pc) =	sbr.rel .LBB2_19-.Ltmp14, $1  }
0x17a: {  	_ =	sdelay $0x3  }
.LBB2_21:
0x17b: {  	s9 =	sand.u32 $0x40, s29  }
0x17c: {  	p0 =	seq.s32 s9, $0x0;
	s9 =	simm.s32 $0x6  }
0x17d: {  	s9 =	simm.s32 @!p0 $0x5  }
0x17e: {  	_ =	swait.ge [sflag:s9], $0x2000  }
0x17f: {  	[sflag:s9] =	ssyncset.done $0x0  }
0x180: {  	s28 =	sand.u32 $0x7FFFFFC0, s29;
	[sflag:s9] =	ssyncadd.s32 $0xFFFFE000  }
0x181: {  	v8 =	vld [tilespmem:s28+$0xA00];
	_ =	sdelay $0x4  }
0x182: {  	[tilespmem:$0xA00] =	vst v8  }
0x183: {  	v8 =	vld [tilespmem:s28+$0x1080];
	_ =	sdelay $0x4  }
0x184: {  	[tilespmem:$0x1080] =	vst v8  }
0x185: {  	v8 =	vld [tilespmem:s28+$0xA10];
	_ =	sdelay $0x4  }
0x186: {  	[tilespmem:$0xA10] =	vst v8  }
0x187: {  	v8 =	vld [tilespmem:s28+$0x1090];
	_ =	sdelay $0x4  }
0x188: {  	[tilespmem:$0x1090] =	vst v8  }
0x189: {  	v8 =	vld [tilespmem:s28+$0xA20];
	_ =	sdelay $0x4  }
0x18a: {  	[tilespmem:$0xA20] =	vst v8  }
0x18b: {  	v8 =	vld [tilespmem:s28+$0x10A0];
	_ =	sdelay $0x4  }
0x18c: {  	[tilespmem:$0x10A0] =	vst v8  }
0x18d: {  	v8 =	vld [tilespmem:s28+$0xA30];
	_ =	sdelay $0x4  }
0x18e: {  	[tilespmem:$0xA30] =	vst v8  }
0x18f: {  	v8 =	vld [tilespmem:s28+$0x10B0];
	_ =	sdelay $0x3  }
0x190: {  	s29 =	sand.u32 $0x3F, s29  }
0x191: {  	[smem:$0x180] =	sst s29;
	[tilespmem:$0x10B0] =	vst v8  }
.LBB2_22:
0x192: {  	p0 =	seq.s32 s3, $0x0  }
.Ltmp15:
0x193: {  	_ = 	snop;
	(pc) =	sbr.rel @p0 .LBB2_36-.Ltmp15, $1  }
0x194: {  	_ =	sdelay $0x3  }
.LBB2_23:
0x195: {  	p0 =	seq.s32 s31, $0xF9  }
0x196: {  	_ =	swait.ge [sflag:s18], $0x500;
	s0 =	sshrl.u32 @!p0 s0, $0x3  }
0x197: {  	s28 =	simm.s32 $0x0;
	[sflag:s18] =	ssyncset.done $0x0;
	s0 =	sadd.s32 @!p0 s5, s0  }
0x198: {  	s3 =	simm.s32 @!p0 $0x0;
	[sflag:s18] =	ssyncadd.s32 $0xFFFFFB00;
	s0 =	sadd.s32 @!p0 $0xA0, s0  }
0x199: {  	[tilespmem:s3], [sflag:$0x3] =	stream.linear.gather @!p0 [hbm4b:s0+s3], $0x500, $0x38;
	[tilespmem:$0x19F00] =	vst v63  }
0x19a: {  	v8 =	vld [tilespmem:s28+$0x500];
	_ =	sdelay $0x4  }
0x19b: {  	vm0 =	vge.s32 v8, v0;
	vm1 =	vlt.s32 v8, v1  }
0x19c: {  	vm0 =	vmand vm0, vm1  }
0x19d: {  	v9 =	vsel vm0, $0x1, v7  }
0x19e: {  	(xrf0) =	vadd.scan.msk.s32 $0xffff, v9;
	_ =	sdelay $0x5  }
0x19f: {  	v9 =	vor.u32 s30, v6;
	v10, _, _ =	vpop (xrf0)  }
0x1a0: {  	s0 =	simm.s32 $0x40;
	s3 =	smov.u32 s30;
	v8 =	vadd.s32 v2, v8;
	[tilespmem:s29+$0xA00] =	vst.msk vm0, v9;
	(v2sf) =	vpush v10, $0xF  }
.LBB2_24:
0x1a1: {  	s9 =	sshra.s32 s0, $0x2;
	p0 =	sne.s32 s0, $0x13C0;
	[tilespmem:s29+$0x1080] =	vst.msk vm0, v8  }
0x1a2: {  	v8 =	vld [tilespmem:s9+$0x500];
	_ =	sdelay $0x4  }
0x1a3: {  	vm0 =	vge.s32 v8, v0;
	vm1 =	vlt.s32 v8, v1;
	v8 =	vadd.s32 v2, v8  }
0x1a4: {  	vm0 =	vmand vm0, vm1  }
0x1a5: {  	v9 =	vsel vm0, $0x1, v7  }
0x1a6: {  	(xrf0) =	vadd.scan.msk.s32 $0xffff, v9;
	_ =	sdelay $0x2  }
.Ltmp16:
0x1a7: {  	(pc) =	sbr.rel @p0 .LBB2_24-.Ltmp16, $4  }
0x1a8: {  	_ = 	snop  }
0x1a9: {  	s3 =	sadd.s32 $0x10, s3;
	s9 =	spop (v2sf)  }
0x1aa: {  	v9 =	vor.u32 s3, v6;
	v10, _, _ =	vpop (xrf0);
	s29 =	sadd.s32 s29, s9  }
0x1ab: {  	s0 =	sadd.s32 $0x40, s0;
	[tilespmem:s29+$0xA00] =	vst.msk vm0, v9;
	(v2sf) =	vpush v10, $0xF;
	[smem:$0x180] =	sst s29  }
0x1ac: {  	_ =	sdelay $0xd  }
0x1ad: {  	s0 =	spop (v2sf)  }
0x1ae: {  	[tilespmem:s29+$0x1080] =	vst.msk vm0, v8;
	s29 =	sadd.s32 s29, s0  }
0x1af: {  	p0 =	slt.s32 s29, $0x100  }
.Ltmp17:
0x1b0: {  	_ = 	snop;
	(pc) =	sbr.rel @p0 .LBB2_36-.Ltmp17, $2  }
0x1b1: {  	_ =	sdelay $0x2  }
0x1b2: {  	[smem:$0x180] =	sst s29  }
.Ltmp18:
0x1b3: {  	(pc) =	sbr.rel .LBB2_27-.Ltmp18, $4  }
0x1b4: {  	_ = 	snop  }
0x1b5: {  	s0 =	simm.s32 $0xA00  }
0x1b6: {  	[tilespmem:s16], [sflag:$0x1] =	stream.indirect.gather [hbm4b:s4+s19], $0x80, s0, s19, $0xb8;
	[tilespmem:$0x19F00] =	vst v63  }
0x1b7: {  	s10 =	simm.s32 $0x0;
	s0 =	sshrl.u32 s29, $0x6  }
.LBB2_34:
0x1b8: {  	p0 =	sne.s32 s3, s0  }
.Ltmp19:
0x1b9: {  	_ = 	snop;
	(pc) =	sbr.rel @!p0 .LBB2_35-.Ltmp19, $2  }
0x1ba: {  	_ =	sdelay $0x2  }
0x1bb: {  	s10 =	smov.u32 s3  }
.LBB2_27:
0x1bc: {  	s11 =	sand.u32 $0x1, s10  }
0x1bd: {  	p0 =	seq.s32 s11, $0x1  }
.Ltmp20:
0x1be: {  	_ = 	snop;
	(pc) =	sbr.rel @p0 .LBB2_31-.Ltmp20, $1  }
0x1bf: {  	_ =	sdelay $0x3  }
0x1c0: {  	p0 =	seq.s32 s10, $0x0  }
0x1c1: {  	s3 =	simm.s32 @!p0 $0x6  }
0x1c2: {  	_ =	swait.ge @!p0 [sflag:s3], $0x2000  }
0x1c3: {  	[sflag:s3] =	ssyncset.done @!p0 $0x0  }
0x1c4: {  	s9 =	sshll.u32 s10, $0x8;
	[sflag:s3] =	ssyncadd.s32 @!p0 $0xFFFFE000;
	s3 =	sor.u32 $0x1, s10  }
0x1c5: {  	s9 =	sshra.s32 s9, $0x2;
	p0 =	sge.u32 s3, s0  }
0x1c6: {  	s9 =	sadd.s32 $0x1080, s9;
	_ =	swait.ge [sflag:s24], $0x2000;
	s12 =	sshll.u32 @!p0 s3, $0x8  }
0x1c7: {  	v8 =	vmov s9;
	[sflag:s24] =	ssyncset.done $0x0;
	s13 =	simm.s32 @!p0 $0x40;
	s12 =	sshra.s32 @!p0 s12, $0x2  }
0x1c8: {  	s14 =	simm.s32 @!p0 $0x3700;
	[sflag:s24] =	ssyncadd.s32 $0xFFFFE000;
	s12 =	sadd.s32 @!p0 $0xA00, s12  }
0x1c9: {  	[tilespmem:s14], [sflag:$0x2] =	stream.indirect.gather @!p0 [hbm4b:s4+s13], $0x80, s12, s13, $0xb8;
	[tilespmem:$0x19F00] =	vst v63  }
0x1ca: {  	s15 =	simm.s32 $0x0  }
0x1cb: {  	[spmem:s1] =	stream.indirect.scatter.add.f32 [tilespmem:s16], [sflag:$0x5], $0x80, s9, s19, $0xb8;
	[tilespmem:$0x19F00] =	vst v63  }
0x1cc: {  	v9 =	vld.idx.msk [tilespmem:v8+s15+$0x0 ss:$0x1], $0xffff;
	_ =	sdelay $0x4  }
0x1cd: {  	(v2sf) =	vpush v9, $0x0;
	_ =	sdelay $0xe  }
0x1ce: {  	s20 =	spop (v2sf)  }
0x1cf: {  	s26 =	ssub.s32 s20, s7  }
0x1d0: {  	s12 =	simm.s32 $0x1740;
	s9 =	sshll.u32 s26, $0x9  }
0x1d1: {  	v9 =	vld [tilespmem:s12+$0xFFFFFFC0];
	s13 =	sshra.s32 s9, $0x2  }
0x1d2: {  	v10 =	vld [tilespmem:s13+$0x5700];
	_ =	sdelay $0x4  }
0x1d3: {  	v9 =	vmax.f32 v10, v9  }
0x1d4: {  	[tilespmem:s13+$0x5700] =	vst v9;
	v9 =	vld [tilespmem:s13+$0x5710]  }
0x1d5: {  	v10 =	vld [tilespmem:s12+$0xFFFFFFD0];
	_ =	sdelay $0x4  }
0x1d6: {  	v9 =	vmax.f32 v9, v10  }
0x1d7: {  	[tilespmem:s13+$0x5710] =	vst v9;
	v9 =	vld [tilespmem:s13+$0x5720]  }
0x1d8: {  	v10 =	vld [tilespmem:s12+$0xFFFFFFE0];
	_ =	sdelay $0x4  }
0x1d9: {  	v9 =	vmax.f32 v9, v10  }
0x1da: {  	[tilespmem:s13+$0x5720] =	vst v9;
	v9 =	vld [tilespmem:s13+$0x5730]  }
0x1db: {  	v10 =	vld [tilespmem:s12+$0xFFFFFFF0];
	_ =	sdelay $0x4  }
0x1dc: {  	v9 =	vmax.f32 v9, v10  }
0x1dd: {  	[tilespmem:s13+$0x5730] =	vst v9;
	v9 =	vld [tilespmem:s13+$0x5740]  }
0x1de: {  	v10 =	vld [tilespmem:s12+$0x0];
	_ =	sdelay $0x4  }
0x1df: {  	v9 =	vmax.f32 v9, v10  }
0x1e0: {  	[tilespmem:s13+$0x5740] =	vst v9;
	v9 =	vld [tilespmem:s13+$0x5750]  }
0x1e1: {  	v10 =	vld [tilespmem:s12+$0x10];
	_ =	sdelay $0x4  }
0x1e2: {  	v9 =	vmax.f32 v9, v10  }
0x1e3: {  	[tilespmem:s13+$0x5750] =	vst v9;
	v9 =	vld [tilespmem:s13+$0x5760]  }
0x1e4: {  	v10 =	vld [tilespmem:s12+$0x20];
	_ =	sdelay $0x4  }
0x1e5: {  	v9 =	vmax.f32 v9, v10  }
0x1e6: {  	[tilespmem:s13+$0x5760] =	vst v9;
	v9 =	vld [tilespmem:s13+$0x5770]  }
0x1e7: {  	v10 =	vld [tilespmem:s12+$0x30]  }
0x1e8: {  	s28 =	sld [smem:s26+$0x0];
	_ =	sdelay $0x2  }
0x1e9: {  	s20 =	sadd.s32 $0x1, s28  }
0x1ea: {  	s15 =	simm.s32 $0x8;
	s9 =	simm.s32 $0x4;
	[smem:s26] =	sst s20;
	v9 =	vmax.f32 v9, v10  }
.LBB2_29:
0x1eb: {  	s20 =	sshra.s32 s9, $0x2  }
0x1ec: {  	[tilespmem:s13+$0x5770] =	vst v9;
	s12 =	sadd.s32 $0x80, s12;
	s9 =	smov.u32 s15;
	s14 =	sadd.s32 $0x4, s15  }
0x1ed: {  	p0 =	sne.s32 s15, $0xFC;
	v9 =	vld.idx.msk [tilespmem:v8+s20+$0x0 ss:$0x1], $0xffff;
	_ =	sdelay $0x5  }
0x1ee: {  	(v2sf) =	vpush v9, $0x0;
	_ =	sdelay $0xe  }
0x1ef: {  	s13 =	spop (v2sf)  }
0x1f0: {  	s15 =	ssub.s32 s13, s7  }
0x1f1: {  	s20 =	sld [smem:s15+$0x0];
	s13 =	sshll.u32 s15, $0x9  }
0x1f2: {  	s13 =	sshra.s32 s13, $0x2;
	v9 =	vld [tilespmem:s12+$0xFFFFFFC0]  }
0x1f3: {  	v10 =	vld [tilespmem:s13+$0x5700]  }
0x1f4: {  	s20 =	sadd.s32 $0x1, s20  }
0x1f5: {  	[smem:s15] =	sst s20;
	_ =	sdelay $0x2  }
0x1f6: {  	v9 =	vmax.f32 v10, v9  }
0x1f7: {  	[tilespmem:s13+$0x5700] =	vst v9;
	v9 =	vld [tilespmem:s13+$0x5710]  }
0x1f8: {  	v10 =	vld [tilespmem:s12+$0xFFFFFFD0];
	_ =	sdelay $0x4  }
0x1f9: {  	v9 =	vmax.f32 v9, v10  }
0x1fa: {  	[tilespmem:s13+$0x5710] =	vst v9;
	v9 =	vld [tilespmem:s13+$0x5720]  }
0x1fb: {  	v10 =	vld [tilespmem:s12+$0xFFFFFFE0];
	_ =	sdelay $0x4  }
0x1fc: {  	v9 =	vmax.f32 v9, v10  }
0x1fd: {  	[tilespmem:s13+$0x5720] =	vst v9;
	v9 =	vld [tilespmem:s13+$0x5730]  }
0x1fe: {  	v10 =	vld [tilespmem:s12+$0xFFFFFFF0];
	_ =	sdelay $0x4  }
0x1ff: {  	v9 =	vmax.f32 v9, v10  }
0x200: {  	[tilespmem:s13+$0x5730] =	vst v9;
	v9 =	vld [tilespmem:s13+$0x5740]  }
0x201: {  	v10 =	vld [tilespmem:s12+$0x0];
	_ =	sdelay $0x4  }
0x202: {  	v9 =	vmax.f32 v9, v10  }
0x203: {  	[tilespmem:s13+$0x5740] =	vst v9;
	v9 =	vld [tilespmem:s13+$0x5750]  }
0x204: {  	v10 =	vld [tilespmem:s12+$0x10];
	_ =	sdelay $0x4  }
0x205: {  	v9 =	vmax.f32 v9, v10  }
0x206: {  	[tilespmem:s13+$0x5750] =	vst v9;
	v9 =	vld [tilespmem:s13+$0x5760]  }
0x207: {  	v10 =	vld [tilespmem:s12+$0x20];
	_ =	sdelay $0x4  }
0x208: {  	v9 =	vmax.f32 v9, v10  }
0x209: {  	[tilespmem:s13+$0x5760] =	vst v9;
	v9 =	vld [tilespmem:s13+$0x5770]  }
0x20a: {  	v10 =	vld [tilespmem:s12+$0x30]  }
.Ltmp21:
0x20b: {  	(pc) =	sbr.rel @p0 .LBB2_29-.Ltmp21, $2  }
0x20c: {  	_ =	sdelay $0x2  }
0x20d: {  	s15 =	smov.u32 s14;
	v9 =	vmax.f32 v9, v10  }
0x20e: {  	_ =	sdelay $0x2  }
0x20f: {  	s9 =	sshra.s32 s9, $0x2;
	[tilespmem:s13+$0x5770] =	vst v9  }
0x210: {  	v8 =	vld.idx.msk [tilespmem:v8+s9+$0x0 ss:$0x1], $0xffff;
	_ =	sdelay $0x4  }
0x211: {  	(v2sf) =	vpush v8, $0x0;
	_ =	sdelay $0xe  }
0x212: {  	s20 =	spop (v2sf)  }
0x213: {  	s9 =	ssub.s32 s20, s7  }
0x214: {  	s12 =	sadd.s32 $0x80, s12;
	s26 =	sshll.u32 s9, $0x9  }
0x215: {  	v8 =	vld [tilespmem:s12+$0xFFFFFFC0];
	s13 =	sshra.s32 s26, $0x2  }
0x216: {  	v9 =	vld [tilespmem:s13+$0x5700];
	_ =	sdelay $0x4  }
0x217: {  	v8 =	vmax.f32 v9, v8  }
0x218: {  	[tilespmem:s13+$0x5700] =	vst v8;
	v8 =	vld [tilespmem:s13+$0x5710]  }
0x219: {  	v57 =	vld [tilespmem:s12+$0xFFFFFFD0];
	_ =	sdelay $0x4  }
0x21a: {  	v8 =	vmax.f32 v8, v57  }
0x21b: {  	[tilespmem:s13+$0x5710] =	vst v8;
	v8 =	vld [tilespmem:s13+$0x5720]  }
0x21c: {  	v58 =	vld [tilespmem:s12+$0xFFFFFFE0];
	_ =	sdelay $0x4  }
0x21d: {  	v8 =	vmax.f32 v8, v58  }
0x21e: {  	[tilespmem:s13+$0x5720] =	vst v8;
	v8 =	vld [tilespmem:s13+$0x5730]  }
0x21f: {  	v59 =	vld [tilespmem:s12+$0xFFFFFFF0];
	_ =	sdelay $0x4  }
0x220: {  	v8 =	vmax.f32 v8, v59  }
0x221: {  	[tilespmem:s13+$0x5730] =	vst v8;
	v8 =	vld [tilespmem:s13+$0x5740]  }
0x222: {  	v60 =	vld [tilespmem:s12+$0x0];
	_ =	sdelay $0x4  }
0x223: {  	v8 =	vmax.f32 v8, v60  }
0x224: {  	[tilespmem:s13+$0x5740] =	vst v8;
	v8 =	vld [tilespmem:s13+$0x5750]  }
0x225: {  	v61 =	vld [tilespmem:s12+$0x10];
	_ =	sdelay $0x4  }
0x226: {  	v8 =	vmax.f32 v8, v61  }
0x227: {  	[tilespmem:s13+$0x5750] =	vst v8;
	v8 =	vld [tilespmem:s13+$0x5760]  }
0x228: {  	v62 =	vld [tilespmem:s12+$0x20];
	_ =	sdelay $0x4  }
0x229: {  	v8 =	vmax.f32 v8, v62  }
0x22a: {  	[tilespmem:s13+$0x5760] =	vst v8;
	v8 =	vld [tilespmem:s13+$0x5770]  }
0x22b: {  	v63 =	vld [tilespmem:s12+$0x30]  }
0x22c: {  	p0 =	seq.s32 s11, $0x0  }
.Ltmp22:
0x22d: {  	s28 =	sld [smem:s9+$0x0];
	(pc) =	sbr.rel @p0 .LBB2_34-.Ltmp22, $3  }
0x22e: {  	_ =	sdelay $0x1  }
0x22f: {  	s12 =	sadd.s32 $0x1, s28;
	v8 =	vmax.f32 v8, v63  }
0x230: {  	[smem:s9] =	sst s12;
	[tilespmem:s13+$0x5770] =	vst v8  }
.LBB2_31:
0x231: {  	_ =	swait.ge [sflag:s21], $0x2000  }
0x232: {  	s3 =	sadd.s32 $0x1, s10;
	s9 =	sshll.u32 s10, $0x8;
	[sflag:s21] =	ssyncset.done $0x0  }
0x233: {  	p0 =	sge.u32 s3, s0;
	s9 =	sshra.s32 s9, $0x2;
	[sflag:s21] =	ssyncadd.s32 $0xFFFFE000  }
0x234: {  	s10 =	sshll.u32 @!p0 s3, $0x8;
	s9 =	sadd.s32 $0x1080, s9;
	_ =	swait.ge [sflag:s22], $0x2000  }
0x235: {  	s11 =	simm.s32 @!p0 $0x40;
	s10 =	sshra.s32 @!p0 s10, $0x2;
	v8 =	vmov s9;
	[sflag:s22] =	ssyncset.done $0x0  }
0x236: {  	s12 =	simm.s32 @!p0 $0x1700;
	s10 =	sadd.s32 @!p0 $0xA00, s10;
	[sflag:s22] =	ssyncadd.s32 $0xFFFFE000  }
0x237: {  	[tilespmem:s12], [sflag:$0x1] =	stream.indirect.gather @!p0 [hbm4b:s4+s11], $0x80, s10, s11, $0xb8;
	[tilespmem:$0x19F00] =	vst v63  }
0x238: {  	s15 =	simm.s32 $0x0  }
0x239: {  	[spmem:s1] =	stream.indirect.scatter.add.f32 [tilespmem:s23], [sflag:$0x6], $0x80, s9, s19, $0xb8;
	[tilespmem:$0x19F00] =	vst v63  }
0x23a: {  	v9 =	vld.idx.msk [tilespmem:v8+s15+$0x0 ss:$0x1], $0xffff;
	_ =	sdelay $0x4  }
0x23b: {  	(v2sf) =	vpush v9, $0x0;
	_ =	sdelay $0xe  }
0x23c: {  	s20 =	spop (v2sf)  }
0x23d: {  	s26 =	ssub.s32 s20, s7  }
0x23e: {  	s10 =	simm.s32 $0x3740;
	s9 =	sshll.u32 s26, $0x9  }
0x23f: {  	v9 =	vld [tilespmem:s10+$0xFFFFFFC0];
	s11 =	sshra.s32 s9, $0x2  }
0x240: {  	v10 =	vld [tilespmem:s11+$0x5700];
	_ =	sdelay $0x4  }
0x241: {  	v9 =	vmax.f32 v10, v9  }
0x242: {  	[tilespmem:s11+$0x5700] =	vst v9;
	v9 =	vld [tilespmem:s11+$0x5710]  }
0x243: {  	v10 =	vld [tilespmem:s10+$0xFFFFFFD0];
	_ =	sdelay $0x4  }
0x244: {  	v9 =	vmax.f32 v9, v10  }
0x245: {  	[tilespmem:s11+$0x5710] =	vst v9;
	v9 =	vld [tilespmem:s11+$0x5720]  }
0x246: {  	v10 =	vld [tilespmem:s10+$0xFFFFFFE0];
	_ =	sdelay $0x4  }
0x247: {  	v9 =	vmax.f32 v9, v10  }
0x248: {  	[tilespmem:s11+$0x5720] =	vst v9;
	v9 =	vld [tilespmem:s11+$0x5730]  }
0x249: {  	v10 =	vld [tilespmem:s10+$0xFFFFFFF0];
	_ =	sdelay $0x4  }
0x24a: {  	v9 =	vmax.f32 v9, v10  }
0x24b: {  	[tilespmem:s11+$0x5730] =	vst v9;
	v9 =	vld [tilespmem:s11+$0x5740]  }
0x24c: {  	v10 =	vld [tilespmem:s10+$0x0];
	_ =	sdelay $0x4  }
0x24d: {  	v9 =	vmax.f32 v9, v10  }
0x24e: {  	[tilespmem:s11+$0x5740] =	vst v9;
	v9 =	vld [tilespmem:s11+$0x5750]  }
0x24f: {  	v10 =	vld [tilespmem:s10+$0x10];
	_ =	sdelay $0x4  }
0x250: {  	v9 =	vmax.f32 v9, v10  }
0x251: {  	[tilespmem:s11+$0x5750] =	vst v9;
	v9 =	vld [tilespmem:s11+$0x5760]  }
0x252: {  	v10 =	vld [tilespmem:s10+$0x20];
	_ =	sdelay $0x4  }
0x253: {  	v9 =	vmax.f32 v9, v10  }
0x254: {  	[tilespmem:s11+$0x5760] =	vst v9;
	v9 =	vld [tilespmem:s11+$0x5770]  }
0x255: {  	v10 =	vld [tilespmem:s10+$0x30]  }
0x256: {  	s28 =	sld [smem:s26+$0x0];
	_ =	sdelay $0x2  }
0x257: {  	s14 =	sadd.s32 $0x1, s28  }
0x258: {  	s13 =	simm.s32 $0x8;
	s9 =	simm.s32 $0x4;
	[smem:s26] =	sst s14;
	v9 =	vmax.f32 v9, v10  }
.LBB2_32:
0x259: {  	s14 =	sshra.s32 s9, $0x2  }
0x25a: {  	[tilespmem:s11+$0x5770] =	vst v9;
	s10 =	sadd.s32 $0x80, s10;
	s9 =	smov.u32 s13;
	s12 =	sadd.s32 $0x4, s13  }
0x25b: {  	p0 =	sne.s32 s13, $0xFC;
	v9 =	vld.idx.msk [tilespmem:v8+s14+$0x0 ss:$0x1], $0xffff;
	_ =	sdelay $0x5  }
0x25c: {  	(v2sf) =	vpush v9, $0x0;
	_ =	sdelay $0xe  }
0x25d: {  	s11 =	spop (v2sf)  }
0x25e: {  	s13 =	ssub.s32 s11, s7  }
0x25f: {  	s14 =	sld [smem:s13+$0x0];
	s11 =	sshll.u32 s13, $0x9  }
0x260: {  	s11 =	sshra.s32 s11, $0x2;
	v9 =	vld [tilespmem:s10+$0xFFFFFFC0]  }
0x261: {  	v10 =	vld [tilespmem:s11+$0x5700]  }
0x262: {  	s14 =	sadd.s32 $0x1, s14  }
0x263: {  	[smem:s13] =	sst s14;
	_ =	sdelay $0x2  }
0x264: {  	v9 =	vmax.f32 v10, v9  }
0x265: {  	[tilespmem:s11+$0x5700] =	vst v9;
	v9 =	vld [tilespmem:s11+$0x5710]  }
0x266: {  	v10 =	vld [tilespmem:s10+$0xFFFFFFD0];
	_ =	sdelay $0x4  }
0x267: {  	v9 =	vmax.f32 v9, v10  }
0x268: {  	[tilespmem:s11+$0x5710] =	vst v9;
	v9 =	vld [tilespmem:s11+$0x5720]  }
0x269: {  	v10 =	vld [tilespmem:s10+$0xFFFFFFE0];
	_ =	sdelay $0x4  }
0x26a: {  	v9 =	vmax.f32 v9, v10  }
0x26b: {  	[tilespmem:s11+$0x5720] =	vst v9;
	v9 =	vld [tilespmem:s11+$0x5730]  }
0x26c: {  	v10 =	vld [tilespmem:s10+$0xFFFFFFF0];
	_ =	sdelay $0x4  }
0x26d: {  	v9 =	vmax.f32 v9, v10  }
0x26e: {  	[tilespmem:s11+$0x5730] =	vst v9;
	v9 =	vld [tilespmem:s11+$0x5740]  }
0x26f: {  	v10 =	vld [tilespmem:s10+$0x0];
	_ =	sdelay $0x4  }
0x270: {  	v9 =	vmax.f32 v9, v10  }
0x271: {  	[tilespmem:s11+$0x5740] =	vst v9;
	v9 =	vld [tilespmem:s11+$0x5750]  }
0x272: {  	v10 =	vld [tilespmem:s10+$0x10];
	_ =	sdelay $0x4  }
0x273: {  	v9 =	vmax.f32 v9, v10  }
0x274: {  	[tilespmem:s11+$0x5750] =	vst v9;
	v9 =	vld [tilespmem:s11+$0x5760]  }
0x275: {  	v10 =	vld [tilespmem:s10+$0x20];
	_ =	sdelay $0x4  }
0x276: {  	v9 =	vmax.f32 v9, v10  }
0x277: {  	[tilespmem:s11+$0x5760] =	vst v9;
	v9 =	vld [tilespmem:s11+$0x5770]  }
0x278: {  	v10 =	vld [tilespmem:s10+$0x30]  }
.Ltmp23:
0x279: {  	(pc) =	sbr.rel @p0 .LBB2_32-.Ltmp23, $2  }
0x27a: {  	_ =	sdelay $0x2  }
0x27b: {  	s13 =	smov.u32 s12;
	v9 =	vmax.f32 v9, v10  }
0x27c: {  	_ =	sdelay $0x2  }
0x27d: {  	s9 =	sshra.s32 s9, $0x2;
	[tilespmem:s11+$0x5770] =	vst v9  }
0x27e: {  	v8 =	vld.idx.msk [tilespmem:v8+s9+$0x0 ss:$0x1], $0xffff;
	_ =	sdelay $0x4  }
0x27f: {  	(v2sf) =	vpush v8, $0x0;
	_ =	sdelay $0xe  }
0x280: {  	s20 =	spop (v2sf)  }
0x281: {  	s9 =	ssub.s32 s20, s7  }
0x282: {  	s10 =	sadd.s32 $0x80, s10;
	s26 =	sshll.u32 s9, $0x9  }
0x283: {  	v8 =	vld [tilespmem:s10+$0xFFFFFFC0];
	s11 =	sshra.s32 s26, $0x2  }
0x284: {  	v9 =	vld [tilespmem:s11+$0x5700];
	_ =	sdelay $0x4  }
0x285: {  	v8 =	vmax.f32 v9, v8  }
0x286: {  	[tilespmem:s11+$0x5700] =	vst v8;
	v8 =	vld [tilespmem:s11+$0x5710]  }
0x287: {  	v57 =	vld [tilespmem:s10+$0xFFFFFFD0];
	_ =	sdelay $0x4  }
0x288: {  	v8 =	vmax.f32 v8, v57  }
0x289: {  	[tilespmem:s11+$0x5710] =	vst v8;
	v8 =	vld [tilespmem:s11+$0x5720]  }
0x28a: {  	v58 =	vld [tilespmem:s10+$0xFFFFFFE0];
	_ =	sdelay $0x4  }
0x28b: {  	v8 =	vmax.f32 v8, v58  }
0x28c: {  	[tilespmem:s11+$0x5720] =	vst v8;
	v8 =	vld [tilespmem:s11+$0x5730]  }
0x28d: {  	v59 =	vld [tilespmem:s10+$0xFFFFFFF0];
	_ =	sdelay $0x4  }
0x28e: {  	v8 =	vmax.f32 v8, v59  }
0x28f: {  	[tilespmem:s11+$0x5730] =	vst v8;
	v8 =	vld [tilespmem:s11+$0x5740]  }
0x290: {  	v60 =	vld [tilespmem:s10+$0x0];
	_ =	sdelay $0x4  }
0x291: {  	v8 =	vmax.f32 v8, v60  }
0x292: {  	[tilespmem:s11+$0x5740] =	vst v8;
	v8 =	vld [tilespmem:s11+$0x5750]  }
0x293: {  	v61 =	vld [tilespmem:s10+$0x10];
	_ =	sdelay $0x4  }
0x294: {  	v8 =	vmax.f32 v8, v61  }
0x295: {  	[tilespmem:s11+$0x5750] =	vst v8;
	v8 =	vld [tilespmem:s11+$0x5760]  }
0x296: {  	v62 =	vld [tilespmem:s10+$0x20];
	_ =	sdelay $0x4  }
0x297: {  	v8 =	vmax.f32 v8, v62  }
0x298: {  	[tilespmem:s11+$0x5760] =	vst v8;
	v8 =	vld [tilespmem:s11+$0x5770]  }
0x299: {  	v63 =	vld [tilespmem:s10+$0x30];
	_ =	sdelay $0x1  }
.Ltmp24:
0x29a: {  	s28 =	sld [smem:s9+$0x0];
	(pc) =	sbr.rel .LBB2_34-.Ltmp24, $3  }
0x29b: {  	_ =	sdelay $0x1  }
0x29c: {  	s10 =	sadd.s32 $0x1, s28;
	v8 =	vmax.f32 v8, v63  }
0x29d: {  	[smem:s9] =	sst s10;
	[tilespmem:s11+$0x5770] =	vst v8  }
.LBB2_37:
0x29e: {  	s0 =	sadd.s32 $0x3F, s29  }
0x29f: {  	s3 =	sand.u32 $0x3F, s0  }
0x2a0: {  	p1 =	slt.s32 s29, $0xFFFFFFC2;
	s31 =	sshra.s32 s0, $0x1F;
	p0 =	sne.s32 s3, $0x0  }
0x2a1: {  	s3 =	sshrl.u32 s31, $0x1A;
	p0 =	por !p1, !p0  }
0x2a2: {  	s0 =	sadd.s32 s3, s0;
	s3 =	simm.s32 $0x1;
	p0 =	por !p0, !p0  }
0x2a3: {  	[tilespmem:s29+$0xA00] =	vst v7;
	s0 =	sshra.s32 s0, $0x6;
	s3 =	simm.s32 @!p0 $0x0  }
0x2a4: {  	[tilespmem:s29+$0x1080] =	vst v3;
	s0 =	ssub.s32 s0, s3  }
0x2a5: {  	[tilespmem:s29+$0xA10] =	vst v7;
	p0 =	slt.s32 s0, $0x1  }
.Ltmp25:
0x2a6: {  	[tilespmem:s29+$0x1090] =	vst v3;
	(pc) =	sbr.rel @p0 .LBB2_48-.Ltmp25, $4  }
0x2a7: {  	[tilespmem:s29+$0xA20] =	vst v7  }
0x2a8: {  	[tilespmem:s29+$0x10A0] =	vst v3  }
0x2a9: {  	[tilespmem:s29+$0xA30] =	vst v7  }
0x2aa: {  	[tilespmem:s29+$0x10B0] =	vst v3  }
.Ltmp26:
0x2ab: {  	(pc) =	sbr.rel .LBB2_39-.Ltmp26, $3  }
0x2ac: {  	_ =	sdelay $0x1  }
0x2ad: {  	s3 =	simm.s32 $0xA00;
	s10 =	simm.s32 $0x0  }
0x2ae: {  	[tilespmem:s16], [sflag:$0x1] =	stream.indirect.gather [hbm4b:s4+s19], $0x80, s3, s19, $0xb8;
	[tilespmem:$0x19F00] =	vst v63  }
.LBB2_45:
0x2af: {  	_ =	sdelay $0x2  }
0x2b0: {  	s9 =	sshra.s32 s9, $0x2;
	[tilespmem:s11+$0x5770] =	vst v9  }
0x2b1: {  	v8 =	vld.idx.msk [tilespmem:v8+s9+$0x0 ss:$0x1], $0xffff;
	_ =	sdelay $0x4  }
0x2b2: {  	(v2sf) =	vpush v8, $0x0;
	_ =	sdelay $0xe  }
0x2b3: {  	s29 =	spop (v2sf)  }
0x2b4: {  	s9 =	ssub.s32 s29, s7  }
0x2b5: {  	s10 =	sadd.s32 $0x80, s10;
	s30 =	sshll.u32 s9, $0x9  }
0x2b6: {  	v8 =	vld [tilespmem:s10+$0xFFFFFFC0];
	s11 =	sshra.s32 s30, $0x2  }
0x2b7: {  	v9 =	vld [tilespmem:s11+$0x5700];
	_ =	sdelay $0x4  }
0x2b8: {  	v8 =	vmax.f32 v9, v8  }
0x2b9: {  	[tilespmem:s11+$0x5700] =	vst v8;
	v8 =	vld [tilespmem:s11+$0x5710]  }
0x2ba: {  	v57 =	vld [tilespmem:s10+$0xFFFFFFD0];
	_ =	sdelay $0x4  }
0x2bb: {  	v8 =	vmax.f32 v8, v57  }
0x2bc: {  	[tilespmem:s11+$0x5710] =	vst v8;
	v8 =	vld [tilespmem:s11+$0x5720]  }
0x2bd: {  	v58 =	vld [tilespmem:s10+$0xFFFFFFE0];
	_ =	sdelay $0x4  }
0x2be: {  	v8 =	vmax.f32 v8, v58  }
0x2bf: {  	[tilespmem:s11+$0x5720] =	vst v8;
	v8 =	vld [tilespmem:s11+$0x5730]  }
0x2c0: {  	v59 =	vld [tilespmem:s10+$0xFFFFFFF0];
	_ =	sdelay $0x4  }
0x2c1: {  	v8 =	vmax.f32 v8, v59  }
0x2c2: {  	[tilespmem:s11+$0x5730] =	vst v8;
	v8 =	vld [tilespmem:s11+$0x5740]  }
0x2c3: {  	v60 =	vld [tilespmem:s10+$0x0];
	_ =	sdelay $0x4  }
0x2c4: {  	v8 =	vmax.f32 v8, v60  }
0x2c5: {  	[tilespmem:s11+$0x5740] =	vst v8;
	v8 =	vld [tilespmem:s11+$0x5750]  }
0x2c6: {  	v61 =	vld [tilespmem:s10+$0x10];
	_ =	sdelay $0x4  }
0x2c7: {  	v8 =	vmax.f32 v8, v61  }
0x2c8: {  	[tilespmem:s11+$0x5750] =	vst v8;
	v8 =	vld [tilespmem:s11+$0x5760]  }
0x2c9: {  	v62 =	vld [tilespmem:s10+$0x20];
	_ =	sdelay $0x4  }
0x2ca: {  	v8 =	vmax.f32 v8, v62  }
0x2cb: {  	[tilespmem:s11+$0x5760] =	vst v8;
	v8 =	vld [tilespmem:s11+$0x5770]  }
0x2cc: {  	v63 =	vld [tilespmem:s10+$0x30];
	_ =	sdelay $0x1  }
0x2cd: {  	s31 =	sld [smem:s9+$0x0];
	_ =	sdelay $0x2  }
0x2ce: {  	s10 =	sadd.s32 $0x1, s31;
	v8 =	vmax.f32 v8, v63  }
0x2cf: {  	[smem:s9] =	sst s10;
	[tilespmem:s11+$0x5770] =	vst v8  }
.LBB2_46:
0x2d0: {  	p0 =	sne.s32 s3, s0  }
.Ltmp27:
0x2d1: {  	_ = 	snop;
	(pc) =	sbr.rel @!p0 .LBB2_47-.Ltmp27, $2  }
0x2d2: {  	_ =	sdelay $0x2  }
0x2d3: {  	s10 =	smov.u32 s3  }
.LBB2_39:
0x2d4: {  	s11 =	sand.u32 $0x1, s10  }
0x2d5: {  	p0 =	seq.s32 s11, $0x1  }
.Ltmp28:
0x2d6: {  	_ = 	snop;
	(pc) =	sbr.rel @p0 .LBB2_43-.Ltmp28, $1  }
0x2d7: {  	_ =	sdelay $0x3  }
0x2d8: {  	p0 =	seq.s32 s10, $0x0  }
0x2d9: {  	s3 =	simm.s32 @!p0 $0x6  }
0x2da: {  	_ =	swait.ge @!p0 [sflag:s3], $0x2000  }
0x2db: {  	[sflag:s3] =	ssyncset.done @!p0 $0x0  }
0x2dc: {  	s9 =	sshll.u32 s10, $0x8;
	[sflag:s3] =	ssyncadd.s32 @!p0 $0xFFFFE000;
	s3 =	sor.u32 $0x1, s10  }
0x2dd: {  	s9 =	sshra.s32 s9, $0x2;
	p0 =	sge.s32 s3, s0  }
0x2de: {  	s9 =	sadd.s32 $0x1080, s9;
	_ =	swait.ge [sflag:s24], $0x2000;
	s12 =	sshll.u32 @!p0 s3, $0x8  }
0x2df: {  	v8 =	vmov s9;
	[sflag:s24] =	ssyncset.done $0x0;
	s13 =	simm.s32 @!p0 $0x40;
	s12 =	sshra.s32 @!p0 s12, $0x2  }
0x2e0: {  	s14 =	simm.s32 @!p0 $0x3700;
	[sflag:s24] =	ssyncadd.s32 $0xFFFFE000;
	s12 =	sadd.s32 @!p0 $0xA00, s12  }
0x2e1: {  	[tilespmem:s14], [sflag:$0x2] =	stream.indirect.gather @!p0 [hbm4b:s4+s13], $0x80, s12, s13, $0xb8;
	[tilespmem:$0x19F00] =	vst v63  }
0x2e2: {  	s28 =	simm.s32 $0x0  }
0x2e3: {  	[spmem:s1] =	stream.indirect.scatter.add.f32 [tilespmem:s16], [sflag:$0x5], $0x80, s9, s19, $0xb8;
	[tilespmem:$0x19F00] =	vst v63  }
0x2e4: {  	v9 =	vld.idx.msk [tilespmem:v8+s28+$0x0 ss:$0x1], $0xffff;
	_ =	sdelay $0x4  }
0x2e5: {  	(v2sf) =	vpush v9, $0x0;
	_ =	sdelay $0xe  }
0x2e6: {  	s29 =	spop (v2sf)  }
0x2e7: {  	s30 =	ssub.s32 s29, s7  }
0x2e8: {  	s12 =	simm.s32 $0x1740;
	s9 =	sshll.u32 s30, $0x9  }
0x2e9: {  	v9 =	vld [tilespmem:s12+$0xFFFFFFC0];
	s13 =	sshra.s32 s9, $0x2  }
0x2ea: {  	v10 =	vld [tilespmem:s13+$0x5700];
	_ =	sdelay $0x4  }
0x2eb: {  	v9 =	vmax.f32 v10, v9  }
0x2ec: {  	[tilespmem:s13+$0x5700] =	vst v9;
	v9 =	vld [tilespmem:s13+$0x5710]  }
0x2ed: {  	v10 =	vld [tilespmem:s12+$0xFFFFFFD0];
	_ =	sdelay $0x4  }
0x2ee: {  	v9 =	vmax.f32 v9, v10  }
0x2ef: {  	[tilespmem:s13+$0x5710] =	vst v9;
	v9 =	vld [tilespmem:s13+$0x5720]  }
0x2f0: {  	v10 =	vld [tilespmem:s12+$0xFFFFFFE0];
	_ =	sdelay $0x4  }
0x2f1: {  	v9 =	vmax.f32 v9, v10  }
0x2f2: {  	[tilespmem:s13+$0x5720] =	vst v9;
	v9 =	vld [tilespmem:s13+$0x5730]  }
0x2f3: {  	v10 =	vld [tilespmem:s12+$0xFFFFFFF0];
	_ =	sdelay $0x4  }
0x2f4: {  	v9 =	vmax.f32 v9, v10  }
0x2f5: {  	[tilespmem:s13+$0x5730] =	vst v9;
	v9 =	vld [tilespmem:s13+$0x5740]  }
0x2f6: {  	v10 =	vld [tilespmem:s12+$0x0];
	_ =	sdelay $0x4  }
0x2f7: {  	v9 =	vmax.f32 v9, v10  }
0x2f8: {  	[tilespmem:s13+$0x5740] =	vst v9;
	v9 =	vld [tilespmem:s13+$0x5750]  }
0x2f9: {  	v10 =	vld [tilespmem:s12+$0x10];
	_ =	sdelay $0x4  }
0x2fa: {  	v9 =	vmax.f32 v9, v10  }
0x2fb: {  	[tilespmem:s13+$0x5750] =	vst v9;
	v9 =	vld [tilespmem:s13+$0x5760]  }
0x2fc: {  	v10 =	vld [tilespmem:s12+$0x20];
	_ =	sdelay $0x4  }
0x2fd: {  	v9 =	vmax.f32 v9, v10  }
0x2fe: {  	[tilespmem:s13+$0x5760] =	vst v9;
	v9 =	vld [tilespmem:s13+$0x5770]  }
0x2ff: {  	v10 =	vld [tilespmem:s12+$0x30]  }
0x300: {  	s31 =	sld [smem:s30+$0x0];
	_ =	sdelay $0x2  }
0x301: {  	s20 =	sadd.s32 $0x1, s31  }
0x302: {  	s15 =	simm.s32 $0x8;
	s9 =	simm.s32 $0x4;
	[smem:s30] =	sst s20;
	v9 =	vmax.f32 v9, v10  }
.LBB2_41:
0x303: {  	s20 =	sshra.s32 s9, $0x2  }
0x304: {  	[tilespmem:s13+$0x5770] =	vst v9;
	s12 =	sadd.s32 $0x80, s12;
	s9 =	smov.u32 s15;
	s14 =	sadd.s32 $0x4, s15  }
0x305: {  	p0 =	sne.s32 s15, $0xFC;
	v9 =	vld.idx.msk [tilespmem:v8+s20+$0x0 ss:$0x1], $0xffff;
	_ =	sdelay $0x5  }
0x306: {  	(v2sf) =	vpush v9, $0x0;
	_ =	sdelay $0xe  }
0x307: {  	s13 =	spop (v2sf)  }
0x308: {  	s15 =	ssub.s32 s13, s7  }
0x309: {  	s20 =	sld [smem:s15+$0x0];
	s13 =	sshll.u32 s15, $0x9  }
0x30a: {  	s13 =	sshra.s32 s13, $0x2;
	v9 =	vld [tilespmem:s12+$0xFFFFFFC0]  }
0x30b: {  	v10 =	vld [tilespmem:s13+$0x5700]  }
0x30c: {  	s20 =	sadd.s32 $0x1, s20  }
0x30d: {  	[smem:s15] =	sst s20;
	_ =	sdelay $0x2  }
0x30e: {  	v9 =	vmax.f32 v10, v9  }
0x30f: {  	[tilespmem:s13+$0x5700] =	vst v9;
	v9 =	vld [tilespmem:s13+$0x5710]  }
0x310: {  	v10 =	vld [tilespmem:s12+$0xFFFFFFD0];
	_ =	sdelay $0x4  }
0x311: {  	v9 =	vmax.f32 v9, v10  }
0x312: {  	[tilespmem:s13+$0x5710] =	vst v9;
	v9 =	vld [tilespmem:s13+$0x5720]  }
0x313: {  	v10 =	vld [tilespmem:s12+$0xFFFFFFE0];
	_ =	sdelay $0x4  }
0x314: {  	v9 =	vmax.f32 v9, v10  }
0x315: {  	[tilespmem:s13+$0x5720] =	vst v9;
	v9 =	vld [tilespmem:s13+$0x5730]  }
0x316: {  	v10 =	vld [tilespmem:s12+$0xFFFFFFF0];
	_ =	sdelay $0x4  }
0x317: {  	v9 =	vmax.f32 v9, v10  }
0x318: {  	[tilespmem:s13+$0x5730] =	vst v9;
	v9 =	vld [tilespmem:s13+$0x5740]  }
0x319: {  	v10 =	vld [tilespmem:s12+$0x0];
	_ =	sdelay $0x4  }
0x31a: {  	v9 =	vmax.f32 v9, v10  }
0x31b: {  	[tilespmem:s13+$0x5740] =	vst v9;
	v9 =	vld [tilespmem:s13+$0x5750]  }
0x31c: {  	v10 =	vld [tilespmem:s12+$0x10];
	_ =	sdelay $0x4  }
0x31d: {  	v9 =	vmax.f32 v9, v10  }
0x31e: {  	[tilespmem:s13+$0x5750] =	vst v9;
	v9 =	vld [tilespmem:s13+$0x5760]  }
0x31f: {  	v10 =	vld [tilespmem:s12+$0x20];
	_ =	sdelay $0x4  }
0x320: {  	v9 =	vmax.f32 v9, v10  }
0x321: {  	[tilespmem:s13+$0x5760] =	vst v9;
	v9 =	vld [tilespmem:s13+$0x5770]  }
0x322: {  	v10 =	vld [tilespmem:s12+$0x30]  }
.Ltmp29:
0x323: {  	(pc) =	sbr.rel @p0 .LBB2_41-.Ltmp29, $2  }
0x324: {  	_ =	sdelay $0x2  }
0x325: {  	s15 =	smov.u32 s14;
	v9 =	vmax.f32 v9, v10  }
0x326: {  	_ =	sdelay $0x2  }
0x327: {  	s9 =	sshra.s32 s9, $0x2;
	[tilespmem:s13+$0x5770] =	vst v9  }
0x328: {  	v8 =	vld.idx.msk [tilespmem:v8+s9+$0x0 ss:$0x1], $0xffff;
	_ =	sdelay $0x4  }
0x329: {  	(v2sf) =	vpush v8, $0x0;
	_ =	sdelay $0xe  }
0x32a: {  	s29 =	spop (v2sf)  }
0x32b: {  	s9 =	ssub.s32 s29, s7  }
0x32c: {  	s12 =	sadd.s32 $0x80, s12;
	s30 =	sshll.u32 s9, $0x9  }
0x32d: {  	v8 =	vld [tilespmem:s12+$0xFFFFFFC0];
	s13 =	sshra.s32 s30, $0x2  }
0x32e: {  	v9 =	vld [tilespmem:s13+$0x5700];
	_ =	sdelay $0x4  }
0x32f: {  	v8 =	vmax.f32 v9, v8  }
0x330: {  	[tilespmem:s13+$0x5700] =	vst v8;
	v8 =	vld [tilespmem:s13+$0x5710]  }
0x331: {  	v57 =	vld [tilespmem:s12+$0xFFFFFFD0];
	_ =	sdelay $0x4  }
0x332: {  	v8 =	vmax.f32 v8, v57  }
0x333: {  	[tilespmem:s13+$0x5710] =	vst v8;
	v8 =	vld [tilespmem:s13+$0x5720]  }
0x334: {  	v58 =	vld [tilespmem:s12+$0xFFFFFFE0];
	_ =	sdelay $0x4  }
0x335: {  	v8 =	vmax.f32 v8, v58  }
0x336: {  	[tilespmem:s13+$0x5720] =	vst v8;
	v8 =	vld [tilespmem:s13+$0x5730]  }
0x337: {  	v59 =	vld [tilespmem:s12+$0xFFFFFFF0];
	_ =	sdelay $0x4  }
0x338: {  	v8 =	vmax.f32 v8, v59  }
0x339: {  	[tilespmem:s13+$0x5730] =	vst v8;
	v8 =	vld [tilespmem:s13+$0x5740]  }
0x33a: {  	v60 =	vld [tilespmem:s12+$0x0];
	_ =	sdelay $0x4  }
0x33b: {  	v8 =	vmax.f32 v8, v60  }
0x33c: {  	[tilespmem:s13+$0x5740] =	vst v8;
	v8 =	vld [tilespmem:s13+$0x5750]  }
0x33d: {  	v61 =	vld [tilespmem:s12+$0x10];
	_ =	sdelay $0x4  }
0x33e: {  	v8 =	vmax.f32 v8, v61  }
0x33f: {  	[tilespmem:s13+$0x5750] =	vst v8;
	v8 =	vld [tilespmem:s13+$0x5760]  }
0x340: {  	v62 =	vld [tilespmem:s12+$0x20];
	_ =	sdelay $0x4  }
0x341: {  	v8 =	vmax.f32 v8, v62  }
0x342: {  	[tilespmem:s13+$0x5760] =	vst v8;
	v8 =	vld [tilespmem:s13+$0x5770]  }
0x343: {  	v63 =	vld [tilespmem:s12+$0x30]  }
0x344: {  	p0 =	seq.s32 s11, $0x0  }
.Ltmp30:
0x345: {  	s31 =	sld [smem:s9+$0x0];
	(pc) =	sbr.rel @p0 .LBB2_46-.Ltmp30, $3  }
0x346: {  	_ =	sdelay $0x1  }
0x347: {  	s12 =	sadd.s32 $0x1, s31;
	v8 =	vmax.f32 v8, v63  }
0x348: {  	[smem:s9] =	sst s12;
	[tilespmem:s13+$0x5770] =	vst v8  }
.LBB2_43:
0x349: {  	_ =	swait.ge [sflag:s21], $0x2000  }
0x34a: {  	s3 =	sadd.s32 $0x1, s10;
	s9 =	sshll.u32 s10, $0x8;
	[sflag:s21] =	ssyncset.done $0x0  }
0x34b: {  	p0 =	sge.s32 s3, s0;
	s9 =	sshra.s32 s9, $0x2;
	[sflag:s21] =	ssyncadd.s32 $0xFFFFE000  }
0x34c: {  	s10 =	sshll.u32 @!p0 s3, $0x8;
	s9 =	sadd.s32 $0x1080, s9;
	_ =	swait.ge [sflag:s22], $0x2000  }
0x34d: {  	s11 =	simm.s32 @!p0 $0x40;
	s10 =	sshra.s32 @!p0 s10, $0x2;
	v8 =	vmov s9;
	[sflag:s22] =	ssyncset.done $0x0  }
0x34e: {  	s12 =	simm.s32 @!p0 $0x1700;
	s10 =	sadd.s32 @!p0 $0xA00, s10;
	[sflag:s22] =	ssyncadd.s32 $0xFFFFE000  }
0x34f: {  	[tilespmem:s12], [sflag:$0x1] =	stream.indirect.gather @!p0 [hbm4b:s4+s11], $0x80, s10, s11, $0xb8;
	[tilespmem:$0x19F00] =	vst v63  }
0x350: {  	s28 =	simm.s32 $0x0  }
0x351: {  	[spmem:s1] =	stream.indirect.scatter.add.f32 [tilespmem:s23], [sflag:$0x6], $0x80, s9, s19, $0xb8;
	[tilespmem:$0x19F00] =	vst v63  }
0x352: {  	v9 =	vld.idx.msk [tilespmem:v8+s28+$0x0 ss:$0x1], $0xffff;
	_ =	sdelay $0x4  }
0x353: {  	(v2sf) =	vpush v9, $0x0;
	_ =	sdelay $0xe  }
0x354: {  	s29 =	spop (v2sf)  }
0x355: {  	s30 =	ssub.s32 s29, s7  }
0x356: {  	s10 =	simm.s32 $0x3740;
	s9 =	sshll.u32 s30, $0x9  }
0x357: {  	v9 =	vld [tilespmem:s10+$0xFFFFFFC0];
	s11 =	sshra.s32 s9, $0x2  }
0x358: {  	v10 =	vld [tilespmem:s11+$0x5700];
	_ =	sdelay $0x4  }
0x359: {  	v9 =	vmax.f32 v10, v9  }
0x35a: {  	[tilespmem:s11+$0x5700] =	vst v9;
	v9 =	vld [tilespmem:s11+$0x5710]  }
0x35b: {  	v10 =	vld [tilespmem:s10+$0xFFFFFFD0];
	_ =	sdelay $0x4  }
0x35c: {  	v9 =	vmax.f32 v9, v10  }
0x35d: {  	[tilespmem:s11+$0x5710] =	vst v9;
	v9 =	vld [tilespmem:s11+$0x5720]  }
0x35e: {  	v10 =	vld [tilespmem:s10+$0xFFFFFFE0];
	_ =	sdelay $0x4  }
0x35f: {  	v9 =	vmax.f32 v9, v10  }
0x360: {  	[tilespmem:s11+$0x5720] =	vst v9;
	v9 =	vld [tilespmem:s11+$0x5730]  }
0x361: {  	v10 =	vld [tilespmem:s10+$0xFFFFFFF0];
	_ =	sdelay $0x4  }
0x362: {  	v9 =	vmax.f32 v9, v10  }
0x363: {  	[tilespmem:s11+$0x5730] =	vst v9;
	v9 =	vld [tilespmem:s11+$0x5740]  }
0x364: {  	v10 =	vld [tilespmem:s10+$0x0];
	_ =	sdelay $0x4  }
0x365: {  	v9 =	vmax.f32 v9, v10  }
0x366: {  	[tilespmem:s11+$0x5740] =	vst v9;
	v9 =	vld [tilespmem:s11+$0x5750]  }
0x367: {  	v10 =	vld [tilespmem:s10+$0x10];
	_ =	sdelay $0x4  }
0x368: {  	v9 =	vmax.f32 v9, v10  }
0x369: {  	[tilespmem:s11+$0x5750] =	vst v9;
	v9 =	vld [tilespmem:s11+$0x5760]  }
0x36a: {  	v10 =	vld [tilespmem:s10+$0x20];
	_ =	sdelay $0x4  }
0x36b: {  	v9 =	vmax.f32 v9, v10  }
0x36c: {  	[tilespmem:s11+$0x5760] =	vst v9;
	v9 =	vld [tilespmem:s11+$0x5770]  }
0x36d: {  	v10 =	vld [tilespmem:s10+$0x30]  }
0x36e: {  	s31 =	sld [smem:s30+$0x0];
	_ =	sdelay $0x2  }
0x36f: {  	s14 =	sadd.s32 $0x1, s31  }
0x370: {  	s13 =	simm.s32 $0x8;
	s9 =	simm.s32 $0x4;
	[smem:s30] =	sst s14;
	v9 =	vmax.f32 v9, v10  }
.LBB2_44:
0x371: {  	s14 =	sshra.s32 s9, $0x2  }
0x372: {  	[tilespmem:s11+$0x5770] =	vst v9;
	s10 =	sadd.s32 $0x80, s10;
	s9 =	smov.u32 s13;
	s12 =	sadd.s32 $0x4, s13  }
0x373: {  	p0 =	sne.s32 s13, $0xFC;
	v9 =	vld.idx.msk [tilespmem:v8+s14+$0x0 ss:$0x1], $0xffff;
	_ =	sdelay $0x5  }
0x374: {  	(v2sf) =	vpush v9, $0x0;
	_ =	sdelay $0xe  }
0x375: {  	s11 =	spop (v2sf)  }
0x376: {  	s13 =	ssub.s32 s11, s7  }
0x377: {  	s14 =	sld [smem:s13+$0x0];
	s11 =	sshll.u32 s13, $0x9  }
0x378: {  	s11 =	sshra.s32 s11, $0x2;
	v9 =	vld [tilespmem:s10+$0xFFFFFFC0]  }
0x379: {  	v10 =	vld [tilespmem:s11+$0x5700]  }
0x37a: {  	s14 =	sadd.s32 $0x1, s14  }
0x37b: {  	[smem:s13] =	sst s14;
	_ =	sdelay $0x2  }
0x37c: {  	v9 =	vmax.f32 v10, v9  }
0x37d: {  	[tilespmem:s11+$0x5700] =	vst v9;
	v9 =	vld [tilespmem:s11+$0x5710]  }
0x37e: {  	v10 =	vld [tilespmem:s10+$0xFFFFFFD0];
	_ =	sdelay $0x4  }
0x37f: {  	v9 =	vmax.f32 v9, v10  }
0x380: {  	[tilespmem:s11+$0x5710] =	vst v9;
	v9 =	vld [tilespmem:s11+$0x5720]  }
0x381: {  	v10 =	vld [tilespmem:s10+$0xFFFFFFE0];
	_ =	sdelay $0x4  }
0x382: {  	v9 =	vmax.f32 v9, v10  }
0x383: {  	[tilespmem:s11+$0x5720] =	vst v9;
	v9 =	vld [tilespmem:s11+$0x5730]  }
0x384: {  	v10 =	vld [tilespmem:s10+$0xFFFFFFF0];
	_ =	sdelay $0x4  }
0x385: {  	v9 =	vmax.f32 v9, v10  }
0x386: {  	[tilespmem:s11+$0x5730] =	vst v9;
	v9 =	vld [tilespmem:s11+$0x5740]  }
0x387: {  	v10 =	vld [tilespmem:s10+$0x0];
	_ =	sdelay $0x4  }
0x388: {  	v9 =	vmax.f32 v9, v10  }
0x389: {  	[tilespmem:s11+$0x5740] =	vst v9;
	v9 =	vld [tilespmem:s11+$0x5750]  }
0x38a: {  	v10 =	vld [tilespmem:s10+$0x10];
	_ =	sdelay $0x4  }
0x38b: {  	v9 =	vmax.f32 v9, v10  }
0x38c: {  	[tilespmem:s11+$0x5750] =	vst v9;
	v9 =	vld [tilespmem:s11+$0x5760]  }
0x38d: {  	v10 =	vld [tilespmem:s10+$0x20];
	_ =	sdelay $0x4  }
0x38e: {  	v9 =	vmax.f32 v9, v10  }
0x38f: {  	[tilespmem:s11+$0x5760] =	vst v9;
	v9 =	vld [tilespmem:s11+$0x5770]  }
0x390: {  	v10 =	vld [tilespmem:s10+$0x30]  }
.Ltmp31:
0x391: {  	(pc) =	sbr.rel @p0 .LBB2_44-.Ltmp31, $2  }
0x392: {  	_ =	sdelay $0x2  }
0x393: {  	s13 =	smov.u32 s12;
	v9 =	vmax.f32 v9, v10  }
.Ltmp32:
0x394: {  	_ = 	snop;
	(pc) =	sbr.rel .LBB2_45-.Ltmp32, $1  }
0x395: {  	_ =	sdelay $0x3  }
.LBB2_47:
.Ltmp33:
0x396: {  	(pc) =	sbr.rel .LBB2_49-.Ltmp33, $4  }
0x397: {  	_ = 	snop  }
0x398: {  	s0 =	sand.u32 $0x1, s0  }
0x399: {  	p0 =	seq.s32 s0, $0x1;
	s0 =	simm.s32 $0x5  }
0x39a: {  	s0 =	simm.s32 @!p0 $0x6  }
.LBB2_48:
0x39b: {  	s0 =	sand.u32 $0x1, s0  }
0x39c: {  	p0 =	seq.s32 s0, $0x0  }
.Ltmp34:
0x39d: {  	_ = 	snop;
	(pc) =	sbr.rel @p0 .LBB2_50-.Ltmp34, $2  }
0x39e: {  	_ =	sdelay $0x2  }
0x39f: {  	s0 =	simm.s32 $0x5  }
.LBB2_49:
0x3a0: {  	_ =	swait.ge [sflag:s0], $0x2000  }
0x3a1: {  	[sflag:s0] =	ssyncset.done $0x0  }
0x3a2: {  	[sflag:s0] =	ssyncadd.s32 $0xFFFFE000  }
.LBB2_50:
0x3a3: {  	s0 =	simm.s32 $0x0;
	s3 =	simm.s32 $0x5770;
	s10 =	simm.s32 $0x0  }
.LBB2_51:
0x3a4: {  	s11 =	sshll.u32 s10, $0x6  }
0x3a5: {  	s9 =	sadd.s32 s7, s11  }
0x3a6: {  	s9 =	sshll.u32 s9, $0x7  }
0x3a7: {  	s9 =	sand.u32 $0x3FFFFF80, s9  }
0x3a8: {  	s9 =	sadd.s32 s9, s1  }
0x3a9: {  	[tilespmem:s16], [sflag:$0x7] =	stream.linear.gather [spmem:s9], $0x2000, $0x38;
	[tilespmem:$0x19F00] =	vst v63  }
0x3aa: {  	_ =	swait.ge [sflag:s17], $0x2000  }
0x3ab: {  	[sflag:s17] =	ssyncset.done $0x0  }
0x3ac: {  	[sflag:s17] =	ssyncadd.s32 $0xFFFFE000  }
0x3ad: {  	s31 =	sld [smem:s0+$0x0];
	_ =	sdelay $0x2  }
0x3ae: {  	v8 =	vmov s31  }
0x3af: {  	v8 =	vcvt.s32.f32 v8;
	_ =	sdelay $0x1  }
0x3b0: {  	v10 =	vbroadcast v8, $0x0;
	_ =	sdelay $0x1  }
0x3b1: {  	v8 =	vmax.f32 v10, $1.000000000e+00  }
0x3b2: {  	(erf) = vrcp.f32 v8  }
0x3b3: {  	v8 =	vmov s3;
	_ =	sdelay $0x2  }
0x3b4: {  	s12 =	simm.s32 $0x0  }
0x3b5: {  	v11 =	vld [tilespmem:s12+$0x1700]  }
0x3b6: {  	v12 =	vld.idx.msk [tilespmem:v8+s12+$0xFFFFFF90 ss:$0x1], $0xffff;
	_ =	sdelay $0x2  }
0x3b7: {  	v9 =	vpop (erf)  }
0x3b8: {  	vm0 =	vgt.f32 v10, $0.0e+00;
	v10 =	vmul.f32 v11, v9  }
0x3b9: {  	v11 =	vnsel vm0, $0x0, v12  }
0x3ba: {  	v10 =	vadd.f32 v11, v10;
	_ =	sdelay $0x1  }
0x3bb: {  	[tilespmem:s12+$0x3700] =	vst v10;
	v10 =	vld [tilespmem:s12+$0x1710]  }
0x3bc: {  	v11 =	vld.idx.msk [tilespmem:v8+s12+$0xFFFFFFA0 ss:$0x1], $0xffff;
	_ =	sdelay $0x3  }
0x3bd: {  	v10 =	vmul.f32 v10, v9  }
0x3be: {  	v11 =	vnsel vm0, $0x0, v11  }
0x3bf: {  	v10 =	vadd.f32 v11, v10;
	_ =	sdelay $0x1  }
0x3c0: {  	[tilespmem:s12+$0x3710] =	vst v10;
	v10 =	vld [tilespmem:s12+$0x1720]  }
0x3c1: {  	v11 =	vld.idx.msk [tilespmem:v8+s12+$0xFFFFFFB0 ss:$0x1], $0xffff;
	_ =	sdelay $0x3  }
0x3c2: {  	v10 =	vmul.f32 v10, v9  }
0x3c3: {  	v11 =	vnsel vm0, $0x0, v11  }
0x3c4: {  	v10 =	vadd.f32 v11, v10;
	_ =	sdelay $0x1  }
0x3c5: {  	[tilespmem:s12+$0x3720] =	vst v10;
	v10 =	vld [tilespmem:s12+$0x1730]  }
0x3c6: {  	v11 =	vld.idx.msk [tilespmem:v8+s12+$0xFFFFFFC0 ss:$0x1], $0xffff;
	_ =	sdelay $0x3  }
0x3c7: {  	v10 =	vmul.f32 v10, v9  }
0x3c8: {  	v11 =	vnsel vm0, $0x0, v11  }
0x3c9: {  	v10 =	vadd.f32 v11, v10;
	_ =	sdelay $0x1  }
0x3ca: {  	[tilespmem:s12+$0x3730] =	vst v10;
	v10 =	vld [tilespmem:s12+$0x1740]  }
0x3cb: {  	v11 =	vld.idx.msk [tilespmem:v8+s12+$0xFFFFFFD0 ss:$0x1], $0xffff;
	_ =	sdelay $0x3  }
0x3cc: {  	v10 =	vmul.f32 v10, v9  }
0x3cd: {  	v11 =	vnsel vm0, $0x0, v11  }
0x3ce: {  	v10 =	vadd.f32 v11, v10;
	_ =	sdelay $0x1  }
0x3cf: {  	[tilespmem:s12+$0x3740] =	vst v10;
	v10 =	vld [tilespmem:s12+$0x1750]  }
0x3d0: {  	v11 =	vld.idx.msk [tilespmem:v8+s12+$0xFFFFFFE0 ss:$0x1], $0xffff;
	_ =	sdelay $0x3  }
0x3d1: {  	v10 =	vmul.f32 v10, v9  }
0x3d2: {  	v11 =	vnsel vm0, $0x0, v11  }
0x3d3: {  	v10 =	vadd.f32 v11, v10;
	_ =	sdelay $0x1  }
0x3d4: {  	[tilespmem:s12+$0x3750] =	vst v10;
	v10 =	vld [tilespmem:s12+$0x1760]  }
0x3d5: {  	v11 =	vld.idx.msk [tilespmem:v8+s12+$0xFFFFFFF0 ss:$0x1], $0xffff;
	_ =	sdelay $0x3  }
0x3d6: {  	s14 =	sadd.s32 $0x1, s0;
	v10 =	vmul.f32 v10, v9  }
0x3d7: {  	s13 =	simm.s32 $0x200;
	s29 =	simm.s32 $0x400;
	s9 =	sld [smem:s14+$0x0];
	v11 =	vnsel vm0, $0x0, v11  }
.LBB2_52:
0x3d8: {  	p0 =	sne.s32 s29, $0x7E00;
	v10 =	vadd.f32 v11, v10;
	_ =	sdelay $0x1  }
0x3d9: {  	v11 =	vmov s9;
	[tilespmem:s12+$0x3760] =	vst v10;
	v10 =	vld [tilespmem:s12+$0x1770]  }
0x3da: {  	v11 =	vcvt.s32.f32 v11;
	v12 =	vld.idx.msk [tilespmem:v8+s12+$0x0 ss:$0x1], $0xffff;
	_ =	sdelay $0x1  }
0x3db: {  	v11 =	vbroadcast v11, $0x0;
	_ =	sdelay $0x1  }
0x3dc: {  	v13 =	vmax.f32 v11, $1.000000000e+00  }
0x3dd: {  	v9 =	vmul.f32 v10, v9;
	(erf) = vrcp.f32 v13  }
0x3de: {  	v10 =	vnsel vm0, $0x0, v12  }
0x3df: {  	v9 =	vadd.f32 v10, v9  }
0x3e0: {  	s9 =	sshra.s32 s13, $0x2;
	s13 =	smov.u32 s29  }
0x3e1: {  	v10 =	vld [tilespmem:s9+$0x1700];
	[tilespmem:s12+$0x3770] =	vst v9;
	s12 =	smov.u32 s9  }
0x3e2: {  	v12 =	vld.idx.msk [tilespmem:v8+s12+$0xFFFFFF90 ss:$0x1], $0xffff;
	_ =	sdelay $0x3  }
0x3e3: {  	v9 =	vpop (erf)  }
0x3e4: {  	vm0 =	vgt.f32 v11, $0.0e+00;
	v10 =	vmul.f32 v10, v9  }
0x3e5: {  	v11 =	vnsel vm0, $0x0, v12  }
0x3e6: {  	v10 =	vadd.f32 v11, v10;
	_ =	sdelay $0x1  }
0x3e7: {  	[tilespmem:s12+$0x3700] =	vst v10;
	v10 =	vld [tilespmem:s12+$0x1710]  }
0x3e8: {  	v11 =	vld.idx.msk [tilespmem:v8+s12+$0xFFFFFFA0 ss:$0x1], $0xffff;
	_ =	sdelay $0x4  }
0x3e9: {  	v10 =	vmul.f32 v10, v9  }
0x3ea: {  	v11 =	vnsel vm0, $0x0, v11  }
0x3eb: {  	v10 =	vadd.f32 v11, v10;
	_ =	sdelay $0x1  }
0x3ec: {  	[tilespmem:s12+$0x3710] =	vst v10;
	v10 =	vld [tilespmem:s12+$0x1720]  }
0x3ed: {  	v11 =	vld.idx.msk [tilespmem:v8+s12+$0xFFFFFFB0 ss:$0x1], $0xffff;
	_ =	sdelay $0x4  }
0x3ee: {  	v10 =	vmul.f32 v10, v9  }
0x3ef: {  	v11 =	vnsel vm0, $0x0, v11  }
0x3f0: {  	v10 =	vadd.f32 v11, v10;
	_ =	sdelay $0x1  }
0x3f1: {  	[tilespmem:s12+$0x3720] =	vst v10;
	v10 =	vld [tilespmem:s12+$0x1730]  }
0x3f2: {  	v11 =	vld.idx.msk [tilespmem:v8+s12+$0xFFFFFFC0 ss:$0x1], $0xffff;
	_ =	sdelay $0x4  }
0x3f3: {  	v10 =	vmul.f32 v10, v9  }
0x3f4: {  	v11 =	vnsel vm0, $0x0, v11  }
0x3f5: {  	v10 =	vadd.f32 v11, v10;
	_ =	sdelay $0x1  }
0x3f6: {  	[tilespmem:s12+$0x3730] =	vst v10;
	v10 =	vld [tilespmem:s12+$0x1740]  }
0x3f7: {  	v11 =	vld.idx.msk [tilespmem:v8+s12+$0xFFFFFFD0 ss:$0x1], $0xffff;
	_ =	sdelay $0x4  }
0x3f8: {  	v10 =	vmul.f32 v10, v9  }
0x3f9: {  	v11 =	vnsel vm0, $0x0, v11  }
0x3fa: {  	v10 =	vadd.f32 v11, v10;
	_ =	sdelay $0x1  }
0x3fb: {  	[tilespmem:s12+$0x3740] =	vst v10;
	v10 =	vld [tilespmem:s12+$0x1750]  }
0x3fc: {  	v11 =	vld.idx.msk [tilespmem:v8+s12+$0xFFFFFFE0 ss:$0x1], $0xffff;
	_ =	sdelay $0x4  }
0x3fd: {  	v10 =	vmul.f32 v10, v9  }
0x3fe: {  	v11 =	vnsel vm0, $0x0, v11  }
0x3ff: {  	v10 =	vadd.f32 v11, v10;
	_ =	sdelay $0x1  }
0x400: {  	[tilespmem:s12+$0x3750] =	vst v10;
	v10 =	vld [tilespmem:s12+$0x1760]  }
0x401: {  	v11 =	vld.idx.msk [tilespmem:v8+s12+$0xFFFFFFF0 ss:$0x1], $0xffff;
	_ =	sdelay $0x1  }
.Ltmp35:
0x402: {  	(pc) =	sbr.rel @p0 .LBB2_52-.Ltmp35, $3  }
0x403: {  	_ =	sdelay $0x1  }
0x404: {  	s14 =	sadd.s32 $0x1, s14;
	v10 =	vmul.f32 v10, v9  }
0x405: {  	s29 =	sadd.s32 $0x200, s29;
	v11 =	vnsel vm0, $0x0, v11;
	s9 =	sld [smem:s14+$0x0]  }
0x406: {  	_ =	sdelay $0x1  }
0x407: {  	v10 =	vadd.f32 v11, v10;
	v44 =	vmov s9  }
0x408: {  	v45 =	vcvt.s32.f32 v44  }
0x409: {  	v46 =	vld [tilespmem:s12+$0x1770];
	[tilespmem:s12+$0x3760] =	vst v10  }
0x40a: {  	v12 =	vld.idx.msk [tilespmem:v8+s12+$0x0 ss:$0x1], $0xffff;
	v10 =	vbroadcast v45, $0x0;
	_ =	sdelay $0x1  }
0x40b: {  	v13 =	vmax.f32 v10, $1.000000000e+00  }
0x40c: {  	(erf) = vrcp.f32 v13  }
0x40d: {  	v9 =	vmul.f32 v46, v9  }
0x40e: {  	v47 =	vnsel vm0, $0x0, v12  }
0x40f: {  	v9 =	vadd.f32 v47, v9  }
0x410: {  	s30 =	sshra.s32 s13, $0x2  }
0x411: {  	v48 =	vld [tilespmem:s30+$0x1700];
	[tilespmem:s12+$0x3770] =	vst v9  }
0x412: {  	v9 =	vld.idx.msk [tilespmem:v8+s30+$0xFFFFFF90 ss:$0x1], $0xffff;
	_ =	sdelay $0x2  }
0x413: {  	v49 =	vpop (erf)  }
0x414: {  	vm15 =	vgt.f32 v10, $0.0e+00;
	v50 =	vmul.f32 v48, v49  }
0x415: {  	v9 =	vnsel vm15, $0x0, v9  }
0x416: {  	v9 =	vadd.f32 v9, v50;
	_ =	sdelay $0x1  }
0x417: {  	v51 =	vld [tilespmem:s30+$0x1710];
	[tilespmem:s30+$0x3700] =	vst v9  }
0x418: {  	v52 =	vld.idx.msk [tilespmem:v8+s30+$0xFFFFFFA0 ss:$0x1], $0xffff;
	_ =	sdelay $0x3  }
0x419: {  	v9 =	vmul.f32 v51, v49  }
0x41a: {  	v10 =	vnsel vm15, $0x0, v52  }
0x41b: {  	v9 =	vadd.f32 v10, v9;
	_ =	sdelay $0x1  }
0x41c: {  	v53 =	vld [tilespmem:s30+$0x1720];
	[tilespmem:s30+$0x3710] =	vst v9  }
0x41d: {  	v54 =	vld.idx.msk [tilespmem:v8+s30+$0xFFFFFFB0 ss:$0x1], $0xffff;
	_ =	sdelay $0x3  }
0x41e: {  	v9 =	vmul.f32 v53, v49  }
0x41f: {  	v10 =	vnsel vm15, $0x0, v54  }
0x420: {  	v9 =	vadd.f32 v10, v9;
	_ =	sdelay $0x1  }
0x421: {  	v55 =	vld [tilespmem:s30+$0x1730];
	[tilespmem:s30+$0x3720] =	vst v9  }
0x422: {  	v56 =	vld.idx.msk [tilespmem:v8+s30+$0xFFFFFFC0 ss:$0x1], $0xffff;
	_ =	sdelay $0x3  }
0x423: {  	v9 =	vmul.f32 v55, v49  }
0x424: {  	v10 =	vnsel vm15, $0x0, v56  }
0x425: {  	v9 =	vadd.f32 v10, v9;
	_ =	sdelay $0x1  }
0x426: {  	v57 =	vld [tilespmem:s30+$0x1740];
	[tilespmem:s30+$0x3730] =	vst v9  }
0x427: {  	v58 =	vld.idx.msk [tilespmem:v8+s30+$0xFFFFFFD0 ss:$0x1], $0xffff;
	_ =	sdelay $0x3  }
0x428: {  	v9 =	vmul.f32 v57, v49  }
0x429: {  	v10 =	vnsel vm15, $0x0, v58  }
0x42a: {  	v9 =	vadd.f32 v10, v9;
	_ =	sdelay $0x1  }
0x42b: {  	v59 =	vld [tilespmem:s30+$0x1750];
	[tilespmem:s30+$0x3740] =	vst v9  }
0x42c: {  	v60 =	vld.idx.msk [tilespmem:v8+s30+$0xFFFFFFE0 ss:$0x1], $0xffff;
	_ =	sdelay $0x3  }
0x42d: {  	v9 =	vmul.f32 v59, v49  }
0x42e: {  	v10 =	vnsel vm15, $0x0, v60  }
0x42f: {  	v9 =	vadd.f32 v10, v9;
	_ =	sdelay $0x1  }
0x430: {  	v61 =	vld [tilespmem:s30+$0x1760];
	[tilespmem:s30+$0x3750] =	vst v9  }
0x431: {  	v62 =	vld.idx.msk [tilespmem:v8+s30+$0xFFFFFFF0 ss:$0x1], $0xffff;
	_ =	sdelay $0x3  }
0x432: {  	v9 =	vmul.f32 v61, v49  }
0x433: {  	v10 =	vnsel vm15, $0x0, v62  }
0x434: {  	v9 =	vadd.f32 v10, v9;
	_ =	sdelay $0x1  }
0x435: {  	v63 =	vld [tilespmem:s30+$0x1770];
	[tilespmem:s30+$0x3760] =	vst v9  }
0x436: {  	v8 =	vld.idx.msk [tilespmem:v8+s30+$0x0 ss:$0x1], $0xffff;
	_ =	sdelay $0x3  }
0x437: {  	v9 =	vmul.f32 v63, v49  }
0x438: {  	v8 =	vnsel vm15, $0x0, v8  }
0x439: {  	s11 =	sadd.s32 s6, s11;
	s10 =	sadd.s32 $0x1, s10;
	v8 =	vadd.f32 v8, v9  }
0x43a: {  	s11 =	sshll.u32 s11, $0x4;
	p0 =	sne.s32 s10, $0x5  }
.Ltmp36:
0x43b: {  	s31 =	sadd.s32 s8, s11;
	[tilespmem:s30+$0x3770] =	vst v8;
	(pc) =	sbr.rel @p0 .LBB2_51-.Ltmp36, $4  }
0x43c: {  	[hbm4b:s31+s2] =	stream.linear.scatter [tilespmem:s23], [sflag:$0x7], $0x2000, $0x38;
	[tilespmem:$0x19F00] =	vst v63  }
0x43d: {  	_ =	swait.ge [sflag:s17], $0x2000  }
0x43e: {  	[sflag:s17] =	ssyncset.done $0x0  }
0x43f: {  	s3 =	sadd.s32 $0x2000, s3;
	s0 =	sadd.s32 $0x40, s0;
	[sflag:s17] =	ssyncadd.s32 $0xFFFFE000  }
0x440: {  	s3 =	rddreg [dreg:$0xa]  }
0x441: {  	s0 =	rddreg [dreg:$0x5];
	s3 =	sadd.s32 $0x1, s3  }
0x442: {  	p0 =	sne.s32 s3, s0  }
.Ltmp37:
0x443: {  	_ = 	snop;
	(pc) =	sbr.rel @p0 .LBB2_1-.Ltmp37, $1  }
0x444: {  	_ =	sdelay $0x3  }
0x445: {  	_ =	sfence.sel $0x180000  }
0x446: {  	[bflag:$0x0] =	sbarrier.arrive $0xFFFF  }
0x447: {  	_ =	strace $0x9000004A  }
0x448: {  	s0 =	stileid.u32;
	[bflag:$0x2] =	sbarrier.arrive $0xFFFF  }
0x449: {  	p0 =	sne.s32 s0, $0x0;
	s0 =	rddreg [dreg:$0x2]  }
0x44a: {  	s0 =	sadd.s32 @!p0 $0x100000, s0  }
0x44b: {  	[sflag:s0] =	ssyncadd.tile.s32 @!p0 $0x1;
	_ =	shalt  }
.Lfunc_end2:
_tile_overlayer_lowered:
.L_overlay_start_2:
0x44c: {  	(tag) =	ssettag $0x2  }
0x44d: {  	s0 =	rddreg [dreg:$0x0];
	s2 =	stileid.u32  }
0x44e: {  	s1 =	rddreg [dreg:$0x1];
	p0 =	sne.s32 s2, $0x0  }
0x44f: {  	s3 =	rddreg [dreg:$0x2];
	[bflag:$0x3] =	sbarrier.arrive $0xFFFF;
	s2 =	simm.s32 @!p0 $0x1C07  }
0x450: {  	[timem:s3], [sflag:s2] =	dma.local @!p0 [hbm:s0], s1  }
0x451: {  	s0 =	simm.s32 @!p0 $0x7  }
0x452: {  	_ =	swait.ge @!p0 [sflag:s0], s1  }
0x453: {  	s1 =	ssub.s32 @!p0 $0x0, s1;
	[sflag:s0] =	ssyncset.done @!p0 $0x0  }
0x454: {  	[sflag:s0] =	ssyncadd.s32 @!p0 s1  }
0x455: {  	[bflag:$0x3] =	sbarrier.arrive $0xFFFF  }
0x456: {  	_ =	shalt  }

</sc_bundles>
